<compile_context>
chip_gen: v7x
topology: tpu7x:2x2x1
jax: 0.10.2.dev20260603
libtpu: 0.0.44.dev20260713+nightly
codegen_flags: <defaults>
</compile_context>

<pallas_src>
import jax
import jax.numpy as jnp
from jax import lax
from jax.experimental import pallas as pl
from jax.experimental.pallas import tpu as pltpu
from jax.experimental.pallas import tpu_sc as plsc

N = 10000
D = 128
H = 64
E = 320000
NC, NS = 2, 16
NW = NC * NS
NP = 10240
RPT = NP // NS
ZCH = 128
CH = 125
NCHUNK = 80
EPW = NCHUNK * CH

_f32 = jnp.float32


def _sc_bag3(tables, src2d, dst2d, dstf, zrows, zcnt, with_counts):
    mesh = plsc.VectorSubcoreMesh(core_axis_name="c", subcore_axis_name="s",
                                  num_cores=NC, num_subcores=NS)
    out_type = [jax.ShapeDtypeStruct((3, NC, NP, H), _f32)]
    if with_counts:
        out_type.append(jax.ShapeDtypeStruct((3, NC, NS, NP), _f32))
    scratch = {
        "acc": pltpu.VMEM_SHARED((NP, H), _f32),
        "src_v": pltpu.VMEM((NCHUNK, CH), jnp.int32),
        "dst_v": pltpu.VMEM((NCHUNK, CH), jnp.int32),
        "rows_a": pltpu.VMEM((CH, H), _f32),
        "rows_b": pltpu.VMEM((CH, H), _f32),
        "zrows_v": pltpu.VMEM((ZCH, H), _f32),
        "sem_a": pltpu.SemaphoreType.DMA,
        "sem_b": pltpu.SemaphoreType.DMA,
    }
    if with_counts:
        scratch.update({
            "dstf_v": pltpu.VMEM((EPW,), jnp.int32),
            "hist_v": pltpu.VMEM((NP,), _f32),
        })

    def body(t0, t1, t2, s0, s1, s2, d0, d1, d2, f0, f1, f2, zr_h,
             zc_h, *outs_and_scratch):
        if with_counts:
            out_acc, out_cnt = outs_and_scratch[:2]
            sc = dict(zip(scratch.keys(), outs_and_scratch[2:]))
        else:
            out_acc = outs_and_scratch[0]
            sc = dict(zip(scratch.keys(), outs_and_scratch[1:]))
        c = lax.axis_index("c")
        s = lax.axis_index("s")
        pltpu.sync_copy(zr_h, sc["zrows_v"])

        for t, (tab, sv, dv, fv) in enumerate(
                zip((t0, t1, t2), (s0, s1, s2), (d0, d1, d2), (f0, f1, f2))):
            for k in range(RPT // ZCH):
                pltpu.sync_copy(sc["zrows_v"],
                                sc["acc"].at[pl.ds(s * RPT + k * ZCH, ZCH)])
            if with_counts:
                pltpu.sync_copy(zc_h, sc["hist_v"])
            plsc.subcore_barrier()

            pltpu.sync_copy(sv.at[c, s], sc["src_v"])
            pltpu.sync_copy(dv.at[c, s], sc["dst_v"])
            if with_counts:
                pltpu.sync_copy(fv.at[c, s], sc["dstf_v"])

            def gstart(j, buf, sem):
                pltpu.async_copy(tab.at[sc["src_v"].at[j]], buf, sem)

            def gwait(j, buf, sem):
                pltpu.make_async_copy(tab.at[sc["src_v"].at[j]], buf,
                                      sem).wait()

            def scat(j, buf):
                pltpu.sync_copy(buf, sc["acc"].at[sc["dst_v"].at[j]],
                                add=True)

            gstart(0, sc["rows_a"], sc["sem_a"])

            def pair(g, carry):
                j0 = g * 2
                gstart(j0 + 1, sc["rows_b"], sc["sem_b"])
                gwait(j0, sc["rows_a"], sc["sem_a"])
                scat(j0, sc["rows_a"])

                @pl.when(g + 1 < NCHUNK // 2)
                def _():
                    gstart(j0 + 2, sc["rows_a"], sc["sem_a"])

                gwait(j0 + 1, sc["rows_b"], sc["sem_b"])
                scat(j0 + 1, sc["rows_b"])
                return carry
            lax.fori_loop(0, NCHUNK // 2, pair, 0)

            if with_counts:
                ones = jnp.ones((16,), _f32)

                def cbody(i, carry):
                    d = sc["dstf_v"][pl.ds(i * 16, 16)]
                    plsc.addupdate_scatter(sc["hist_v"], [d], ones)
                    return carry
                lax.fori_loop(0, EPW // 16, cbody, 0)

            plsc.subcore_barrier()

            pltpu.sync_copy(sc["acc"].at[pl.ds(s * RPT, RPT)],
                            out_acc.at[t, c, pl.ds(s * RPT, RPT)])
            if with_counts:
                pltpu.sync_copy(sc["hist_v"], out_cnt.at[t, c, s])
            plsc.subcore_barrier()

    kfn = pl.kernel(body, out_type=out_type, mesh=mesh,
                    scratch_types=list(scratch.values()),
                    compiler_params=pltpu.CompilerParams(
                        needs_layout_passes=False,
                        use_tc_tiling_on_sc=False))
    return kfn(*tables, *src2d, *dst2d, *dstf, zrows, zcnt)


_BR = 512
_GRID = 20


def _full(shape):
    return pl.BlockSpec(shape, lambda i: (0,) * len(shape))


def _rows(w):
    return pl.BlockSpec((_BR, w), lambda i: (i, 0))


def _dot(a, b):
    return jax.lax.dot(a, b, preferred_element_type=_f32)


def _tc1_body(xu, xi, wrl, wal, wvl, wrr, war, wvr, br, ba, bv,
              tr, ta, tv, d_i, d_u):
    tr[...] = _dot(xu[...], wrl[...])
    ta[...] = _dot(xi[...], wal[...])
    tv[...] = _dot(xi[...], wvl[...])
    d_i[...] = _dot(xi[...], wrr[...] + war[...]) + br[...] + ba[...]
    d_u[...] = _dot(xu[...], wvr[...]) + bv[...]


def _tc1(xu, xi, wrl, wal, wvl, wrr, war, wvr, br, ba, bv):
    o = jax.ShapeDtypeStruct((N, H), _f32)
    return pl.pallas_call(
        _tc1_body,
        grid=(_GRID,),
        in_specs=[_rows(D), _rows(D)] + [_full((D, H))] * 6 + [_full((1, H))] * 3,
        out_specs=[_rows(H)] * 5,
        out_shape=[o] * 5,
    )(xu, xi, wrl, wal, wvl, wrr, war, wvr,
      br.reshape(1, H), ba.reshape(1, H), bv.reshape(1, H))


def _means(acc, cnt):
    tot = jnp.sum(cnt, axis=(1, 2))
    inv = (1.0 / jnp.maximum(tot, 1.0))[:, :, None]
    return [(acc[t, 0] + acc[t, 1]) * inv[t] for t in range(3)]


def _acc_spec():
    return pl.BlockSpec((3, NC, _BR, H), lambda i: (0, 0, i, 0))


def _cnt_spec():
    return pl.BlockSpec((3, NC, NS, _BR), lambda i: (0, 0, 0, i))


def _tc2_body(acc, cnt, d_i, d_u, wrl, wal, wvl, wrr, war, wvr, br, ba, bv,
              t2r, t2a, t2v, d2i, d2u):
    mr, ma, mv = _means(acc[...], cnt[...])
    item1 = jax.nn.relu(mr + ma + d_i[...])
    user1 = jax.nn.relu(mv + d_u[...])
    t2r[...] = _dot(user1, wrl[...])
    t2a[...] = _dot(item1, wal[...])
    t2v[...] = _dot(item1, wvl[...])
    d2i[...] = _dot(item1, wrr[...] + war[...]) + br[...] + ba[...]
    d2u[...] = _dot(user1, wvr[...]) + bv[...]


def _tc2(acc, cnt, d_i, d_u, wrl, wal, wvl, wrr, war, wvr, br, ba, bv):
    o = jax.ShapeDtypeStruct((N, H), _f32)
    return pl.pallas_call(
        _tc2_body,
        grid=(_GRID,),
        in_specs=[_acc_spec(), _cnt_spec(), _rows(H), _rows(H)]
        + [_full((H, H))] * 6 + [_full((1, H))] * 3,
        out_specs=[_rows(H)] * 5,
        out_shape=[o] * 5,
    )(acc, cnt, d_i, d_u, wrl, wal, wvl, wrr, war, wvr,
      br.reshape(1, H), ba.reshape(1, H), bv.reshape(1, H))


def _tc3_body(acc, cnt, d2i, d2u, user2, item2):
    mr, ma, mv = _means(acc[...], cnt[...])
    item2[...] = mr + ma + d2i[...]
    user2[...] = mv + d2u[...]


def _tc3(acc, cnt, d2i, d2u):
    o = jax.ShapeDtypeStruct((N, H), _f32)
    return pl.pallas_call(
        _tc3_body,
        grid=(_GRID,),
        in_specs=[_acc_spec(), _cnt_spec(), _rows(H), _rows(H)],
        out_specs=[_rows(H)] * 2,
        out_shape=[o] * 2,
    )(acc, cnt, d2i, d2u)


def kernel(x_user, x_item, edge_reviews, edge_rev_reviews, edge_also_bought,
           W1r_l, b1r, W1r_r, W1v_l, b1v, W1v_r, W1a_l, b1a, W1a_r,
           W2r_l, b2r, W2r_r, W2v_l, b2v, W2v_r, W2a_l, b2a, W2a_r):
    src2d, dst2d, dstf = [], [], []
    for e in (edge_reviews, edge_also_bought, edge_rev_reviews):
        e = e.astype(jnp.int32)
        src2d.append(e[0].reshape(NC, NS, NCHUNK, CH))
        dst2d.append(e[1].reshape(NC, NS, NCHUNK, CH))
        dstf.append(e[1].reshape(NC, NS, EPW))
    zrows = jnp.zeros((ZCH, H), _f32)
    zcnt = jnp.zeros((NP,), _f32)

    tr, ta, tv, d1i, d1u = _tc1(x_user, x_item, W1r_l, W1a_l, W1v_l,
                                W1r_r, W1a_r, W1v_r, b1r, b1a, b1v)
    acc1, cnt4 = _sc_bag3((tr, ta, tv), src2d, dst2d, dstf, zrows,
                          zcnt, with_counts=True)
    t2r, t2a, t2v, d2i, d2u = _tc2(acc1, cnt4, d1i, d1u, W2r_l, W2a_l, W2v_l,
                                   W2r_r, W2a_r, W2v_r, b2r, b2a, b2v)
    (acc2,) = _sc_bag3((t2r, t2a, t2v), src2d, dst2d, dstf, zrows,
                       zcnt, with_counts=False)
    user2, item2 = _tc3(acc2, cnt4, d2i, d2u)
    return (user2, item2)

# --- scband reference (transcript-rebuilt; emitter-appended) ---
"""Pipeline reference for scband-graph-sagelink-predictor-16492674417217 (READ-ONLY COPY).

The authoritative reference and input builder live on the scoring server;
editing this copy changes nothing except your own understanding.
"""

import jax, jax.numpy as jnp
import numpy as np

N_USER = 10000
N_ITEM = 10000
D = 128
H = 64
O = 64
E = 320000


def _lin(key, fan_in, fan_out):
    return jax.random.normal(key, (fan_in, fan_out), dtype=jnp.float32) * (1.0 / np.sqrt(fan_in))


def setup_inputs(seed: int = 0) -> dict:
    key = jax.random.key(seed)
    ks = jax.random.split(key, 32)
    inp = {}
    inp["x_user"] = jax.random.normal(ks[0], (N_USER, D), dtype=jnp.float32)
    inp["x_item"] = jax.random.normal(ks[1], (N_ITEM, D), dtype=jnp.float32)
    inp["edge_reviews"] = jax.random.randint(ks[2], (2, E), 0, N_ITEM, dtype=jnp.int64) if jax.config.read('jax_enable_x64') else jax.random.randint(ks[2], (2, E), 0, N_ITEM).astype(jnp.int32)
    inp["edge_rev_reviews"] = jax.random.randint(ks[3], (2, E), 0, N_USER).astype(inp["edge_reviews"].dtype)
    inp["edge_also_bought"] = jax.random.randint(ks[4], (2, E), 0, N_ITEM).astype(inp["edge_reviews"].dtype)
    # layer 1 params (SAGEConv: lin_l on mean-aggregated src msgs with bias, lin_r on dst feats without bias)
    inp["W1r_l"] = _lin(ks[5], D, H); inp["b1r"] = jnp.zeros((H,), jnp.float32); inp["W1r_r"] = _lin(ks[6], D, H)
    inp["W1v_l"] = _lin(ks[7], D, H); inp["b1v"] = jnp.zeros((H,), jnp.float32); inp["W1v_r"] = _lin(ks[8], D, H)
    inp["W1a_l"] = _lin(ks[9], D, H); inp["b1a"] = jnp.zeros((H,), jnp.float32); inp["W1a_r"] = _lin(ks[10], D, H)
    # layer 2 params
    inp["W2r_l"] = _lin(ks[11], H, O); inp["b2r"] = jnp.zeros((O,), jnp.float32); inp["W2r_r"] = _lin(ks[12], H, O)
    inp["W2v_l"] = _lin(ks[13], H, O); inp["b2v"] = jnp.zeros((O,), jnp.float32); inp["W2v_r"] = _lin(ks[14], H, O)
    inp["W2a_l"] = _lin(ks[15], H, O); inp["b2a"] = jnp.zeros((O,), jnp.float32); inp["W2a_r"] = _lin(ks[16], H, O)
    return inp


def _sage(x_src, x_dst, edge_index, W_l, b_l, W_r):
    src = edge_index[0]
    dst = edge_index[1]
    msgs = jnp.take(x_src, src, axis=0)
    n_dst = x_dst.shape[0]
    agg = jax.ops.segment_sum(msgs, dst, num_segments=n_dst)
    cnt = jax.ops.segment_sum(jnp.ones((src.shape[0],), x_src.dtype), dst, num_segments=n_dst)
    agg = agg / jnp.maximum(cnt, 1.0)[:, None]
    return agg @ W_l + b_l + x_dst @ W_r


def reference(x_user, x_item, edge_reviews, edge_rev_reviews, edge_also_bought,
              W1r_l, b1r, W1r_r, W1v_l, b1v, W1v_r, W1a_l, b1a, W1a_r,
              W2r_l, b2r, W2r_r, W2v_l, b2v, W2v_r, W2a_l, b2a, W2a_r):
    # HeteroConv layer 1 (aggr='sum' across edge types per dst node type)
    item1 = _sage(x_user, x_item, edge_reviews, W1r_l, b1r, W1r_r) \
          + _sage(x_item, x_item, edge_also_bought, W1a_l, b1a, W1a_r)
    user1 = _sage(x_item, x_user, edge_rev_reviews, W1v_l, b1v, W1v_r)
    user1 = jax.nn.relu(user1)
    item1 = jax.nn.relu(item1)
    # HeteroConv layer 2
    item2 = _sage(user1, item1, edge_reviews, W2r_l, b2r, W2r_r) \
          + _sage(item1, item1, edge_also_bought, W2a_l, b2a, W2a_r)
    user2 = _sage(item1, user1, edge_rev_reviews, W2v_l, b2v, W2v_r)
    return (user2, item2)

if __name__ == "__main__":
    import jax
    _d = setup_inputs()
    print(jax.jit(kernel)(*tuple(_d.values())))

</pallas_src>

<mosaic_0001>
#map = affine_map<(d0, d1) -> (0, 0)>
#map1 = affine_map<(d0, d1) -> (0, 0, 0, 0)>
#map2 = affine_map<(d0, d1) -> (0, 0, 0)>
#map3 = affine_map<(d0, d1) -> (0)>
module attributes {stable_mosaic.version = 14 : i64} {
  func.func @body(%arg0: i32, %arg1: i32, %arg2: memref<10000x64xf32, #tpu.memory_space<hbm>>, %arg3: memref<10000x64xf32, #tpu.memory_space<hbm>>, %arg4: memref<10000x64xf32, #tpu.memory_space<hbm>>, %arg5: memref<2x16x80x125xi32, #tpu.memory_space<hbm>>, %arg6: memref<2x16x80x125xi32, #tpu.memory_space<hbm>>, %arg7: memref<2x16x80x125xi32, #tpu.memory_space<hbm>>, %arg8: memref<2x16x80x125xi32, #tpu.memory_space<hbm>>, %arg9: memref<2x16x80x125xi32, #tpu.memory_space<hbm>>, %arg10: memref<2x16x80x125xi32, #tpu.memory_space<hbm>>, %arg11: memref<2x16x10000xi32, #tpu.memory_space<hbm>>, %arg12: memref<2x16x10000xi32, #tpu.memory_space<hbm>>, %arg13: memref<2x16x10000xi32, #tpu.memory_space<hbm>>, %arg14: memref<128x64xf32, #tpu.memory_space<hbm>>, %arg15: memref<10240xf32, #tpu.memory_space<hbm>>, %arg16: memref<3x2x10240x64xf32, #tpu.memory_space<hbm>>, %arg17: memref<3x2x16x10240xf32, #tpu.memory_space<hbm>>, %arg18: memref<10240x64xf32, #tpu.memory_space<vmem_shared>>, %arg19: memref<80x125xi32, #tpu.memory_space<vmem>>, %arg20: memref<80x125xi32, #tpu.memory_space<vmem>>, %arg21: memref<125x64xf32, #tpu.memory_space<vmem>>, %arg22: memref<125x64xf32, #tpu.memory_space<vmem>>, %arg23: memref<128x64xf32, #tpu.memory_space<vmem>>, %arg24: memref<!tpu.dma_semaphore, #tpu.memory_space<semaphore_mem>>, %arg25: memref<!tpu.dma_semaphore, #tpu.memory_space<semaphore_mem>>, %arg26: memref<10000xi32, #tpu.memory_space<vmem>>, %arg27: memref<10240xf32, #tpu.memory_space<vmem>>) attributes {dimension_semantics = [#tpu.dimension_semantics<core_parallel>, #tpu.dimension_semantics<subcore_parallel>], iteration_bounds = array<i64: 2, 16>, scalar_prefetch = 0 : i64, scratch_operands = 10 : i64, tpu.core_type = #tpu.core_type<sc_vector_subcore>, window_params = [{transform_indices = #map}, {transform_indices = #map}, {transform_indices = #map}, {transform_indices = #map1}, {transform_indices = #map1}, {transform_indices = #map1}, {transform_indices = #map1}, {transform_indices = #map1}, {transform_indices = #map1}, {transform_indices = #map2}, {transform_indices = #map2}, {transform_indices = #map2}, {transform_indices = #map}, {transform_indices = #map3}, {transform_indices = #map1}, {transform_indices = #map1}]} {
    "tpu.region"() ({
      %run_scoped3A_143 = tpu.sem_alloc : memref<!tpu.dma_semaphore, #tpu.memory_space<semaphore_mem>>
      tpu.enqueue_dma source(%arg14 : memref<128x64xf32, #tpu.memory_space<hbm>>) target(%arg23 : memref<128x64xf32, #tpu.memory_space<vmem>>) target_semaphore(%run_scoped3A_143 : memref<!tpu.dma_semaphore, #tpu.memory_space<semaphore_mem>>)
      tpu.wait_dma2 semaphore(%run_scoped3A_143 : memref<!tpu.dma_semaphore, #tpu.memory_space<semaphore_mem>>) src(%arg14 : memref<128x64xf32, #tpu.memory_space<hbm>>) dst(%arg23 : memref<128x64xf32, #tpu.memory_space<vmem>>)
      tpu.yield
    }) : () -> ()
    %mul3A = arith.constant 640 : i32
    %mul3A_0 = arith.muli %arg1, %mul3A : i32
    %add3A = arith.constant 0 : i32
    %add3A_1 = arith.addi %mul3A_0, %add3A : i32
    "tpu.region"() ({
      %run_scoped3A_143 = tpu.sem_alloc : memref<!tpu.dma_semaphore, #tpu.memory_space<semaphore_mem>>
      %dma_start3A_144 = arith.constant 0 : i32
      %dma_start3A_145 = tpu.memref_slice %arg18[%add3A_1, %dma_start3A_144] : memref<10240x64xf32, #tpu.memory_space<vmem_shared>> -> memref<128x64xf32, #tpu.memory_space<vmem_shared>>
      %dma_start3A_146 = arith.constant 0 : i32
      %dma_start3A_147 = tpu.memref_slice %arg18[%add3A_1, %dma_start3A_146] : memref<10240x64xf32, #tpu.memory_space<vmem_shared>> -> memref<128x64xf32, #tpu.memory_space<vmem_shared>>
      tpu.enqueue_dma source(%arg23 : memref<128x64xf32, #tpu.memory_space<vmem>>) target(%dma_start3A_147 : memref<128x64xf32, #tpu.memory_space<vmem_shared>>) target_semaphore(%run_scoped3A_143 : memref<!tpu.dma_semaphore, #tpu.memory_space<semaphore_mem>>)
      %dma_wait3A = arith.constant 0 : i32
      %dma_wait3A_148 = tpu.memref_slice %arg18[%add3A_1, %dma_wait3A] : memref<10240x64xf32, #tpu.memory_space<vmem_shared>> -> memref<128x64xf32, #tpu.memory_space<vmem_shared>>
      %dma_wait3A_149 = arith.constant 0 : i32
      %dma_wait3A_150 = tpu.memref_slice %arg18[%add3A_1, %dma_wait3A_149] : memref<10240x64xf32, #tpu.memory_space<vmem_shared>> -> memref<128x64xf32, #tpu.memory_space<vmem_shared>>
      tpu.wait_dma2 semaphore(%run_scoped3A_143 : memref<!tpu.dma_semaphore, #tpu.memory_space<semaphore_mem>>) src(%arg23 : memref<128x64xf32, #tpu.memory_space<vmem>>) dst(%dma_wait3A_150 : memref<128x64xf32, #tpu.memory_space<vmem_shared>>)
      tpu.yield
    }) : () -> ()
    %mul3A_2 = arith.constant 640 : i32
    %mul3A_3 = arith.muli %arg1, %mul3A_2 : i32
    %add3A_4 = arith.constant 128 : i32
    %add3A_5 = arith.addi %mul3A_3, %add3A_4 : i32
    "tpu.region"() ({
      %run_scoped3A_143 = tpu.sem_alloc : memref<!tpu.dma_semaphore, #tpu.memory_space<semaphore_mem>>
      %dma_start3A_144 = arith.constant 0 : i32
      %dma_start3A_145 = tpu.memref_slice %arg18[%add3A_5, %dma_start3A_144] : memref<10240x64xf32, #tpu.memory_space<vmem_shared>> -> memref<128x64xf32, #tpu.memory_space<vmem_shared>>
      %dma_start3A_146 = arith.constant 0 : i32
      %dma_start3A_147 = tpu.memref_slice %arg18[%add3A_5, %dma_start3A_146] : memref<10240x64xf32, #tpu.memory_space<vmem_shared>> -> memref<128x64xf32, #tpu.memory_space<vmem_shared>>
      tpu.enqueue_dma source(%arg23 : memref<128x64xf32, #tpu.memory_space<vmem>>) target(%dma_start3A_147 : memref<128x64xf32, #tpu.memory_space<vmem_shared>>) target_semaphore(%run_scoped3A_143 : memref<!tpu.dma_semaphore, #tpu.memory_space<semaphore_mem>>)
      %dma_wait3A = arith.constant 0 : i32
      %dma_wait3A_148 = tpu.memref_slice %arg18[%add3A_5, %dma_wait3A] : memref<10240x64xf32, #tpu.memory_space<vmem_shared>> -> memref<128x64xf32, #tpu.memory_space<vmem_shared>>
      %dma_wait3A_149 = arith.constant 0 : i32
      %dma_wait3A_150 = tpu.memref_slice %arg18[%add3A_5, %dma_wait3A_149] : memref<10240x64xf32, #tpu.memory_space<vmem_shared>> -> memref<128x64xf32, #tpu.memory_space<vmem_shared>>
      tpu.wait_dma2 semaphore(%run_scoped3A_143 : memref<!tpu.dma_semaphore, #tpu.memory_space<semaphore_mem>>) src(%arg23 : memref<128x64xf32, #tpu.memory_space<vmem>>) dst(%dma_wait3A_150 : memref<128x64xf32, #tpu.memory_space<vmem_shared>>)
      tpu.yield
    }) : () -> ()
    %mul3A_6 = arith.constant 640 : i32
    %mul3A_7 = arith.muli %arg1, %mul3A_6 : i32
    %add3A_8 = arith.constant 256 : i32
    %add3A_9 = arith.addi %mul3A_7, %add3A_8 : i32
    "tpu.region"() ({
      %run_scoped3A_143 = tpu.sem_alloc : memref<!tpu.dma_semaphore, #tpu.memory_space<semaphore_mem>>
      %dma_start3A_144 = arith.constant 0 : i32
      %dma_start3A_145 = tpu.memref_slice %arg18[%add3A_9, %dma_start3A_144] : memref<10240x64xf32, #tpu.memory_space<vmem_shared>> -> memref<128x64xf32, #tpu.memory_space<vmem_shared>>
      %dma_start3A_146 = arith.constant 0 : i32
      %dma_start3A_147 = tpu.memref_slice %arg18[%add3A_9, %dma_start3A_146] : memref<10240x64xf32, #tpu.memory_space<vmem_shared>> -> memref<128x64xf32, #tpu.memory_space<vmem_shared>>
      tpu.enqueue_dma source(%arg23 : memref<128x64xf32, #tpu.memory_space<vmem>>) target(%dma_start3A_147 : memref<128x64xf32, #tpu.memory_space<vmem_shared>>) target_semaphore(%run_scoped3A_143 : memref<!tpu.dma_semaphore, #tpu.memory_space<semaphore_mem>>)
      %dma_wait3A = arith.constant 0 : i32
      %dma_wait3A_148 = tpu.memref_slice %arg18[%add3A_9, %dma_wait3A] : memref<10240x64xf32, #tpu.memory_space<vmem_shared>> -> memref<128x64xf32, #tpu.memory_space<vmem_shared>>
      %dma_wait3A_149 = arith.constant 0 : i32
      %dma_wait3A_150 = tpu.memref_slice %arg18[%add3A_9, %dma_wait3A_149] : memref<10240x64xf32, #tpu.memory_space<vmem_shared>> -> memref<128x64xf32, #tpu.memory_space<vmem_shared>>
      tpu.wait_dma2 semaphore(%run_scoped3A_143 : memref<!tpu.dma_semaphore, #tpu.memory_space<semaphore_mem>>) src(%arg23 : memref<128x64xf32, #tpu.memory_space<vmem>>) dst(%dma_wait3A_150 : memref<128x64xf32, #tpu.memory_space<vmem_shared>>)
      tpu.yield
    }) : () -> ()
    %mul3A_10 = arith.constant 640 : i32
    %mul3A_11 = arith.muli %arg1, %mul3A_10 : i32
    %add3A_12 = arith.constant 384 : i32
    %add3A_13 = arith.addi %mul3A_11, %add3A_12 : i32
    "tpu.region"() ({
      %run_scoped3A_143 = tpu.sem_alloc : memref<!tpu.dma_semaphore, #tpu.memory_space<semaphore_mem>>
      %dma_start3A_144 = arith.constant 0 : i32
      %dma_start3A_145 = tpu.memref_slice %arg18[%add3A_13, %dma_start3A_144] : memref<10240x64xf32, #tpu.memory_space<vmem_shared>> -> memref<128x64xf32, #tpu.memory_space<vmem_shared>>
      %dma_start3A_146 = arith.constant 0 : i32
      %dma_start3A_147 = tpu.memref_slice %arg18[%add3A_13, %dma_start3A_146] : memref<10240x64xf32, #tpu.memory_space<vmem_shared>> -> memref<128x64xf32, #tpu.memory_space<vmem_shared>>
      tpu.enqueue_dma source(%arg23 : memref<128x64xf32, #tpu.memory_space<vmem>>) target(%dma_start3A_147 : memref<128x64xf32, #tpu.memory_space<vmem_shared>>) target_semaphore(%run_scoped3A_143 : memref<!tpu.dma_semaphore, #tpu.memory_space<semaphore_mem>>)
      %dma_wait3A = arith.constant 0 : i32
      %dma_wait3A_148 = tpu.memref_slice %arg18[%add3A_13, %dma_wait3A] : memref<10240x64xf32, #tpu.memory_space<vmem_shared>> -> memref<128x64xf32, #tpu.memory_space<vmem_shared>>
      %dma_wait3A_149 = arith.constant 0 : i32
      %dma_wait3A_150 = tpu.memref_slice %arg18[%add3A_13, %dma_wait3A_149] : memref<10240x64xf32, #tpu.memory_space<vmem_shared>> -> memref<128x64xf32, #tpu.memory_space<vmem_shared>>
      tpu.wait_dma2 semaphore(%run_scoped3A_143 : memref<!tpu.dma_semaphore, #tpu.memory_space<semaphore_mem>>) src(%arg23 : memref<128x64xf32, #tpu.memory_space<vmem>>) dst(%dma_wait3A_150 : memref<128x64xf32, #tpu.memory_space<vmem_shared>>)
      tpu.yield
    }) : () -> ()
    %mul3A_14 = arith.constant 640 : i32
    %mul3A_15 = arith.muli %arg1, %mul3A_14 : i32
    %add3A_16 = arith.constant 512 : i32
    %add3A_17 = arith.addi %mul3A_15, %add3A_16 : i32
    "tpu.region"() ({
      %run_scoped3A_143 = tpu.sem_alloc : memref<!tpu.dma_semaphore, #tpu.memory_space<semaphore_mem>>
      %dma_start3A_144 = arith.constant 0 : i32
      %dma_start3A_145 = tpu.memref_slice %arg18[%add3A_17, %dma_start3A_144] : memref<10240x64xf32, #tpu.memory_space<vmem_shared>> -> memref<128x64xf32, #tpu.memory_space<vmem_shared>>
      %dma_start3A_146 = arith.constant 0 : i32
      %dma_start3A_147 = tpu.memref_slice %arg18[%add3A_17, %dma_start3A_146] : memref<10240x64xf32, #tpu.memory_space<vmem_shared>> -> memref<128x64xf32, #tpu.memory_space<vmem_shared>>
      tpu.enqueue_dma source(%arg23 : memref<128x64xf32, #tpu.memory_space<vmem>>) target(%dma_start3A_147 : memref<128x64xf32, #tpu.memory_space<vmem_shared>>) target_semaphore(%run_scoped3A_143 : memref<!tpu.dma_semaphore, #tpu.memory_space<semaphore_mem>>)
      %dma_wait3A = arith.constant 0 : i32
      %dma_wait3A_148 = tpu.memref_slice %arg18[%add3A_17, %dma_wait3A] : memref<10240x64xf32, #tpu.memory_space<vmem_shared>> -> memref<128x64xf32, #tpu.memory_space<vmem_shared>>
      %dma_wait3A_149 = arith.constant 0 : i32
      %dma_wait3A_150 = tpu.memref_slice %arg18[%add3A_17, %dma_wait3A_149] : memref<10240x64xf32, #tpu.memory_space<vmem_shared>> -> memref<128x64xf32, #tpu.memory_space<vmem_shared>>
      tpu.wait_dma2 semaphore(%run_scoped3A_143 : memref<!tpu.dma_semaphore, #tpu.memory_space<semaphore_mem>>) src(%arg23 : memref<128x64xf32, #tpu.memory_space<vmem>>) dst(%dma_wait3A_150 : memref<128x64xf32, #tpu.memory_space<vmem_shared>>)
      tpu.yield
    }) : () -> ()
    "tpu.region"() ({
      %run_scoped3A_143 = tpu.sem_alloc : memref<!tpu.dma_semaphore, #tpu.memory_space<semaphore_mem>>
      tpu.enqueue_dma source(%arg15 : memref<10240xf32, #tpu.memory_space<hbm>>) target(%arg27 : memref<10240xf32, #tpu.memory_space<vmem>>) target_semaphore(%run_scoped3A_143 : memref<!tpu.dma_semaphore, #tpu.memory_space<semaphore_mem>>)
      tpu.wait_dma2 semaphore(%run_scoped3A_143 : memref<!tpu.dma_semaphore, #tpu.memory_space<semaphore_mem>>) src(%arg15 : memref<10240xf32, #tpu.memory_space<hbm>>) dst(%arg27 : memref<10240xf32, #tpu.memory_space<vmem>>)
      tpu.yield
    }) : () -> ()
    %barrier3A = arith.constant 0 : index
    tpu.barrier barrier_id(%barrier3A)
    "tpu.region"() ({
      %run_scoped3A_143 = tpu.sem_alloc : memref<!tpu.dma_semaphore, #tpu.memory_space<semaphore_mem>>
      %dma_start3A_144 = arith.constant 0 : i32
      %dma_start3A_145 = arith.constant 0 : i32
      %dma_start3A_146 = tpu.memref_slice %arg5[%arg0, %arg1, %dma_start3A_144, %dma_start3A_145] : memref<2x16x80x125xi32, #tpu.memory_space<hbm>> -> memref<1x1x80x125xi32, #tpu.memory_space<hbm>>
      %dma_start3A_147 = tpu.memref_squeeze %dma_start3A_146 : memref<1x1x80x125xi32, #tpu.memory_space<hbm>> -> memref<80x125xi32, #tpu.memory_space<hbm>>
      %dma_start3A_148 = arith.constant 0 : i32
      %dma_start3A_149 = arith.constant 0 : i32
      %dma_start3A_150 = tpu.memref_slice %arg5[%arg0, %arg1, %dma_start3A_148, %dma_start3A_149] : memref<2x16x80x125xi32, #tpu.memory_space<hbm>> -> memref<1x1x80x125xi32, #tpu.memory_space<hbm>>
      %dma_start3A_151 = tpu.memref_squeeze %dma_start3A_150 : memref<1x1x80x125xi32, #tpu.memory_space<hbm>> -> memref<80x125xi32, #tpu.memory_space<hbm>>
      tpu.enqueue_dma source(%dma_start3A_151 : memref<80x125xi32, #tpu.memory_space<hbm>>) target(%arg19 : memref<80x125xi32, #tpu.memory_space<vmem>>) target_semaphore(%run_scoped3A_143 : memref<!tpu.dma_semaphore, #tpu.memory_space<semaphore_mem>>)
      %dma_wait3A = arith.constant 0 : i32
      %dma_wait3A_152 = arith.constant 0 : i32
      %dma_wait3A_153 = tpu.memref_slice %arg5[%arg0, %arg1, %dma_wait3A, %dma_wait3A_152] : memref<2x16x80x125xi32, #tpu.memory_space<hbm>> -> memref<1x1x80x125xi32, #tpu.memory_space<hbm>>
      %dma_wait3A_154 = tpu.memref_squeeze %dma_wait3A_153 : memref<1x1x80x125xi32, #tpu.memory_space<hbm>> -> memref<80x125xi32, #tpu.memory_space<hbm>>
      %dma_wait3A_155 = arith.constant 0 : i32
      %dma_wait3A_156 = arith.constant 0 : i32
      %dma_wait3A_157 = tpu.memref_slice %arg5[%arg0, %arg1, %dma_wait3A_155, %dma_wait3A_156] : memref<2x16x80x125xi32, #tpu.memory_space<hbm>> -> memref<1x1x80x125xi32, #tpu.memory_space<hbm>>
      %dma_wait3A_158 = tpu.memref_squeeze %dma_wait3A_157 : memref<1x1x80x125xi32, #tpu.memory_space<hbm>> -> memref<80x125xi32, #tpu.memory_space<hbm>>
      tpu.wait_dma2 semaphore(%run_scoped3A_143 : memref<!tpu.dma_semaphore, #tpu.memory_space<semaphore_mem>>) src(%dma_wait3A_158 : memref<80x125xi32, #tpu.memory_space<hbm>>) dst(%arg19 : memref<80x125xi32, #tpu.memory_space<vmem>>)
      tpu.yield
    }) : () -> ()
    "tpu.region"() ({
      %run_scoped3A_143 = tpu.sem_alloc : memref<!tpu.dma_semaphore, #tpu.memory_space<semaphore_mem>>
      %dma_start3A_144 = arith.constant 0 : i32
      %dma_start3A_145 = arith.constant 0 : i32
      %dma_start3A_146 = tpu.memref_slice %arg8[%arg0, %arg1, %dma_start3A_144, %dma_start3A_145] : memref<2x16x80x125xi32, #tpu.memory_space<hbm>> -> memref<1x1x80x125xi32, #tpu.memory_space<hbm>>
      %dma_start3A_147 = tpu.memref_squeeze %dma_start3A_146 : memref<1x1x80x125xi32, #tpu.memory_space<hbm>> -> memref<80x125xi32, #tpu.memory_space<hbm>>
      %dma_start3A_148 = arith.constant 0 : i32
      %dma_start3A_149 = arith.constant 0 : i32
      %dma_start3A_150 = tpu.memref_slice %arg8[%arg0, %arg1, %dma_start3A_148, %dma_start3A_149] : memref<2x16x80x125xi32, #tpu.memory_space<hbm>> -> memref<1x1x80x125xi32, #tpu.memory_space<hbm>>
      %dma_start3A_151 = tpu.memref_squeeze %dma_start3A_150 : memref<1x1x80x125xi32, #tpu.memory_space<hbm>> -> memref<80x125xi32, #tpu.memory_space<hbm>>
      tpu.enqueue_dma source(%dma_start3A_151 : memref<80x125xi32, #tpu.memory_space<hbm>>) target(%arg20 : memref<80x125xi32, #tpu.memory_space<vmem>>) target_semaphore(%run_scoped3A_143 : memref<!tpu.dma_semaphore, #tpu.memory_space<semaphore_mem>>)
      %dma_wait3A = arith.constant 0 : i32
      %dma_wait3A_152 = arith.constant 0 : i32
      %dma_wait3A_153 = tpu.memref_slice %arg8[%arg0, %arg1, %dma_wait3A, %dma_wait3A_152] : memref<2x16x80x125xi32, #tpu.memory_space<hbm>> -> memref<1x1x80x125xi32, #tpu.memory_space<hbm>>
      %dma_wait3A_154 = tpu.memref_squeeze %dma_wait3A_153 : memref<1x1x80x125xi32, #tpu.memory_space<hbm>> -> memref<80x125xi32, #tpu.memory_space<hbm>>
      %dma_wait3A_155 = arith.constant 0 : i32
      %dma_wait3A_156 = arith.constant 0 : i32
      %dma_wait3A_157 = tpu.memref_slice %arg8[%arg0, %arg1, %dma_wait3A_155, %dma_wait3A_156] : memref<2x16x80x125xi32, #tpu.memory_space<hbm>> -> memref<1x1x80x125xi32, #tpu.memory_space<hbm>>
      %dma_wait3A_158 = tpu.memref_squeeze %dma_wait3A_157 : memref<1x1x80x125xi32, #tpu.memory_space<hbm>> -> memref<80x125xi32, #tpu.memory_space<hbm>>
      tpu.wait_dma2 semaphore(%run_scoped3A_143 : memref<!tpu.dma_semaphore, #tpu.memory_space<semaphore_mem>>) src(%dma_wait3A_158 : memref<80x125xi32, #tpu.memory_space<hbm>>) dst(%arg20 : memref<80x125xi32, #tpu.memory_space<vmem>>)
      tpu.yield
    }) : () -> ()
    "tpu.region"() ({
      %run_scoped3A_143 = tpu.sem_alloc : memref<!tpu.dma_semaphore, #tpu.memory_space<semaphore_mem>>
      %dma_start3A_144 = arith.constant 0 : i32
      %dma_start3A_145 = tpu.memref_slice %arg11[%arg0, %arg1, %dma_start3A_144] : memref<2x16x10000xi32, #tpu.memory_space<hbm>> -> memref<1x1x10000xi32, #tpu.memory_space<hbm>>
      %dma_start3A_146 = tpu.memref_squeeze %dma_start3A_145 : memref<1x1x10000xi32, #tpu.memory_space<hbm>> -> memref<10000xi32, #tpu.memory_space<hbm>>
      %dma_start3A_147 = arith.constant 0 : i32
      %dma_start3A_148 = tpu.memref_slice %arg11[%arg0, %arg1, %dma_start3A_147] : memref<2x16x10000xi32, #tpu.memory_space<hbm>> -> memref<1x1x10000xi32, #tpu.memory_space<hbm>>
      %dma_start3A_149 = tpu.memref_squeeze %dma_start3A_148 : memref<1x1x10000xi32, #tpu.memory_space<hbm>> -> memref<10000xi32, #tpu.memory_space<hbm>>
      tpu.enqueue_dma source(%dma_start3A_149 : memref<10000xi32, #tpu.memory_space<hbm>>) target(%arg26 : memref<10000xi32, #tpu.memory_space<vmem>>) target_semaphore(%run_scoped3A_143 : memref<!tpu.dma_semaphore, #tpu.memory_space<semaphore_mem>>)
      %dma_wait3A = arith.constant 0 : i32
      %dma_wait3A_150 = tpu.memref_slice %arg11[%arg0, %arg1, %dma_wait3A] : memref<2x16x10000xi32, #tpu.memory_space<hbm>> -> memref<1x1x10000xi32, #tpu.memory_space<hbm>>
      %dma_wait3A_151 = tpu.memref_squeeze %dma_wait3A_150 : memref<1x1x10000xi32, #tpu.memory_space<hbm>> -> memref<10000xi32, #tpu.memory_space<hbm>>
      %dma_wait3A_152 = arith.constant 0 : i32
      %dma_wait3A_153 = tpu.memref_slice %arg11[%arg0, %arg1, %dma_wait3A_152] : memref<2x16x10000xi32, #tpu.memory_space<hbm>> -> memref<1x1x10000xi32, #tpu.memory_space<hbm>>
      %dma_wait3A_154 = tpu.memref_squeeze %dma_wait3A_153 : memref<1x1x10000xi32, #tpu.memory_space<hbm>> -> memref<10000xi32, #tpu.memory_space<hbm>>
      tpu.wait_dma2 semaphore(%run_scoped3A_143 : memref<!tpu.dma_semaphore, #tpu.memory_space<semaphore_mem>>) src(%dma_wait3A_154 : memref<10000xi32, #tpu.memory_space<hbm>>) dst(%arg26 : memref<10000xi32, #tpu.memory_space<vmem>>)
      tpu.yield
    }) : () -> ()
    %dma_start3A = arith.constant 0 : i32
    %dma_start3A_18 = arith.constant 0 : i32
    %dma_start3A_19 = tpu.memref_slice %arg19[%dma_start3A, %dma_start3A_18] : memref<80x125xi32, #tpu.memory_space<vmem>> -> memref<1x125xi32, #tpu.memory_space<vmem>>
    %dma_start3A_20 = tpu.memref_squeeze %dma_start3A_19 : memref<1x125xi32, #tpu.memory_space<vmem>> -> memref<125xi32, #tpu.memory_space<vmem>>
    %dma_start3A_21 = arith.constant 0 : i32
    %dma_start3A_22 = arith.constant 0 : i32
    %dma_start3A_23 = tpu.memref_slice %arg2[%dma_start3A_21, %dma_start3A_22] : memref<10000x64xf32, #tpu.memory_space<hbm>> -> memref<10000x64xf32, #tpu.memory_space<hbm>>
    tpu.enqueue_indirect_dma source(%dma_start3A_23 : memref<10000x64xf32, #tpu.memory_space<hbm>>) target(%arg21 : memref<125x64xf32, #tpu.memory_space<vmem>>) offsets(%dma_start3A_20 : memref<125xi32, #tpu.memory_space<vmem>>) semaphore(%arg24 : memref<!tpu.dma_semaphore, #tpu.memory_space<semaphore_mem>>)
    %scan3A = arith.constant 0 : i32
    %scan3A_24 = arith.constant 0 : i32
    %scan3A_25 = arith.constant 40 : i32
    %scan3A_26 = arith.addi %scan3A_24, %scan3A_25 : i32
    %scan3A_27 = arith.constant 1 : i32
    scf.for %scan3A_143 = %scan3A_24 to %scan3A_26 step %scan3A_27  : i32 {
      %mul3A_144 = arith.constant 2 : i32
      %mul3A_145 = arith.muli %scan3A_143, %mul3A_144 : i32
      %add3A_146 = arith.constant 1 : i32
      %add3A_147 = arith.addi %mul3A_145, %add3A_146 : i32
      %dma_start3A_148 = arith.constant 0 : i32
      %dma_start3A_149 = tpu.memref_slice %arg19[%add3A_147, %dma_start3A_148] : memref<80x125xi32, #tpu.memory_space<vmem>> -> memref<1x125xi32, #tpu.memory_space<vmem>>
      %dma_start3A_150 = tpu.memref_squeeze %dma_start3A_149 : memref<1x125xi32, #tpu.memory_space<vmem>> -> memref<125xi32, #tpu.memory_space<vmem>>
      %dma_start3A_151 = arith.constant 0 : i32
      %dma_start3A_152 = arith.constant 0 : i32
      %dma_start3A_153 = tpu.memref_slice %arg2[%dma_start3A_151, %dma_start3A_152] : memref<10000x64xf32, #tpu.memory_space<hbm>> -> memref<10000x64xf32, #tpu.memory_space<hbm>>
      tpu.enqueue_indirect_dma source(%dma_start3A_153 : memref<10000x64xf32, #tpu.memory_space<hbm>>) target(%arg22 : memref<125x64xf32, #tpu.memory_space<vmem>>) offsets(%dma_start3A_150 : memref<125xi32, #tpu.memory_space<vmem>>) semaphore(%arg25 : memref<!tpu.dma_semaphore, #tpu.memory_space<semaphore_mem>>)
      %dma_wait3A = arith.constant 0 : i32
      %dma_wait3A_154 = tpu.memref_slice %arg19[%mul3A_145, %dma_wait3A] : memref<80x125xi32, #tpu.memory_space<vmem>> -> memref<1x125xi32, #tpu.memory_space<vmem>>
      %dma_wait3A_155 = tpu.memref_squeeze %dma_wait3A_154 : memref<1x125xi32, #tpu.memory_space<vmem>> -> memref<125xi32, #tpu.memory_space<vmem>>
      %dma_wait3A_156 = arith.constant 0 : i32
      %dma_wait3A_157 = arith.constant 0 : i32
      %dma_wait3A_158 = tpu.memref_slice %arg2[%dma_wait3A_156, %dma_wait3A_157] : memref<10000x64xf32, #tpu.memory_space<hbm>> -> memref<10000x64xf32, #tpu.memory_space<hbm>>
      tpu.wait_indirect_dma semaphore(%arg24 : memref<!tpu.dma_semaphore, #tpu.memory_space<semaphore_mem>>) src(%dma_wait3A_158 : memref<10000x64xf32, #tpu.memory_space<hbm>>) dst(%arg21 : memref<125x64xf32, #tpu.memory_space<vmem>>)
      "tpu.region"() ({
        %run_scoped3A_173 = tpu.sem_alloc : memref<!tpu.dma_semaphore, #tpu.memory_space<semaphore_mem>>
        %dma_start3A_174 = arith.constant 0 : i32
        %dma_start3A_175 = tpu.memref_slice %arg20[%mul3A_145, %dma_start3A_174] : memref<80x125xi32, #tpu.memory_space<vmem>> -> memref<1x125xi32, #tpu.memory_space<vmem>>
        %dma_start3A_176 = tpu.memref_squeeze %dma_start3A_175 : memref<1x125xi32, #tpu.memory_space<vmem>> -> memref<125xi32, #tpu.memory_space<vmem>>
        %dma_start3A_177 = arith.constant 0 : i32
        %dma_start3A_178 = arith.constant 0 : i32
        %dma_start3A_179 = tpu.memref_slice %arg18[%dma_start3A_177, %dma_start3A_178] : memref<10240x64xf32, #tpu.memory_space<vmem_shared>> -> memref<10240x64xf32, #tpu.memory_space<vmem_shared>>
        tpu.enqueue_indirect_dma source(%arg21 : memref<125x64xf32, #tpu.memory_space<vmem>>) target(%dma_start3A_179 : memref<10240x64xf32, #tpu.memory_space<vmem_shared>>) offsets(%dma_start3A_176 : memref<125xi32, #tpu.memory_space<vmem>>) semaphore(%run_scoped3A_173 : memref<!tpu.dma_semaphore, #tpu.memory_space<semaphore_mem>>) {add = true}
        %dma_wait3A_180 = arith.constant 0 : i32
        %dma_wait3A_181 = tpu.memref_slice %arg20[%mul3A_145, %dma_wait3A_180] : memref<80x125xi32, #tpu.memory_space<vmem>> -> memref<1x125xi32, #tpu.memory_space<vmem>>
        %dma_wait3A_182 = tpu.memref_squeeze %dma_wait3A_181 : memref<1x125xi32, #tpu.memory_space<vmem>> -> memref<125xi32, #tpu.memory_space<vmem>>
        %dma_wait3A_183 = arith.constant 0 : i32
        %dma_wait3A_184 = arith.constant 0 : i32
        %dma_wait3A_185 = tpu.memref_slice %arg18[%dma_wait3A_183, %dma_wait3A_184] : memref<10240x64xf32, #tpu.memory_space<vmem_shared>> -> memref<10240x64xf32, #tpu.memory_space<vmem_shared>>
        tpu.wait_indirect_dma semaphore(%run_scoped3A_173 : memref<!tpu.dma_semaphore, #tpu.memory_space<semaphore_mem>>) src(%arg21 : memref<125x64xf32, #tpu.memory_space<vmem>>) dst(%dma_wait3A_185 : memref<10240x64xf32, #tpu.memory_space<vmem_shared>>)
        tpu.yield
      }) : () -> ()
      %add3A_159 = arith.constant 1 : i32
      %add3A_160 = arith.addi %scan3A_143, %add3A_159 : i32
      %lt3A = arith.constant 40 : i32
      %lt3A_161 = arith.cmpi slt, %add3A_160, %lt3A : i32
      %convert_element_type3A = arith.extui %lt3A_161 : i1 to i32
      %cond3A = arith.constant 0 : i32
      %cond3A_162 = arith.cmpi ne, %convert_element_type3A, %cond3A : i32
      scf.if %cond3A_162 {
        %add3A_173 = arith.constant 2 : i32
        %add3A_174 = arith.addi %mul3A_145, %add3A_173 : i32
        %dma_start3A_175 = arith.constant 0 : i32
        %dma_start3A_176 = tpu.memref_slice %arg19[%add3A_174, %dma_start3A_175] : memref<80x125xi32, #tpu.memory_space<vmem>> -> memref<1x125xi32, #tpu.memory_space<vmem>>
        %dma_start3A_177 = tpu.memref_squeeze %dma_start3A_176 : memref<1x125xi32, #tpu.memory_space<vmem>> -> memref<125xi32, #tpu.memory_space<vmem>>
        %dma_start3A_178 = arith.constant 0 : i32
        %dma_start3A_179 = arith.constant 0 : i32
        %dma_start3A_180 = tpu.memref_slice %arg2[%dma_start3A_178, %dma_start3A_179] : memref<10000x64xf32, #tpu.memory_space<hbm>> -> memref<10000x64xf32, #tpu.memory_space<hbm>>
        tpu.enqueue_indirect_dma source(%dma_start3A_180 : memref<10000x64xf32, #tpu.memory_space<hbm>>) target(%arg21 : memref<125x64xf32, #tpu.memory_space<vmem>>) offsets(%dma_start3A_177 : memref<125xi32, #tpu.memory_space<vmem>>) semaphore(%arg24 : memref<!tpu.dma_semaphore, #tpu.memory_space<semaphore_mem>>)
      } else {
      }
      %add3A_163 = arith.constant 1 : i32
      %add3A_164 = arith.addi %mul3A_145, %add3A_163 : i32
      %dma_wait3A_165 = arith.constant 0 : i32
      %dma_wait3A_166 = tpu.memref_slice %arg19[%add3A_164, %dma_wait3A_165] : memref<80x125xi32, #tpu.memory_space<vmem>> -> memref<1x125xi32, #tpu.memory_space<vmem>>
      %dma_wait3A_167 = tpu.memref_squeeze %dma_wait3A_166 : memref<1x125xi32, #tpu.memory_space<vmem>> -> memref<125xi32, #tpu.memory_space<vmem>>
      %dma_wait3A_168 = arith.constant 0 : i32
      %dma_wait3A_169 = arith.constant 0 : i32
      %dma_wait3A_170 = tpu.memref_slice %arg2[%dma_wait3A_168, %dma_wait3A_169] : memref<10000x64xf32, #tpu.memory_space<hbm>> -> memref<10000x64xf32, #tpu.memory_space<hbm>>
      tpu.wait_indirect_dma semaphore(%arg25 : memref<!tpu.dma_semaphore, #tpu.memory_space<semaphore_mem>>) src(%dma_wait3A_170 : memref<10000x64xf32, #tpu.memory_space<hbm>>) dst(%arg22 : memref<125x64xf32, #tpu.memory_space<vmem>>)
      %add3A_171 = arith.constant 1 : i32
      %add3A_172 = arith.addi %mul3A_145, %add3A_171 : i32
      "tpu.region"() ({
        %run_scoped3A_173 = tpu.sem_alloc : memref<!tpu.dma_semaphore, #tpu.memory_space<semaphore_mem>>
        %dma_start3A_174 = arith.constant 0 : i32
        %dma_start3A_175 = tpu.memref_slice %arg20[%add3A_172, %dma_start3A_174] : memref<80x125xi32, #tpu.memory_space<vmem>> -> memref<1x125xi32, #tpu.memory_space<vmem>>
        %dma_start3A_176 = tpu.memref_squeeze %dma_start3A_175 : memref<1x125xi32, #tpu.memory_space<vmem>> -> memref<125xi32, #tpu.memory_space<vmem>>
        %dma_start3A_177 = arith.constant 0 : i32
        %dma_start3A_178 = arith.constant 0 : i32
        %dma_start3A_179 = tpu.memref_slice %arg18[%dma_start3A_177, %dma_start3A_178] : memref<10240x64xf32, #tpu.memory_space<vmem_shared>> -> memref<10240x64xf32, #tpu.memory_space<vmem_shared>>
        tpu.enqueue_indirect_dma source(%arg22 : memref<125x64xf32, #tpu.memory_space<vmem>>) target(%dma_start3A_179 : memref<10240x64xf32, #tpu.memory_space<vmem_shared>>) offsets(%dma_start3A_176 : memref<125xi32, #tpu.memory_space<vmem>>) semaphore(%run_scoped3A_173 : memref<!tpu.dma_semaphore, #tpu.memory_space<semaphore_mem>>) {add = true}
        %dma_wait3A_180 = arith.constant 0 : i32
        %dma_wait3A_181 = tpu.memref_slice %arg20[%add3A_172, %dma_wait3A_180] : memref<80x125xi32, #tpu.memory_space<vmem>> -> memref<1x125xi32, #tpu.memory_space<vmem>>
        %dma_wait3A_182 = tpu.memref_squeeze %dma_wait3A_181 : memref<1x125xi32, #tpu.memory_space<vmem>> -> memref<125xi32, #tpu.memory_space<vmem>>
        %dma_wait3A_183 = arith.constant 0 : i32
        %dma_wait3A_184 = arith.constant 0 : i32
        %dma_wait3A_185 = tpu.memref_slice %arg18[%dma_wait3A_183, %dma_wait3A_184] : memref<10240x64xf32, #tpu.memory_space<vmem_shared>> -> memref<10240x64xf32, #tpu.memory_space<vmem_shared>>
        tpu.wait_indirect_dma semaphore(%run_scoped3A_173 : memref<!tpu.dma_semaphore, #tpu.memory_space<semaphore_mem>>) src(%arg22 : memref<125x64xf32, #tpu.memory_space<vmem>>) dst(%dma_wait3A_185 : memref<10240x64xf32, #tpu.memory_space<vmem_shared>>)
        tpu.yield
      }) : () -> ()
    }
    %scan3A_28 = arith.constant 40 : i32
    %broadcast_in_dim3A = arith.constant 1.000000e+00 : f32
    %broadcast_in_dim3A_29 = vector.broadcast %broadcast_in_dim3A : f32 to vector<16xf32>
    %scan3A_30 = arith.constant 0 : i32
    %scan3A_31 = arith.constant 0 : i32
    %scan3A_32 = arith.constant 625 : i32
    %scan3A_33 = arith.addi %scan3A_31, %scan3A_32 : i32
    %scan3A_34 = arith.constant 1 : i32
    scf.for %scan3A_143 = %scan3A_31 to %scan3A_33 step %scan3A_34  : i32 {
      %mul3A_144 = arith.constant 16 : i32
      %mul3A_145 = arith.muli %scan3A_143, %mul3A_144 : i32
      %get3A = arith.index_cast %mul3A_145 : i32 to index
      %get3A_146 = tpu.vector_load %arg26[%get3A] {strides = array<i32>} : memref<10000xi32, #tpu.memory_space<vmem>>, vector<16xi32>,
      tpu.vector_store_idx %arg27[%get3A_146], %broadcast_in_dim3A_29 {add = true} : memref<10240xf32, #tpu.memory_space<vmem>>[vector<16xi32>], vector<16xf32>,
    }
    %scan3A_35 = arith.constant 625 : i32
    %barrier3A_36 = arith.constant 0 : index
    tpu.barrier barrier_id(%barrier3A_36)
    %mul3A_37 = arith.constant 640 : i32
    %mul3A_38 = arith.muli %arg1, %mul3A_37 : i32
    %mul3A_39 = arith.constant 640 : i32
    %mul3A_40 = arith.muli %arg1, %mul3A_39 : i32
    %run_scoped3A = arith.constant 0 : i32
    "tpu.region"() ({
      %run_scoped3A_143 = tpu.sem_alloc : memref<!tpu.dma_semaphore, #tpu.memory_space<semaphore_mem>>
      %dma_start3A_144 = arith.constant 0 : i32
      %dma_start3A_145 = tpu.memref_slice %arg16[%run_scoped3A, %arg0, %mul3A_40, %dma_start3A_144] : memref<3x2x10240x64xf32, #tpu.memory_space<hbm>> -> memref<1x1x640x64xf32, #tpu.memory_space<hbm>>
      %dma_start3A_146 = tpu.memref_squeeze %dma_start3A_145 : memref<1x1x640x64xf32, #tpu.memory_space<hbm>> -> memref<640x64xf32, #tpu.memory_space<hbm>>
      %dma_start3A_147 = arith.constant 0 : i32
      %dma_start3A_148 = tpu.memref_slice %arg18[%mul3A_38, %dma_start3A_147] : memref<10240x64xf32, #tpu.memory_space<vmem_shared>> -> memref<640x64xf32, #tpu.memory_space<vmem_shared>>
      tpu.enqueue_dma source(%dma_start3A_148 : memref<640x64xf32, #tpu.memory_space<vmem_shared>>) target(%dma_start3A_146 : memref<640x64xf32, #tpu.memory_space<hbm>>) target_semaphore(%run_scoped3A_143 : memref<!tpu.dma_semaphore, #tpu.memory_space<semaphore_mem>>)
      %dma_wait3A = arith.constant 0 : i32
      %dma_wait3A_149 = tpu.memref_slice %arg16[%run_scoped3A, %arg0, %mul3A_40, %dma_wait3A] : memref<3x2x10240x64xf32, #tpu.memory_space<hbm>> -> memref<1x1x640x64xf32, #tpu.memory_space<hbm>>
      %dma_wait3A_150 = tpu.memref_squeeze %dma_wait3A_149 : memref<1x1x640x64xf32, #tpu.memory_space<hbm>> -> memref<640x64xf32, #tpu.memory_space<hbm>>
      %dma_wait3A_151 = arith.constant 0 : i32
      %dma_wait3A_152 = tpu.memref_slice %arg18[%mul3A_38, %dma_wait3A_151] : memref<10240x64xf32, #tpu.memory_space<vmem_shared>> -> memref<640x64xf32, #tpu.memory_space<vmem_shared>>
      tpu.wait_dma2 semaphore(%run_scoped3A_143 : memref<!tpu.dma_semaphore, #tpu.memory_space<semaphore_mem>>) src(%dma_wait3A_152 : memref<640x64xf32, #tpu.memory_space<vmem_shared>>) dst(%dma_wait3A_150 : memref<640x64xf32, #tpu.memory_space<hbm>>)
      tpu.yield
    }) : () -> ()
    %run_scoped3A_41 = arith.constant 0 : i32
    "tpu.region"() ({
      %run_scoped3A_143 = tpu.sem_alloc : memref<!tpu.dma_semaphore, #tpu.memory_space<semaphore_mem>>
      %dma_start3A_144 = arith.constant 0 : i32
      %dma_start3A_145 = tpu.memref_slice %arg17[%run_scoped3A_41, %arg0, %arg1, %dma_start3A_144] : memref<3x2x16x10240xf32, #tpu.memory_space<hbm>> -> memref<1x1x1x10240xf32, #tpu.memory_space<hbm>>
      %dma_start3A_146 = tpu.memref_squeeze %dma_start3A_145 : memref<1x1x1x10240xf32, #tpu.memory_space<hbm>> -> memref<10240xf32, #tpu.memory_space<hbm>>
      %dma_start3A_147 = arith.constant 0 : i32
      %dma_start3A_148 = tpu.memref_slice %arg17[%run_scoped3A_41, %arg0, %arg1, %dma_start3A_147] : memref<3x2x16x10240xf32, #tpu.memory_space<hbm>> -> memref<1x1x1x10240xf32, #tpu.memory_space<hbm>>
      %dma_start3A_149 = tpu.memref_squeeze %dma_start3A_148 : memref<1x1x1x10240xf32, #tpu.memory_space<hbm>> -> memref<10240xf32, #tpu.memory_space<hbm>>
      tpu.enqueue_dma source(%arg27 : memref<10240xf32, #tpu.memory_space<vmem>>) target(%dma_start3A_149 : memref<10240xf32, #tpu.memory_space<hbm>>) target_semaphore(%run_scoped3A_143 : memref<!tpu.dma_semaphore, #tpu.memory_space<semaphore_mem>>)
      %dma_wait3A = arith.constant 0 : i32
      %dma_wait3A_150 = tpu.memref_slice %arg17[%run_scoped3A_41, %arg0, %arg1, %dma_wait3A] : memref<3x2x16x10240xf32, #tpu.memory_space<hbm>> -> memref<1x1x1x10240xf32, #tpu.memory_space<hbm>>
      %dma_wait3A_151 = tpu.memref_squeeze %dma_wait3A_150 : memref<1x1x1x10240xf32, #tpu.memory_space<hbm>> -> memref<10240xf32, #tpu.memory_space<hbm>>
      %dma_wait3A_152 = arith.constant 0 : i32
      %dma_wait3A_153 = tpu.memref_slice %arg17[%run_scoped3A_41, %arg0, %arg1, %dma_wait3A_152] : memref<3x2x16x10240xf32, #tpu.memory_space<hbm>> -> memref<1x1x1x10240xf32, #tpu.memory_space<hbm>>
      %dma_wait3A_154 = tpu.memref_squeeze %dma_wait3A_153 : memref<1x1x1x10240xf32, #tpu.memory_space<hbm>> -> memref<10240xf32, #tpu.memory_space<hbm>>
      tpu.wait_dma2 semaphore(%run_scoped3A_143 : memref<!tpu.dma_semaphore, #tpu.memory_space<semaphore_mem>>) src(%arg27 : memref<10240xf32, #tpu.memory_space<vmem>>) dst(%dma_wait3A_154 : memref<10240xf32, #tpu.memory_space<hbm>>)
      tpu.yield
    }) : () -> ()
    %barrier3A_42 = arith.constant 0 : index
    tpu.barrier barrier_id(%barrier3A_42)
    %mul3A_43 = arith.constant 640 : i32
    %mul3A_44 = arith.muli %arg1, %mul3A_43 : i32
    %add3A_45 = arith.constant 0 : i32
    %add3A_46 = arith.addi %mul3A_44, %add3A_45 : i32
    "tpu.region"() ({
      %run_scoped3A_143 = tpu.sem_alloc : memref<!tpu.dma_semaphore, #tpu.memory_space<semaphore_mem>>
      %dma_start3A_144 = arith.constant 0 : i32
      %dma_start3A_145 = tpu.memref_slice %arg18[%add3A_46, %dma_start3A_144] : memref<10240x64xf32, #tpu.memory_space<vmem_shared>> -> memref<128x64xf32, #tpu.memory_space<vmem_shared>>
      %dma_start3A_146 = arith.constant 0 : i32
      %dma_start3A_147 = tpu.memref_slice %arg18[%add3A_46, %dma_start3A_146] : memref<10240x64xf32, #tpu.memory_space<vmem_shared>> -> memref<128x64xf32, #tpu.memory_space<vmem_shared>>
      tpu.enqueue_dma source(%arg23 : memref<128x64xf32, #tpu.memory_space<vmem>>) target(%dma_start3A_147 : memref<128x64xf32, #tpu.memory_space<vmem_shared>>) target_semaphore(%run_scoped3A_143 : memref<!tpu.dma_semaphore, #tpu.memory_space<semaphore_mem>>)
      %dma_wait3A = arith.constant 0 : i32
      %dma_wait3A_148 = tpu.memref_slice %arg18[%add3A_46, %dma_wait3A] : memref<10240x64xf32, #tpu.memory_space<vmem_shared>> -> memref<128x64xf32, #tpu.memory_space<vmem_shared>>
      %dma_wait3A_149 = arith.constant 0 : i32
      %dma_wait3A_150 = tpu.memref_slice %arg18[%add3A_46, %dma_wait3A_149] : memref<10240x64xf32, #tpu.memory_space<vmem_shared>> -> memref<128x64xf32, #tpu.memory_space<vmem_shared>>
      tpu.wait_dma2 semaphore(%run_scoped3A_143 : memref<!tpu.dma_semaphore, #tpu.memory_space<semaphore_mem>>) src(%arg23 : memref<128x64xf32, #tpu.memory_space<vmem>>) dst(%dma_wait3A_150 : memref<128x64xf32, #tpu.memory_space<vmem_shared>>)
      tpu.yield
    }) : () -> ()
    %mul3A_47 = arith.constant 640 : i32
    %mul3A_48 = arith.muli %arg1, %mul3A_47 : i32
    %add3A_49 = arith.constant 128 : i32
    %add3A_50 = arith.addi %mul3A_48, %add3A_49 : i32
    "tpu.region"() ({
      %run_scoped3A_143 = tpu.sem_alloc : memref<!tpu.dma_semaphore, #tpu.memory_space<semaphore_mem>>
      %dma_start3A_144 = arith.constant 0 : i32
      %dma_start3A_145 = tpu.memref_slice %arg18[%add3A_50, %dma_start3A_144] : memref<10240x64xf32, #tpu.memory_space<vmem_shared>> -> memref<128x64xf32, #tpu.memory_space<vmem_shared>>
      %dma_start3A_146 = arith.constant 0 : i32
      %dma_start3A_147 = tpu.memref_slice %arg18[%add3A_50, %dma_start3A_146] : memref<10240x64xf32, #tpu.memory_space<vmem_shared>> -> memref<128x64xf32, #tpu.memory_space<vmem_shared>>
      tpu.enqueue_dma source(%arg23 : memref<128x64xf32, #tpu.memory_space<vmem>>) target(%dma_start3A_147 : memref<128x64xf32, #tpu.memory_space<vmem_shared>>) target_semaphore(%run_scoped3A_143 : memref<!tpu.dma_semaphore, #tpu.memory_space<semaphore_mem>>)
      %dma_wait3A = arith.constant 0 : i32
      %dma_wait3A_148 = tpu.memref_slice %arg18[%add3A_50, %dma_wait3A] : memref<10240x64xf32, #tpu.memory_space<vmem_shared>> -> memref<128x64xf32, #tpu.memory_space<vmem_shared>>
      %dma_wait3A_149 = arith.constant 0 : i32
      %dma_wait3A_150 = tpu.memref_slice %arg18[%add3A_50, %dma_wait3A_149] : memref<10240x64xf32, #tpu.memory_space<vmem_shared>> -> memref<128x64xf32, #tpu.memory_space<vmem_shared>>
      tpu.wait_dma2 semaphore(%run_scoped3A_143 : memref<!tpu.dma_semaphore, #tpu.memory_space<semaphore_mem>>) src(%arg23 : memref<128x64xf32, #tpu.memory_space<vmem>>) dst(%dma_wait3A_150 : memref<128x64xf32, #tpu.memory_space<vmem_shared>>)
      tpu.yield
    }) : () -> ()
    %mul3A_51 = arith.constant 640 : i32
    %mul3A_52 = arith.muli %arg1, %mul3A_51 : i32
    %add3A_53 = arith.constant 256 : i32
    %add3A_54 = arith.addi %mul3A_52, %add3A_53 : i32
    "tpu.region"() ({
      %run_scoped3A_143 = tpu.sem_alloc : memref<!tpu.dma_semaphore, #tpu.memory_space<semaphore_mem>>
      %dma_start3A_144 = arith.constant 0 : i32
      %dma_start3A_145 = tpu.memref_slice %arg18[%add3A_54, %dma_start3A_144] : memref<10240x64xf32, #tpu.memory_space<vmem_shared>> -> memref<128x64xf32, #tpu.memory_space<vmem_shared>>
      %dma_start3A_146 = arith.constant 0 : i32
      %dma_start3A_147 = tpu.memref_slice %arg18[%add3A_54, %dma_start3A_146] : memref<10240x64xf32, #tpu.memory_space<vmem_shared>> -> memref<128x64xf32, #tpu.memory_space<vmem_shared>>
      tpu.enqueue_dma source(%arg23 : memref<128x64xf32, #tpu.memory_space<vmem>>) target(%dma_start3A_147 : memref<128x64xf32, #tpu.memory_space<vmem_shared>>) target_semaphore(%run_scoped3A_143 : memref<!tpu.dma_semaphore, #tpu.memory_space<semaphore_mem>>)
      %dma_wait3A = arith.constant 0 : i32
      %dma_wait3A_148 = tpu.memref_slice %arg18[%add3A_54, %dma_wait3A] : memref<10240x64xf32, #tpu.memory_space<vmem_shared>> -> memref<128x64xf32, #tpu.memory_space<vmem_shared>>
      %dma_wait3A_149 = arith.constant 0 : i32
      %dma_wait3A_150 = tpu.memref_slice %arg18[%add3A_54, %dma_wait3A_149] : memref<10240x64xf32, #tpu.memory_space<vmem_shared>> -> memref<128x64xf32, #tpu.memory_space<vmem_shared>>
      tpu.wait_dma2 semaphore(%run_scoped3A_143 : memref<!tpu.dma_semaphore, #tpu.memory_space<semaphore_mem>>) src(%arg23 : memref<128x64xf32, #tpu.memory_space<vmem>>) dst(%dma_wait3A_150 : memref<128x64xf32, #tpu.memory_space<vmem_shared>>)
      tpu.yield
    }) : () -> ()
    %mul3A_55 = arith.constant 640 : i32
    %mul3A_56 = arith.muli %arg1, %mul3A_55 : i32
    %add3A_57 = arith.constant 384 : i32
    %add3A_58 = arith.addi %mul3A_56, %add3A_57 : i32
    "tpu.region"() ({
      %run_scoped3A_143 = tpu.sem_alloc : memref<!tpu.dma_semaphore, #tpu.memory_space<semaphore_mem>>
      %dma_start3A_144 = arith.constant 0 : i32
      %dma_start3A_145 = tpu.memref_slice %arg18[%add3A_58, %dma_start3A_144] : memref<10240x64xf32, #tpu.memory_space<vmem_shared>> -> memref<128x64xf32, #tpu.memory_space<vmem_shared>>
      %dma_start3A_146 = arith.constant 0 : i32
      %dma_start3A_147 = tpu.memref_slice %arg18[%add3A_58, %dma_start3A_146] : memref<10240x64xf32, #tpu.memory_space<vmem_shared>> -> memref<128x64xf32, #tpu.memory_space<vmem_shared>>
      tpu.enqueue_dma source(%arg23 : memref<128x64xf32, #tpu.memory_space<vmem>>) target(%dma_start3A_147 : memref<128x64xf32, #tpu.memory_space<vmem_shared>>) target_semaphore(%run_scoped3A_143 : memref<!tpu.dma_semaphore, #tpu.memory_space<semaphore_mem>>)
      %dma_wait3A = arith.constant 0 : i32
      %dma_wait3A_148 = tpu.memref_slice %arg18[%add3A_58, %dma_wait3A] : memref<10240x64xf32, #tpu.memory_space<vmem_shared>> -> memref<128x64xf32, #tpu.memory_space<vmem_shared>>
      %dma_wait3A_149 = arith.constant 0 : i32
      %dma_wait3A_150 = tpu.memref_slice %arg18[%add3A_58, %dma_wait3A_149] : memref<10240x64xf32, #tpu.memory_space<vmem_shared>> -> memref<128x64xf32, #tpu.memory_space<vmem_shared>>
      tpu.wait_dma2 semaphore(%run_scoped3A_143 : memref<!tpu.dma_semaphore, #tpu.memory_space<semaphore_mem>>) src(%arg23 : memref<128x64xf32, #tpu.memory_space<vmem>>) dst(%dma_wait3A_150 : memref<128x64xf32, #tpu.memory_space<vmem_shared>>)
      tpu.yield
    }) : () -> ()
    %mul3A_59 = arith.constant 640 : i32
    %mul3A_60 = arith.muli %arg1, %mul3A_59 : i32
    %add3A_61 = arith.constant 512 : i32
    %add3A_62 = arith.addi %mul3A_60, %add3A_61 : i32
    "tpu.region"() ({
      %run_scoped3A_143 = tpu.sem_alloc : memref<!tpu.dma_semaphore, #tpu.memory_space<semaphore_mem>>
      %dma_start3A_144 = arith.constant 0 : i32
      %dma_start3A_145 = tpu.memref_slice %arg18[%add3A_62, %dma_start3A_144] : memref<10240x64xf32, #tpu.memory_space<vmem_shared>> -> memref<128x64xf32, #tpu.memory_space<vmem_shared>>
      %dma_start3A_146 = arith.constant 0 : i32
      %dma_start3A_147 = tpu.memref_slice %arg18[%add3A_62, %dma_start3A_146] : memref<10240x64xf32, #tpu.memory_space<vmem_shared>> -> memref<128x64xf32, #tpu.memory_space<vmem_shared>>
      tpu.enqueue_dma source(%arg23 : memref<128x64xf32, #tpu.memory_space<vmem>>) target(%dma_start3A_147 : memref<128x64xf32, #tpu.memory_space<vmem_shared>>) target_semaphore(%run_scoped3A_143 : memref<!tpu.dma_semaphore, #tpu.memory_space<semaphore_mem>>)
      %dma_wait3A = arith.constant 0 : i32
      %dma_wait3A_148 = tpu.memref_slice %arg18[%add3A_62, %dma_wait3A] : memref<10240x64xf32, #tpu.memory_space<vmem_shared>> -> memref<128x64xf32, #tpu.memory_space<vmem_shared>>
      %dma_wait3A_149 = arith.constant 0 : i32
      %dma_wait3A_150 = tpu.memref_slice %arg18[%add3A_62, %dma_wait3A_149] : memref<10240x64xf32, #tpu.memory_space<vmem_shared>> -> memref<128x64xf32, #tpu.memory_space<vmem_shared>>
      tpu.wait_dma2 semaphore(%run_scoped3A_143 : memref<!tpu.dma_semaphore, #tpu.memory_space<semaphore_mem>>) src(%arg23 : memref<128x64xf32, #tpu.memory_space<vmem>>) dst(%dma_wait3A_150 : memref<128x64xf32, #tpu.memory_space<vmem_shared>>)
      tpu.yield
    }) : () -> ()
    "tpu.region"() ({
      %run_scoped3A_143 = tpu.sem_alloc : memref<!tpu.dma_semaphore, #tpu.memory_space<semaphore_mem>>
      tpu.enqueue_dma source(%arg15 : memref<10240xf32, #tpu.memory_space<hbm>>) target(%arg27 : memref<10240xf32, #tpu.memory_space<vmem>>) target_semaphore(%run_scoped3A_143 : memref<!tpu.dma_semaphore, #tpu.memory_space<semaphore_mem>>)
      tpu.wait_dma2 semaphore(%run_scoped3A_143 : memref<!tpu.dma_semaphore, #tpu.memory_space<semaphore_mem>>) src(%arg15 : memref<10240xf32, #tpu.memory_space<hbm>>) dst(%arg27 : memref<10240xf32, #tpu.memory_space<vmem>>)
      tpu.yield
    }) : () -> ()
    %barrier3A_63 = arith.constant 0 : index
    tpu.barrier barrier_id(%barrier3A_63)
    "tpu.region"() ({
      %run_scoped3A_143 = tpu.sem_alloc : memref<!tpu.dma_semaphore, #tpu.memory_space<semaphore_mem>>
      %dma_start3A_144 = arith.constant 0 : i32
      %dma_start3A_145 = arith.constant 0 : i32
      %dma_start3A_146 = tpu.memref_slice %arg6[%arg0, %arg1, %dma_start3A_144, %dma_start3A_145] : memref<2x16x80x125xi32, #tpu.memory_space<hbm>> -> memref<1x1x80x125xi32, #tpu.memory_space<hbm>>
      %dma_start3A_147 = tpu.memref_squeeze %dma_start3A_146 : memref<1x1x80x125xi32, #tpu.memory_space<hbm>> -> memref<80x125xi32, #tpu.memory_space<hbm>>
      %dma_start3A_148 = arith.constant 0 : i32
      %dma_start3A_149 = arith.constant 0 : i32
      %dma_start3A_150 = tpu.memref_slice %arg6[%arg0, %arg1, %dma_start3A_148, %dma_start3A_149] : memref<2x16x80x125xi32, #tpu.memory_space<hbm>> -> memref<1x1x80x125xi32, #tpu.memory_space<hbm>>
      %dma_start3A_151 = tpu.memref_squeeze %dma_start3A_150 : memref<1x1x80x125xi32, #tpu.memory_space<hbm>> -> memref<80x125xi32, #tpu.memory_space<hbm>>
      tpu.enqueue_dma source(%dma_start3A_151 : memref<80x125xi32, #tpu.memory_space<hbm>>) target(%arg19 : memref<80x125xi32, #tpu.memory_space<vmem>>) target_semaphore(%run_scoped3A_143 : memref<!tpu.dma_semaphore, #tpu.memory_space<semaphore_mem>>)
      %dma_wait3A = arith.constant 0 : i32
      %dma_wait3A_152 = arith.constant 0 : i32
      %dma_wait3A_153 = tpu.memref_slice %arg6[%arg0, %arg1, %dma_wait3A, %dma_wait3A_152] : memref<2x16x80x125xi32, #tpu.memory_space<hbm>> -> memref<1x1x80x125xi32, #tpu.memory_space<hbm>>
      %dma_wait3A_154 = tpu.memref_squeeze %dma_wait3A_153 : memref<1x1x80x125xi32, #tpu.memory_space<hbm>> -> memref<80x125xi32, #tpu.memory_space<hbm>>
      %dma_wait3A_155 = arith.constant 0 : i32
      %dma_wait3A_156 = arith.constant 0 : i32
      %dma_wait3A_157 = tpu.memref_slice %arg6[%arg0, %arg1, %dma_wait3A_155, %dma_wait3A_156] : memref<2x16x80x125xi32, #tpu.memory_space<hbm>> -> memref<1x1x80x125xi32, #tpu.memory_space<hbm>>
      %dma_wait3A_158 = tpu.memref_squeeze %dma_wait3A_157 : memref<1x1x80x125xi32, #tpu.memory_space<hbm>> -> memref<80x125xi32, #tpu.memory_space<hbm>>
      tpu.wait_dma2 semaphore(%run_scoped3A_143 : memref<!tpu.dma_semaphore, #tpu.memory_space<semaphore_mem>>) src(%dma_wait3A_158 : memref<80x125xi32, #tpu.memory_space<hbm>>) dst(%arg19 : memref<80x125xi32, #tpu.memory_space<vmem>>)
      tpu.yield
    }) : () -> ()
    "tpu.region"() ({
      %run_scoped3A_143 = tpu.sem_alloc : memref<!tpu.dma_semaphore, #tpu.memory_space<semaphore_mem>>
      %dma_start3A_144 = arith.constant 0 : i32
      %dma_start3A_145 = arith.constant 0 : i32
      %dma_start3A_146 = tpu.memref_slice %arg9[%arg0, %arg1, %dma_start3A_144, %dma_start3A_145] : memref<2x16x80x125xi32, #tpu.memory_space<hbm>> -> memref<1x1x80x125xi32, #tpu.memory_space<hbm>>
      %dma_start3A_147 = tpu.memref_squeeze %dma_start3A_146 : memref<1x1x80x125xi32, #tpu.memory_space<hbm>> -> memref<80x125xi32, #tpu.memory_space<hbm>>
      %dma_start3A_148 = arith.constant 0 : i32
      %dma_start3A_149 = arith.constant 0 : i32
      %dma_start3A_150 = tpu.memref_slice %arg9[%arg0, %arg1, %dma_start3A_148, %dma_start3A_149] : memref<2x16x80x125xi32, #tpu.memory_space<hbm>> -> memref<1x1x80x125xi32, #tpu.memory_space<hbm>>
      %dma_start3A_151 = tpu.memref_squeeze %dma_start3A_150 : memref<1x1x80x125xi32, #tpu.memory_space<hbm>> -> memref<80x125xi32, #tpu.memory_space<hbm>>
      tpu.enqueue_dma source(%dma_start3A_151 : memref<80x125xi32, #tpu.memory_space<hbm>>) target(%arg20 : memref<80x125xi32, #tpu.memory_space<vmem>>) target_semaphore(%run_scoped3A_143 : memref<!tpu.dma_semaphore, #tpu.memory_space<semaphore_mem>>)
      %dma_wait3A = arith.constant 0 : i32
      %dma_wait3A_152 = arith.constant 0 : i32
      %dma_wait3A_153 = tpu.memref_slice %arg9[%arg0, %arg1, %dma_wait3A, %dma_wait3A_152] : memref<2x16x80x125xi32, #tpu.memory_space<hbm>> -> memref<1x1x80x125xi32, #tpu.memory_space<hbm>>
      %dma_wait3A_154 = tpu.memref_squeeze %dma_wait3A_153 : memref<1x1x80x125xi32, #tpu.memory_space<hbm>> -> memref<80x125xi32, #tpu.memory_space<hbm>>
      %dma_wait3A_155 = arith.constant 0 : i32
      %dma_wait3A_156 = arith.constant 0 : i32
      %dma_wait3A_157 = tpu.memref_slice %arg9[%arg0, %arg1, %dma_wait3A_155, %dma_wait3A_156] : memref<2x16x80x125xi32, #tpu.memory_space<hbm>> -> memref<1x1x80x125xi32, #tpu.memory_space<hbm>>
      %dma_wait3A_158 = tpu.memref_squeeze %dma_wait3A_157 : memref<1x1x80x125xi32, #tpu.memory_space<hbm>> -> memref<80x125xi32, #tpu.memory_space<hbm>>
      tpu.wait_dma2 semaphore(%run_scoped3A_143 : memref<!tpu.dma_semaphore, #tpu.memory_space<semaphore_mem>>) src(%dma_wait3A_158 : memref<80x125xi32, #tpu.memory_space<hbm>>) dst(%arg20 : memref<80x125xi32, #tpu.memory_space<vmem>>)
      tpu.yield
    }) : () -> ()
    "tpu.region"() ({
      %run_scoped3A_143 = tpu.sem_alloc : memref<!tpu.dma_semaphore, #tpu.memory_space<semaphore_mem>>
      %dma_start3A_144 = arith.constant 0 : i32
      %dma_start3A_145 = tpu.memref_slice %arg12[%arg0, %arg1, %dma_start3A_144] : memref<2x16x10000xi32, #tpu.memory_space<hbm>> -> memref<1x1x10000xi32, #tpu.memory_space<hbm>>
      %dma_start3A_146 = tpu.memref_squeeze %dma_start3A_145 : memref<1x1x10000xi32, #tpu.memory_space<hbm>> -> memref<10000xi32, #tpu.memory_space<hbm>>
      %dma_start3A_147 = arith.constant 0 : i32
      %dma_start3A_148 = tpu.memref_slice %arg12[%arg0, %arg1, %dma_start3A_147] : memref<2x16x10000xi32, #tpu.memory_space<hbm>> -> memref<1x1x10000xi32, #tpu.memory_space<hbm>>
      %dma_start3A_149 = tpu.memref_squeeze %dma_start3A_148 : memref<1x1x10000xi32, #tpu.memory_space<hbm>> -> memref<10000xi32, #tpu.memory_space<hbm>>
      tpu.enqueue_dma source(%dma_start3A_149 : memref<10000xi32, #tpu.memory_space<hbm>>) target(%arg26 : memref<10000xi32, #tpu.memory_space<vmem>>) target_semaphore(%run_scoped3A_143 : memref<!tpu.dma_semaphore, #tpu.memory_space<semaphore_mem>>)
      %dma_wait3A = arith.constant 0 : i32
      %dma_wait3A_150 = tpu.memref_slice %arg12[%arg0, %arg1, %dma_wait3A] : memref<2x16x10000xi32, #tpu.memory_space<hbm>> -> memref<1x1x10000xi32, #tpu.memory_space<hbm>>
      %dma_wait3A_151 = tpu.memref_squeeze %dma_wait3A_150 : memref<1x1x10000xi32, #tpu.memory_space<hbm>> -> memref<10000xi32, #tpu.memory_space<hbm>>
      %dma_wait3A_152 = arith.constant 0 : i32
      %dma_wait3A_153 = tpu.memref_slice %arg12[%arg0, %arg1, %dma_wait3A_152] : memref<2x16x10000xi32, #tpu.memory_space<hbm>> -> memref<1x1x10000xi32, #tpu.memory_space<hbm>>
      %dma_wait3A_154 = tpu.memref_squeeze %dma_wait3A_153 : memref<1x1x10000xi32, #tpu.memory_space<hbm>> -> memref<10000xi32, #tpu.memory_space<hbm>>
      tpu.wait_dma2 semaphore(%run_scoped3A_143 : memref<!tpu.dma_semaphore, #tpu.memory_space<semaphore_mem>>) src(%dma_wait3A_154 : memref<10000xi32, #tpu.memory_space<hbm>>) dst(%arg26 : memref<10000xi32, #tpu.memory_space<vmem>>)
      tpu.yield
    }) : () -> ()
    %dma_start3A_64 = arith.constant 0 : i32
    %dma_start3A_65 = arith.constant 0 : i32
    %dma_start3A_66 = tpu.memref_slice %arg19[%dma_start3A_64, %dma_start3A_65] : memref<80x125xi32, #tpu.memory_space<vmem>> -> memref<1x125xi32, #tpu.memory_space<vmem>>
    %dma_start3A_67 = tpu.memref_squeeze %dma_start3A_66 : memref<1x125xi32, #tpu.memory_space<vmem>> -> memref<125xi32, #tpu.memory_space<vmem>>
    %dma_start3A_68 = arith.constant 0 : i32
    %dma_start3A_69 = arith.constant 0 : i32
    %dma_start3A_70 = tpu.memref_slice %arg3[%dma_start3A_68, %dma_start3A_69] : memref<10000x64xf32, #tpu.memory_space<hbm>> -> memref<10000x64xf32, #tpu.memory_space<hbm>>
    tpu.enqueue_indirect_dma source(%dma_start3A_70 : memref<10000x64xf32, #tpu.memory_space<hbm>>) target(%arg21 : memref<125x64xf32, #tpu.memory_space<vmem>>) offsets(%dma_start3A_67 : memref<125xi32, #tpu.memory_space<vmem>>) semaphore(%arg24 : memref<!tpu.dma_semaphore, #tpu.memory_space<semaphore_mem>>)
    %scan3A_71 = arith.constant 0 : i32
    %scan3A_72 = arith.constant 0 : i32
    %scan3A_73 = arith.constant 40 : i32
    %scan3A_74 = arith.addi %scan3A_72, %scan3A_73 : i32
    %scan3A_75 = arith.constant 1 : i32
    scf.for %scan3A_143 = %scan3A_72 to %scan3A_74 step %scan3A_75  : i32 {
      %mul3A_144 = arith.constant 2 : i32
      %mul3A_145 = arith.muli %scan3A_143, %mul3A_144 : i32
      %add3A_146 = arith.constant 1 : i32
      %add3A_147 = arith.addi %mul3A_145, %add3A_146 : i32
      %dma_start3A_148 = arith.constant 0 : i32
      %dma_start3A_149 = tpu.memref_slice %arg19[%add3A_147, %dma_start3A_148] : memref<80x125xi32, #tpu.memory_space<vmem>> -> memref<1x125xi32, #tpu.memory_space<vmem>>
      %dma_start3A_150 = tpu.memref_squeeze %dma_start3A_149 : memref<1x125xi32, #tpu.memory_space<vmem>> -> memref<125xi32, #tpu.memory_space<vmem>>
      %dma_start3A_151 = arith.constant 0 : i32
      %dma_start3A_152 = arith.constant 0 : i32
      %dma_start3A_153 = tpu.memref_slice %arg3[%dma_start3A_151, %dma_start3A_152] : memref<10000x64xf32, #tpu.memory_space<hbm>> -> memref<10000x64xf32, #tpu.memory_space<hbm>>
      tpu.enqueue_indirect_dma source(%dma_start3A_153 : memref<10000x64xf32, #tpu.memory_space<hbm>>) target(%arg22 : memref<125x64xf32, #tpu.memory_space<vmem>>) offsets(%dma_start3A_150 : memref<125xi32, #tpu.memory_space<vmem>>) semaphore(%arg25 : memref<!tpu.dma_semaphore, #tpu.memory_space<semaphore_mem>>)
      %dma_wait3A = arith.constant 0 : i32
      %dma_wait3A_154 = tpu.memref_slice %arg19[%mul3A_145, %dma_wait3A] : memref<80x125xi32, #tpu.memory_space<vmem>> -> memref<1x125xi32, #tpu.memory_space<vmem>>
      %dma_wait3A_155 = tpu.memref_squeeze %dma_wait3A_154 : memref<1x125xi32, #tpu.memory_space<vmem>> -> memref<125xi32, #tpu.memory_space<vmem>>
      %dma_wait3A_156 = arith.constant 0 : i32
      %dma_wait3A_157 = arith.constant 0 : i32
      %dma_wait3A_158 = tpu.memref_slice %arg3[%dma_wait3A_156, %dma_wait3A_157] : memref<10000x64xf32, #tpu.memory_space<hbm>> -> memref<10000x64xf32, #tpu.memory_space<hbm>>
      tpu.wait_indirect_dma semaphore(%arg24 : memref<!tpu.dma_semaphore, #tpu.memory_space<semaphore_mem>>) src(%dma_wait3A_158 : memref<10000x64xf32, #tpu.memory_space<hbm>>) dst(%arg21 : memref<125x64xf32, #tpu.memory_space<vmem>>)
      "tpu.region"() ({
        %run_scoped3A_173 = tpu.sem_alloc : memref<!tpu.dma_semaphore, #tpu.memory_space<semaphore_mem>>
        %dma_start3A_174 = arith.constant 0 : i32
        %dma_start3A_175 = tpu.memref_slice %arg20[%mul3A_145, %dma_start3A_174] : memref<80x125xi32, #tpu.memory_space<vmem>> -> memref<1x125xi32, #tpu.memory_space<vmem>>
        %dma_start3A_176 = tpu.memref_squeeze %dma_start3A_175 : memref<1x125xi32, #tpu.memory_space<vmem>> -> memref<125xi32, #tpu.memory_space<vmem>>
        %dma_start3A_177 = arith.constant 0 : i32
        %dma_start3A_178 = arith.constant 0 : i32
        %dma_start3A_179 = tpu.memref_slice %arg18[%dma_start3A_177, %dma_start3A_178] : memref<10240x64xf32, #tpu.memory_space<vmem_shared>> -> memref<10240x64xf32, #tpu.memory_space<vmem_shared>>
        tpu.enqueue_indirect_dma source(%arg21 : memref<125x64xf32, #tpu.memory_space<vmem>>) target(%dma_start3A_179 : memref<10240x64xf32, #tpu.memory_space<vmem_shared>>) offsets(%dma_start3A_176 : memref<125xi32, #tpu.memory_space<vmem>>) semaphore(%run_scoped3A_173 : memref<!tpu.dma_semaphore, #tpu.memory_space<semaphore_mem>>) {add = true}
        %dma_wait3A_180 = arith.constant 0 : i32
        %dma_wait3A_181 = tpu.memref_slice %arg20[%mul3A_145, %dma_wait3A_180] : memref<80x125xi32, #tpu.memory_space<vmem>> -> memref<1x125xi32, #tpu.memory_space<vmem>>
        %dma_wait3A_182 = tpu.memref_squeeze %dma_wait3A_181 : memref<1x125xi32, #tpu.memory_space<vmem>> -> memref<125xi32, #tpu.memory_space<vmem>>
        %dma_wait3A_183 = arith.constant 0 : i32
        %dma_wait3A_184 = arith.constant 0 : i32
        %dma_wait3A_185 = tpu.memref_slice %arg18[%dma_wait3A_183, %dma_wait3A_184] : memref<10240x64xf32, #tpu.memory_space<vmem_shared>> -> memref<10240x64xf32, #tpu.memory_space<vmem_shared>>
        tpu.wait_indirect_dma semaphore(%run_scoped3A_173 : memref<!tpu.dma_semaphore, #tpu.memory_space<semaphore_mem>>) src(%arg21 : memref<125x64xf32, #tpu.memory_space<vmem>>) dst(%dma_wait3A_185 : memref<10240x64xf32, #tpu.memory_space<vmem_shared>>)
        tpu.yield
      }) : () -> ()
      %add3A_159 = arith.constant 1 : i32
      %add3A_160 = arith.addi %scan3A_143, %add3A_159 : i32
      %lt3A = arith.constant 40 : i32
      %lt3A_161 = arith.cmpi slt, %add3A_160, %lt3A : i32
      %convert_element_type3A = arith.extui %lt3A_161 : i1 to i32
      %cond3A = arith.constant 0 : i32
      %cond3A_162 = arith.cmpi ne, %convert_element_type3A, %cond3A : i32
      scf.if %cond3A_162 {
        %add3A_173 = arith.constant 2 : i32
        %add3A_174 = arith.addi %mul3A_145, %add3A_173 : i32
        %dma_start3A_175 = arith.constant 0 : i32
        %dma_start3A_176 = tpu.memref_slice %arg19[%add3A_174, %dma_start3A_175] : memref<80x125xi32, #tpu.memory_space<vmem>> -> memref<1x125xi32, #tpu.memory_space<vmem>>
        %dma_start3A_177 = tpu.memref_squeeze %dma_start3A_176 : memref<1x125xi32, #tpu.memory_space<vmem>> -> memref<125xi32, #tpu.memory_space<vmem>>
        %dma_start3A_178 = arith.constant 0 : i32
        %dma_start3A_179 = arith.constant 0 : i32
        %dma_start3A_180 = tpu.memref_slice %arg3[%dma_start3A_178, %dma_start3A_179] : memref<10000x64xf32, #tpu.memory_space<hbm>> -> memref<10000x64xf32, #tpu.memory_space<hbm>>
        tpu.enqueue_indirect_dma source(%dma_start3A_180 : memref<10000x64xf32, #tpu.memory_space<hbm>>) target(%arg21 : memref<125x64xf32, #tpu.memory_space<vmem>>) offsets(%dma_start3A_177 : memref<125xi32, #tpu.memory_space<vmem>>) semaphore(%arg24 : memref<!tpu.dma_semaphore, #tpu.memory_space<semaphore_mem>>)
      } else {
      }
      %add3A_163 = arith.constant 1 : i32
      %add3A_164 = arith.addi %mul3A_145, %add3A_163 : i32
      %dma_wait3A_165 = arith.constant 0 : i32
      %dma_wait3A_166 = tpu.memref_slice %arg19[%add3A_164, %dma_wait3A_165] : memref<80x125xi32, #tpu.memory_space<vmem>> -> memref<1x125xi32, #tpu.memory_space<vmem>>
      %dma_wait3A_167 = tpu.memref_squeeze %dma_wait3A_166 : memref<1x125xi32, #tpu.memory_space<vmem>> -> memref<125xi32, #tpu.memory_space<vmem>>
      %dma_wait3A_168 = arith.constant 0 : i32
      %dma_wait3A_169 = arith.constant 0 : i32
      %dma_wait3A_170 = tpu.memref_slice %arg3[%dma_wait3A_168, %dma_wait3A_169] : memref<10000x64xf32, #tpu.memory_space<hbm>> -> memref<10000x64xf32, #tpu.memory_space<hbm>>
      tpu.wait_indirect_dma semaphore(%arg25 : memref<!tpu.dma_semaphore, #tpu.memory_space<semaphore_mem>>) src(%dma_wait3A_170 : memref<10000x64xf32, #tpu.memory_space<hbm>>) dst(%arg22 : memref<125x64xf32, #tpu.memory_space<vmem>>)
      %add3A_171 = arith.constant 1 : i32
      %add3A_172 = arith.addi %mul3A_145, %add3A_171 : i32
      "tpu.region"() ({
        %run_scoped3A_173 = tpu.sem_alloc : memref<!tpu.dma_semaphore, #tpu.memory_space<semaphore_mem>>
        %dma_start3A_174 = arith.constant 0 : i32
        %dma_start3A_175 = tpu.memref_slice %arg20[%add3A_172, %dma_start3A_174] : memref<80x125xi32, #tpu.memory_space<vmem>> -> memref<1x125xi32, #tpu.memory_space<vmem>>
        %dma_start3A_176 = tpu.memref_squeeze %dma_start3A_175 : memref<1x125xi32, #tpu.memory_space<vmem>> -> memref<125xi32, #tpu.memory_space<vmem>>
        %dma_start3A_177 = arith.constant 0 : i32
        %dma_start3A_178 = arith.constant 0 : i32
        %dma_start3A_179 = tpu.memref_slice %arg18[%dma_start3A_177, %dma_start3A_178] : memref<10240x64xf32, #tpu.memory_space<vmem_shared>> -> memref<10240x64xf32, #tpu.memory_space<vmem_shared>>
        tpu.enqueue_indirect_dma source(%arg22 : memref<125x64xf32, #tpu.memory_space<vmem>>) target(%dma_start3A_179 : memref<10240x64xf32, #tpu.memory_space<vmem_shared>>) offsets(%dma_start3A_176 : memref<125xi32, #tpu.memory_space<vmem>>) semaphore(%run_scoped3A_173 : memref<!tpu.dma_semaphore, #tpu.memory_space<semaphore_mem>>) {add = true}
        %dma_wait3A_180 = arith.constant 0 : i32
        %dma_wait3A_181 = tpu.memref_slice %arg20[%add3A_172, %dma_wait3A_180] : memref<80x125xi32, #tpu.memory_space<vmem>> -> memref<1x125xi32, #tpu.memory_space<vmem>>
        %dma_wait3A_182 = tpu.memref_squeeze %dma_wait3A_181 : memref<1x125xi32, #tpu.memory_space<vmem>> -> memref<125xi32, #tpu.memory_space<vmem>>
        %dma_wait3A_183 = arith.constant 0 : i32
        %dma_wait3A_184 = arith.constant 0 : i32
        %dma_wait3A_185 = tpu.memref_slice %arg18[%dma_wait3A_183, %dma_wait3A_184] : memref<10240x64xf32, #tpu.memory_space<vmem_shared>> -> memref<10240x64xf32, #tpu.memory_space<vmem_shared>>
        tpu.wait_indirect_dma semaphore(%run_scoped3A_173 : memref<!tpu.dma_semaphore, #tpu.memory_space<semaphore_mem>>) src(%arg22 : memref<125x64xf32, #tpu.memory_space<vmem>>) dst(%dma_wait3A_185 : memref<10240x64xf32, #tpu.memory_space<vmem_shared>>)
        tpu.yield
      }) : () -> ()
    }
    %scan3A_76 = arith.constant 40 : i32
    %broadcast_in_dim3A_77 = arith.constant 1.000000e+00 : f32
    %broadcast_in_dim3A_78 = vector.broadcast %broadcast_in_dim3A_77 : f32 to vector<16xf32>
    %scan3A_79 = arith.constant 0 : i32
    %scan3A_80 = arith.constant 0 : i32
    %scan3A_81 = arith.constant 625 : i32
    %scan3A_82 = arith.addi %scan3A_80, %scan3A_81 : i32
    %scan3A_83 = arith.constant 1 : i32
    scf.for %scan3A_143 = %scan3A_80 to %scan3A_82 step %scan3A_83  : i32 {
      %mul3A_144 = arith.constant 16 : i32
      %mul3A_145 = arith.muli %scan3A_143, %mul3A_144 : i32
      %get3A = arith.index_cast %mul3A_145 : i32 to index
      %get3A_146 = tpu.vector_load %arg26[%get3A] {strides = array<i32>} : memref<10000xi32, #tpu.memory_space<vmem>>, vector<16xi32>,
      tpu.vector_store_idx %arg27[%get3A_146], %broadcast_in_dim3A_78 {add = true} : memref<10240xf32, #tpu.memory_space<vmem>>[vector<16xi32>], vector<16xf32>,
    }
    %scan3A_84 = arith.constant 625 : i32
    %barrier3A_85 = arith.constant 0 : index
    tpu.barrier barrier_id(%barrier3A_85)
    %mul3A_86 = arith.constant 640 : i32
    %mul3A_87 = arith.muli %arg1, %mul3A_86 : i32
    %mul3A_88 = arith.constant 640 : i32
    %mul3A_89 = arith.muli %arg1, %mul3A_88 : i32
    %run_scoped3A_90 = arith.constant 1 : i32
    "tpu.region"() ({
      %run_scoped3A_143 = tpu.sem_alloc : memref<!tpu.dma_semaphore, #tpu.memory_space<semaphore_mem>>
      %dma_start3A_144 = arith.constant 0 : i32
      %dma_start3A_145 = tpu.memref_slice %arg16[%run_scoped3A_90, %arg0, %mul3A_89, %dma_start3A_144] : memref<3x2x10240x64xf32, #tpu.memory_space<hbm>> -> memref<1x1x640x64xf32, #tpu.memory_space<hbm>>
      %dma_start3A_146 = tpu.memref_squeeze %dma_start3A_145 : memref<1x1x640x64xf32, #tpu.memory_space<hbm>> -> memref<640x64xf32, #tpu.memory_space<hbm>>
      %dma_start3A_147 = arith.constant 0 : i32
      %dma_start3A_148 = tpu.memref_slice %arg18[%mul3A_87, %dma_start3A_147] : memref<10240x64xf32, #tpu.memory_space<vmem_shared>> -> memref<640x64xf32, #tpu.memory_space<vmem_shared>>
      tpu.enqueue_dma source(%dma_start3A_148 : memref<640x64xf32, #tpu.memory_space<vmem_shared>>) target(%dma_start3A_146 : memref<640x64xf32, #tpu.memory_space<hbm>>) target_semaphore(%run_scoped3A_143 : memref<!tpu.dma_semaphore, #tpu.memory_space<semaphore_mem>>)
      %dma_wait3A = arith.constant 0 : i32
      %dma_wait3A_149 = tpu.memref_slice %arg16[%run_scoped3A_90, %arg0, %mul3A_89, %dma_wait3A] : memref<3x2x10240x64xf32, #tpu.memory_space<hbm>> -> memref<1x1x640x64xf32, #tpu.memory_space<hbm>>
      %dma_wait3A_150 = tpu.memref_squeeze %dma_wait3A_149 : memref<1x1x640x64xf32, #tpu.memory_space<hbm>> -> memref<640x64xf32, #tpu.memory_space<hbm>>
      %dma_wait3A_151 = arith.constant 0 : i32
      %dma_wait3A_152 = tpu.memref_slice %arg18[%mul3A_87, %dma_wait3A_151] : memref<10240x64xf32, #tpu.memory_space<vmem_shared>> -> memref<640x64xf32, #tpu.memory_space<vmem_shared>>
      tpu.wait_dma2 semaphore(%run_scoped3A_143 : memref<!tpu.dma_semaphore, #tpu.memory_space<semaphore_mem>>) src(%dma_wait3A_152 : memref<640x64xf32, #tpu.memory_space<vmem_shared>>) dst(%dma_wait3A_150 : memref<640x64xf32, #tpu.memory_space<hbm>>)
      tpu.yield
    }) : () -> ()
    %run_scoped3A_91 = arith.constant 1 : i32
    "tpu.region"() ({
      %run_scoped3A_143 = tpu.sem_alloc : memref<!tpu.dma_semaphore, #tpu.memory_space<semaphore_mem>>
      %dma_start3A_144 = arith.constant 0 : i32
      %dma_start3A_145 = tpu.memref_slice %arg17[%run_scoped3A_91, %arg0, %arg1, %dma_start3A_144] : memref<3x2x16x10240xf32, #tpu.memory_space<hbm>> -> memref<1x1x1x10240xf32, #tpu.memory_space<hbm>>
      %dma_start3A_146 = tpu.memref_squeeze %dma_start3A_145 : memref<1x1x1x10240xf32, #tpu.memory_space<hbm>> -> memref<10240xf32, #tpu.memory_space<hbm>>
      %dma_start3A_147 = arith.constant 0 : i32
      %dma_start3A_148 = tpu.memref_slice %arg17[%run_scoped3A_91, %arg0, %arg1, %dma_start3A_147] : memref<3x2x16x10240xf32, #tpu.memory_space<hbm>> -> memref<1x1x1x10240xf32, #tpu.memory_space<hbm>>
      %dma_start3A_149 = tpu.memref_squeeze %dma_start3A_148 : memref<1x1x1x10240xf32, #tpu.memory_space<hbm>> -> memref<10240xf32, #tpu.memory_space<hbm>>
      tpu.enqueue_dma source(%arg27 : memref<10240xf32, #tpu.memory_space<vmem>>) target(%dma_start3A_149 : memref<10240xf32, #tpu.memory_space<hbm>>) target_semaphore(%run_scoped3A_143 : memref<!tpu.dma_semaphore, #tpu.memory_space<semaphore_mem>>)
      %dma_wait3A = arith.constant 0 : i32
      %dma_wait3A_150 = tpu.memref_slice %arg17[%run_scoped3A_91, %arg0, %arg1, %dma_wait3A] : memref<3x2x16x10240xf32, #tpu.memory_space<hbm>> -> memref<1x1x1x10240xf32, #tpu.memory_space<hbm>>
      %dma_wait3A_151 = tpu.memref_squeeze %dma_wait3A_150 : memref<1x1x1x10240xf32, #tpu.memory_space<hbm>> -> memref<10240xf32, #tpu.memory_space<hbm>>
      %dma_wait3A_152 = arith.constant 0 : i32
      %dma_wait3A_153 = tpu.memref_slice %arg17[%run_scoped3A_91, %arg0, %arg1, %dma_wait3A_152] : memref<3x2x16x10240xf32, #tpu.memory_space<hbm>> -> memref<1x1x1x10240xf32, #tpu.memory_space<hbm>>
      %dma_wait3A_154 = tpu.memref_squeeze %dma_wait3A_153 : memref<1x1x1x10240xf32, #tpu.memory_space<hbm>> -> memref<10240xf32, #tpu.memory_space<hbm>>
      tpu.wait_dma2 semaphore(%run_scoped3A_143 : memref<!tpu.dma_semaphore, #tpu.memory_space<semaphore_mem>>) src(%arg27 : memref<10240xf32, #tpu.memory_space<vmem>>) dst(%dma_wait3A_154 : memref<10240xf32, #tpu.memory_space<hbm>>)
      tpu.yield
    }) : () -> ()
    %barrier3A_92 = arith.constant 0 : index
    tpu.barrier barrier_id(%barrier3A_92)
    %mul3A_93 = arith.constant 640 : i32
    %mul3A_94 = arith.muli %arg1, %mul3A_93 : i32
    %add3A_95 = arith.constant 0 : i32
    %add3A_96 = arith.addi %mul3A_94, %add3A_95 : i32
    "tpu.region"() ({
      %run_scoped3A_143 = tpu.sem_alloc : memref<!tpu.dma_semaphore, #tpu.memory_space<semaphore_mem>>
      %dma_start3A_144 = arith.constant 0 : i32
      %dma_start3A_145 = tpu.memref_slice %arg18[%add3A_96, %dma_start3A_144] : memref<10240x64xf32, #tpu.memory_space<vmem_shared>> -> memref<128x64xf32, #tpu.memory_space<vmem_shared>>
      %dma_start3A_146 = arith.constant 0 : i32
      %dma_start3A_147 = tpu.memref_slice %arg18[%add3A_96, %dma_start3A_146] : memref<10240x64xf32, #tpu.memory_space<vmem_shared>> -> memref<128x64xf32, #tpu.memory_space<vmem_shared>>
      tpu.enqueue_dma source(%arg23 : memref<128x64xf32, #tpu.memory_space<vmem>>) target(%dma_start3A_147 : memref<128x64xf32, #tpu.memory_space<vmem_shared>>) target_semaphore(%run_scoped3A_143 : memref<!tpu.dma_semaphore, #tpu.memory_space<semaphore_mem>>)
      %dma_wait3A = arith.constant 0 : i32
      %dma_wait3A_148 = tpu.memref_slice %arg18[%add3A_96, %dma_wait3A] : memref<10240x64xf32, #tpu.memory_space<vmem_shared>> -> memref<128x64xf32, #tpu.memory_space<vmem_shared>>
      %dma_wait3A_149 = arith.constant 0 : i32
      %dma_wait3A_150 = tpu.memref_slice %arg18[%add3A_96, %dma_wait3A_149] : memref<10240x64xf32, #tpu.memory_space<vmem_shared>> -> memref<128x64xf32, #tpu.memory_space<vmem_shared>>
      tpu.wait_dma2 semaphore(%run_scoped3A_143 : memref<!tpu.dma_semaphore, #tpu.memory_space<semaphore_mem>>) src(%arg23 : memref<128x64xf32, #tpu.memory_space<vmem>>) dst(%dma_wait3A_150 : memref<128x64xf32, #tpu.memory_space<vmem_shared>>)
      tpu.yield
    }) : () -> ()
    %mul3A_97 = arith.constant 640 : i32
    %mul3A_98 = arith.muli %arg1, %mul3A_97 : i32
    %add3A_99 = arith.constant 128 : i32
    %add3A_100 = arith.addi %mul3A_98, %add3A_99 : i32
    "tpu.region"() ({
      %run_scoped3A_143 = tpu.sem_alloc : memref<!tpu.dma_semaphore, #tpu.memory_space<semaphore_mem>>
      %dma_start3A_144 = arith.constant 0 : i32
      %dma_start3A_145 = tpu.memref_slice %arg18[%add3A_100, %dma_start3A_144] : memref<10240x64xf32, #tpu.memory_space<vmem_shared>> -> memref<128x64xf32, #tpu.memory_space<vmem_shared>>
      %dma_start3A_146 = arith.constant 0 : i32
      %dma_start3A_147 = tpu.memref_slice %arg18[%add3A_100, %dma_start3A_146] : memref<10240x64xf32, #tpu.memory_space<vmem_shared>> -> memref<128x64xf32, #tpu.memory_space<vmem_shared>>
      tpu.enqueue_dma source(%arg23 : memref<128x64xf32, #tpu.memory_space<vmem>>) target(%dma_start3A_147 : memref<128x64xf32, #tpu.memory_space<vmem_shared>>) target_semaphore(%run_scoped3A_143 : memref<!tpu.dma_semaphore, #tpu.memory_space<semaphore_mem>>)
      %dma_wait3A = arith.constant 0 : i32
      %dma_wait3A_148 = tpu.memref_slice %arg18[%add3A_100, %dma_wait3A] : memref<10240x64xf32, #tpu.memory_space<vmem_shared>> -> memref<128x64xf32, #tpu.memory_space<vmem_shared>>
      %dma_wait3A_149 = arith.constant 0 : i32
      %dma_wait3A_150 = tpu.memref_slice %arg18[%add3A_100, %dma_wait3A_149] : memref<10240x64xf32, #tpu.memory_space<vmem_shared>> -> memref<128x64xf32, #tpu.memory_space<vmem_shared>>
      tpu.wait_dma2 semaphore(%run_scoped3A_143 : memref<!tpu.dma_semaphore, #tpu.memory_space<semaphore_mem>>) src(%arg23 : memref<128x64xf32, #tpu.memory_space<vmem>>) dst(%dma_wait3A_150 : memref<128x64xf32, #tpu.memory_space<vmem_shared>>)
      tpu.yield
    }) : () -> ()
    %mul3A_101 = arith.constant 640 : i32
    %mul3A_102 = arith.muli %arg1, %mul3A_101 : i32
    %add3A_103 = arith.constant 256 : i32
    %add3A_104 = arith.addi %mul3A_102, %add3A_103 : i32
    "tpu.region"() ({
      %run_scoped3A_143 = tpu.sem_alloc : memref<!tpu.dma_semaphore, #tpu.memory_space<semaphore_mem>>
      %dma_start3A_144 = arith.constant 0 : i32
      %dma_start3A_145 = tpu.memref_slice %arg18[%add3A_104, %dma_start3A_144] : memref<10240x64xf32, #tpu.memory_space<vmem_shared>> -> memref<128x64xf32, #tpu.memory_space<vmem_shared>>
      %dma_start3A_146 = arith.constant 0 : i32
      %dma_start3A_147 = tpu.memref_slice %arg18[%add3A_104, %dma_start3A_146] : memref<10240x64xf32, #tpu.memory_space<vmem_shared>> -> memref<128x64xf32, #tpu.memory_space<vmem_shared>>
      tpu.enqueue_dma source(%arg23 : memref<128x64xf32, #tpu.memory_space<vmem>>) target(%dma_start3A_147 : memref<128x64xf32, #tpu.memory_space<vmem_shared>>) target_semaphore(%run_scoped3A_143 : memref<!tpu.dma_semaphore, #tpu.memory_space<semaphore_mem>>)
      %dma_wait3A = arith.constant 0 : i32
      %dma_wait3A_148 = tpu.memref_slice %arg18[%add3A_104, %dma_wait3A] : memref<10240x64xf32, #tpu.memory_space<vmem_shared>> -> memref<128x64xf32, #tpu.memory_space<vmem_shared>>
      %dma_wait3A_149 = arith.constant 0 : i32
      %dma_wait3A_150 = tpu.memref_slice %arg18[%add3A_104, %dma_wait3A_149] : memref<10240x64xf32, #tpu.memory_space<vmem_shared>> -> memref<128x64xf32, #tpu.memory_space<vmem_shared>>
      tpu.wait_dma2 semaphore(%run_scoped3A_143 : memref<!tpu.dma_semaphore, #tpu.memory_space<semaphore_mem>>) src(%arg23 : memref<128x64xf32, #tpu.memory_space<vmem>>) dst(%dma_wait3A_150 : memref<128x64xf32, #tpu.memory_space<vmem_shared>>)
      tpu.yield
    }) : () -> ()
    %mul3A_105 = arith.constant 640 : i32
    %mul3A_106 = arith.muli %arg1, %mul3A_105 : i32
    %add3A_107 = arith.constant 384 : i32
    %add3A_108 = arith.addi %mul3A_106, %add3A_107 : i32
    "tpu.region"() ({
      %run_scoped3A_143 = tpu.sem_alloc : memref<!tpu.dma_semaphore, #tpu.memory_space<semaphore_mem>>
      %dma_start3A_144 = arith.constant 0 : i32
      %dma_start3A_145 = tpu.memref_slice %arg18[%add3A_108, %dma_start3A_144] : memref<10240x64xf32, #tpu.memory_space<vmem_shared>> -> memref<128x64xf32, #tpu.memory_space<vmem_shared>>
      %dma_start3A_146 = arith.constant 0 : i32
      %dma_start3A_147 = tpu.memref_slice %arg18[%add3A_108, %dma_start3A_146] : memref<10240x64xf32, #tpu.memory_space<vmem_shared>> -> memref<128x64xf32, #tpu.memory_space<vmem_shared>>
      tpu.enqueue_dma source(%arg23 : memref<128x64xf32, #tpu.memory_space<vmem>>) target(%dma_start3A_147 : memref<128x64xf32, #tpu.memory_space<vmem_shared>>) target_semaphore(%run_scoped3A_143 : memref<!tpu.dma_semaphore, #tpu.memory_space<semaphore_mem>>)
      %dma_wait3A = arith.constant 0 : i32
      %dma_wait3A_148 = tpu.memref_slice %arg18[%add3A_108, %dma_wait3A] : memref<10240x64xf32, #tpu.memory_space<vmem_shared>> -> memref<128x64xf32, #tpu.memory_space<vmem_shared>>
      %dma_wait3A_149 = arith.constant 0 : i32
      %dma_wait3A_150 = tpu.memref_slice %arg18[%add3A_108, %dma_wait3A_149] : memref<10240x64xf32, #tpu.memory_space<vmem_shared>> -> memref<128x64xf32, #tpu.memory_space<vmem_shared>>
      tpu.wait_dma2 semaphore(%run_scoped3A_143 : memref<!tpu.dma_semaphore, #tpu.memory_space<semaphore_mem>>) src(%arg23 : memref<128x64xf32, #tpu.memory_space<vmem>>) dst(%dma_wait3A_150 : memref<128x64xf32, #tpu.memory_space<vmem_shared>>)
      tpu.yield
    }) : () -> ()
    %mul3A_109 = arith.constant 640 : i32
    %mul3A_110 = arith.muli %arg1, %mul3A_109 : i32
    %add3A_111 = arith.constant 512 : i32
    %add3A_112 = arith.addi %mul3A_110, %add3A_111 : i32
    "tpu.region"() ({
      %run_scoped3A_143 = tpu.sem_alloc : memref<!tpu.dma_semaphore, #tpu.memory_space<semaphore_mem>>
      %dma_start3A_144 = arith.constant 0 : i32
      %dma_start3A_145 = tpu.memref_slice %arg18[%add3A_112, %dma_start3A_144] : memref<10240x64xf32, #tpu.memory_space<vmem_shared>> -> memref<128x64xf32, #tpu.memory_space<vmem_shared>>
      %dma_start3A_146 = arith.constant 0 : i32
      %dma_start3A_147 = tpu.memref_slice %arg18[%add3A_112, %dma_start3A_146] : memref<10240x64xf32, #tpu.memory_space<vmem_shared>> -> memref<128x64xf32, #tpu.memory_space<vmem_shared>>
      tpu.enqueue_dma source(%arg23 : memref<128x64xf32, #tpu.memory_space<vmem>>) target(%dma_start3A_147 : memref<128x64xf32, #tpu.memory_space<vmem_shared>>) target_semaphore(%run_scoped3A_143 : memref<!tpu.dma_semaphore, #tpu.memory_space<semaphore_mem>>)
      %dma_wait3A = arith.constant 0 : i32
      %dma_wait3A_148 = tpu.memref_slice %arg18[%add3A_112, %dma_wait3A] : memref<10240x64xf32, #tpu.memory_space<vmem_shared>> -> memref<128x64xf32, #tpu.memory_space<vmem_shared>>
      %dma_wait3A_149 = arith.constant 0 : i32
      %dma_wait3A_150 = tpu.memref_slice %arg18[%add3A_112, %dma_wait3A_149] : memref<10240x64xf32, #tpu.memory_space<vmem_shared>> -> memref<128x64xf32, #tpu.memory_space<vmem_shared>>
      tpu.wait_dma2 semaphore(%run_scoped3A_143 : memref<!tpu.dma_semaphore, #tpu.memory_space<semaphore_mem>>) src(%arg23 : memref<128x64xf32, #tpu.memory_space<vmem>>) dst(%dma_wait3A_150 : memref<128x64xf32, #tpu.memory_space<vmem_shared>>)
      tpu.yield
    }) : () -> ()
    "tpu.region"() ({
      %run_scoped3A_143 = tpu.sem_alloc : memref<!tpu.dma_semaphore, #tpu.memory_space<semaphore_mem>>
      tpu.enqueue_dma source(%arg15 : memref<10240xf32, #tpu.memory_space<hbm>>) target(%arg27 : memref<10240xf32, #tpu.memory_space<vmem>>) target_semaphore(%run_scoped3A_143 : memref<!tpu.dma_semaphore, #tpu.memory_space<semaphore_mem>>)
      tpu.wait_dma2 semaphore(%run_scoped3A_143 : memref<!tpu.dma_semaphore, #tpu.memory_space<semaphore_mem>>) src(%arg15 : memref<10240xf32, #tpu.memory_space<hbm>>) dst(%arg27 : memref<10240xf32, #tpu.memory_space<vmem>>)
      tpu.yield
    }) : () -> ()
    %barrier3A_113 = arith.constant 0 : index
    tpu.barrier barrier_id(%barrier3A_113)
    "tpu.region"() ({
      %run_scoped3A_143 = tpu.sem_alloc : memref<!tpu.dma_semaphore, #tpu.memory_space<semaphore_mem>>
      %dma_start3A_144 = arith.constant 0 : i32
      %dma_start3A_145 = arith.constant 0 : i32
      %dma_start3A_146 = tpu.memref_slice %arg7[%arg0, %arg1, %dma_start3A_144, %dma_start3A_145] : memref<2x16x80x125xi32, #tpu.memory_space<hbm>> -> memref<1x1x80x125xi32, #tpu.memory_space<hbm>>
      %dma_start3A_147 = tpu.memref_squeeze %dma_start3A_146 : memref<1x1x80x125xi32, #tpu.memory_space<hbm>> -> memref<80x125xi32, #tpu.memory_space<hbm>>
      %dma_start3A_148 = arith.constant 0 : i32
      %dma_start3A_149 = arith.constant 0 : i32
      %dma_start3A_150 = tpu.memref_slice %arg7[%arg0, %arg1, %dma_start3A_148, %dma_start3A_149] : memref<2x16x80x125xi32, #tpu.memory_space<hbm>> -> memref<1x1x80x125xi32, #tpu.memory_space<hbm>>
      %dma_start3A_151 = tpu.memref_squeeze %dma_start3A_150 : memref<1x1x80x125xi32, #tpu.memory_space<hbm>> -> memref<80x125xi32, #tpu.memory_space<hbm>>
      tpu.enqueue_dma source(%dma_start3A_151 : memref<80x125xi32, #tpu.memory_space<hbm>>) target(%arg19 : memref<80x125xi32, #tpu.memory_space<vmem>>) target_semaphore(%run_scoped3A_143 : memref<!tpu.dma_semaphore, #tpu.memory_space<semaphore_mem>>)
      %dma_wait3A = arith.constant 0 : i32
      %dma_wait3A_152 = arith.constant 0 : i32
      %dma_wait3A_153 = tpu.memref_slice %arg7[%arg0, %arg1, %dma_wait3A, %dma_wait3A_152] : memref<2x16x80x125xi32, #tpu.memory_space<hbm>> -> memref<1x1x80x125xi32, #tpu.memory_space<hbm>>
      %dma_wait3A_154 = tpu.memref_squeeze %dma_wait3A_153 : memref<1x1x80x125xi32, #tpu.memory_space<hbm>> -> memref<80x125xi32, #tpu.memory_space<hbm>>
      %dma_wait3A_155 = arith.constant 0 : i32
      %dma_wait3A_156 = arith.constant 0 : i32
      %dma_wait3A_157 = tpu.memref_slice %arg7[%arg0, %arg1, %dma_wait3A_155, %dma_wait3A_156] : memref<2x16x80x125xi32, #tpu.memory_space<hbm>> -> memref<1x1x80x125xi32, #tpu.memory_space<hbm>>
      %dma_wait3A_158 = tpu.memref_squeeze %dma_wait3A_157 : memref<1x1x80x125xi32, #tpu.memory_space<hbm>> -> memref<80x125xi32, #tpu.memory_space<hbm>>
      tpu.wait_dma2 semaphore(%run_scoped3A_143 : memref<!tpu.dma_semaphore, #tpu.memory_space<semaphore_mem>>) src(%dma_wait3A_158 : memref<80x125xi32, #tpu.memory_space<hbm>>) dst(%arg19 : memref<80x125xi32, #tpu.memory_space<vmem>>)
      tpu.yield
    }) : () -> ()
    "tpu.region"() ({
      %run_scoped3A_143 = tpu.sem_alloc : memref<!tpu.dma_semaphore, #tpu.memory_space<semaphore_mem>>
      %dma_start3A_144 = arith.constant 0 : i32
      %dma_start3A_145 = arith.constant 0 : i32
      %dma_start3A_146 = tpu.memref_slice %arg10[%arg0, %arg1, %dma_start3A_144, %dma_start3A_145] : memref<2x16x80x125xi32, #tpu.memory_space<hbm>> -> memref<1x1x80x125xi32, #tpu.memory_space<hbm>>
      %dma_start3A_147 = tpu.memref_squeeze %dma_start3A_146 : memref<1x1x80x125xi32, #tpu.memory_space<hbm>> -> memref<80x125xi32, #tpu.memory_space<hbm>>
      %dma_start3A_148 = arith.constant 0 : i32
      %dma_start3A_149 = arith.constant 0 : i32
      %dma_start3A_150 = tpu.memref_slice %arg10[%arg0, %arg1, %dma_start3A_148, %dma_start3A_149] : memref<2x16x80x125xi32, #tpu.memory_space<hbm>> -> memref<1x1x80x125xi32, #tpu.memory_space<hbm>>
      %dma_start3A_151 = tpu.memref_squeeze %dma_start3A_150 : memref<1x1x80x125xi32, #tpu.memory_space<hbm>> -> memref<80x125xi32, #tpu.memory_space<hbm>>
      tpu.enqueue_dma source(%dma_start3A_151 : memref<80x125xi32, #tpu.memory_space<hbm>>) target(%arg20 : memref<80x125xi32, #tpu.memory_space<vmem>>) target_semaphore(%run_scoped3A_143 : memref<!tpu.dma_semaphore, #tpu.memory_space<semaphore_mem>>)
      %dma_wait3A = arith.constant 0 : i32
      %dma_wait3A_152 = arith.constant 0 : i32
      %dma_wait3A_153 = tpu.memref_slice %arg10[%arg0, %arg1, %dma_wait3A, %dma_wait3A_152] : memref<2x16x80x125xi32, #tpu.memory_space<hbm>> -> memref<1x1x80x125xi32, #tpu.memory_space<hbm>>
      %dma_wait3A_154 = tpu.memref_squeeze %dma_wait3A_153 : memref<1x1x80x125xi32, #tpu.memory_space<hbm>> -> memref<80x125xi32, #tpu.memory_space<hbm>>
      %dma_wait3A_155 = arith.constant 0 : i32
      %dma_wait3A_156 = arith.constant 0 : i32
      %dma_wait3A_157 = tpu.memref_slice %arg10[%arg0, %arg1, %dma_wait3A_155, %dma_wait3A_156] : memref<2x16x80x125xi32, #tpu.memory_space<hbm>> -> memref<1x1x80x125xi32, #tpu.memory_space<hbm>>
      %dma_wait3A_158 = tpu.memref_squeeze %dma_wait3A_157 : memref<1x1x80x125xi32, #tpu.memory_space<hbm>> -> memref<80x125xi32, #tpu.memory_space<hbm>>
      tpu.wait_dma2 semaphore(%run_scoped3A_143 : memref<!tpu.dma_semaphore, #tpu.memory_space<semaphore_mem>>) src(%dma_wait3A_158 : memref<80x125xi32, #tpu.memory_space<hbm>>) dst(%arg20 : memref<80x125xi32, #tpu.memory_space<vmem>>)
      tpu.yield
    }) : () -> ()
    "tpu.region"() ({
      %run_scoped3A_143 = tpu.sem_alloc : memref<!tpu.dma_semaphore, #tpu.memory_space<semaphore_mem>>
      %dma_start3A_144 = arith.constant 0 : i32
      %dma_start3A_145 = tpu.memref_slice %arg13[%arg0, %arg1, %dma_start3A_144] : memref<2x16x10000xi32, #tpu.memory_space<hbm>> -> memref<1x1x10000xi32, #tpu.memory_space<hbm>>
      %dma_start3A_146 = tpu.memref_squeeze %dma_start3A_145 : memref<1x1x10000xi32, #tpu.memory_space<hbm>> -> memref<10000xi32, #tpu.memory_space<hbm>>
      %dma_start3A_147 = arith.constant 0 : i32
      %dma_start3A_148 = tpu.memref_slice %arg13[%arg0, %arg1, %dma_start3A_147] : memref<2x16x10000xi32, #tpu.memory_space<hbm>> -> memref<1x1x10000xi32, #tpu.memory_space<hbm>>
      %dma_start3A_149 = tpu.memref_squeeze %dma_start3A_148 : memref<1x1x10000xi32, #tpu.memory_space<hbm>> -> memref<10000xi32, #tpu.memory_space<hbm>>
      tpu.enqueue_dma source(%dma_start3A_149 : memref<10000xi32, #tpu.memory_space<hbm>>) target(%arg26 : memref<10000xi32, #tpu.memory_space<vmem>>) target_semaphore(%run_scoped3A_143 : memref<!tpu.dma_semaphore, #tpu.memory_space<semaphore_mem>>)
      %dma_wait3A = arith.constant 0 : i32
      %dma_wait3A_150 = tpu.memref_slice %arg13[%arg0, %arg1, %dma_wait3A] : memref<2x16x10000xi32, #tpu.memory_space<hbm>> -> memref<1x1x10000xi32, #tpu.memory_space<hbm>>
      %dma_wait3A_151 = tpu.memref_squeeze %dma_wait3A_150 : memref<1x1x10000xi32, #tpu.memory_space<hbm>> -> memref<10000xi32, #tpu.memory_space<hbm>>
      %dma_wait3A_152 = arith.constant 0 : i32
      %dma_wait3A_153 = tpu.memref_slice %arg13[%arg0, %arg1, %dma_wait3A_152] : memref<2x16x10000xi32, #tpu.memory_space<hbm>> -> memref<1x1x10000xi32, #tpu.memory_space<hbm>>
      %dma_wait3A_154 = tpu.memref_squeeze %dma_wait3A_153 : memref<1x1x10000xi32, #tpu.memory_space<hbm>> -> memref<10000xi32, #tpu.memory_space<hbm>>
      tpu.wait_dma2 semaphore(%run_scoped3A_143 : memref<!tpu.dma_semaphore, #tpu.memory_space<semaphore_mem>>) src(%dma_wait3A_154 : memref<10000xi32, #tpu.memory_space<hbm>>) dst(%arg26 : memref<10000xi32, #tpu.memory_space<vmem>>)
      tpu.yield
    }) : () -> ()
    %dma_start3A_114 = arith.constant 0 : i32
    %dma_start3A_115 = arith.constant 0 : i32
    %dma_start3A_116 = tpu.memref_slice %arg19[%dma_start3A_114, %dma_start3A_115] : memref<80x125xi32, #tpu.memory_space<vmem>> -> memref<1x125xi32, #tpu.memory_space<vmem>>
    %dma_start3A_117 = tpu.memref_squeeze %dma_start3A_116 : memref<1x125xi32, #tpu.memory_space<vmem>> -> memref<125xi32, #tpu.memory_space<vmem>>
    %dma_start3A_118 = arith.constant 0 : i32
    %dma_start3A_119 = arith.constant 0 : i32
    %dma_start3A_120 = tpu.memref_slice %arg4[%dma_start3A_118, %dma_start3A_119] : memref<10000x64xf32, #tpu.memory_space<hbm>> -> memref<10000x64xf32, #tpu.memory_space<hbm>>
    tpu.enqueue_indirect_dma source(%dma_start3A_120 : memref<10000x64xf32, #tpu.memory_space<hbm>>) target(%arg21 : memref<125x64xf32, #tpu.memory_space<vmem>>) offsets(%dma_start3A_117 : memref<125xi32, #tpu.memory_space<vmem>>) semaphore(%arg24 : memref<!tpu.dma_semaphore, #tpu.memory_space<semaphore_mem>>)
    %scan3A_121 = arith.constant 0 : i32
    %scan3A_122 = arith.constant 0 : i32
    %scan3A_123 = arith.constant 40 : i32
    %scan3A_124 = arith.addi %scan3A_122, %scan3A_123 : i32
    %scan3A_125 = arith.constant 1 : i32
    scf.for %scan3A_143 = %scan3A_122 to %scan3A_124 step %scan3A_125  : i32 {
      %mul3A_144 = arith.constant 2 : i32
      %mul3A_145 = arith.muli %scan3A_143, %mul3A_144 : i32
      %add3A_146 = arith.constant 1 : i32
      %add3A_147 = arith.addi %mul3A_145, %add3A_146 : i32
      %dma_start3A_148 = arith.constant 0 : i32
      %dma_start3A_149 = tpu.memref_slice %arg19[%add3A_147, %dma_start3A_148] : memref<80x125xi32, #tpu.memory_space<vmem>> -> memref<1x125xi32, #tpu.memory_space<vmem>>
      %dma_start3A_150 = tpu.memref_squeeze %dma_start3A_149 : memref<1x125xi32, #tpu.memory_space<vmem>> -> memref<125xi32, #tpu.memory_space<vmem>>
      %dma_start3A_151 = arith.constant 0 : i32
      %dma_start3A_152 = arith.constant 0 : i32
      %dma_start3A_153 = tpu.memref_slice %arg4[%dma_start3A_151, %dma_start3A_152] : memref<10000x64xf32, #tpu.memory_space<hbm>> -> memref<10000x64xf32, #tpu.memory_space<hbm>>
      tpu.enqueue_indirect_dma source(%dma_start3A_153 : memref<10000x64xf32, #tpu.memory_space<hbm>>) target(%arg22 : memref<125x64xf32, #tpu.memory_space<vmem>>) offsets(%dma_start3A_150 : memref<125xi32, #tpu.memory_space<vmem>>) semaphore(%arg25 : memref<!tpu.dma_semaphore, #tpu.memory_space<semaphore_mem>>)
      %dma_wait3A = arith.constant 0 : i32
      %dma_wait3A_154 = tpu.memref_slice %arg19[%mul3A_145, %dma_wait3A] : memref<80x125xi32, #tpu.memory_space<vmem>> -> memref<1x125xi32, #tpu.memory_space<vmem>>
      %dma_wait3A_155 = tpu.memref_squeeze %dma_wait3A_154 : memref<1x125xi32, #tpu.memory_space<vmem>> -> memref<125xi32, #tpu.memory_space<vmem>>
      %dma_wait3A_156 = arith.constant 0 : i32
      %dma_wait3A_157 = arith.constant 0 : i32
      %dma_wait3A_158 = tpu.memref_slice %arg4[%dma_wait3A_156, %dma_wait3A_157] : memref<10000x64xf32, #tpu.memory_space<hbm>> -> memref<10000x64xf32, #tpu.memory_space<hbm>>
      tpu.wait_indirect_dma semaphore(%arg24 : memref<!tpu.dma_semaphore, #tpu.memory_space<semaphore_mem>>) src(%dma_wait3A_158 : memref<10000x64xf32, #tpu.memory_space<hbm>>) dst(%arg21 : memref<125x64xf32, #tpu.memory_space<vmem>>)
      "tpu.region"() ({
        %run_scoped3A_173 = tpu.sem_alloc : memref<!tpu.dma_semaphore, #tpu.memory_space<semaphore_mem>>
        %dma_start3A_174 = arith.constant 0 : i32
        %dma_start3A_175 = tpu.memref_slice %arg20[%mul3A_145, %dma_start3A_174] : memref<80x125xi32, #tpu.memory_space<vmem>> -> memref<1x125xi32, #tpu.memory_space<vmem>>
        %dma_start3A_176 = tpu.memref_squeeze %dma_start3A_175 : memref<1x125xi32, #tpu.memory_space<vmem>> -> memref<125xi32, #tpu.memory_space<vmem>>
        %dma_start3A_177 = arith.constant 0 : i32
        %dma_start3A_178 = arith.constant 0 : i32
        %dma_start3A_179 = tpu.memref_slice %arg18[%dma_start3A_177, %dma_start3A_178] : memref<10240x64xf32, #tpu.memory_space<vmem_shared>> -> memref<10240x64xf32, #tpu.memory_space<vmem_shared>>
        tpu.enqueue_indirect_dma source(%arg21 : memref<125x64xf32, #tpu.memory_space<vmem>>) target(%dma_start3A_179 : memref<10240x64xf32, #tpu.memory_space<vmem_shared>>) offsets(%dma_start3A_176 : memref<125xi32, #tpu.memory_space<vmem>>) semaphore(%run_scoped3A_173 : memref<!tpu.dma_semaphore, #tpu.memory_space<semaphore_mem>>) {add = true}
        %dma_wait3A_180 = arith.constant 0 : i32
        %dma_wait3A_181 = tpu.memref_slice %arg20[%mul3A_145, %dma_wait3A_180] : memref<80x125xi32, #tpu.memory_space<vmem>> -> memref<1x125xi32, #tpu.memory_space<vmem>>
        %dma_wait3A_182 = tpu.memref_squeeze %dma_wait3A_181 : memref<1x125xi32, #tpu.memory_space<vmem>> -> memref<125xi32, #tpu.memory_space<vmem>>
        %dma_wait3A_183 = arith.constant 0 : i32
        %dma_wait3A_184 = arith.constant 0 : i32
        %dma_wait3A_185 = tpu.memref_slice %arg18[%dma_wait3A_183, %dma_wait3A_184] : memref<10240x64xf32, #tpu.memory_space<vmem_shared>> -> memref<10240x64xf32, #tpu.memory_space<vmem_shared>>
        tpu.wait_indirect_dma semaphore(%run_scoped3A_173 : memref<!tpu.dma_semaphore, #tpu.memory_space<semaphore_mem>>) src(%arg21 : memref<125x64xf32, #tpu.memory_space<vmem>>) dst(%dma_wait3A_185 : memref<10240x64xf32, #tpu.memory_space<vmem_shared>>)
        tpu.yield
      }) : () -> ()
      %add3A_159 = arith.constant 1 : i32
      %add3A_160 = arith.addi %scan3A_143, %add3A_159 : i32
      %lt3A = arith.constant 40 : i32
      %lt3A_161 = arith.cmpi slt, %add3A_160, %lt3A : i32
      %convert_element_type3A = arith.extui %lt3A_161 : i1 to i32
      %cond3A = arith.constant 0 : i32
      %cond3A_162 = arith.cmpi ne, %convert_element_type3A, %cond3A : i32
      scf.if %cond3A_162 {
        %add3A_173 = arith.constant 2 : i32
        %add3A_174 = arith.addi %mul3A_145, %add3A_173 : i32
        %dma_start3A_175 = arith.constant 0 : i32
        %dma_start3A_176 = tpu.memref_slice %arg19[%add3A_174, %dma_start3A_175] : memref<80x125xi32, #tpu.memory_space<vmem>> -> memref<1x125xi32, #tpu.memory_space<vmem>>
        %dma_start3A_177 = tpu.memref_squeeze %dma_start3A_176 : memref<1x125xi32, #tpu.memory_space<vmem>> -> memref<125xi32, #tpu.memory_space<vmem>>
        %dma_start3A_178 = arith.constant 0 : i32
        %dma_start3A_179 = arith.constant 0 : i32
        %dma_start3A_180 = tpu.memref_slice %arg4[%dma_start3A_178, %dma_start3A_179] : memref<10000x64xf32, #tpu.memory_space<hbm>> -> memref<10000x64xf32, #tpu.memory_space<hbm>>
        tpu.enqueue_indirect_dma source(%dma_start3A_180 : memref<10000x64xf32, #tpu.memory_space<hbm>>) target(%arg21 : memref<125x64xf32, #tpu.memory_space<vmem>>) offsets(%dma_start3A_177 : memref<125xi32, #tpu.memory_space<vmem>>) semaphore(%arg24 : memref<!tpu.dma_semaphore, #tpu.memory_space<semaphore_mem>>)
      } else {
      }
      %add3A_163 = arith.constant 1 : i32
      %add3A_164 = arith.addi %mul3A_145, %add3A_163 : i32
      %dma_wait3A_165 = arith.constant 0 : i32
      %dma_wait3A_166 = tpu.memref_slice %arg19[%add3A_164, %dma_wait3A_165] : memref<80x125xi32, #tpu.memory_space<vmem>> -> memref<1x125xi32, #tpu.memory_space<vmem>>
      %dma_wait3A_167 = tpu.memref_squeeze %dma_wait3A_166 : memref<1x125xi32, #tpu.memory_space<vmem>> -> memref<125xi32, #tpu.memory_space<vmem>>
      %dma_wait3A_168 = arith.constant 0 : i32
      %dma_wait3A_169 = arith.constant 0 : i32
      %dma_wait3A_170 = tpu.memref_slice %arg4[%dma_wait3A_168, %dma_wait3A_169] : memref<10000x64xf32, #tpu.memory_space<hbm>> -> memref<10000x64xf32, #tpu.memory_space<hbm>>
      tpu.wait_indirect_dma semaphore(%arg25 : memref<!tpu.dma_semaphore, #tpu.memory_space<semaphore_mem>>) src(%dma_wait3A_170 : memref<10000x64xf32, #tpu.memory_space<hbm>>) dst(%arg22 : memref<125x64xf32, #tpu.memory_space<vmem>>)
      %add3A_171 = arith.constant 1 : i32
      %add3A_172 = arith.addi %mul3A_145, %add3A_171 : i32
      "tpu.region"() ({
        %run_scoped3A_173 = tpu.sem_alloc : memref<!tpu.dma_semaphore, #tpu.memory_space<semaphore_mem>>
        %dma_start3A_174 = arith.constant 0 : i32
        %dma_start3A_175 = tpu.memref_slice %arg20[%add3A_172, %dma_start3A_174] : memref<80x125xi32, #tpu.memory_space<vmem>> -> memref<1x125xi32, #tpu.memory_space<vmem>>
        %dma_start3A_176 = tpu.memref_squeeze %dma_start3A_175 : memref<1x125xi32, #tpu.memory_space<vmem>> -> memref<125xi32, #tpu.memory_space<vmem>>
        %dma_start3A_177 = arith.constant 0 : i32
        %dma_start3A_178 = arith.constant 0 : i32
        %dma_start3A_179 = tpu.memref_slice %arg18[%dma_start3A_177, %dma_start3A_178] : memref<10240x64xf32, #tpu.memory_space<vmem_shared>> -> memref<10240x64xf32, #tpu.memory_space<vmem_shared>>
        tpu.enqueue_indirect_dma source(%arg22 : memref<125x64xf32, #tpu.memory_space<vmem>>) target(%dma_start3A_179 : memref<10240x64xf32, #tpu.memory_space<vmem_shared>>) offsets(%dma_start3A_176 : memref<125xi32, #tpu.memory_space<vmem>>) semaphore(%run_scoped3A_173 : memref<!tpu.dma_semaphore, #tpu.memory_space<semaphore_mem>>) {add = true}
        %dma_wait3A_180 = arith.constant 0 : i32
        %dma_wait3A_181 = tpu.memref_slice %arg20[%add3A_172, %dma_wait3A_180] : memref<80x125xi32, #tpu.memory_space<vmem>> -> memref<1x125xi32, #tpu.memory_space<vmem>>
        %dma_wait3A_182 = tpu.memref_squeeze %dma_wait3A_181 : memref<1x125xi32, #tpu.memory_space<vmem>> -> memref<125xi32, #tpu.memory_space<vmem>>
        %dma_wait3A_183 = arith.constant 0 : i32
        %dma_wait3A_184 = arith.constant 0 : i32
        %dma_wait3A_185 = tpu.memref_slice %arg18[%dma_wait3A_183, %dma_wait3A_184] : memref<10240x64xf32, #tpu.memory_space<vmem_shared>> -> memref<10240x64xf32, #tpu.memory_space<vmem_shared>>
        tpu.wait_indirect_dma semaphore(%run_scoped3A_173 : memref<!tpu.dma_semaphore, #tpu.memory_space<semaphore_mem>>) src(%arg22 : memref<125x64xf32, #tpu.memory_space<vmem>>) dst(%dma_wait3A_185 : memref<10240x64xf32, #tpu.memory_space<vmem_shared>>)
        tpu.yield
      }) : () -> ()
    }
    %scan3A_126 = arith.constant 40 : i32
    %broadcast_in_dim3A_127 = arith.constant 1.000000e+00 : f32
    %broadcast_in_dim3A_128 = vector.broadcast %broadcast_in_dim3A_127 : f32 to vector<16xf32>
    %scan3A_129 = arith.constant 0 : i32
    %scan3A_130 = arith.constant 0 : i32
    %scan3A_131 = arith.constant 625 : i32
    %scan3A_132 = arith.addi %scan3A_130, %scan3A_131 : i32
    %scan3A_133 = arith.constant 1 : i32
    scf.for %scan3A_143 = %scan3A_130 to %scan3A_132 step %scan3A_133  : i32 {
      %mul3A_144 = arith.constant 16 : i32
      %mul3A_145 = arith.muli %scan3A_143, %mul3A_144 : i32
      %get3A = arith.index_cast %mul3A_145 : i32 to index
      %get3A_146 = tpu.vector_load %arg26[%get3A] {strides = array<i32>} : memref<10000xi32, #tpu.memory_space<vmem>>, vector<16xi32>,
      tpu.vector_store_idx %arg27[%get3A_146], %broadcast_in_dim3A_128 {add = true} : memref<10240xf32, #tpu.memory_space<vmem>>[vector<16xi32>], vector<16xf32>,
    }
    %scan3A_134 = arith.constant 625 : i32
    %barrier3A_135 = arith.constant 0 : index
    tpu.barrier barrier_id(%barrier3A_135)
    %mul3A_136 = arith.constant 640 : i32
    %mul3A_137 = arith.muli %arg1, %mul3A_136 : i32
    %mul3A_138 = arith.constant 640 : i32
    %mul3A_139 = arith.muli %arg1, %mul3A_138 : i32
    %run_scoped3A_140 = arith.constant 2 : i32
    "tpu.region"() ({
      %run_scoped3A_143 = tpu.sem_alloc : memref<!tpu.dma_semaphore, #tpu.memory_space<semaphore_mem>>
      %dma_start3A_144 = arith.constant 0 : i32
      %dma_start3A_145 = tpu.memref_slice %arg16[%run_scoped3A_140, %arg0, %mul3A_139, %dma_start3A_144] : memref<3x2x10240x64xf32, #tpu.memory_space<hbm>> -> memref<1x1x640x64xf32, #tpu.memory_space<hbm>>
      %dma_start3A_146 = tpu.memref_squeeze %dma_start3A_145 : memref<1x1x640x64xf32, #tpu.memory_space<hbm>> -> memref<640x64xf32, #tpu.memory_space<hbm>>
      %dma_start3A_147 = arith.constant 0 : i32
      %dma_start3A_148 = tpu.memref_slice %arg18[%mul3A_137, %dma_start3A_147] : memref<10240x64xf32, #tpu.memory_space<vmem_shared>> -> memref<640x64xf32, #tpu.memory_space<vmem_shared>>
      tpu.enqueue_dma source(%dma_start3A_148 : memref<640x64xf32, #tpu.memory_space<vmem_shared>>) target(%dma_start3A_146 : memref<640x64xf32, #tpu.memory_space<hbm>>) target_semaphore(%run_scoped3A_143 : memref<!tpu.dma_semaphore, #tpu.memory_space<semaphore_mem>>)
      %dma_wait3A = arith.constant 0 : i32
      %dma_wait3A_149 = tpu.memref_slice %arg16[%run_scoped3A_140, %arg0, %mul3A_139, %dma_wait3A] : memref<3x2x10240x64xf32, #tpu.memory_space<hbm>> -> memref<1x1x640x64xf32, #tpu.memory_space<hbm>>
      %dma_wait3A_150 = tpu.memref_squeeze %dma_wait3A_149 : memref<1x1x640x64xf32, #tpu.memory_space<hbm>> -> memref<640x64xf32, #tpu.memory_space<hbm>>
      %dma_wait3A_151 = arith.constant 0 : i32
      %dma_wait3A_152 = tpu.memref_slice %arg18[%mul3A_137, %dma_wait3A_151] : memref<10240x64xf32, #tpu.memory_space<vmem_shared>> -> memref<640x64xf32, #tpu.memory_space<vmem_shared>>
      tpu.wait_dma2 semaphore(%run_scoped3A_143 : memref<!tpu.dma_semaphore, #tpu.memory_space<semaphore_mem>>) src(%dma_wait3A_152 : memref<640x64xf32, #tpu.memory_space<vmem_shared>>) dst(%dma_wait3A_150 : memref<640x64xf32, #tpu.memory_space<hbm>>)
      tpu.yield
    }) : () -> ()
    %run_scoped3A_141 = arith.constant 2 : i32
    "tpu.region"() ({
      %run_scoped3A_143 = tpu.sem_alloc : memref<!tpu.dma_semaphore, #tpu.memory_space<semaphore_mem>>
      %dma_start3A_144 = arith.constant 0 : i32
      %dma_start3A_145 = tpu.memref_slice %arg17[%run_scoped3A_141, %arg0, %arg1, %dma_start3A_144] : memref<3x2x16x10240xf32, #tpu.memory_space<hbm>> -> memref<1x1x1x10240xf32, #tpu.memory_space<hbm>>
      %dma_start3A_146 = tpu.memref_squeeze %dma_start3A_145 : memref<1x1x1x10240xf32, #tpu.memory_space<hbm>> -> memref<10240xf32, #tpu.memory_space<hbm>>
      %dma_start3A_147 = arith.constant 0 : i32
      %dma_start3A_148 = tpu.memref_slice %arg17[%run_scoped3A_141, %arg0, %arg1, %dma_start3A_147] : memref<3x2x16x10240xf32, #tpu.memory_space<hbm>> -> memref<1x1x1x10240xf32, #tpu.memory_space<hbm>>
      %dma_start3A_149 = tpu.memref_squeeze %dma_start3A_148 : memref<1x1x1x10240xf32, #tpu.memory_space<hbm>> -> memref<10240xf32, #tpu.memory_space<hbm>>
      tpu.enqueue_dma source(%arg27 : memref<10240xf32, #tpu.memory_space<vmem>>) target(%dma_start3A_149 : memref<10240xf32, #tpu.memory_space<hbm>>) target_semaphore(%run_scoped3A_143 : memref<!tpu.dma_semaphore, #tpu.memory_space<semaphore_mem>>)
      %dma_wait3A = arith.constant 0 : i32
      %dma_wait3A_150 = tpu.memref_slice %arg17[%run_scoped3A_141, %arg0, %arg1, %dma_wait3A] : memref<3x2x16x10240xf32, #tpu.memory_space<hbm>> -> memref<1x1x1x10240xf32, #tpu.memory_space<hbm>>
      %dma_wait3A_151 = tpu.memref_squeeze %dma_wait3A_150 : memref<1x1x1x10240xf32, #tpu.memory_space<hbm>> -> memref<10240xf32, #tpu.memory_space<hbm>>
      %dma_wait3A_152 = arith.constant 0 : i32
      %dma_wait3A_153 = tpu.memref_slice %arg17[%run_scoped3A_141, %arg0, %arg1, %dma_wait3A_152] : memref<3x2x16x10240xf32, #tpu.memory_space<hbm>> -> memref<1x1x1x10240xf32, #tpu.memory_space<hbm>>
      %dma_wait3A_154 = tpu.memref_squeeze %dma_wait3A_153 : memref<1x1x1x10240xf32, #tpu.memory_space<hbm>> -> memref<10240xf32, #tpu.memory_space<hbm>>
      tpu.wait_dma2 semaphore(%run_scoped3A_143 : memref<!tpu.dma_semaphore, #tpu.memory_space<semaphore_mem>>) src(%arg27 : memref<10240xf32, #tpu.memory_space<vmem>>) dst(%dma_wait3A_154 : memref<10240xf32, #tpu.memory_space<hbm>>)
      tpu.yield
    }) : () -> ()
    %barrier3A_142 = arith.constant 0 : index
    tpu.barrier barrier_id(%barrier3A_142)
    return
  }
}

#map = affine_map<(d0, d1) -> (0, 0)>
#map1 = affine_map<(d0, d1) -> (0, 0, 0, 0)>
#map2 = affine_map<(d0, d1) -> (0, 0, 0)>
#map3 = affine_map<(d0, d1) -> (0)>
module attributes {stable_mosaic.version = 14 : i64} {
  func.func @body(%arg0: i32, %arg1: i32, %arg2: memref<10000x64xf32, #tpu.memory_space<hbm>>, %arg3: memref<10000x64xf32, #tpu.memory_space<hbm>>, %arg4: memref<10000x64xf32, #tpu.memory_space<hbm>>, %arg5: memref<2x16x80x125xi32, #tpu.memory_space<hbm>>, %arg6: memref<2x16x80x125xi32, #tpu.memory_space<hbm>>, %arg7: memref<2x16x80x125xi32, #tpu.memory_space<hbm>>, %arg8: memref<2x16x80x125xi32, #tpu.memory_space<hbm>>, %arg9: memref<2x16x80x125xi32, #tpu.memory_space<hbm>>, %arg10: memref<2x16x80x125xi32, #tpu.memory_space<hbm>>, %arg11: memref<2x16x10000xi32, #tpu.memory_space<hbm>>, %arg12: memref<2x16x10000xi32, #tpu.memory_space<hbm>>, %arg13: memref<2x16x10000xi32, #tpu.memory_space<hbm>>, %arg14: memref<128x64xf32, #tpu.memory_space<hbm>>, %arg15: memref<10240xf32, #tpu.memory_space<hbm>>, %arg16: memref<3x2x10240x64xf32, #tpu.memory_space<hbm>>, %arg17: memref<10240x64xf32, #tpu.memory_space<vmem_shared>>, %arg18: memref<80x125xi32, #tpu.memory_space<vmem>>, %arg19: memref<80x125xi32, #tpu.memory_space<vmem>>, %arg20: memref<125x64xf32, #tpu.memory_space<vmem>>, %arg21: memref<125x64xf32, #tpu.memory_space<vmem>>, %arg22: memref<128x64xf32, #tpu.memory_space<vmem>>, %arg23: memref<!tpu.dma_semaphore, #tpu.memory_space<semaphore_mem>>, %arg24: memref<!tpu.dma_semaphore, #tpu.memory_space<semaphore_mem>>) attributes {dimension_semantics = [#tpu.dimension_semantics<core_parallel>, #tpu.dimension_semantics<subcore_parallel>], iteration_bounds = array<i64: 2, 16>, scalar_prefetch = 0 : i64, scratch_operands = 8 : i64, tpu.core_type = #tpu.core_type<sc_vector_subcore>, window_params = [{transform_indices = #map}, {transform_indices = #map}, {transform_indices = #map}, {transform_indices = #map1}, {transform_indices = #map1}, {transform_indices = #map1}, {transform_indices = #map1}, {transform_indices = #map1}, {transform_indices = #map1}, {transform_indices = #map2}, {transform_indices = #map2}, {transform_indices = #map2}, {transform_indices = #map}, {transform_indices = #map3}, {transform_indices = #map1}]} {
    "tpu.region"() ({
      %run_scoped3A_117 = tpu.sem_alloc : memref<!tpu.dma_semaphore, #tpu.memory_space<semaphore_mem>>
      tpu.enqueue_dma source(%arg14 : memref<128x64xf32, #tpu.memory_space<hbm>>) target(%arg22 : memref<128x64xf32, #tpu.memory_space<vmem>>) target_semaphore(%run_scoped3A_117 : memref<!tpu.dma_semaphore, #tpu.memory_space<semaphore_mem>>)
      tpu.wait_dma2 semaphore(%run_scoped3A_117 : memref<!tpu.dma_semaphore, #tpu.memory_space<semaphore_mem>>) src(%arg14 : memref<128x64xf32, #tpu.memory_space<hbm>>) dst(%arg22 : memref<128x64xf32, #tpu.memory_space<vmem>>)
      tpu.yield
    }) : () -> ()
    %mul3A = arith.constant 640 : i32
    %mul3A_0 = arith.muli %arg1, %mul3A : i32
    %add3A = arith.constant 0 : i32
    %add3A_1 = arith.addi %mul3A_0, %add3A : i32
    "tpu.region"() ({
      %run_scoped3A_117 = tpu.sem_alloc : memref<!tpu.dma_semaphore, #tpu.memory_space<semaphore_mem>>
      %dma_start3A_118 = arith.constant 0 : i32
      %dma_start3A_119 = tpu.memref_slice %arg17[%add3A_1, %dma_start3A_118] : memref<10240x64xf32, #tpu.memory_space<vmem_shared>> -> memref<128x64xf32, #tpu.memory_space<vmem_shared>>
      %dma_start3A_120 = arith.constant 0 : i32
      %dma_start3A_121 = tpu.memref_slice %arg17[%add3A_1, %dma_start3A_120] : memref<10240x64xf32, #tpu.memory_space<vmem_shared>> -> memref<128x64xf32, #tpu.memory_space<vmem_shared>>
      tpu.enqueue_dma source(%arg22 : memref<128x64xf32, #tpu.memory_space<vmem>>) target(%dma_start3A_121 : memref<128x64xf32, #tpu.memory_space<vmem_shared>>) target_semaphore(%run_scoped3A_117 : memref<!tpu.dma_semaphore, #tpu.memory_space<semaphore_mem>>)
      %dma_wait3A = arith.constant 0 : i32
      %dma_wait3A_122 = tpu.memref_slice %arg17[%add3A_1, %dma_wait3A] : memref<10240x64xf32, #tpu.memory_space<vmem_shared>> -> memref<128x64xf32, #tpu.memory_space<vmem_shared>>
      %dma_wait3A_123 = arith.constant 0 : i32
      %dma_wait3A_124 = tpu.memref_slice %arg17[%add3A_1, %dma_wait3A_123] : memref<10240x64xf32, #tpu.memory_space<vmem_shared>> -> memref<128x64xf32, #tpu.memory_space<vmem_shared>>
      tpu.wait_dma2 semaphore(%run_scoped3A_117 : memref<!tpu.dma_semaphore, #tpu.memory_space<semaphore_mem>>) src(%arg22 : memref<128x64xf32, #tpu.memory_space<vmem>>) dst(%dma_wait3A_124 : memref<128x64xf32, #tpu.memory_space<vmem_shared>>)
      tpu.yield
    }) : () -> ()
    %mul3A_2 = arith.constant 640 : i32
    %mul3A_3 = arith.muli %arg1, %mul3A_2 : i32
    %add3A_4 = arith.constant 128 : i32
    %add3A_5 = arith.addi %mul3A_3, %add3A_4 : i32
    "tpu.region"() ({
      %run_scoped3A_117 = tpu.sem_alloc : memref<!tpu.dma_semaphore, #tpu.memory_space<semaphore_mem>>
      %dma_start3A_118 = arith.constant 0 : i32
      %dma_start3A_119 = tpu.memref_slice %arg17[%add3A_5, %dma_start3A_118] : memref<10240x64xf32, #tpu.memory_space<vmem_shared>> -> memref<128x64xf32, #tpu.memory_space<vmem_shared>>
      %dma_start3A_120 = arith.constant 0 : i32
      %dma_start3A_121 = tpu.memref_slice %arg17[%add3A_5, %dma_start3A_120] : memref<10240x64xf32, #tpu.memory_space<vmem_shared>> -> memref<128x64xf32, #tpu.memory_space<vmem_shared>>
      tpu.enqueue_dma source(%arg22 : memref<128x64xf32, #tpu.memory_space<vmem>>) target(%dma_start3A_121 : memref<128x64xf32, #tpu.memory_space<vmem_shared>>) target_semaphore(%run_scoped3A_117 : memref<!tpu.dma_semaphore, #tpu.memory_space<semaphore_mem>>)
      %dma_wait3A = arith.constant 0 : i32
      %dma_wait3A_122 = tpu.memref_slice %arg17[%add3A_5, %dma_wait3A] : memref<10240x64xf32, #tpu.memory_space<vmem_shared>> -> memref<128x64xf32, #tpu.memory_space<vmem_shared>>
      %dma_wait3A_123 = arith.constant 0 : i32
      %dma_wait3A_124 = tpu.memref_slice %arg17[%add3A_5, %dma_wait3A_123] : memref<10240x64xf32, #tpu.memory_space<vmem_shared>> -> memref<128x64xf32, #tpu.memory_space<vmem_shared>>
      tpu.wait_dma2 semaphore(%run_scoped3A_117 : memref<!tpu.dma_semaphore, #tpu.memory_space<semaphore_mem>>) src(%arg22 : memref<128x64xf32, #tpu.memory_space<vmem>>) dst(%dma_wait3A_124 : memref<128x64xf32, #tpu.memory_space<vmem_shared>>)
      tpu.yield
    }) : () -> ()
    %mul3A_6 = arith.constant 640 : i32
    %mul3A_7 = arith.muli %arg1, %mul3A_6 : i32
    %add3A_8 = arith.constant 256 : i32
    %add3A_9 = arith.addi %mul3A_7, %add3A_8 : i32
    "tpu.region"() ({
      %run_scoped3A_117 = tpu.sem_alloc : memref<!tpu.dma_semaphore, #tpu.memory_space<semaphore_mem>>
      %dma_start3A_118 = arith.constant 0 : i32
      %dma_start3A_119 = tpu.memref_slice %arg17[%add3A_9, %dma_start3A_118] : memref<10240x64xf32, #tpu.memory_space<vmem_shared>> -> memref<128x64xf32, #tpu.memory_space<vmem_shared>>
      %dma_start3A_120 = arith.constant 0 : i32
      %dma_start3A_121 = tpu.memref_slice %arg17[%add3A_9, %dma_start3A_120] : memref<10240x64xf32, #tpu.memory_space<vmem_shared>> -> memref<128x64xf32, #tpu.memory_space<vmem_shared>>
      tpu.enqueue_dma source(%arg22 : memref<128x64xf32, #tpu.memory_space<vmem>>) target(%dma_start3A_121 : memref<128x64xf32, #tpu.memory_space<vmem_shared>>) target_semaphore(%run_scoped3A_117 : memref<!tpu.dma_semaphore, #tpu.memory_space<semaphore_mem>>)
      %dma_wait3A = arith.constant 0 : i32
      %dma_wait3A_122 = tpu.memref_slice %arg17[%add3A_9, %dma_wait3A] : memref<10240x64xf32, #tpu.memory_space<vmem_shared>> -> memref<128x64xf32, #tpu.memory_space<vmem_shared>>
      %dma_wait3A_123 = arith.constant 0 : i32
      %dma_wait3A_124 = tpu.memref_slice %arg17[%add3A_9, %dma_wait3A_123] : memref<10240x64xf32, #tpu.memory_space<vmem_shared>> -> memref<128x64xf32, #tpu.memory_space<vmem_shared>>
      tpu.wait_dma2 semaphore(%run_scoped3A_117 : memref<!tpu.dma_semaphore, #tpu.memory_space<semaphore_mem>>) src(%arg22 : memref<128x64xf32, #tpu.memory_space<vmem>>) dst(%dma_wait3A_124 : memref<128x64xf32, #tpu.memory_space<vmem_shared>>)
      tpu.yield
    }) : () -> ()
    %mul3A_10 = arith.constant 640 : i32
    %mul3A_11 = arith.muli %arg1, %mul3A_10 : i32
    %add3A_12 = arith.constant 384 : i32
    %add3A_13 = arith.addi %mul3A_11, %add3A_12 : i32
    "tpu.region"() ({
      %run_scoped3A_117 = tpu.sem_alloc : memref<!tpu.dma_semaphore, #tpu.memory_space<semaphore_mem>>
      %dma_start3A_118 = arith.constant 0 : i32
      %dma_start3A_119 = tpu.memref_slice %arg17[%add3A_13, %dma_start3A_118] : memref<10240x64xf32, #tpu.memory_space<vmem_shared>> -> memref<128x64xf32, #tpu.memory_space<vmem_shared>>
      %dma_start3A_120 = arith.constant 0 : i32
      %dma_start3A_121 = tpu.memref_slice %arg17[%add3A_13, %dma_start3A_120] : memref<10240x64xf32, #tpu.memory_space<vmem_shared>> -> memref<128x64xf32, #tpu.memory_space<vmem_shared>>
      tpu.enqueue_dma source(%arg22 : memref<128x64xf32, #tpu.memory_space<vmem>>) target(%dma_start3A_121 : memref<128x64xf32, #tpu.memory_space<vmem_shared>>) target_semaphore(%run_scoped3A_117 : memref<!tpu.dma_semaphore, #tpu.memory_space<semaphore_mem>>)
      %dma_wait3A = arith.constant 0 : i32
      %dma_wait3A_122 = tpu.memref_slice %arg17[%add3A_13, %dma_wait3A] : memref<10240x64xf32, #tpu.memory_space<vmem_shared>> -> memref<128x64xf32, #tpu.memory_space<vmem_shared>>
      %dma_wait3A_123 = arith.constant 0 : i32
      %dma_wait3A_124 = tpu.memref_slice %arg17[%add3A_13, %dma_wait3A_123] : memref<10240x64xf32, #tpu.memory_space<vmem_shared>> -> memref<128x64xf32, #tpu.memory_space<vmem_shared>>
      tpu.wait_dma2 semaphore(%run_scoped3A_117 : memref<!tpu.dma_semaphore, #tpu.memory_space<semaphore_mem>>) src(%arg22 : memref<128x64xf32, #tpu.memory_space<vmem>>) dst(%dma_wait3A_124 : memref<128x64xf32, #tpu.memory_space<vmem_shared>>)
      tpu.yield
    }) : () -> ()
    %mul3A_14 = arith.constant 640 : i32
    %mul3A_15 = arith.muli %arg1, %mul3A_14 : i32
    %add3A_16 = arith.constant 512 : i32
    %add3A_17 = arith.addi %mul3A_15, %add3A_16 : i32
    "tpu.region"() ({
      %run_scoped3A_117 = tpu.sem_alloc : memref<!tpu.dma_semaphore, #tpu.memory_space<semaphore_mem>>
      %dma_start3A_118 = arith.constant 0 : i32
      %dma_start3A_119 = tpu.memref_slice %arg17[%add3A_17, %dma_start3A_118] : memref<10240x64xf32, #tpu.memory_space<vmem_shared>> -> memref<128x64xf32, #tpu.memory_space<vmem_shared>>
      %dma_start3A_120 = arith.constant 0 : i32
      %dma_start3A_121 = tpu.memref_slice %arg17[%add3A_17, %dma_start3A_120] : memref<10240x64xf32, #tpu.memory_space<vmem_shared>> -> memref<128x64xf32, #tpu.memory_space<vmem_shared>>
      tpu.enqueue_dma source(%arg22 : memref<128x64xf32, #tpu.memory_space<vmem>>) target(%dma_start3A_121 : memref<128x64xf32, #tpu.memory_space<vmem_shared>>) target_semaphore(%run_scoped3A_117 : memref<!tpu.dma_semaphore, #tpu.memory_space<semaphore_mem>>)
      %dma_wait3A = arith.constant 0 : i32
      %dma_wait3A_122 = tpu.memref_slice %arg17[%add3A_17, %dma_wait3A] : memref<10240x64xf32, #tpu.memory_space<vmem_shared>> -> memref<128x64xf32, #tpu.memory_space<vmem_shared>>
      %dma_wait3A_123 = arith.constant 0 : i32
      %dma_wait3A_124 = tpu.memref_slice %arg17[%add3A_17, %dma_wait3A_123] : memref<10240x64xf32, #tpu.memory_space<vmem_shared>> -> memref<128x64xf32, #tpu.memory_space<vmem_shared>>
      tpu.wait_dma2 semaphore(%run_scoped3A_117 : memref<!tpu.dma_semaphore, #tpu.memory_space<semaphore_mem>>) src(%arg22 : memref<128x64xf32, #tpu.memory_space<vmem>>) dst(%dma_wait3A_124 : memref<128x64xf32, #tpu.memory_space<vmem_shared>>)
      tpu.yield
    }) : () -> ()
    %barrier3A = arith.constant 0 : index
    tpu.barrier barrier_id(%barrier3A)
    "tpu.region"() ({
      %run_scoped3A_117 = tpu.sem_alloc : memref<!tpu.dma_semaphore, #tpu.memory_space<semaphore_mem>>
      %dma_start3A_118 = arith.constant 0 : i32
      %dma_start3A_119 = arith.constant 0 : i32
      %dma_start3A_120 = tpu.memref_slice %arg5[%arg0, %arg1, %dma_start3A_118, %dma_start3A_119] : memref<2x16x80x125xi32, #tpu.memory_space<hbm>> -> memref<1x1x80x125xi32, #tpu.memory_space<hbm>>
      %dma_start3A_121 = tpu.memref_squeeze %dma_start3A_120 : memref<1x1x80x125xi32, #tpu.memory_space<hbm>> -> memref<80x125xi32, #tpu.memory_space<hbm>>
      %dma_start3A_122 = arith.constant 0 : i32
      %dma_start3A_123 = arith.constant 0 : i32
      %dma_start3A_124 = tpu.memref_slice %arg5[%arg0, %arg1, %dma_start3A_122, %dma_start3A_123] : memref<2x16x80x125xi32, #tpu.memory_space<hbm>> -> memref<1x1x80x125xi32, #tpu.memory_space<hbm>>
      %dma_start3A_125 = tpu.memref_squeeze %dma_start3A_124 : memref<1x1x80x125xi32, #tpu.memory_space<hbm>> -> memref<80x125xi32, #tpu.memory_space<hbm>>
      tpu.enqueue_dma source(%dma_start3A_125 : memref<80x125xi32, #tpu.memory_space<hbm>>) target(%arg18 : memref<80x125xi32, #tpu.memory_space<vmem>>) target_semaphore(%run_scoped3A_117 : memref<!tpu.dma_semaphore, #tpu.memory_space<semaphore_mem>>)
      %dma_wait3A = arith.constant 0 : i32
      %dma_wait3A_126 = arith.constant 0 : i32
      %dma_wait3A_127 = tpu.memref_slice %arg5[%arg0, %arg1, %dma_wait3A, %dma_wait3A_126] : memref<2x16x80x125xi32, #tpu.memory_space<hbm>> -> memref<1x1x80x125xi32, #tpu.memory_space<hbm>>
      %dma_wait3A_128 = tpu.memref_squeeze %dma_wait3A_127 : memref<1x1x80x125xi32, #tpu.memory_space<hbm>> -> memref<80x125xi32, #tpu.memory_space<hbm>>
      %dma_wait3A_129 = arith.constant 0 : i32
      %dma_wait3A_130 = arith.constant 0 : i32
      %dma_wait3A_131 = tpu.memref_slice %arg5[%arg0, %arg1, %dma_wait3A_129, %dma_wait3A_130] : memref<2x16x80x125xi32, #tpu.memory_space<hbm>> -> memref<1x1x80x125xi32, #tpu.memory_space<hbm>>
      %dma_wait3A_132 = tpu.memref_squeeze %dma_wait3A_131 : memref<1x1x80x125xi32, #tpu.memory_space<hbm>> -> memref<80x125xi32, #tpu.memory_space<hbm>>
      tpu.wait_dma2 semaphore(%run_scoped3A_117 : memref<!tpu.dma_semaphore, #tpu.memory_space<semaphore_mem>>) src(%dma_wait3A_132 : memref<80x125xi32, #tpu.memory_space<hbm>>) dst(%arg18 : memref<80x125xi32, #tpu.memory_space<vmem>>)
      tpu.yield
    }) : () -> ()
    "tpu.region"() ({
      %run_scoped3A_117 = tpu.sem_alloc : memref<!tpu.dma_semaphore, #tpu.memory_space<semaphore_mem>>
      %dma_start3A_118 = arith.constant 0 : i32
      %dma_start3A_119 = arith.constant 0 : i32
      %dma_start3A_120 = tpu.memref_slice %arg8[%arg0, %arg1, %dma_start3A_118, %dma_start3A_119] : memref<2x16x80x125xi32, #tpu.memory_space<hbm>> -> memref<1x1x80x125xi32, #tpu.memory_space<hbm>>
      %dma_start3A_121 = tpu.memref_squeeze %dma_start3A_120 : memref<1x1x80x125xi32, #tpu.memory_space<hbm>> -> memref<80x125xi32, #tpu.memory_space<hbm>>
      %dma_start3A_122 = arith.constant 0 : i32
      %dma_start3A_123 = arith.constant 0 : i32
      %dma_start3A_124 = tpu.memref_slice %arg8[%arg0, %arg1, %dma_start3A_122, %dma_start3A_123] : memref<2x16x80x125xi32, #tpu.memory_space<hbm>> -> memref<1x1x80x125xi32, #tpu.memory_space<hbm>>
      %dma_start3A_125 = tpu.memref_squeeze %dma_start3A_124 : memref<1x1x80x125xi32, #tpu.memory_space<hbm>> -> memref<80x125xi32, #tpu.memory_space<hbm>>
      tpu.enqueue_dma source(%dma_start3A_125 : memref<80x125xi32, #tpu.memory_space<hbm>>) target(%arg19 : memref<80x125xi32, #tpu.memory_space<vmem>>) target_semaphore(%run_scoped3A_117 : memref<!tpu.dma_semaphore, #tpu.memory_space<semaphore_mem>>)
      %dma_wait3A = arith.constant 0 : i32
      %dma_wait3A_126 = arith.constant 0 : i32
      %dma_wait3A_127 = tpu.memref_slice %arg8[%arg0, %arg1, %dma_wait3A, %dma_wait3A_126] : memref<2x16x80x125xi32, #tpu.memory_space<hbm>> -> memref<1x1x80x125xi32, #tpu.memory_space<hbm>>
      %dma_wait3A_128 = tpu.memref_squeeze %dma_wait3A_127 : memref<1x1x80x125xi32, #tpu.memory_space<hbm>> -> memref<80x125xi32, #tpu.memory_space<hbm>>
      %dma_wait3A_129 = arith.constant 0 : i32
      %dma_wait3A_130 = arith.constant 0 : i32
      %dma_wait3A_131 = tpu.memref_slice %arg8[%arg0, %arg1, %dma_wait3A_129, %dma_wait3A_130] : memref<2x16x80x125xi32, #tpu.memory_space<hbm>> -> memref<1x1x80x125xi32, #tpu.memory_space<hbm>>
      %dma_wait3A_132 = tpu.memref_squeeze %dma_wait3A_131 : memref<1x1x80x125xi32, #tpu.memory_space<hbm>> -> memref<80x125xi32, #tpu.memory_space<hbm>>
      tpu.wait_dma2 semaphore(%run_scoped3A_117 : memref<!tpu.dma_semaphore, #tpu.memory_space<semaphore_mem>>) src(%dma_wait3A_132 : memref<80x125xi32, #tpu.memory_space<hbm>>) dst(%arg19 : memref<80x125xi32, #tpu.memory_space<vmem>>)
      tpu.yield
    }) : () -> ()
    %dma_start3A = arith.constant 0 : i32
    %dma_start3A_18 = arith.constant 0 : i32
    %dma_start3A_19 = tpu.memref_slice %arg18[%dma_start3A, %dma_start3A_18] : memref<80x125xi32, #tpu.memory_space<vmem>> -> memref<1x125xi32, #tpu.memory_space<vmem>>
    %dma_start3A_20 = tpu.memref_squeeze %dma_start3A_19 : memref<1x125xi32, #tpu.memory_space<vmem>> -> memref<125xi32, #tpu.memory_space<vmem>>
    %dma_start3A_21 = arith.constant 0 : i32
    %dma_start3A_22 = arith.constant 0 : i32
    %dma_start3A_23 = tpu.memref_slice %arg2[%dma_start3A_21, %dma_start3A_22] : memref<10000x64xf32, #tpu.memory_space<hbm>> -> memref<10000x64xf32, #tpu.memory_space<hbm>>
    tpu.enqueue_indirect_dma source(%dma_start3A_23 : memref<10000x64xf32, #tpu.memory_space<hbm>>) target(%arg20 : memref<125x64xf32, #tpu.memory_space<vmem>>) offsets(%dma_start3A_20 : memref<125xi32, #tpu.memory_space<vmem>>) semaphore(%arg23 : memref<!tpu.dma_semaphore, #tpu.memory_space<semaphore_mem>>)
    %scan3A = arith.constant 0 : i32
    %scan3A_24 = arith.constant 0 : i32
    %scan3A_25 = arith.constant 40 : i32
    %scan3A_26 = arith.addi %scan3A_24, %scan3A_25 : i32
    %scan3A_27 = arith.constant 1 : i32
    scf.for %scan3A_117 = %scan3A_24 to %scan3A_26 step %scan3A_27  : i32 {
      %mul3A_118 = arith.constant 2 : i32
      %mul3A_119 = arith.muli %scan3A_117, %mul3A_118 : i32
      %add3A_120 = arith.constant 1 : i32
      %add3A_121 = arith.addi %mul3A_119, %add3A_120 : i32
      %dma_start3A_122 = arith.constant 0 : i32
      %dma_start3A_123 = tpu.memref_slice %arg18[%add3A_121, %dma_start3A_122] : memref<80x125xi32, #tpu.memory_space<vmem>> -> memref<1x125xi32, #tpu.memory_space<vmem>>
      %dma_start3A_124 = tpu.memref_squeeze %dma_start3A_123 : memref<1x125xi32, #tpu.memory_space<vmem>> -> memref<125xi32, #tpu.memory_space<vmem>>
      %dma_start3A_125 = arith.constant 0 : i32
      %dma_start3A_126 = arith.constant 0 : i32
      %dma_start3A_127 = tpu.memref_slice %arg2[%dma_start3A_125, %dma_start3A_126] : memref<10000x64xf32, #tpu.memory_space<hbm>> -> memref<10000x64xf32, #tpu.memory_space<hbm>>
      tpu.enqueue_indirect_dma source(%dma_start3A_127 : memref<10000x64xf32, #tpu.memory_space<hbm>>) target(%arg21 : memref<125x64xf32, #tpu.memory_space<vmem>>) offsets(%dma_start3A_124 : memref<125xi32, #tpu.memory_space<vmem>>) semaphore(%arg24 : memref<!tpu.dma_semaphore, #tpu.memory_space<semaphore_mem>>)
      %dma_wait3A = arith.constant 0 : i32
      %dma_wait3A_128 = tpu.memref_slice %arg18[%mul3A_119, %dma_wait3A] : memref<80x125xi32, #tpu.memory_space<vmem>> -> memref<1x125xi32, #tpu.memory_space<vmem>>
      %dma_wait3A_129 = tpu.memref_squeeze %dma_wait3A_128 : memref<1x125xi32, #tpu.memory_space<vmem>> -> memref<125xi32, #tpu.memory_space<vmem>>
      %dma_wait3A_130 = arith.constant 0 : i32
      %dma_wait3A_131 = arith.constant 0 : i32
      %dma_wait3A_132 = tpu.memref_slice %arg2[%dma_wait3A_130, %dma_wait3A_131] : memref<10000x64xf32, #tpu.memory_space<hbm>> -> memref<10000x64xf32, #tpu.memory_space<hbm>>
      tpu.wait_indirect_dma semaphore(%arg23 : memref<!tpu.dma_semaphore, #tpu.memory_space<semaphore_mem>>) src(%dma_wait3A_132 : memref<10000x64xf32, #tpu.memory_space<hbm>>) dst(%arg20 : memref<125x64xf32, #tpu.memory_space<vmem>>)
      "tpu.region"() ({
        %run_scoped3A_147 = tpu.sem_alloc : memref<!tpu.dma_semaphore, #tpu.memory_space<semaphore_mem>>
        %dma_start3A_148 = arith.constant 0 : i32
        %dma_start3A_149 = tpu.memref_slice %arg19[%mul3A_119, %dma_start3A_148] : memref<80x125xi32, #tpu.memory_space<vmem>> -> memref<1x125xi32, #tpu.memory_space<vmem>>
        %dma_start3A_150 = tpu.memref_squeeze %dma_start3A_149 : memref<1x125xi32, #tpu.memory_space<vmem>> -> memref<125xi32, #tpu.memory_space<vmem>>
        %dma_start3A_151 = arith.constant 0 : i32
        %dma_start3A_152 = arith.constant 0 : i32
        %dma_start3A_153 = tpu.memref_slice %arg17[%dma_start3A_151, %dma_start3A_152] : memref<10240x64xf32, #tpu.memory_space<vmem_shared>> -> memref<10240x64xf32, #tpu.memory_space<vmem_shared>>
        tpu.enqueue_indirect_dma source(%arg20 : memref<125x64xf32, #tpu.memory_space<vmem>>) target(%dma_start3A_153 : memref<10240x64xf32, #tpu.memory_space<vmem_shared>>) offsets(%dma_start3A_150 : memref<125xi32, #tpu.memory_space<vmem>>) semaphore(%run_scoped3A_147 : memref<!tpu.dma_semaphore, #tpu.memory_space<semaphore_mem>>) {add = true}
        %dma_wait3A_154 = arith.constant 0 : i32
        %dma_wait3A_155 = tpu.memref_slice %arg19[%mul3A_119, %dma_wait3A_154] : memref<80x125xi32, #tpu.memory_space<vmem>> -> memref<1x125xi32, #tpu.memory_space<vmem>>
        %dma_wait3A_156 = tpu.memref_squeeze %dma_wait3A_155 : memref<1x125xi32, #tpu.memory_space<vmem>> -> memref<125xi32, #tpu.memory_space<vmem>>
        %dma_wait3A_157 = arith.constant 0 : i32
        %dma_wait3A_158 = arith.constant 0 : i32
        %dma_wait3A_159 = tpu.memref_slice %arg17[%dma_wait3A_157, %dma_wait3A_158] : memref<10240x64xf32, #tpu.memory_space<vmem_shared>> -> memref<10240x64xf32, #tpu.memory_space<vmem_shared>>
        tpu.wait_indirect_dma semaphore(%run_scoped3A_147 : memref<!tpu.dma_semaphore, #tpu.memory_space<semaphore_mem>>) src(%arg20 : memref<125x64xf32, #tpu.memory_space<vmem>>) dst(%dma_wait3A_159 : memref<10240x64xf32, #tpu.memory_space<vmem_shared>>)
        tpu.yield
      }) : () -> ()
      %add3A_133 = arith.constant 1 : i32
      %add3A_134 = arith.addi %scan3A_117, %add3A_133 : i32
      %lt3A = arith.constant 40 : i32
      %lt3A_135 = arith.cmpi slt, %add3A_134, %lt3A : i32
      %convert_element_type3A = arith.extui %lt3A_135 : i1 to i32
      %cond3A = arith.constant 0 : i32
      %cond3A_136 = arith.cmpi ne, %convert_element_type3A, %cond3A : i32
      scf.if %cond3A_136 {
        %add3A_147 = arith.constant 2 : i32
        %add3A_148 = arith.addi %mul3A_119, %add3A_147 : i32
        %dma_start3A_149 = arith.constant 0 : i32
        %dma_start3A_150 = tpu.memref_slice %arg18[%add3A_148, %dma_start3A_149] : memref<80x125xi32, #tpu.memory_space<vmem>> -> memref<1x125xi32, #tpu.memory_space<vmem>>
        %dma_start3A_151 = tpu.memref_squeeze %dma_start3A_150 : memref<1x125xi32, #tpu.memory_space<vmem>> -> memref<125xi32, #tpu.memory_space<vmem>>
        %dma_start3A_152 = arith.constant 0 : i32
        %dma_start3A_153 = arith.constant 0 : i32
        %dma_start3A_154 = tpu.memref_slice %arg2[%dma_start3A_152, %dma_start3A_153] : memref<10000x64xf32, #tpu.memory_space<hbm>> -> memref<10000x64xf32, #tpu.memory_space<hbm>>
        tpu.enqueue_indirect_dma source(%dma_start3A_154 : memref<10000x64xf32, #tpu.memory_space<hbm>>) target(%arg20 : memref<125x64xf32, #tpu.memory_space<vmem>>) offsets(%dma_start3A_151 : memref<125xi32, #tpu.memory_space<vmem>>) semaphore(%arg23 : memref<!tpu.dma_semaphore, #tpu.memory_space<semaphore_mem>>)
      } else {
      }
      %add3A_137 = arith.constant 1 : i32
      %add3A_138 = arith.addi %mul3A_119, %add3A_137 : i32
      %dma_wait3A_139 = arith.constant 0 : i32
      %dma_wait3A_140 = tpu.memref_slice %arg18[%add3A_138, %dma_wait3A_139] : memref<80x125xi32, #tpu.memory_space<vmem>> -> memref<1x125xi32, #tpu.memory_space<vmem>>
      %dma_wait3A_141 = tpu.memref_squeeze %dma_wait3A_140 : memref<1x125xi32, #tpu.memory_space<vmem>> -> memref<125xi32, #tpu.memory_space<vmem>>
      %dma_wait3A_142 = arith.constant 0 : i32
      %dma_wait3A_143 = arith.constant 0 : i32
      %dma_wait3A_144 = tpu.memref_slice %arg2[%dma_wait3A_142, %dma_wait3A_143] : memref<10000x64xf32, #tpu.memory_space<hbm>> -> memref<10000x64xf32, #tpu.memory_space<hbm>>
      tpu.wait_indirect_dma semaphore(%arg24 : memref<!tpu.dma_semaphore, #tpu.memory_space<semaphore_mem>>) src(%dma_wait3A_144 : memref<10000x64xf32, #tpu.memory_space<hbm>>) dst(%arg21 : memref<125x64xf32, #tpu.memory_space<vmem>>)
      %add3A_145 = arith.constant 1 : i32
      %add3A_146 = arith.addi %mul3A_119, %add3A_145 : i32
      "tpu.region"() ({
        %run_scoped3A_147 = tpu.sem_alloc : memref<!tpu.dma_semaphore, #tpu.memory_space<semaphore_mem>>
        %dma_start3A_148 = arith.constant 0 : i32
        %dma_start3A_149 = tpu.memref_slice %arg19[%add3A_146, %dma_start3A_148] : memref<80x125xi32, #tpu.memory_space<vmem>> -> memref<1x125xi32, #tpu.memory_space<vmem>>
        %dma_start3A_150 = tpu.memref_squeeze %dma_start3A_149 : memref<1x125xi32, #tpu.memory_space<vmem>> -> memref<125xi32, #tpu.memory_space<vmem>>
        %dma_start3A_151 = arith.constant 0 : i32
        %dma_start3A_152 = arith.constant 0 : i32
        %dma_start3A_153 = tpu.memref_slice %arg17[%dma_start3A_151, %dma_start3A_152] : memref<10240x64xf32, #tpu.memory_space<vmem_shared>> -> memref<10240x64xf32, #tpu.memory_space<vmem_shared>>
        tpu.enqueue_indirect_dma source(%arg21 : memref<125x64xf32, #tpu.memory_space<vmem>>) target(%dma_start3A_153 : memref<10240x64xf32, #tpu.memory_space<vmem_shared>>) offsets(%dma_start3A_150 : memref<125xi32, #tpu.memory_space<vmem>>) semaphore(%run_scoped3A_147 : memref<!tpu.dma_semaphore, #tpu.memory_space<semaphore_mem>>) {add = true}
        %dma_wait3A_154 = arith.constant 0 : i32
        %dma_wait3A_155 = tpu.memref_slice %arg19[%add3A_146, %dma_wait3A_154] : memref<80x125xi32, #tpu.memory_space<vmem>> -> memref<1x125xi32, #tpu.memory_space<vmem>>
        %dma_wait3A_156 = tpu.memref_squeeze %dma_wait3A_155 : memref<1x125xi32, #tpu.memory_space<vmem>> -> memref<125xi32, #tpu.memory_space<vmem>>
        %dma_wait3A_157 = arith.constant 0 : i32
        %dma_wait3A_158 = arith.constant 0 : i32
        %dma_wait3A_159 = tpu.memref_slice %arg17[%dma_wait3A_157, %dma_wait3A_158] : memref<10240x64xf32, #tpu.memory_space<vmem_shared>> -> memref<10240x64xf32, #tpu.memory_space<vmem_shared>>
        tpu.wait_indirect_dma semaphore(%run_scoped3A_147 : memref<!tpu.dma_semaphore, #tpu.memory_space<semaphore_mem>>) src(%arg21 : memref<125x64xf32, #tpu.memory_space<vmem>>) dst(%dma_wait3A_159 : memref<10240x64xf32, #tpu.memory_space<vmem_shared>>)
        tpu.yield
      }) : () -> ()
    }
    %scan3A_28 = arith.constant 40 : i32
    %barrier3A_29 = arith.constant 0 : index
    tpu.barrier barrier_id(%barrier3A_29)
    %mul3A_30 = arith.constant 640 : i32
    %mul3A_31 = arith.muli %arg1, %mul3A_30 : i32
    %mul3A_32 = arith.constant 640 : i32
    %mul3A_33 = arith.muli %arg1, %mul3A_32 : i32
    %run_scoped3A = arith.constant 0 : i32
    "tpu.region"() ({
      %run_scoped3A_117 = tpu.sem_alloc : memref<!tpu.dma_semaphore, #tpu.memory_space<semaphore_mem>>
      %dma_start3A_118 = arith.constant 0 : i32
      %dma_start3A_119 = tpu.memref_slice %arg16[%run_scoped3A, %arg0, %mul3A_33, %dma_start3A_118] : memref<3x2x10240x64xf32, #tpu.memory_space<hbm>> -> memref<1x1x640x64xf32, #tpu.memory_space<hbm>>
      %dma_start3A_120 = tpu.memref_squeeze %dma_start3A_119 : memref<1x1x640x64xf32, #tpu.memory_space<hbm>> -> memref<640x64xf32, #tpu.memory_space<hbm>>
      %dma_start3A_121 = arith.constant 0 : i32
      %dma_start3A_122 = tpu.memref_slice %arg17[%mul3A_31, %dma_start3A_121] : memref<10240x64xf32, #tpu.memory_space<vmem_shared>> -> memref<640x64xf32, #tpu.memory_space<vmem_shared>>
      tpu.enqueue_dma source(%dma_start3A_122 : memref<640x64xf32, #tpu.memory_space<vmem_shared>>) target(%dma_start3A_120 : memref<640x64xf32, #tpu.memory_space<hbm>>) target_semaphore(%run_scoped3A_117 : memref<!tpu.dma_semaphore, #tpu.memory_space<semaphore_mem>>)
      %dma_wait3A = arith.constant 0 : i32
      %dma_wait3A_123 = tpu.memref_slice %arg16[%run_scoped3A, %arg0, %mul3A_33, %dma_wait3A] : memref<3x2x10240x64xf32, #tpu.memory_space<hbm>> -> memref<1x1x640x64xf32, #tpu.memory_space<hbm>>
      %dma_wait3A_124 = tpu.memref_squeeze %dma_wait3A_123 : memref<1x1x640x64xf32, #tpu.memory_space<hbm>> -> memref<640x64xf32, #tpu.memory_space<hbm>>
      %dma_wait3A_125 = arith.constant 0 : i32
      %dma_wait3A_126 = tpu.memref_slice %arg17[%mul3A_31, %dma_wait3A_125] : memref<10240x64xf32, #tpu.memory_space<vmem_shared>> -> memref<640x64xf32, #tpu.memory_space<vmem_shared>>
      tpu.wait_dma2 semaphore(%run_scoped3A_117 : memref<!tpu.dma_semaphore, #tpu.memory_space<semaphore_mem>>) src(%dma_wait3A_126 : memref<640x64xf32, #tpu.memory_space<vmem_shared>>) dst(%dma_wait3A_124 : memref<640x64xf32, #tpu.memory_space<hbm>>)
      tpu.yield
    }) : () -> ()
    %barrier3A_34 = arith.constant 0 : index
    tpu.barrier barrier_id(%barrier3A_34)
    %mul3A_35 = arith.constant 640 : i32
    %mul3A_36 = arith.muli %arg1, %mul3A_35 : i32
    %add3A_37 = arith.constant 0 : i32
    %add3A_38 = arith.addi %mul3A_36, %add3A_37 : i32
    "tpu.region"() ({
      %run_scoped3A_117 = tpu.sem_alloc : memref<!tpu.dma_semaphore, #tpu.memory_space<semaphore_mem>>
      %dma_start3A_118 = arith.constant 0 : i32
      %dma_start3A_119 = tpu.memref_slice %arg17[%add3A_38, %dma_start3A_118] : memref<10240x64xf32, #tpu.memory_space<vmem_shared>> -> memref<128x64xf32, #tpu.memory_space<vmem_shared>>
      %dma_start3A_120 = arith.constant 0 : i32
      %dma_start3A_121 = tpu.memref_slice %arg17[%add3A_38, %dma_start3A_120] : memref<10240x64xf32, #tpu.memory_space<vmem_shared>> -> memref<128x64xf32, #tpu.memory_space<vmem_shared>>
      tpu.enqueue_dma source(%arg22 : memref<128x64xf32, #tpu.memory_space<vmem>>) target(%dma_start3A_121 : memref<128x64xf32, #tpu.memory_space<vmem_shared>>) target_semaphore(%run_scoped3A_117 : memref<!tpu.dma_semaphore, #tpu.memory_space<semaphore_mem>>)
      %dma_wait3A = arith.constant 0 : i32
      %dma_wait3A_122 = tpu.memref_slice %arg17[%add3A_38, %dma_wait3A] : memref<10240x64xf32, #tpu.memory_space<vmem_shared>> -> memref<128x64xf32, #tpu.memory_space<vmem_shared>>
      %dma_wait3A_123 = arith.constant 0 : i32
      %dma_wait3A_124 = tpu.memref_slice %arg17[%add3A_38, %dma_wait3A_123] : memref<10240x64xf32, #tpu.memory_space<vmem_shared>> -> memref<128x64xf32, #tpu.memory_space<vmem_shared>>
      tpu.wait_dma2 semaphore(%run_scoped3A_117 : memref<!tpu.dma_semaphore, #tpu.memory_space<semaphore_mem>>) src(%arg22 : memref<128x64xf32, #tpu.memory_space<vmem>>) dst(%dma_wait3A_124 : memref<128x64xf32, #tpu.memory_space<vmem_shared>>)
      tpu.yield
    }) : () -> ()
    %mul3A_39 = arith.constant 640 : i32
    %mul3A_40 = arith.muli %arg1, %mul3A_39 : i32
    %add3A_41 = arith.constant 128 : i32
    %add3A_42 = arith.addi %mul3A_40, %add3A_41 : i32
    "tpu.region"() ({
      %run_scoped3A_117 = tpu.sem_alloc : memref<!tpu.dma_semaphore, #tpu.memory_space<semaphore_mem>>
      %dma_start3A_118 = arith.constant 0 : i32
      %dma_start3A_119 = tpu.memref_slice %arg17[%add3A_42, %dma_start3A_118] : memref<10240x64xf32, #tpu.memory_space<vmem_shared>> -> memref<128x64xf32, #tpu.memory_space<vmem_shared>>
      %dma_start3A_120 = arith.constant 0 : i32
      %dma_start3A_121 = tpu.memref_slice %arg17[%add3A_42, %dma_start3A_120] : memref<10240x64xf32, #tpu.memory_space<vmem_shared>> -> memref<128x64xf32, #tpu.memory_space<vmem_shared>>
      tpu.enqueue_dma source(%arg22 : memref<128x64xf32, #tpu.memory_space<vmem>>) target(%dma_start3A_121 : memref<128x64xf32, #tpu.memory_space<vmem_shared>>) target_semaphore(%run_scoped3A_117 : memref<!tpu.dma_semaphore, #tpu.memory_space<semaphore_mem>>)
      %dma_wait3A = arith.constant 0 : i32
      %dma_wait3A_122 = tpu.memref_slice %arg17[%add3A_42, %dma_wait3A] : memref<10240x64xf32, #tpu.memory_space<vmem_shared>> -> memref<128x64xf32, #tpu.memory_space<vmem_shared>>
      %dma_wait3A_123 = arith.constant 0 : i32
      %dma_wait3A_124 = tpu.memref_slice %arg17[%add3A_42, %dma_wait3A_123] : memref<10240x64xf32, #tpu.memory_space<vmem_shared>> -> memref<128x64xf32, #tpu.memory_space<vmem_shared>>
      tpu.wait_dma2 semaphore(%run_scoped3A_117 : memref<!tpu.dma_semaphore, #tpu.memory_space<semaphore_mem>>) src(%arg22 : memref<128x64xf32, #tpu.memory_space<vmem>>) dst(%dma_wait3A_124 : memref<128x64xf32, #tpu.memory_space<vmem_shared>>)
      tpu.yield
    }) : () -> ()
    %mul3A_43 = arith.constant 640 : i32
    %mul3A_44 = arith.muli %arg1, %mul3A_43 : i32
    %add3A_45 = arith.constant 256 : i32
    %add3A_46 = arith.addi %mul3A_44, %add3A_45 : i32
    "tpu.region"() ({
      %run_scoped3A_117 = tpu.sem_alloc : memref<!tpu.dma_semaphore, #tpu.memory_space<semaphore_mem>>
      %dma_start3A_118 = arith.constant 0 : i32
      %dma_start3A_119 = tpu.memref_slice %arg17[%add3A_46, %dma_start3A_118] : memref<10240x64xf32, #tpu.memory_space<vmem_shared>> -> memref<128x64xf32, #tpu.memory_space<vmem_shared>>
      %dma_start3A_120 = arith.constant 0 : i32
      %dma_start3A_121 = tpu.memref_slice %arg17[%add3A_46, %dma_start3A_120] : memref<10240x64xf32, #tpu.memory_space<vmem_shared>> -> memref<128x64xf32, #tpu.memory_space<vmem_shared>>
      tpu.enqueue_dma source(%arg22 : memref<128x64xf32, #tpu.memory_space<vmem>>) target(%dma_start3A_121 : memref<128x64xf32, #tpu.memory_space<vmem_shared>>) target_semaphore(%run_scoped3A_117 : memref<!tpu.dma_semaphore, #tpu.memory_space<semaphore_mem>>)
      %dma_wait3A = arith.constant 0 : i32
      %dma_wait3A_122 = tpu.memref_slice %arg17[%add3A_46, %dma_wait3A] : memref<10240x64xf32, #tpu.memory_space<vmem_shared>> -> memref<128x64xf32, #tpu.memory_space<vmem_shared>>
      %dma_wait3A_123 = arith.constant 0 : i32
      %dma_wait3A_124 = tpu.memref_slice %arg17[%add3A_46, %dma_wait3A_123] : memref<10240x64xf32, #tpu.memory_space<vmem_shared>> -> memref<128x64xf32, #tpu.memory_space<vmem_shared>>
      tpu.wait_dma2 semaphore(%run_scoped3A_117 : memref<!tpu.dma_semaphore, #tpu.memory_space<semaphore_mem>>) src(%arg22 : memref<128x64xf32, #tpu.memory_space<vmem>>) dst(%dma_wait3A_124 : memref<128x64xf32, #tpu.memory_space<vmem_shared>>)
      tpu.yield
    }) : () -> ()
    %mul3A_47 = arith.constant 640 : i32
    %mul3A_48 = arith.muli %arg1, %mul3A_47 : i32
    %add3A_49 = arith.constant 384 : i32
    %add3A_50 = arith.addi %mul3A_48, %add3A_49 : i32
    "tpu.region"() ({
      %run_scoped3A_117 = tpu.sem_alloc : memref<!tpu.dma_semaphore, #tpu.memory_space<semaphore_mem>>
      %dma_start3A_118 = arith.constant 0 : i32
      %dma_start3A_119 = tpu.memref_slice %arg17[%add3A_50, %dma_start3A_118] : memref<10240x64xf32, #tpu.memory_space<vmem_shared>> -> memref<128x64xf32, #tpu.memory_space<vmem_shared>>
      %dma_start3A_120 = arith.constant 0 : i32
      %dma_start3A_121 = tpu.memref_slice %arg17[%add3A_50, %dma_start3A_120] : memref<10240x64xf32, #tpu.memory_space<vmem_shared>> -> memref<128x64xf32, #tpu.memory_space<vmem_shared>>
      tpu.enqueue_dma source(%arg22 : memref<128x64xf32, #tpu.memory_space<vmem>>) target(%dma_start3A_121 : memref<128x64xf32, #tpu.memory_space<vmem_shared>>) target_semaphore(%run_scoped3A_117 : memref<!tpu.dma_semaphore, #tpu.memory_space<semaphore_mem>>)
      %dma_wait3A = arith.constant 0 : i32
      %dma_wait3A_122 = tpu.memref_slice %arg17[%add3A_50, %dma_wait3A] : memref<10240x64xf32, #tpu.memory_space<vmem_shared>> -> memref<128x64xf32, #tpu.memory_space<vmem_shared>>
      %dma_wait3A_123 = arith.constant 0 : i32
      %dma_wait3A_124 = tpu.memref_slice %arg17[%add3A_50, %dma_wait3A_123] : memref<10240x64xf32, #tpu.memory_space<vmem_shared>> -> memref<128x64xf32, #tpu.memory_space<vmem_shared>>
      tpu.wait_dma2 semaphore(%run_scoped3A_117 : memref<!tpu.dma_semaphore, #tpu.memory_space<semaphore_mem>>) src(%arg22 : memref<128x64xf32, #tpu.memory_space<vmem>>) dst(%dma_wait3A_124 : memref<128x64xf32, #tpu.memory_space<vmem_shared>>)
      tpu.yield
    }) : () -> ()
    %mul3A_51 = arith.constant 640 : i32
    %mul3A_52 = arith.muli %arg1, %mul3A_51 : i32
    %add3A_53 = arith.constant 512 : i32
    %add3A_54 = arith.addi %mul3A_52, %add3A_53 : i32
    "tpu.region"() ({
      %run_scoped3A_117 = tpu.sem_alloc : memref<!tpu.dma_semaphore, #tpu.memory_space<semaphore_mem>>
      %dma_start3A_118 = arith.constant 0 : i32
      %dma_start3A_119 = tpu.memref_slice %arg17[%add3A_54, %dma_start3A_118] : memref<10240x64xf32, #tpu.memory_space<vmem_shared>> -> memref<128x64xf32, #tpu.memory_space<vmem_shared>>
      %dma_start3A_120 = arith.constant 0 : i32
      %dma_start3A_121 = tpu.memref_slice %arg17[%add3A_54, %dma_start3A_120] : memref<10240x64xf32, #tpu.memory_space<vmem_shared>> -> memref<128x64xf32, #tpu.memory_space<vmem_shared>>
      tpu.enqueue_dma source(%arg22 : memref<128x64xf32, #tpu.memory_space<vmem>>) target(%dma_start3A_121 : memref<128x64xf32, #tpu.memory_space<vmem_shared>>) target_semaphore(%run_scoped3A_117 : memref<!tpu.dma_semaphore, #tpu.memory_space<semaphore_mem>>)
      %dma_wait3A = arith.constant 0 : i32
      %dma_wait3A_122 = tpu.memref_slice %arg17[%add3A_54, %dma_wait3A] : memref<10240x64xf32, #tpu.memory_space<vmem_shared>> -> memref<128x64xf32, #tpu.memory_space<vmem_shared>>
      %dma_wait3A_123 = arith.constant 0 : i32
      %dma_wait3A_124 = tpu.memref_slice %arg17[%add3A_54, %dma_wait3A_123] : memref<10240x64xf32, #tpu.memory_space<vmem_shared>> -> memref<128x64xf32, #tpu.memory_space<vmem_shared>>
      tpu.wait_dma2 semaphore(%run_scoped3A_117 : memref<!tpu.dma_semaphore, #tpu.memory_space<semaphore_mem>>) src(%arg22 : memref<128x64xf32, #tpu.memory_space<vmem>>) dst(%dma_wait3A_124 : memref<128x64xf32, #tpu.memory_space<vmem_shared>>)
      tpu.yield
    }) : () -> ()
    %barrier3A_55 = arith.constant 0 : index
    tpu.barrier barrier_id(%barrier3A_55)
    "tpu.region"() ({
      %run_scoped3A_117 = tpu.sem_alloc : memref<!tpu.dma_semaphore, #tpu.memory_space<semaphore_mem>>
      %dma_start3A_118 = arith.constant 0 : i32
      %dma_start3A_119 = arith.constant 0 : i32
      %dma_start3A_120 = tpu.memref_slice %arg6[%arg0, %arg1, %dma_start3A_118, %dma_start3A_119] : memref<2x16x80x125xi32, #tpu.memory_space<hbm>> -> memref<1x1x80x125xi32, #tpu.memory_space<hbm>>
      %dma_start3A_121 = tpu.memref_squeeze %dma_start3A_120 : memref<1x1x80x125xi32, #tpu.memory_space<hbm>> -> memref<80x125xi32, #tpu.memory_space<hbm>>
      %dma_start3A_122 = arith.constant 0 : i32
      %dma_start3A_123 = arith.constant 0 : i32
      %dma_start3A_124 = tpu.memref_slice %arg6[%arg0, %arg1, %dma_start3A_122, %dma_start3A_123] : memref<2x16x80x125xi32, #tpu.memory_space<hbm>> -> memref<1x1x80x125xi32, #tpu.memory_space<hbm>>
      %dma_start3A_125 = tpu.memref_squeeze %dma_start3A_124 : memref<1x1x80x125xi32, #tpu.memory_space<hbm>> -> memref<80x125xi32, #tpu.memory_space<hbm>>
      tpu.enqueue_dma source(%dma_start3A_125 : memref<80x125xi32, #tpu.memory_space<hbm>>) target(%arg18 : memref<80x125xi32, #tpu.memory_space<vmem>>) target_semaphore(%run_scoped3A_117 : memref<!tpu.dma_semaphore, #tpu.memory_space<semaphore_mem>>)
      %dma_wait3A = arith.constant 0 : i32
      %dma_wait3A_126 = arith.constant 0 : i32
      %dma_wait3A_127 = tpu.memref_slice %arg6[%arg0, %arg1, %dma_wait3A, %dma_wait3A_126] : memref<2x16x80x125xi32, #tpu.memory_space<hbm>> -> memref<1x1x80x125xi32, #tpu.memory_space<hbm>>
      %dma_wait3A_128 = tpu.memref_squeeze %dma_wait3A_127 : memref<1x1x80x125xi32, #tpu.memory_space<hbm>> -> memref<80x125xi32, #tpu.memory_space<hbm>>
      %dma_wait3A_129 = arith.constant 0 : i32
      %dma_wait3A_130 = arith.constant 0 : i32
      %dma_wait3A_131 = tpu.memref_slice %arg6[%arg0, %arg1, %dma_wait3A_129, %dma_wait3A_130] : memref<2x16x80x125xi32, #tpu.memory_space<hbm>> -> memref<1x1x80x125xi32, #tpu.memory_space<hbm>>
      %dma_wait3A_132 = tpu.memref_squeeze %dma_wait3A_131 : memref<1x1x80x125xi32, #tpu.memory_space<hbm>> -> memref<80x125xi32, #tpu.memory_space<hbm>>
      tpu.wait_dma2 semaphore(%run_scoped3A_117 : memref<!tpu.dma_semaphore, #tpu.memory_space<semaphore_mem>>) src(%dma_wait3A_132 : memref<80x125xi32, #tpu.memory_space<hbm>>) dst(%arg18 : memref<80x125xi32, #tpu.memory_space<vmem>>)
      tpu.yield
    }) : () -> ()
    "tpu.region"() ({
      %run_scoped3A_117 = tpu.sem_alloc : memref<!tpu.dma_semaphore, #tpu.memory_space<semaphore_mem>>
      %dma_start3A_118 = arith.constant 0 : i32
      %dma_start3A_119 = arith.constant 0 : i32
      %dma_start3A_120 = tpu.memref_slice %arg9[%arg0, %arg1, %dma_start3A_118, %dma_start3A_119] : memref<2x16x80x125xi32, #tpu.memory_space<hbm>> -> memref<1x1x80x125xi32, #tpu.memory_space<hbm>>
      %dma_start3A_121 = tpu.memref_squeeze %dma_start3A_120 : memref<1x1x80x125xi32, #tpu.memory_space<hbm>> -> memref<80x125xi32, #tpu.memory_space<hbm>>
      %dma_start3A_122 = arith.constant 0 : i32
      %dma_start3A_123 = arith.constant 0 : i32
      %dma_start3A_124 = tpu.memref_slice %arg9[%arg0, %arg1, %dma_start3A_122, %dma_start3A_123] : memref<2x16x80x125xi32, #tpu.memory_space<hbm>> -> memref<1x1x80x125xi32, #tpu.memory_space<hbm>>
      %dma_start3A_125 = tpu.memref_squeeze %dma_start3A_124 : memref<1x1x80x125xi32, #tpu.memory_space<hbm>> -> memref<80x125xi32, #tpu.memory_space<hbm>>
      tpu.enqueue_dma source(%dma_start3A_125 : memref<80x125xi32, #tpu.memory_space<hbm>>) target(%arg19 : memref<80x125xi32, #tpu.memory_space<vmem>>) target_semaphore(%run_scoped3A_117 : memref<!tpu.dma_semaphore, #tpu.memory_space<semaphore_mem>>)
      %dma_wait3A = arith.constant 0 : i32
      %dma_wait3A_126 = arith.constant 0 : i32
      %dma_wait3A_127 = tpu.memref_slice %arg9[%arg0, %arg1, %dma_wait3A, %dma_wait3A_126] : memref<2x16x80x125xi32, #tpu.memory_space<hbm>> -> memref<1x1x80x125xi32, #tpu.memory_space<hbm>>
      %dma_wait3A_128 = tpu.memref_squeeze %dma_wait3A_127 : memref<1x1x80x125xi32, #tpu.memory_space<hbm>> -> memref<80x125xi32, #tpu.memory_space<hbm>>
      %dma_wait3A_129 = arith.constant 0 : i32
      %dma_wait3A_130 = arith.constant 0 : i32
      %dma_wait3A_131 = tpu.memref_slice %arg9[%arg0, %arg1, %dma_wait3A_129, %dma_wait3A_130] : memref<2x16x80x125xi32, #tpu.memory_space<hbm>> -> memref<1x1x80x125xi32, #tpu.memory_space<hbm>>
      %dma_wait3A_132 = tpu.memref_squeeze %dma_wait3A_131 : memref<1x1x80x125xi32, #tpu.memory_space<hbm>> -> memref<80x125xi32, #tpu.memory_space<hbm>>
      tpu.wait_dma2 semaphore(%run_scoped3A_117 : memref<!tpu.dma_semaphore, #tpu.memory_space<semaphore_mem>>) src(%dma_wait3A_132 : memref<80x125xi32, #tpu.memory_space<hbm>>) dst(%arg19 : memref<80x125xi32, #tpu.memory_space<vmem>>)
      tpu.yield
    }) : () -> ()
    %dma_start3A_56 = arith.constant 0 : i32
    %dma_start3A_57 = arith.constant 0 : i32
    %dma_start3A_58 = tpu.memref_slice %arg18[%dma_start3A_56, %dma_start3A_57] : memref<80x125xi32, #tpu.memory_space<vmem>> -> memref<1x125xi32, #tpu.memory_space<vmem>>
    %dma_start3A_59 = tpu.memref_squeeze %dma_start3A_58 : memref<1x125xi32, #tpu.memory_space<vmem>> -> memref<125xi32, #tpu.memory_space<vmem>>
    %dma_start3A_60 = arith.constant 0 : i32
    %dma_start3A_61 = arith.constant 0 : i32
    %dma_start3A_62 = tpu.memref_slice %arg3[%dma_start3A_60, %dma_start3A_61] : memref<10000x64xf32, #tpu.memory_space<hbm>> -> memref<10000x64xf32, #tpu.memory_space<hbm>>
    tpu.enqueue_indirect_dma source(%dma_start3A_62 : memref<10000x64xf32, #tpu.memory_space<hbm>>) target(%arg20 : memref<125x64xf32, #tpu.memory_space<vmem>>) offsets(%dma_start3A_59 : memref<125xi32, #tpu.memory_space<vmem>>) semaphore(%arg23 : memref<!tpu.dma_semaphore, #tpu.memory_space<semaphore_mem>>)
    %scan3A_63 = arith.constant 0 : i32
    %scan3A_64 = arith.constant 0 : i32
    %scan3A_65 = arith.constant 40 : i32
    %scan3A_66 = arith.addi %scan3A_64, %scan3A_65 : i32
    %scan3A_67 = arith.constant 1 : i32
    scf.for %scan3A_117 = %scan3A_64 to %scan3A_66 step %scan3A_67  : i32 {
      %mul3A_118 = arith.constant 2 : i32
      %mul3A_119 = arith.muli %scan3A_117, %mul3A_118 : i32
      %add3A_120 = arith.constant 1 : i32
      %add3A_121 = arith.addi %mul3A_119, %add3A_120 : i32
      %dma_start3A_122 = arith.constant 0 : i32
      %dma_start3A_123 = tpu.memref_slice %arg18[%add3A_121, %dma_start3A_122] : memref<80x125xi32, #tpu.memory_space<vmem>> -> memref<1x125xi32, #tpu.memory_space<vmem>>
      %dma_start3A_124 = tpu.memref_squeeze %dma_start3A_123 : memref<1x125xi32, #tpu.memory_space<vmem>> -> memref<125xi32, #tpu.memory_space<vmem>>
      %dma_start3A_125 = arith.constant 0 : i32
      %dma_start3A_126 = arith.constant 0 : i32
      %dma_start3A_127 = tpu.memref_slice %arg3[%dma_start3A_125, %dma_start3A_126] : memref<10000x64xf32, #tpu.memory_space<hbm>> -> memref<10000x64xf32, #tpu.memory_space<hbm>>
      tpu.enqueue_indirect_dma source(%dma_start3A_127 : memref<10000x64xf32, #tpu.memory_space<hbm>>) target(%arg21 : memref<125x64xf32, #tpu.memory_space<vmem>>) offsets(%dma_start3A_124 : memref<125xi32, #tpu.memory_space<vmem>>) semaphore(%arg24 : memref<!tpu.dma_semaphore, #tpu.memory_space<semaphore_mem>>)
      %dma_wait3A = arith.constant 0 : i32
      %dma_wait3A_128 = tpu.memref_slice %arg18[%mul3A_119, %dma_wait3A] : memref<80x125xi32, #tpu.memory_space<vmem>> -> memref<1x125xi32, #tpu.memory_space<vmem>>
      %dma_wait3A_129 = tpu.memref_squeeze %dma_wait3A_128 : memref<1x125xi32, #tpu.memory_space<vmem>> -> memref<125xi32, #tpu.memory_space<vmem>>
      %dma_wait3A_130 = arith.constant 0 : i32
      %dma_wait3A_131 = arith.constant 0 : i32
      %dma_wait3A_132 = tpu.memref_slice %arg3[%dma_wait3A_130, %dma_wait3A_131] : memref<10000x64xf32, #tpu.memory_space<hbm>> -> memref<10000x64xf32, #tpu.memory_space<hbm>>
      tpu.wait_indirect_dma semaphore(%arg23 : memref<!tpu.dma_semaphore, #tpu.memory_space<semaphore_mem>>) src(%dma_wait3A_132 : memref<10000x64xf32, #tpu.memory_space<hbm>>) dst(%arg20 : memref<125x64xf32, #tpu.memory_space<vmem>>)
      "tpu.region"() ({
        %run_scoped3A_147 = tpu.sem_alloc : memref<!tpu.dma_semaphore, #tpu.memory_space<semaphore_mem>>
        %dma_start3A_148 = arith.constant 0 : i32
        %dma_start3A_149 = tpu.memref_slice %arg19[%mul3A_119, %dma_start3A_148] : memref<80x125xi32, #tpu.memory_space<vmem>> -> memref<1x125xi32, #tpu.memory_space<vmem>>
        %dma_start3A_150 = tpu.memref_squeeze %dma_start3A_149 : memref<1x125xi32, #tpu.memory_space<vmem>> -> memref<125xi32, #tpu.memory_space<vmem>>
        %dma_start3A_151 = arith.constant 0 : i32
        %dma_start3A_152 = arith.constant 0 : i32
        %dma_start3A_153 = tpu.memref_slice %arg17[%dma_start3A_151, %dma_start3A_152] : memref<10240x64xf32, #tpu.memory_space<vmem_shared>> -> memref<10240x64xf32, #tpu.memory_space<vmem_shared>>
        tpu.enqueue_indirect_dma source(%arg20 : memref<125x64xf32, #tpu.memory_space<vmem>>) target(%dma_start3A_153 : memref<10240x64xf32, #tpu.memory_space<vmem_shared>>) offsets(%dma_start3A_150 : memref<125xi32, #tpu.memory_space<vmem>>) semaphore(%run_scoped3A_147 : memref<!tpu.dma_semaphore, #tpu.memory_space<semaphore_mem>>) {add = true}
        %dma_wait3A_154 = arith.constant 0 : i32
        %dma_wait3A_155 = tpu.memref_slice %arg19[%mul3A_119, %dma_wait3A_154] : memref<80x125xi32, #tpu.memory_space<vmem>> -> memref<1x125xi32, #tpu.memory_space<vmem>>
        %dma_wait3A_156 = tpu.memref_squeeze %dma_wait3A_155 : memref<1x125xi32, #tpu.memory_space<vmem>> -> memref<125xi32, #tpu.memory_space<vmem>>
        %dma_wait3A_157 = arith.constant 0 : i32
        %dma_wait3A_158 = arith.constant 0 : i32
        %dma_wait3A_159 = tpu.memref_slice %arg17[%dma_wait3A_157, %dma_wait3A_158] : memref<10240x64xf32, #tpu.memory_space<vmem_shared>> -> memref<10240x64xf32, #tpu.memory_space<vmem_shared>>
        tpu.wait_indirect_dma semaphore(%run_scoped3A_147 : memref<!tpu.dma_semaphore, #tpu.memory_space<semaphore_mem>>) src(%arg20 : memref<125x64xf32, #tpu.memory_space<vmem>>) dst(%dma_wait3A_159 : memref<10240x64xf32, #tpu.memory_space<vmem_shared>>)
        tpu.yield
      }) : () -> ()
      %add3A_133 = arith.constant 1 : i32
      %add3A_134 = arith.addi %scan3A_117, %add3A_133 : i32
      %lt3A = arith.constant 40 : i32
      %lt3A_135 = arith.cmpi slt, %add3A_134, %lt3A : i32
      %convert_element_type3A = arith.extui %lt3A_135 : i1 to i32
      %cond3A = arith.constant 0 : i32
      %cond3A_136 = arith.cmpi ne, %convert_element_type3A, %cond3A : i32
      scf.if %cond3A_136 {
        %add3A_147 = arith.constant 2 : i32
        %add3A_148 = arith.addi %mul3A_119, %add3A_147 : i32
        %dma_start3A_149 = arith.constant 0 : i32
        %dma_start3A_150 = tpu.memref_slice %arg18[%add3A_148, %dma_start3A_149] : memref<80x125xi32, #tpu.memory_space<vmem>> -> memref<1x125xi32, #tpu.memory_space<vmem>>
        %dma_start3A_151 = tpu.memref_squeeze %dma_start3A_150 : memref<1x125xi32, #tpu.memory_space<vmem>> -> memref<125xi32, #tpu.memory_space<vmem>>
        %dma_start3A_152 = arith.constant 0 : i32
        %dma_start3A_153 = arith.constant 0 : i32
        %dma_start3A_154 = tpu.memref_slice %arg3[%dma_start3A_152, %dma_start3A_153] : memref<10000x64xf32, #tpu.memory_space<hbm>> -> memref<10000x64xf32, #tpu.memory_space<hbm>>
        tpu.enqueue_indirect_dma source(%dma_start3A_154 : memref<10000x64xf32, #tpu.memory_space<hbm>>) target(%arg20 : memref<125x64xf32, #tpu.memory_space<vmem>>) offsets(%dma_start3A_151 : memref<125xi32, #tpu.memory_space<vmem>>) semaphore(%arg23 : memref<!tpu.dma_semaphore, #tpu.memory_space<semaphore_mem>>)
      } else {
      }
      %add3A_137 = arith.constant 1 : i32
      %add3A_138 = arith.addi %mul3A_119, %add3A_137 : i32
      %dma_wait3A_139 = arith.constant 0 : i32
      %dma_wait3A_140 = tpu.memref_slice %arg18[%add3A_138, %dma_wait3A_139] : memref<80x125xi32, #tpu.memory_space<vmem>> -> memref<1x125xi32, #tpu.memory_space<vmem>>
      %dma_wait3A_141 = tpu.memref_squeeze %dma_wait3A_140 : memref<1x125xi32, #tpu.memory_space<vmem>> -> memref<125xi32, #tpu.memory_space<vmem>>
      %dma_wait3A_142 = arith.constant 0 : i32
      %dma_wait3A_143 = arith.constant 0 : i32
      %dma_wait3A_144 = tpu.memref_slice %arg3[%dma_wait3A_142, %dma_wait3A_143] : memref<10000x64xf32, #tpu.memory_space<hbm>> -> memref<10000x64xf32, #tpu.memory_space<hbm>>
      tpu.wait_indirect_dma semaphore(%arg24 : memref<!tpu.dma_semaphore, #tpu.memory_space<semaphore_mem>>) src(%dma_wait3A_144 : memref<10000x64xf32, #tpu.memory_space<hbm>>) dst(%arg21 : memref<125x64xf32, #tpu.memory_space<vmem>>)
      %add3A_145 = arith.constant 1 : i32
      %add3A_146 = arith.addi %mul3A_119, %add3A_145 : i32
      "tpu.region"() ({
        %run_scoped3A_147 = tpu.sem_alloc : memref<!tpu.dma_semaphore, #tpu.memory_space<semaphore_mem>>
        %dma_start3A_148 = arith.constant 0 : i32
        %dma_start3A_149 = tpu.memref_slice %arg19[%add3A_146, %dma_start3A_148] : memref<80x125xi32, #tpu.memory_space<vmem>> -> memref<1x125xi32, #tpu.memory_space<vmem>>
        %dma_start3A_150 = tpu.memref_squeeze %dma_start3A_149 : memref<1x125xi32, #tpu.memory_space<vmem>> -> memref<125xi32, #tpu.memory_space<vmem>>
        %dma_start3A_151 = arith.constant 0 : i32
        %dma_start3A_152 = arith.constant 0 : i32
        %dma_start3A_153 = tpu.memref_slice %arg17[%dma_start3A_151, %dma_start3A_152] : memref<10240x64xf32, #tpu.memory_space<vmem_shared>> -> memref<10240x64xf32, #tpu.memory_space<vmem_shared>>
        tpu.enqueue_indirect_dma source(%arg21 : memref<125x64xf32, #tpu.memory_space<vmem>>) target(%dma_start3A_153 : memref<10240x64xf32, #tpu.memory_space<vmem_shared>>) offsets(%dma_start3A_150 : memref<125xi32, #tpu.memory_space<vmem>>) semaphore(%run_scoped3A_147 : memref<!tpu.dma_semaphore, #tpu.memory_space<semaphore_mem>>) {add = true}
        %dma_wait3A_154 = arith.constant 0 : i32
        %dma_wait3A_155 = tpu.memref_slice %arg19[%add3A_146, %dma_wait3A_154] : memref<80x125xi32, #tpu.memory_space<vmem>> -> memref<1x125xi32, #tpu.memory_space<vmem>>
        %dma_wait3A_156 = tpu.memref_squeeze %dma_wait3A_155 : memref<1x125xi32, #tpu.memory_space<vmem>> -> memref<125xi32, #tpu.memory_space<vmem>>
        %dma_wait3A_157 = arith.constant 0 : i32
        %dma_wait3A_158 = arith.constant 0 : i32
        %dma_wait3A_159 = tpu.memref_slice %arg17[%dma_wait3A_157, %dma_wait3A_158] : memref<10240x64xf32, #tpu.memory_space<vmem_shared>> -> memref<10240x64xf32, #tpu.memory_space<vmem_shared>>
        tpu.wait_indirect_dma semaphore(%run_scoped3A_147 : memref<!tpu.dma_semaphore, #tpu.memory_space<semaphore_mem>>) src(%arg21 : memref<125x64xf32, #tpu.memory_space<vmem>>) dst(%dma_wait3A_159 : memref<10240x64xf32, #tpu.memory_space<vmem_shared>>)
        tpu.yield
      }) : () -> ()
    }
    %scan3A_68 = arith.constant 40 : i32
    %barrier3A_69 = arith.constant 0 : index
    tpu.barrier barrier_id(%barrier3A_69)
    %mul3A_70 = arith.constant 640 : i32
    %mul3A_71 = arith.muli %arg1, %mul3A_70 : i32
    %mul3A_72 = arith.constant 640 : i32
    %mul3A_73 = arith.muli %arg1, %mul3A_72 : i32
    %run_scoped3A_74 = arith.constant 1 : i32
    "tpu.region"() ({
      %run_scoped3A_117 = tpu.sem_alloc : memref<!tpu.dma_semaphore, #tpu.memory_space<semaphore_mem>>
      %dma_start3A_118 = arith.constant 0 : i32
      %dma_start3A_119 = tpu.memref_slice %arg16[%run_scoped3A_74, %arg0, %mul3A_73, %dma_start3A_118] : memref<3x2x10240x64xf32, #tpu.memory_space<hbm>> -> memref<1x1x640x64xf32, #tpu.memory_space<hbm>>
      %dma_start3A_120 = tpu.memref_squeeze %dma_start3A_119 : memref<1x1x640x64xf32, #tpu.memory_space<hbm>> -> memref<640x64xf32, #tpu.memory_space<hbm>>
      %dma_start3A_121 = arith.constant 0 : i32
      %dma_start3A_122 = tpu.memref_slice %arg17[%mul3A_71, %dma_start3A_121] : memref<10240x64xf32, #tpu.memory_space<vmem_shared>> -> memref<640x64xf32, #tpu.memory_space<vmem_shared>>
      tpu.enqueue_dma source(%dma_start3A_122 : memref<640x64xf32, #tpu.memory_space<vmem_shared>>) target(%dma_start3A_120 : memref<640x64xf32, #tpu.memory_space<hbm>>) target_semaphore(%run_scoped3A_117 : memref<!tpu.dma_semaphore, #tpu.memory_space<semaphore_mem>>)
      %dma_wait3A = arith.constant 0 : i32
      %dma_wait3A_123 = tpu.memref_slice %arg16[%run_scoped3A_74, %arg0, %mul3A_73, %dma_wait3A] : memref<3x2x10240x64xf32, #tpu.memory_space<hbm>> -> memref<1x1x640x64xf32, #tpu.memory_space<hbm>>
      %dma_wait3A_124 = tpu.memref_squeeze %dma_wait3A_123 : memref<1x1x640x64xf32, #tpu.memory_space<hbm>> -> memref<640x64xf32, #tpu.memory_space<hbm>>
      %dma_wait3A_125 = arith.constant 0 : i32
      %dma_wait3A_126 = tpu.memref_slice %arg17[%mul3A_71, %dma_wait3A_125] : memref<10240x64xf32, #tpu.memory_space<vmem_shared>> -> memref<640x64xf32, #tpu.memory_space<vmem_shared>>
      tpu.wait_dma2 semaphore(%run_scoped3A_117 : memref<!tpu.dma_semaphore, #tpu.memory_space<semaphore_mem>>) src(%dma_wait3A_126 : memref<640x64xf32, #tpu.memory_space<vmem_shared>>) dst(%dma_wait3A_124 : memref<640x64xf32, #tpu.memory_space<hbm>>)
      tpu.yield
    }) : () -> ()
    %barrier3A_75 = arith.constant 0 : index
    tpu.barrier barrier_id(%barrier3A_75)
    %mul3A_76 = arith.constant 640 : i32
    %mul3A_77 = arith.muli %arg1, %mul3A_76 : i32
    %add3A_78 = arith.constant 0 : i32
    %add3A_79 = arith.addi %mul3A_77, %add3A_78 : i32
    "tpu.region"() ({
      %run_scoped3A_117 = tpu.sem_alloc : memref<!tpu.dma_semaphore, #tpu.memory_space<semaphore_mem>>
      %dma_start3A_118 = arith.constant 0 : i32
      %dma_start3A_119 = tpu.memref_slice %arg17[%add3A_79, %dma_start3A_118] : memref<10240x64xf32, #tpu.memory_space<vmem_shared>> -> memref<128x64xf32, #tpu.memory_space<vmem_shared>>
      %dma_start3A_120 = arith.constant 0 : i32
      %dma_start3A_121 = tpu.memref_slice %arg17[%add3A_79, %dma_start3A_120] : memref<10240x64xf32, #tpu.memory_space<vmem_shared>> -> memref<128x64xf32, #tpu.memory_space<vmem_shared>>
      tpu.enqueue_dma source(%arg22 : memref<128x64xf32, #tpu.memory_space<vmem>>) target(%dma_start3A_121 : memref<128x64xf32, #tpu.memory_space<vmem_shared>>) target_semaphore(%run_scoped3A_117 : memref<!tpu.dma_semaphore, #tpu.memory_space<semaphore_mem>>)
      %dma_wait3A = arith.constant 0 : i32
      %dma_wait3A_122 = tpu.memref_slice %arg17[%add3A_79, %dma_wait3A] : memref<10240x64xf32, #tpu.memory_space<vmem_shared>> -> memref<128x64xf32, #tpu.memory_space<vmem_shared>>
      %dma_wait3A_123 = arith.constant 0 : i32
      %dma_wait3A_124 = tpu.memref_slice %arg17[%add3A_79, %dma_wait3A_123] : memref<10240x64xf32, #tpu.memory_space<vmem_shared>> -> memref<128x64xf32, #tpu.memory_space<vmem_shared>>
      tpu.wait_dma2 semaphore(%run_scoped3A_117 : memref<!tpu.dma_semaphore, #tpu.memory_space<semaphore_mem>>) src(%arg22 : memref<128x64xf32, #tpu.memory_space<vmem>>) dst(%dma_wait3A_124 : memref<128x64xf32, #tpu.memory_space<vmem_shared>>)
      tpu.yield
    }) : () -> ()
    %mul3A_80 = arith.constant 640 : i32
    %mul3A_81 = arith.muli %arg1, %mul3A_80 : i32
    %add3A_82 = arith.constant 128 : i32
    %add3A_83 = arith.addi %mul3A_81, %add3A_82 : i32
    "tpu.region"() ({
      %run_scoped3A_117 = tpu.sem_alloc : memref<!tpu.dma_semaphore, #tpu.memory_space<semaphore_mem>>
      %dma_start3A_118 = arith.constant 0 : i32
      %dma_start3A_119 = tpu.memref_slice %arg17[%add3A_83, %dma_start3A_118] : memref<10240x64xf32, #tpu.memory_space<vmem_shared>> -> memref<128x64xf32, #tpu.memory_space<vmem_shared>>
      %dma_start3A_120 = arith.constant 0 : i32
      %dma_start3A_121 = tpu.memref_slice %arg17[%add3A_83, %dma_start3A_120] : memref<10240x64xf32, #tpu.memory_space<vmem_shared>> -> memref<128x64xf32, #tpu.memory_space<vmem_shared>>
      tpu.enqueue_dma source(%arg22 : memref<128x64xf32, #tpu.memory_space<vmem>>) target(%dma_start3A_121 : memref<128x64xf32, #tpu.memory_space<vmem_shared>>) target_semaphore(%run_scoped3A_117 : memref<!tpu.dma_semaphore, #tpu.memory_space<semaphore_mem>>)
      %dma_wait3A = arith.constant 0 : i32
      %dma_wait3A_122 = tpu.memref_slice %arg17[%add3A_83, %dma_wait3A] : memref<10240x64xf32, #tpu.memory_space<vmem_shared>> -> memref<128x64xf32, #tpu.memory_space<vmem_shared>>
      %dma_wait3A_123 = arith.constant 0 : i32
      %dma_wait3A_124 = tpu.memref_slice %arg17[%add3A_83, %dma_wait3A_123] : memref<10240x64xf32, #tpu.memory_space<vmem_shared>> -> memref<128x64xf32, #tpu.memory_space<vmem_shared>>
      tpu.wait_dma2 semaphore(%run_scoped3A_117 : memref<!tpu.dma_semaphore, #tpu.memory_space<semaphore_mem>>) src(%arg22 : memref<128x64xf32, #tpu.memory_space<vmem>>) dst(%dma_wait3A_124 : memref<128x64xf32, #tpu.memory_space<vmem_shared>>)
      tpu.yield
    }) : () -> ()
    %mul3A_84 = arith.constant 640 : i32
    %mul3A_85 = arith.muli %arg1, %mul3A_84 : i32
    %add3A_86 = arith.constant 256 : i32
    %add3A_87 = arith.addi %mul3A_85, %add3A_86 : i32
    "tpu.region"() ({
      %run_scoped3A_117 = tpu.sem_alloc : memref<!tpu.dma_semaphore, #tpu.memory_space<semaphore_mem>>
      %dma_start3A_118 = arith.constant 0 : i32
      %dma_start3A_119 = tpu.memref_slice %arg17[%add3A_87, %dma_start3A_118] : memref<10240x64xf32, #tpu.memory_space<vmem_shared>> -> memref<128x64xf32, #tpu.memory_space<vmem_shared>>
      %dma_start3A_120 = arith.constant 0 : i32
      %dma_start3A_121 = tpu.memref_slice %arg17[%add3A_87, %dma_start3A_120] : memref<10240x64xf32, #tpu.memory_space<vmem_shared>> -> memref<128x64xf32, #tpu.memory_space<vmem_shared>>
      tpu.enqueue_dma source(%arg22 : memref<128x64xf32, #tpu.memory_space<vmem>>) target(%dma_start3A_121 : memref<128x64xf32, #tpu.memory_space<vmem_shared>>) target_semaphore(%run_scoped3A_117 : memref<!tpu.dma_semaphore, #tpu.memory_space<semaphore_mem>>)
      %dma_wait3A = arith.constant 0 : i32
      %dma_wait3A_122 = tpu.memref_slice %arg17[%add3A_87, %dma_wait3A] : memref<10240x64xf32, #tpu.memory_space<vmem_shared>> -> memref<128x64xf32, #tpu.memory_space<vmem_shared>>
      %dma_wait3A_123 = arith.constant 0 : i32
      %dma_wait3A_124 = tpu.memref_slice %arg17[%add3A_87, %dma_wait3A_123] : memref<10240x64xf32, #tpu.memory_space<vmem_shared>> -> memref<128x64xf32, #tpu.memory_space<vmem_shared>>
      tpu.wait_dma2 semaphore(%run_scoped3A_117 : memref<!tpu.dma_semaphore, #tpu.memory_space<semaphore_mem>>) src(%arg22 : memref<128x64xf32, #tpu.memory_space<vmem>>) dst(%dma_wait3A_124 : memref<128x64xf32, #tpu.memory_space<vmem_shared>>)
      tpu.yield
    }) : () -> ()
    %mul3A_88 = arith.constant 640 : i32
    %mul3A_89 = arith.muli %arg1, %mul3A_88 : i32
    %add3A_90 = arith.constant 384 : i32
    %add3A_91 = arith.addi %mul3A_89, %add3A_90 : i32
    "tpu.region"() ({
      %run_scoped3A_117 = tpu.sem_alloc : memref<!tpu.dma_semaphore, #tpu.memory_space<semaphore_mem>>
      %dma_start3A_118 = arith.constant 0 : i32
      %dma_start3A_119 = tpu.memref_slice %arg17[%add3A_91, %dma_start3A_118] : memref<10240x64xf32, #tpu.memory_space<vmem_shared>> -> memref<128x64xf32, #tpu.memory_space<vmem_shared>>
      %dma_start3A_120 = arith.constant 0 : i32
      %dma_start3A_121 = tpu.memref_slice %arg17[%add3A_91, %dma_start3A_120] : memref<10240x64xf32, #tpu.memory_space<vmem_shared>> -> memref<128x64xf32, #tpu.memory_space<vmem_shared>>
      tpu.enqueue_dma source(%arg22 : memref<128x64xf32, #tpu.memory_space<vmem>>) target(%dma_start3A_121 : memref<128x64xf32, #tpu.memory_space<vmem_shared>>) target_semaphore(%run_scoped3A_117 : memref<!tpu.dma_semaphore, #tpu.memory_space<semaphore_mem>>)
      %dma_wait3A = arith.constant 0 : i32
      %dma_wait3A_122 = tpu.memref_slice %arg17[%add3A_91, %dma_wait3A] : memref<10240x64xf32, #tpu.memory_space<vmem_shared>> -> memref<128x64xf32, #tpu.memory_space<vmem_shared>>
      %dma_wait3A_123 = arith.constant 0 : i32
      %dma_wait3A_124 = tpu.memref_slice %arg17[%add3A_91, %dma_wait3A_123] : memref<10240x64xf32, #tpu.memory_space<vmem_shared>> -> memref<128x64xf32, #tpu.memory_space<vmem_shared>>
      tpu.wait_dma2 semaphore(%run_scoped3A_117 : memref<!tpu.dma_semaphore, #tpu.memory_space<semaphore_mem>>) src(%arg22 : memref<128x64xf32, #tpu.memory_space<vmem>>) dst(%dma_wait3A_124 : memref<128x64xf32, #tpu.memory_space<vmem_shared>>)
      tpu.yield
    }) : () -> ()
    %mul3A_92 = arith.constant 640 : i32
    %mul3A_93 = arith.muli %arg1, %mul3A_92 : i32
    %add3A_94 = arith.constant 512 : i32
    %add3A_95 = arith.addi %mul3A_93, %add3A_94 : i32
    "tpu.region"() ({
      %run_scoped3A_117 = tpu.sem_alloc : memref<!tpu.dma_semaphore, #tpu.memory_space<semaphore_mem>>
      %dma_start3A_118 = arith.constant 0 : i32
      %dma_start3A_119 = tpu.memref_slice %arg17[%add3A_95, %dma_start3A_118] : memref<10240x64xf32, #tpu.memory_space<vmem_shared>> -> memref<128x64xf32, #tpu.memory_space<vmem_shared>>
      %dma_start3A_120 = arith.constant 0 : i32
      %dma_start3A_121 = tpu.memref_slice %arg17[%add3A_95, %dma_start3A_120] : memref<10240x64xf32, #tpu.memory_space<vmem_shared>> -> memref<128x64xf32, #tpu.memory_space<vmem_shared>>
      tpu.enqueue_dma source(%arg22 : memref<128x64xf32, #tpu.memory_space<vmem>>) target(%dma_start3A_121 : memref<128x64xf32, #tpu.memory_space<vmem_shared>>) target_semaphore(%run_scoped3A_117 : memref<!tpu.dma_semaphore, #tpu.memory_space<semaphore_mem>>)
      %dma_wait3A = arith.constant 0 : i32
      %dma_wait3A_122 = tpu.memref_slice %arg17[%add3A_95, %dma_wait3A] : memref<10240x64xf32, #tpu.memory_space<vmem_shared>> -> memref<128x64xf32, #tpu.memory_space<vmem_shared>>
      %dma_wait3A_123 = arith.constant 0 : i32
      %dma_wait3A_124 = tpu.memref_slice %arg17[%add3A_95, %dma_wait3A_123] : memref<10240x64xf32, #tpu.memory_space<vmem_shared>> -> memref<128x64xf32, #tpu.memory_space<vmem_shared>>
      tpu.wait_dma2 semaphore(%run_scoped3A_117 : memref<!tpu.dma_semaphore, #tpu.memory_space<semaphore_mem>>) src(%arg22 : memref<128x64xf32, #tpu.memory_space<vmem>>) dst(%dma_wait3A_124 : memref<128x64xf32, #tpu.memory_space<vmem_shared>>)
      tpu.yield
    }) : () -> ()
    %barrier3A_96 = arith.constant 0 : index
    tpu.barrier barrier_id(%barrier3A_96)
    "tpu.region"() ({
      %run_scoped3A_117 = tpu.sem_alloc : memref<!tpu.dma_semaphore, #tpu.memory_space<semaphore_mem>>
      %dma_start3A_118 = arith.constant 0 : i32
      %dma_start3A_119 = arith.constant 0 : i32
      %dma_start3A_120 = tpu.memref_slice %arg7[%arg0, %arg1, %dma_start3A_118, %dma_start3A_119] : memref<2x16x80x125xi32, #tpu.memory_space<hbm>> -> memref<1x1x80x125xi32, #tpu.memory_space<hbm>>
      %dma_start3A_121 = tpu.memref_squeeze %dma_start3A_120 : memref<1x1x80x125xi32, #tpu.memory_space<hbm>> -> memref<80x125xi32, #tpu.memory_space<hbm>>
      %dma_start3A_122 = arith.constant 0 : i32
      %dma_start3A_123 = arith.constant 0 : i32
      %dma_start3A_124 = tpu.memref_slice %arg7[%arg0, %arg1, %dma_start3A_122, %dma_start3A_123] : memref<2x16x80x125xi32, #tpu.memory_space<hbm>> -> memref<1x1x80x125xi32, #tpu.memory_space<hbm>>
      %dma_start3A_125 = tpu.memref_squeeze %dma_start3A_124 : memref<1x1x80x125xi32, #tpu.memory_space<hbm>> -> memref<80x125xi32, #tpu.memory_space<hbm>>
      tpu.enqueue_dma source(%dma_start3A_125 : memref<80x125xi32, #tpu.memory_space<hbm>>) target(%arg18 : memref<80x125xi32, #tpu.memory_space<vmem>>) target_semaphore(%run_scoped3A_117 : memref<!tpu.dma_semaphore, #tpu.memory_space<semaphore_mem>>)
      %dma_wait3A = arith.constant 0 : i32
      %dma_wait3A_126 = arith.constant 0 : i32
      %dma_wait3A_127 = tpu.memref_slice %arg7[%arg0, %arg1, %dma_wait3A, %dma_wait3A_126] : memref<2x16x80x125xi32, #tpu.memory_space<hbm>> -> memref<1x1x80x125xi32, #tpu.memory_space<hbm>>
      %dma_wait3A_128 = tpu.memref_squeeze %dma_wait3A_127 : memref<1x1x80x125xi32, #tpu.memory_space<hbm>> -> memref<80x125xi32, #tpu.memory_space<hbm>>
      %dma_wait3A_129 = arith.constant 0 : i32
      %dma_wait3A_130 = arith.constant 0 : i32
      %dma_wait3A_131 = tpu.memref_slice %arg7[%arg0, %arg1, %dma_wait3A_129, %dma_wait3A_130] : memref<2x16x80x125xi32, #tpu.memory_space<hbm>> -> memref<1x1x80x125xi32, #tpu.memory_space<hbm>>
      %dma_wait3A_132 = tpu.memref_squeeze %dma_wait3A_131 : memref<1x1x80x125xi32, #tpu.memory_space<hbm>> -> memref<80x125xi32, #tpu.memory_space<hbm>>
      tpu.wait_dma2 semaphore(%run_scoped3A_117 : memref<!tpu.dma_semaphore, #tpu.memory_space<semaphore_mem>>) src(%dma_wait3A_132 : memref<80x125xi32, #tpu.memory_space<hbm>>) dst(%arg18 : memref<80x125xi32, #tpu.memory_space<vmem>>)
      tpu.yield
    }) : () -> ()
    "tpu.region"() ({
      %run_scoped3A_117 = tpu.sem_alloc : memref<!tpu.dma_semaphore, #tpu.memory_space<semaphore_mem>>
      %dma_start3A_118 = arith.constant 0 : i32
      %dma_start3A_119 = arith.constant 0 : i32
      %dma_start3A_120 = tpu.memref_slice %arg10[%arg0, %arg1, %dma_start3A_118, %dma_start3A_119] : memref<2x16x80x125xi32, #tpu.memory_space<hbm>> -> memref<1x1x80x125xi32, #tpu.memory_space<hbm>>
      %dma_start3A_121 = tpu.memref_squeeze %dma_start3A_120 : memref<1x1x80x125xi32, #tpu.memory_space<hbm>> -> memref<80x125xi32, #tpu.memory_space<hbm>>
      %dma_start3A_122 = arith.constant 0 : i32
      %dma_start3A_123 = arith.constant 0 : i32
      %dma_start3A_124 = tpu.memref_slice %arg10[%arg0, %arg1, %dma_start3A_122, %dma_start3A_123] : memref<2x16x80x125xi32, #tpu.memory_space<hbm>> -> memref<1x1x80x125xi32, #tpu.memory_space<hbm>>
      %dma_start3A_125 = tpu.memref_squeeze %dma_start3A_124 : memref<1x1x80x125xi32, #tpu.memory_space<hbm>> -> memref<80x125xi32, #tpu.memory_space<hbm>>
      tpu.enqueue_dma source(%dma_start3A_125 : memref<80x125xi32, #tpu.memory_space<hbm>>) target(%arg19 : memref<80x125xi32, #tpu.memory_space<vmem>>) target_semaphore(%run_scoped3A_117 : memref<!tpu.dma_semaphore, #tpu.memory_space<semaphore_mem>>)
      %dma_wait3A = arith.constant 0 : i32
      %dma_wait3A_126 = arith.constant 0 : i32
      %dma_wait3A_127 = tpu.memref_slice %arg10[%arg0, %arg1, %dma_wait3A, %dma_wait3A_126] : memref<2x16x80x125xi32, #tpu.memory_space<hbm>> -> memref<1x1x80x125xi32, #tpu.memory_space<hbm>>
      %dma_wait3A_128 = tpu.memref_squeeze %dma_wait3A_127 : memref<1x1x80x125xi32, #tpu.memory_space<hbm>> -> memref<80x125xi32, #tpu.memory_space<hbm>>
      %dma_wait3A_129 = arith.constant 0 : i32
      %dma_wait3A_130 = arith.constant 0 : i32
      %dma_wait3A_131 = tpu.memref_slice %arg10[%arg0, %arg1, %dma_wait3A_129, %dma_wait3A_130] : memref<2x16x80x125xi32, #tpu.memory_space<hbm>> -> memref<1x1x80x125xi32, #tpu.memory_space<hbm>>
      %dma_wait3A_132 = tpu.memref_squeeze %dma_wait3A_131 : memref<1x1x80x125xi32, #tpu.memory_space<hbm>> -> memref<80x125xi32, #tpu.memory_space<hbm>>
      tpu.wait_dma2 semaphore(%run_scoped3A_117 : memref<!tpu.dma_semaphore, #tpu.memory_space<semaphore_mem>>) src(%dma_wait3A_132 : memref<80x125xi32, #tpu.memory_space<hbm>>) dst(%arg19 : memref<80x125xi32, #tpu.memory_space<vmem>>)
      tpu.yield
    }) : () -> ()
    %dma_start3A_97 = arith.constant 0 : i32
    %dma_start3A_98 = arith.constant 0 : i32
    %dma_start3A_99 = tpu.memref_slice %arg18[%dma_start3A_97, %dma_start3A_98] : memref<80x125xi32, #tpu.memory_space<vmem>> -> memref<1x125xi32, #tpu.memory_space<vmem>>
    %dma_start3A_100 = tpu.memref_squeeze %dma_start3A_99 : memref<1x125xi32, #tpu.memory_space<vmem>> -> memref<125xi32, #tpu.memory_space<vmem>>
    %dma_start3A_101 = arith.constant 0 : i32
    %dma_start3A_102 = arith.constant 0 : i32
    %dma_start3A_103 = tpu.memref_slice %arg4[%dma_start3A_101, %dma_start3A_102] : memref<10000x64xf32, #tpu.memory_space<hbm>> -> memref<10000x64xf32, #tpu.memory_space<hbm>>
    tpu.enqueue_indirect_dma source(%dma_start3A_103 : memref<10000x64xf32, #tpu.memory_space<hbm>>) target(%arg20 : memref<125x64xf32, #tpu.memory_space<vmem>>) offsets(%dma_start3A_100 : memref<125xi32, #tpu.memory_space<vmem>>) semaphore(%arg23 : memref<!tpu.dma_semaphore, #tpu.memory_space<semaphore_mem>>)
    %scan3A_104 = arith.constant 0 : i32
    %scan3A_105 = arith.constant 0 : i32
    %scan3A_106 = arith.constant 40 : i32
    %scan3A_107 = arith.addi %scan3A_105, %scan3A_106 : i32
    %scan3A_108 = arith.constant 1 : i32
    scf.for %scan3A_117 = %scan3A_105 to %scan3A_107 step %scan3A_108  : i32 {
      %mul3A_118 = arith.constant 2 : i32
      %mul3A_119 = arith.muli %scan3A_117, %mul3A_118 : i32
      %add3A_120 = arith.constant 1 : i32
      %add3A_121 = arith.addi %mul3A_119, %add3A_120 : i32
      %dma_start3A_122 = arith.constant 0 : i32
      %dma_start3A_123 = tpu.memref_slice %arg18[%add3A_121, %dma_start3A_122] : memref<80x125xi32, #tpu.memory_space<vmem>> -> memref<1x125xi32, #tpu.memory_space<vmem>>
      %dma_start3A_124 = tpu.memref_squeeze %dma_start3A_123 : memref<1x125xi32, #tpu.memory_space<vmem>> -> memref<125xi32, #tpu.memory_space<vmem>>
      %dma_start3A_125 = arith.constant 0 : i32
      %dma_start3A_126 = arith.constant 0 : i32
      %dma_start3A_127 = tpu.memref_slice %arg4[%dma_start3A_125, %dma_start3A_126] : memref<10000x64xf32, #tpu.memory_space<hbm>> -> memref<10000x64xf32, #tpu.memory_space<hbm>>
      tpu.enqueue_indirect_dma source(%dma_start3A_127 : memref<10000x64xf32, #tpu.memory_space<hbm>>) target(%arg21 : memref<125x64xf32, #tpu.memory_space<vmem>>) offsets(%dma_start3A_124 : memref<125xi32, #tpu.memory_space<vmem>>) semaphore(%arg24 : memref<!tpu.dma_semaphore, #tpu.memory_space<semaphore_mem>>)
      %dma_wait3A = arith.constant 0 : i32
      %dma_wait3A_128 = tpu.memref_slice %arg18[%mul3A_119, %dma_wait3A] : memref<80x125xi32, #tpu.memory_space<vmem>> -> memref<1x125xi32, #tpu.memory_space<vmem>>
      %dma_wait3A_129 = tpu.memref_squeeze %dma_wait3A_128 : memref<1x125xi32, #tpu.memory_space<vmem>> -> memref<125xi32, #tpu.memory_space<vmem>>
      %dma_wait3A_130 = arith.constant 0 : i32
      %dma_wait3A_131 = arith.constant 0 : i32
      %dma_wait3A_132 = tpu.memref_slice %arg4[%dma_wait3A_130, %dma_wait3A_131] : memref<10000x64xf32, #tpu.memory_space<hbm>> -> memref<10000x64xf32, #tpu.memory_space<hbm>>
      tpu.wait_indirect_dma semaphore(%arg23 : memref<!tpu.dma_semaphore, #tpu.memory_space<semaphore_mem>>) src(%dma_wait3A_132 : memref<10000x64xf32, #tpu.memory_space<hbm>>) dst(%arg20 : memref<125x64xf32, #tpu.memory_space<vmem>>)
      "tpu.region"() ({
        %run_scoped3A_147 = tpu.sem_alloc : memref<!tpu.dma_semaphore, #tpu.memory_space<semaphore_mem>>
        %dma_start3A_148 = arith.constant 0 : i32
        %dma_start3A_149 = tpu.memref_slice %arg19[%mul3A_119, %dma_start3A_148] : memref<80x125xi32, #tpu.memory_space<vmem>> -> memref<1x125xi32, #tpu.memory_space<vmem>>
        %dma_start3A_150 = tpu.memref_squeeze %dma_start3A_149 : memref<1x125xi32, #tpu.memory_space<vmem>> -> memref<125xi32, #tpu.memory_space<vmem>>
        %dma_start3A_151 = arith.constant 0 : i32
        %dma_start3A_152 = arith.constant 0 : i32
        %dma_start3A_153 = tpu.memref_slice %arg17[%dma_start3A_151, %dma_start3A_152] : memref<10240x64xf32, #tpu.memory_space<vmem_shared>> -> memref<10240x64xf32, #tpu.memory_space<vmem_shared>>
        tpu.enqueue_indirect_dma source(%arg20 : memref<125x64xf32, #tpu.memory_space<vmem>>) target(%dma_start3A_153 : memref<10240x64xf32, #tpu.memory_space<vmem_shared>>) offsets(%dma_start3A_150 : memref<125xi32, #tpu.memory_space<vmem>>) semaphore(%run_scoped3A_147 : memref<!tpu.dma_semaphore, #tpu.memory_space<semaphore_mem>>) {add = true}
        %dma_wait3A_154 = arith.constant 0 : i32
        %dma_wait3A_155 = tpu.memref_slice %arg19[%mul3A_119, %dma_wait3A_154] : memref<80x125xi32, #tpu.memory_space<vmem>> -> memref<1x125xi32, #tpu.memory_space<vmem>>
        %dma_wait3A_156 = tpu.memref_squeeze %dma_wait3A_155 : memref<1x125xi32, #tpu.memory_space<vmem>> -> memref<125xi32, #tpu.memory_space<vmem>>
        %dma_wait3A_157 = arith.constant 0 : i32
        %dma_wait3A_158 = arith.constant 0 : i32
        %dma_wait3A_159 = tpu.memref_slice %arg17[%dma_wait3A_157, %dma_wait3A_158] : memref<10240x64xf32, #tpu.memory_space<vmem_shared>> -> memref<10240x64xf32, #tpu.memory_space<vmem_shared>>
        tpu.wait_indirect_dma semaphore(%run_scoped3A_147 : memref<!tpu.dma_semaphore, #tpu.memory_space<semaphore_mem>>) src(%arg20 : memref<125x64xf32, #tpu.memory_space<vmem>>) dst(%dma_wait3A_159 : memref<10240x64xf32, #tpu.memory_space<vmem_shared>>)
        tpu.yield
      }) : () -> ()
      %add3A_133 = arith.constant 1 : i32
      %add3A_134 = arith.addi %scan3A_117, %add3A_133 : i32
      %lt3A = arith.constant 40 : i32
      %lt3A_135 = arith.cmpi slt, %add3A_134, %lt3A : i32
      %convert_element_type3A = arith.extui %lt3A_135 : i1 to i32
      %cond3A = arith.constant 0 : i32
      %cond3A_136 = arith.cmpi ne, %convert_element_type3A, %cond3A : i32
      scf.if %cond3A_136 {
        %add3A_147 = arith.constant 2 : i32
        %add3A_148 = arith.addi %mul3A_119, %add3A_147 : i32
        %dma_start3A_149 = arith.constant 0 : i32
        %dma_start3A_150 = tpu.memref_slice %arg18[%add3A_148, %dma_start3A_149] : memref<80x125xi32, #tpu.memory_space<vmem>> -> memref<1x125xi32, #tpu.memory_space<vmem>>
        %dma_start3A_151 = tpu.memref_squeeze %dma_start3A_150 : memref<1x125xi32, #tpu.memory_space<vmem>> -> memref<125xi32, #tpu.memory_space<vmem>>
        %dma_start3A_152 = arith.constant 0 : i32
        %dma_start3A_153 = arith.constant 0 : i32
        %dma_start3A_154 = tpu.memref_slice %arg4[%dma_start3A_152, %dma_start3A_153] : memref<10000x64xf32, #tpu.memory_space<hbm>> -> memref<10000x64xf32, #tpu.memory_space<hbm>>
        tpu.enqueue_indirect_dma source(%dma_start3A_154 : memref<10000x64xf32, #tpu.memory_space<hbm>>) target(%arg20 : memref<125x64xf32, #tpu.memory_space<vmem>>) offsets(%dma_start3A_151 : memref<125xi32, #tpu.memory_space<vmem>>) semaphore(%arg23 : memref<!tpu.dma_semaphore, #tpu.memory_space<semaphore_mem>>)
      } else {
      }
      %add3A_137 = arith.constant 1 : i32
      %add3A_138 = arith.addi %mul3A_119, %add3A_137 : i32
      %dma_wait3A_139 = arith.constant 0 : i32
      %dma_wait3A_140 = tpu.memref_slice %arg18[%add3A_138, %dma_wait3A_139] : memref<80x125xi32, #tpu.memory_space<vmem>> -> memref<1x125xi32, #tpu.memory_space<vmem>>
      %dma_wait3A_141 = tpu.memref_squeeze %dma_wait3A_140 : memref<1x125xi32, #tpu.memory_space<vmem>> -> memref<125xi32, #tpu.memory_space<vmem>>
      %dma_wait3A_142 = arith.constant 0 : i32
      %dma_wait3A_143 = arith.constant 0 : i32
      %dma_wait3A_144 = tpu.memref_slice %arg4[%dma_wait3A_142, %dma_wait3A_143] : memref<10000x64xf32, #tpu.memory_space<hbm>> -> memref<10000x64xf32, #tpu.memory_space<hbm>>
      tpu.wait_indirect_dma semaphore(%arg24 : memref<!tpu.dma_semaphore, #tpu.memory_space<semaphore_mem>>) src(%dma_wait3A_144 : memref<10000x64xf32, #tpu.memory_space<hbm>>) dst(%arg21 : memref<125x64xf32, #tpu.memory_space<vmem>>)
      %add3A_145 = arith.constant 1 : i32
      %add3A_146 = arith.addi %mul3A_119, %add3A_145 : i32
      "tpu.region"() ({
        %run_scoped3A_147 = tpu.sem_alloc : memref<!tpu.dma_semaphore, #tpu.memory_space<semaphore_mem>>
        %dma_start3A_148 = arith.constant 0 : i32
        %dma_start3A_149 = tpu.memref_slice %arg19[%add3A_146, %dma_start3A_148] : memref<80x125xi32, #tpu.memory_space<vmem>> -> memref<1x125xi32, #tpu.memory_space<vmem>>
        %dma_start3A_150 = tpu.memref_squeeze %dma_start3A_149 : memref<1x125xi32, #tpu.memory_space<vmem>> -> memref<125xi32, #tpu.memory_space<vmem>>
        %dma_start3A_151 = arith.constant 0 : i32
        %dma_start3A_152 = arith.constant 0 : i32
        %dma_start3A_153 = tpu.memref_slice %arg17[%dma_start3A_151, %dma_start3A_152] : memref<10240x64xf32, #tpu.memory_space<vmem_shared>> -> memref<10240x64xf32, #tpu.memory_space<vmem_shared>>
        tpu.enqueue_indirect_dma source(%arg21 : memref<125x64xf32, #tpu.memory_space<vmem>>) target(%dma_start3A_153 : memref<10240x64xf32, #tpu.memory_space<vmem_shared>>) offsets(%dma_start3A_150 : memref<125xi32, #tpu.memory_space<vmem>>) semaphore(%run_scoped3A_147 : memref<!tpu.dma_semaphore, #tpu.memory_space<semaphore_mem>>) {add = true}
        %dma_wait3A_154 = arith.constant 0 : i32
        %dma_wait3A_155 = tpu.memref_slice %arg19[%add3A_146, %dma_wait3A_154] : memref<80x125xi32, #tpu.memory_space<vmem>> -> memref<1x125xi32, #tpu.memory_space<vmem>>
        %dma_wait3A_156 = tpu.memref_squeeze %dma_wait3A_155 : memref<1x125xi32, #tpu.memory_space<vmem>> -> memref<125xi32, #tpu.memory_space<vmem>>
        %dma_wait3A_157 = arith.constant 0 : i32
        %dma_wait3A_158 = arith.constant 0 : i32
        %dma_wait3A_159 = tpu.memref_slice %arg17[%dma_wait3A_157, %dma_wait3A_158] : memref<10240x64xf32, #tpu.memory_space<vmem_shared>> -> memref<10240x64xf32, #tpu.memory_space<vmem_shared>>
        tpu.wait_indirect_dma semaphore(%run_scoped3A_147 : memref<!tpu.dma_semaphore, #tpu.memory_space<semaphore_mem>>) src(%arg21 : memref<125x64xf32, #tpu.memory_space<vmem>>) dst(%dma_wait3A_159 : memref<10240x64xf32, #tpu.memory_space<vmem_shared>>)
        tpu.yield
      }) : () -> ()
    }
    %scan3A_109 = arith.constant 40 : i32
    %barrier3A_110 = arith.constant 0 : index
    tpu.barrier barrier_id(%barrier3A_110)
    %mul3A_111 = arith.constant 640 : i32
    %mul3A_112 = arith.muli %arg1, %mul3A_111 : i32
    %mul3A_113 = arith.constant 640 : i32
    %mul3A_114 = arith.muli %arg1, %mul3A_113 : i32
    %run_scoped3A_115 = arith.constant 2 : i32
    "tpu.region"() ({
      %run_scoped3A_117 = tpu.sem_alloc : memref<!tpu.dma_semaphore, #tpu.memory_space<semaphore_mem>>
      %dma_start3A_118 = arith.constant 0 : i32
      %dma_start3A_119 = tpu.memref_slice %arg16[%run_scoped3A_115, %arg0, %mul3A_114, %dma_start3A_118] : memref<3x2x10240x64xf32, #tpu.memory_space<hbm>> -> memref<1x1x640x64xf32, #tpu.memory_space<hbm>>
      %dma_start3A_120 = tpu.memref_squeeze %dma_start3A_119 : memref<1x1x640x64xf32, #tpu.memory_space<hbm>> -> memref<640x64xf32, #tpu.memory_space<hbm>>
      %dma_start3A_121 = arith.constant 0 : i32
      %dma_start3A_122 = tpu.memref_slice %arg17[%mul3A_112, %dma_start3A_121] : memref<10240x64xf32, #tpu.memory_space<vmem_shared>> -> memref<640x64xf32, #tpu.memory_space<vmem_shared>>
      tpu.enqueue_dma source(%dma_start3A_122 : memref<640x64xf32, #tpu.memory_space<vmem_shared>>) target(%dma_start3A_120 : memref<640x64xf32, #tpu.memory_space<hbm>>) target_semaphore(%run_scoped3A_117 : memref<!tpu.dma_semaphore, #tpu.memory_space<semaphore_mem>>)
      %dma_wait3A = arith.constant 0 : i32
      %dma_wait3A_123 = tpu.memref_slice %arg16[%run_scoped3A_115, %arg0, %mul3A_114, %dma_wait3A] : memref<3x2x10240x64xf32, #tpu.memory_space<hbm>> -> memref<1x1x640x64xf32, #tpu.memory_space<hbm>>
      %dma_wait3A_124 = tpu.memref_squeeze %dma_wait3A_123 : memref<1x1x640x64xf32, #tpu.memory_space<hbm>> -> memref<640x64xf32, #tpu.memory_space<hbm>>
      %dma_wait3A_125 = arith.constant 0 : i32
      %dma_wait3A_126 = tpu.memref_slice %arg17[%mul3A_112, %dma_wait3A_125] : memref<10240x64xf32, #tpu.memory_space<vmem_shared>> -> memref<640x64xf32, #tpu.memory_space<vmem_shared>>
      tpu.wait_dma2 semaphore(%run_scoped3A_117 : memref<!tpu.dma_semaphore, #tpu.memory_space<semaphore_mem>>) src(%dma_wait3A_126 : memref<640x64xf32, #tpu.memory_space<vmem_shared>>) dst(%dma_wait3A_124 : memref<640x64xf32, #tpu.memory_space<hbm>>)
      tpu.yield
    }) : () -> ()
    %barrier3A_116 = arith.constant 0 : index
    tpu.barrier barrier_id(%barrier3A_116)
    return
  }
}

module attributes {stable_mosaic.version = 14 : i64} {
  func.func @_tc1_body(%arg0: i32, %arg1: memref<512x128xf32, #tpu.memory_space<vmem>>, %arg2: memref<512x128xf32, #tpu.memory_space<vmem>>, %arg3: memref<128x64xf32, #tpu.memory_space<vmem>>, %arg4: memref<128x64xf32, #tpu.memory_space<vmem>>, %arg5: memref<128x64xf32, #tpu.memory_space<vmem>>, %arg6: memref<128x64xf32, #tpu.memory_space<vmem>>, %arg7: memref<128x64xf32, #tpu.memory_space<vmem>>, %arg8: memref<128x64xf32, #tpu.memory_space<vmem>>, %arg9: memref<1x64xf32, #tpu.memory_space<vmem>>, %arg10: memref<1x64xf32, #tpu.memory_space<vmem>>, %arg11: memref<1x64xf32, #tpu.memory_space<vmem>>, %arg12: memref<512x64xf32, #tpu.memory_space<vmem>>, %arg13: memref<512x64xf32, #tpu.memory_space<vmem>>, %arg14: memref<512x64xf32, #tpu.memory_space<vmem>>, %arg15: memref<512x64xf32, #tpu.memory_space<vmem>>, %arg16: memref<512x64xf32, #tpu.memory_space<vmem>>) attributes {dimension_semantics = [#tpu.dimension_semantics<arbitrary>], iteration_bounds = array<i64: 20>, scalar_prefetch = 0 : i64, scratch_operands = 0 : i64, tpu.core_type = #tpu.core_type<tc>, window_params = [{transform_indices = @transform_0, window_bounds = array<i64: 512, 128>}, {transform_indices = @transform_1, window_bounds = array<i64: 512, 128>}, {pipeline_mode = #tpu.pipeline_mode<synchronous>, transform_indices = @transform_2, window_bounds = array<i64: 128, 64>}, {pipeline_mode = #tpu.pipeline_mode<synchronous>, transform_indices = @transform_3, window_bounds = array<i64: 128, 64>}, {pipeline_mode = #tpu.pipeline_mode<synchronous>, transform_indices = @transform_4, window_bounds = array<i64: 128, 64>}, {pipeline_mode = #tpu.pipeline_mode<synchronous>, transform_indices = @transform_5, window_bounds = array<i64: 128, 64>}, {pipeline_mode = #tpu.pipeline_mode<synchronous>, transform_indices = @transform_6, window_bounds = array<i64: 128, 64>}, {pipeline_mode = #tpu.pipeline_mode<synchronous>, transform_indices = @transform_7, window_bounds = array<i64: 128, 64>}, {pipeline_mode = #tpu.pipeline_mode<synchronous>, transform_indices = @transform_8, window_bounds = array<i64: 1, 64>}, {pipeline_mode = #tpu.pipeline_mode<synchronous>, transform_indices = @transform_9, window_bounds = array<i64: 1, 64>}, {pipeline_mode = #tpu.pipeline_mode<synchronous>, transform_indices = @transform_10, window_bounds = array<i64: 1, 64>}, {transform_indices = @transform_11, window_bounds = array<i64: 512, 64>}, {transform_indices = @transform_12, window_bounds = array<i64: 512, 64>}, {transform_indices = @transform_13, window_bounds = array<i64: 512, 64>}, {transform_indices = @transform_14, window_bounds = array<i64: 512, 64>}, {transform_indices = @transform_15, window_bounds = array<i64: 512, 64>}]} {
    %get3A = arith.constant 0 : index
    %get3A_0 = arith.constant 0 : index
    %get3A_1 = vector.load %arg1[%get3A, %get3A_0] : memref<512x128xf32, #tpu.memory_space<vmem>>, vector<512x128xf32>
    %get3A_2 = arith.constant 0 : index
    %get3A_3 = arith.constant 0 : index
    %get3A_4 = vector.load %arg3[%get3A_2, %get3A_3] : memref<128x64xf32, #tpu.memory_space<vmem>>, vector<128x64xf32>
    %dot_general3A = arith.constant dense<0.000000e+00> : vector<512x64xf32>
    %dot_general3A_5 = tpu.matmul %get3A_1, %get3A_4, %dot_general3A {dimension_numbers = #tpu.dot_dimension_numbers<[1], [0], [0], [1], [0, 0, 1, 1], [], []>, transpose_lhs_hint = false} : vector<512x128xf32>, vector<128x64xf32>, vector<512x64xf32> -> vector<512x64xf32>
    %swap3A = arith.constant 0 : index
    %swap3A_6 = arith.constant 0 : index
    %swap3A_7 = vector.load %arg12[%swap3A, %swap3A_6] : memref<512x64xf32, #tpu.memory_space<vmem>>, vector<512x64xf32>
    tpu.vector_store %arg12[%swap3A, %swap3A_6], %dot_general3A_5 {strides = array<i32>} : memref<512x64xf32, #tpu.memory_space<vmem>>, vector<512x64xf32>,
    %get3A_8 = arith.constant 0 : index
    %get3A_9 = arith.constant 0 : index
    %get3A_10 = vector.load %arg2[%get3A_8, %get3A_9] : memref<512x128xf32, #tpu.memory_space<vmem>>, vector<512x128xf32>
    %get3A_11 = arith.constant 0 : index
    %get3A_12 = arith.constant 0 : index
    %get3A_13 = vector.load %arg4[%get3A_11, %get3A_12] : memref<128x64xf32, #tpu.memory_space<vmem>>, vector<128x64xf32>
    %dot_general3A_14 = arith.constant dense<0.000000e+00> : vector<512x64xf32>
    %dot_general3A_15 = tpu.matmul %get3A_10, %get3A_13, %dot_general3A_14 {dimension_numbers = #tpu.dot_dimension_numbers<[1], [0], [0], [1], [0, 0, 1, 1], [], []>, transpose_lhs_hint = false} : vector<512x128xf32>, vector<128x64xf32>, vector<512x64xf32> -> vector<512x64xf32>
    %swap3A_16 = arith.constant 0 : index
    %swap3A_17 = arith.constant 0 : index
    %swap3A_18 = vector.load %arg13[%swap3A_16, %swap3A_17] : memref<512x64xf32, #tpu.memory_space<vmem>>, vector<512x64xf32>
    tpu.vector_store %arg13[%swap3A_16, %swap3A_17], %dot_general3A_15 {strides = array<i32>} : memref<512x64xf32, #tpu.memory_space<vmem>>, vector<512x64xf32>,
    %get3A_19 = arith.constant 0 : index
    %get3A_20 = arith.constant 0 : index
    %get3A_21 = vector.load %arg2[%get3A_19, %get3A_20] : memref<512x128xf32, #tpu.memory_space<vmem>>, vector<512x128xf32>
    %get3A_22 = arith.constant 0 : index
    %get3A_23 = arith.constant 0 : index
    %get3A_24 = vector.load %arg5[%get3A_22, %get3A_23] : memref<128x64xf32, #tpu.memory_space<vmem>>, vector<128x64xf32>
    %dot_general3A_25 = arith.constant dense<0.000000e+00> : vector<512x64xf32>
    %dot_general3A_26 = tpu.matmul %get3A_21, %get3A_24, %dot_general3A_25 {dimension_numbers = #tpu.dot_dimension_numbers<[1], [0], [0], [1], [0, 0, 1, 1], [], []>, transpose_lhs_hint = false} : vector<512x128xf32>, vector<128x64xf32>, vector<512x64xf32> -> vector<512x64xf32>
    %swap3A_27 = arith.constant 0 : index
    %swap3A_28 = arith.constant 0 : index
    %swap3A_29 = vector.load %arg14[%swap3A_27, %swap3A_28] : memref<512x64xf32, #tpu.memory_space<vmem>>, vector<512x64xf32>
    tpu.vector_store %arg14[%swap3A_27, %swap3A_28], %dot_general3A_26 {strides = array<i32>} : memref<512x64xf32, #tpu.memory_space<vmem>>, vector<512x64xf32>,
    %get3A_30 = arith.constant 0 : index
    %get3A_31 = arith.constant 0 : index
    %get3A_32 = vector.load %arg2[%get3A_30, %get3A_31] : memref<512x128xf32, #tpu.memory_space<vmem>>, vector<512x128xf32>
    %get3A_33 = arith.constant 0 : index
    %get3A_34 = arith.constant 0 : index
    %get3A_35 = vector.load %arg6[%get3A_33, %get3A_34] : memref<128x64xf32, #tpu.memory_space<vmem>>, vector<128x64xf32>
    %get3A_36 = arith.constant 0 : index
    %get3A_37 = arith.constant 0 : index
    %get3A_38 = vector.load %arg7[%get3A_36, %get3A_37] : memref<128x64xf32, #tpu.memory_space<vmem>>, vector<128x64xf32>
    %add3A = arith.addf %get3A_35, %get3A_38 : vector<128x64xf32>
    %dot_general3A_39 = arith.constant dense<0.000000e+00> : vector<512x64xf32>
    %dot_general3A_40 = tpu.matmul %get3A_32, %add3A, %dot_general3A_39 {dimension_numbers = #tpu.dot_dimension_numbers<[1], [0], [0], [1], [0, 0, 1, 1], [], []>, transpose_lhs_hint = false} : vector<512x128xf32>, vector<128x64xf32>, vector<512x64xf32> -> vector<512x64xf32>
    %get3A_41 = arith.constant 0 : index
    %get3A_42 = arith.constant 0 : index
    %get3A_43 = vector.load %arg9[%get3A_41, %get3A_42] : memref<1x64xf32, #tpu.memory_space<vmem>>, vector<1x64xf32>
    %add3A_44 = vector.broadcast %get3A_43 : vector<1x64xf32> to vector<512x64xf32>
    %add3A_45 = arith.addf %dot_general3A_40, %add3A_44 : vector<512x64xf32>
    %get3A_46 = arith.constant 0 : index
    %get3A_47 = arith.constant 0 : index
    %get3A_48 = vector.load %arg10[%get3A_46, %get3A_47] : memref<1x64xf32, #tpu.memory_space<vmem>>, vector<1x64xf32>
    %add3A_49 = vector.broadcast %get3A_48 : vector<1x64xf32> to vector<512x64xf32>
    %add3A_50 = arith.addf %add3A_45, %add3A_49 : vector<512x64xf32>
    %swap3A_51 = arith.constant 0 : index
    %swap3A_52 = arith.constant 0 : index
    %swap3A_53 = vector.load %arg15[%swap3A_51, %swap3A_52] : memref<512x64xf32, #tpu.memory_space<vmem>>, vector<512x64xf32>
    tpu.vector_store %arg15[%swap3A_51, %swap3A_52], %add3A_50 {strides = array<i32>} : memref<512x64xf32, #tpu.memory_space<vmem>>, vector<512x64xf32>,
    %get3A_54 = arith.constant 0 : index
    %get3A_55 = arith.constant 0 : index
    %get3A_56 = vector.load %arg1[%get3A_54, %get3A_55] : memref<512x128xf32, #tpu.memory_space<vmem>>, vector<512x128xf32>
    %get3A_57 = arith.constant 0 : index
    %get3A_58 = arith.constant 0 : index
    %get3A_59 = vector.load %arg8[%get3A_57, %get3A_58] : memref<128x64xf32, #tpu.memory_space<vmem>>, vector<128x64xf32>
    %dot_general3A_60 = arith.constant dense<0.000000e+00> : vector<512x64xf32>
    %dot_general3A_61 = tpu.matmul %get3A_56, %get3A_59, %dot_general3A_60 {dimension_numbers = #tpu.dot_dimension_numbers<[1], [0], [0], [1], [0, 0, 1, 1], [], []>, transpose_lhs_hint = false} : vector<512x128xf32>, vector<128x64xf32>, vector<512x64xf32> -> vector<512x64xf32>
    %get3A_62 = arith.constant 0 : index
    %get3A_63 = arith.constant 0 : index
    %get3A_64 = vector.load %arg11[%get3A_62, %get3A_63] : memref<1x64xf32, #tpu.memory_space<vmem>>, vector<1x64xf32>
    %add3A_65 = vector.broadcast %get3A_64 : vector<1x64xf32> to vector<512x64xf32>
    %add3A_66 = arith.addf %dot_general3A_61, %add3A_65 : vector<512x64xf32>
    %swap3A_67 = arith.constant 0 : index
    %swap3A_68 = arith.constant 0 : index
    %swap3A_69 = vector.load %arg16[%swap3A_67, %swap3A_68] : memref<512x64xf32, #tpu.memory_space<vmem>>, vector<512x64xf32>
    tpu.vector_store %arg16[%swap3A_67, %swap3A_68], %add3A_66 {strides = array<i32>} : memref<512x64xf32, #tpu.memory_space<vmem>>, vector<512x64xf32>,
    return
  }
  func.func @transform_0(%arg0: i32) -> (i32, i32) {
    %c0_i32 = arith.constant 0 : i32
    %c0_i32_0 = arith.constant 0 : i32
    return %arg0, %c0_i32 : i32, i32
  }
  func.func @transform_1(%arg0: i32) -> (i32, i32) {
    %c0_i32 = arith.constant 0 : i32
    %c0_i32_0 = arith.constant 0 : i32
    return %arg0, %c0_i32 : i32, i32
  }
  func.func @transform_2(%arg0: i32) -> (i32, i32) {
    %c0_i32 = arith.constant 0 : i32
    %c0_i32_0 = arith.constant 0 : i32
    %c0_i32_1 = arith.constant 0 : i32
    return %c0_i32, %c0_i32_0 : i32, i32
  }
  func.func @transform_3(%arg0: i32) -> (i32, i32) {
    %c0_i32 = arith.constant 0 : i32
    %c0_i32_0 = arith.constant 0 : i32
    %c0_i32_1 = arith.constant 0 : i32
    return %c0_i32, %c0_i32_0 : i32, i32
  }
  func.func @transform_4(%arg0: i32) -> (i32, i32) {
    %c0_i32 = arith.constant 0 : i32
    %c0_i32_0 = arith.constant 0 : i32
    %c0_i32_1 = arith.constant 0 : i32
    return %c0_i32, %c0_i32_0 : i32, i32
  }
  func.func @transform_5(%arg0: i32) -> (i32, i32) {
    %c0_i32 = arith.constant 0 : i32
    %c0_i32_0 = arith.constant 0 : i32
    %c0_i32_1 = arith.constant 0 : i32
    return %c0_i32, %c0_i32_0 : i32, i32
  }
  func.func @transform_6(%arg0: i32) -> (i32, i32) {
    %c0_i32 = arith.constant 0 : i32
    %c0_i32_0 = arith.constant 0 : i32
    %c0_i32_1 = arith.constant 0 : i32
    return %c0_i32, %c0_i32_0 : i32, i32
  }
  func.func @transform_7(%arg0: i32) -> (i32, i32) {
    %c0_i32 = arith.constant 0 : i32
    %c0_i32_0 = arith.constant 0 : i32
    %c0_i32_1 = arith.constant 0 : i32
    return %c0_i32, %c0_i32_0 : i32, i32
  }
  func.func @transform_8(%arg0: i32) -> (i32, i32) {
    %c0_i32 = arith.constant 0 : i32
    %c0_i32_0 = arith.constant 0 : i32
    %c0_i32_1 = arith.constant 0 : i32
    return %c0_i32, %c0_i32_0 : i32, i32
  }
  func.func @transform_9(%arg0: i32) -> (i32, i32) {
    %c0_i32 = arith.constant 0 : i32
    %c0_i32_0 = arith.constant 0 : i32
    %c0_i32_1 = arith.constant 0 : i32
    return %c0_i32, %c0_i32_0 : i32, i32
  }
  func.func @transform_10(%arg0: i32) -> (i32, i32) {
    %c0_i32 = arith.constant 0 : i32
    %c0_i32_0 = arith.constant 0 : i32
    %c0_i32_1 = arith.constant 0 : i32
    return %c0_i32, %c0_i32_0 : i32, i32
  }
  func.func @transform_11(%arg0: i32) -> (i32, i32) {
    %c0_i32 = arith.constant 0 : i32
    %c0_i32_0 = arith.constant 0 : i32
    return %arg0, %c0_i32 : i32, i32
  }
  func.func @transform_12(%arg0: i32) -> (i32, i32) {
    %c0_i32 = arith.constant 0 : i32
    %c0_i32_0 = arith.constant 0 : i32
    return %arg0, %c0_i32 : i32, i32
  }
  func.func @transform_13(%arg0: i32) -> (i32, i32) {
    %c0_i32 = arith.constant 0 : i32
    %c0_i32_0 = arith.constant 0 : i32
    return %arg0, %c0_i32 : i32, i32
  }
  func.func @transform_14(%arg0: i32) -> (i32, i32) {
    %c0_i32 = arith.constant 0 : i32
    %c0_i32_0 = arith.constant 0 : i32
    return %arg0, %c0_i32 : i32, i32
  }
  func.func @transform_15(%arg0: i32) -> (i32, i32) {
    %c0_i32 = arith.constant 0 : i32
    %c0_i32_0 = arith.constant 0 : i32
    return %arg0, %c0_i32 : i32, i32
  }
}

module attributes {stable_mosaic.version = 14 : i64} {
  func.func @_tc2_body(%arg0: i32, %arg1: memref<3x2x512x64xf32, #tpu.memory_space<vmem>>, %arg2: memref<3x2x16x512xf32, #tpu.memory_space<vmem>>, %arg3: memref<512x64xf32, #tpu.memory_space<vmem>>, %arg4: memref<512x64xf32, #tpu.memory_space<vmem>>, %arg5: memref<64x64xf32, #tpu.memory_space<vmem>>, %arg6: memref<64x64xf32, #tpu.memory_space<vmem>>, %arg7: memref<64x64xf32, #tpu.memory_space<vmem>>, %arg8: memref<64x64xf32, #tpu.memory_space<vmem>>, %arg9: memref<64x64xf32, #tpu.memory_space<vmem>>, %arg10: memref<64x64xf32, #tpu.memory_space<vmem>>, %arg11: memref<1x64xf32, #tpu.memory_space<vmem>>, %arg12: memref<1x64xf32, #tpu.memory_space<vmem>>, %arg13: memref<1x64xf32, #tpu.memory_space<vmem>>, %arg14: memref<512x64xf32, #tpu.memory_space<vmem>>, %arg15: memref<512x64xf32, #tpu.memory_space<vmem>>, %arg16: memref<512x64xf32, #tpu.memory_space<vmem>>, %arg17: memref<512x64xf32, #tpu.memory_space<vmem>>, %arg18: memref<512x64xf32, #tpu.memory_space<vmem>>) attributes {dimension_semantics = [#tpu.dimension_semantics<arbitrary>], iteration_bounds = array<i64: 20>, scalar_prefetch = 0 : i64, scratch_operands = 0 : i64, tpu.core_type = #tpu.core_type<tc>, window_params = [{transform_indices = @transform_0, window_bounds = array<i64: 3, 2, 512, 64>}, {transform_indices = @transform_1, window_bounds = array<i64: 3, 2, 16, 512>}, {transform_indices = @transform_2, window_bounds = array<i64: 512, 64>}, {transform_indices = @transform_3, window_bounds = array<i64: 512, 64>}, {pipeline_mode = #tpu.pipeline_mode<synchronous>, transform_indices = @transform_4, window_bounds = array<i64: 64, 64>}, {pipeline_mode = #tpu.pipeline_mode<synchronous>, transform_indices = @transform_5, window_bounds = array<i64: 64, 64>}, {pipeline_mode = #tpu.pipeline_mode<synchronous>, transform_indices = @transform_6, window_bounds = array<i64: 64, 64>}, {pipeline_mode = #tpu.pipeline_mode<synchronous>, transform_indices = @transform_7, window_bounds = array<i64: 64, 64>}, {pipeline_mode = #tpu.pipeline_mode<synchronous>, transform_indices = @transform_8, window_bounds = array<i64: 64, 64>}, {pipeline_mode = #tpu.pipeline_mode<synchronous>, transform_indices = @transform_9, window_bounds = array<i64: 64, 64>}, {pipeline_mode = #tpu.pipeline_mode<synchronous>, transform_indices = @transform_10, window_bounds = array<i64: 1, 64>}, {pipeline_mode = #tpu.pipeline_mode<synchronous>, transform_indices = @transform_11, window_bounds = array<i64: 1, 64>}, {pipeline_mode = #tpu.pipeline_mode<synchronous>, transform_indices = @transform_12, window_bounds = array<i64: 1, 64>}, {transform_indices = @transform_13, window_bounds = array<i64: 512, 64>}, {transform_indices = @transform_14, window_bounds = array<i64: 512, 64>}, {transform_indices = @transform_15, window_bounds = array<i64: 512, 64>}, {transform_indices = @transform_16, window_bounds = array<i64: 512, 64>}, {transform_indices = @transform_17, window_bounds = array<i64: 512, 64>}]} {
    %get3A = arith.constant 0 : index
    %get3A_0 = arith.constant 0 : index
    %get3A_1 = arith.constant 0 : index
    %get3A_2 = arith.constant 0 : index
    %get3A_3 = vector.load %arg1[%get3A, %get3A_0, %get3A_1, %get3A_2] : memref<3x2x512x64xf32, #tpu.memory_space<vmem>>, vector<3x2x512x64xf32>
    %get3A_4 = arith.constant 0 : index
    %get3A_5 = arith.constant 0 : index
    %get3A_6 = arith.constant 0 : index
    %get3A_7 = arith.constant 0 : index
    %get3A_8 = vector.load %arg2[%get3A_4, %get3A_5, %get3A_6, %get3A_7] : memref<3x2x16x512xf32, #tpu.memory_space<vmem>>, vector<3x2x16x512xf32>
    %reduce_sum3A = arith.constant dense<0.000000e+00> : vector<3x512xf32>
    %reduce_sum3A_9 = vector.multi_reduction <add>, %get3A_8, %reduce_sum3A [1, 2] : vector<3x2x16x512xf32> to vector<3x512xf32>
    %max3A = arith.constant 1.000000e+00 : f32
    %max3A_10 = vector.broadcast %max3A : f32 to vector<3x512xf32>
    %max3A_11 = arith.maximumf %reduce_sum3A_9, %max3A_10 : vector<3x512xf32>
    %div3A = arith.constant 1.000000e+00 : f32
    %div3A_12 = vector.broadcast %div3A : f32 to vector<3x512xf32>
    %div3A_13 = arith.divf %div3A_12, %max3A_11 : vector<3x512xf32>
    %broadcast_in_dim3A = vector.shape_cast %div3A_13 : vector<3x512xf32> to vector<3x512x1xf32>
    %slice3A = vector.extract_strided_slice %get3A_3 {offsets = [0, 0, 0, 0], sizes = [1, 1, 512, 64], strides = [1, 1, 1, 1]} : vector<3x2x512x64xf32> to vector<1x1x512x64xf32>
    %squeeze3A = vector.shape_cast %slice3A : vector<1x1x512x64xf32> to vector<512x64xf32>
    %slice3A_14 = vector.extract_strided_slice %get3A_3 {offsets = [0, 1, 0, 0], sizes = [1, 1, 512, 64], strides = [1, 1, 1, 1]} : vector<3x2x512x64xf32> to vector<1x1x512x64xf32>
    %squeeze3A_15 = vector.shape_cast %slice3A_14 : vector<1x1x512x64xf32> to vector<512x64xf32>
    %add3A = arith.addf %squeeze3A, %squeeze3A_15 : vector<512x64xf32>
    %slice3A_16 = vector.extract_strided_slice %broadcast_in_dim3A {offsets = [0, 0, 0], sizes = [1, 512, 1], strides = [1, 1, 1]} : vector<3x512x1xf32> to vector<1x512x1xf32>
    %squeeze3A_17 = vector.shape_cast %slice3A_16 : vector<1x512x1xf32> to vector<512x1xf32>
    %mul3A = vector.broadcast %squeeze3A_17 : vector<512x1xf32> to vector<512x64xf32>
    %mul3A_18 = arith.mulf %add3A, %mul3A : vector<512x64xf32>
    %slice3A_19 = vector.extract_strided_slice %get3A_3 {offsets = [1, 0, 0, 0], sizes = [1, 1, 512, 64], strides = [1, 1, 1, 1]} : vector<3x2x512x64xf32> to vector<1x1x512x64xf32>
    %squeeze3A_20 = vector.shape_cast %slice3A_19 : vector<1x1x512x64xf32> to vector<512x64xf32>
    %slice3A_21 = vector.extract_strided_slice %get3A_3 {offsets = [1, 1, 0, 0], sizes = [1, 1, 512, 64], strides = [1, 1, 1, 1]} : vector<3x2x512x64xf32> to vector<1x1x512x64xf32>
    %squeeze3A_22 = vector.shape_cast %slice3A_21 : vector<1x1x512x64xf32> to vector<512x64xf32>
    %add3A_23 = arith.addf %squeeze3A_20, %squeeze3A_22 : vector<512x64xf32>
    %slice3A_24 = vector.extract_strided_slice %broadcast_in_dim3A {offsets = [1, 0, 0], sizes = [1, 512, 1], strides = [1, 1, 1]} : vector<3x512x1xf32> to vector<1x512x1xf32>
    %squeeze3A_25 = vector.shape_cast %slice3A_24 : vector<1x512x1xf32> to vector<512x1xf32>
    %mul3A_26 = vector.broadcast %squeeze3A_25 : vector<512x1xf32> to vector<512x64xf32>
    %mul3A_27 = arith.mulf %add3A_23, %mul3A_26 : vector<512x64xf32>
    %slice3A_28 = vector.extract_strided_slice %get3A_3 {offsets = [2, 0, 0, 0], sizes = [1, 1, 512, 64], strides = [1, 1, 1, 1]} : vector<3x2x512x64xf32> to vector<1x1x512x64xf32>
    %squeeze3A_29 = vector.shape_cast %slice3A_28 : vector<1x1x512x64xf32> to vector<512x64xf32>
    %slice3A_30 = vector.extract_strided_slice %get3A_3 {offsets = [2, 1, 0, 0], sizes = [1, 1, 512, 64], strides = [1, 1, 1, 1]} : vector<3x2x512x64xf32> to vector<1x1x512x64xf32>
    %squeeze3A_31 = vector.shape_cast %slice3A_30 : vector<1x1x512x64xf32> to vector<512x64xf32>
    %add3A_32 = arith.addf %squeeze3A_29, %squeeze3A_31 : vector<512x64xf32>
    %slice3A_33 = vector.extract_strided_slice %broadcast_in_dim3A {offsets = [2, 0, 0], sizes = [1, 512, 1], strides = [1, 1, 1]} : vector<3x512x1xf32> to vector<1x512x1xf32>
    %squeeze3A_34 = vector.shape_cast %slice3A_33 : vector<1x512x1xf32> to vector<512x1xf32>
    %mul3A_35 = vector.broadcast %squeeze3A_34 : vector<512x1xf32> to vector<512x64xf32>
    %mul3A_36 = arith.mulf %add3A_32, %mul3A_35 : vector<512x64xf32>
    %add3A_37 = arith.addf %mul3A_18, %mul3A_27 : vector<512x64xf32>
    %get3A_38 = arith.constant 0 : index
    %get3A_39 = arith.constant 0 : index
    %get3A_40 = vector.load %arg3[%get3A_38, %get3A_39] : memref<512x64xf32, #tpu.memory_space<vmem>>, vector<512x64xf32>
    %add3A_41 = arith.addf %add3A_37, %get3A_40 : vector<512x64xf32>
    %max3A_42 = arith.constant 0.000000e+00 : f32
    %max3A_43 = vector.broadcast %max3A_42 : f32 to vector<512x64xf32>
    %max3A_44 = arith.maximumf %add3A_41, %max3A_43 : vector<512x64xf32>
    %get3A_45 = arith.constant 0 : index
    %get3A_46 = arith.constant 0 : index
    %get3A_47 = vector.load %arg4[%get3A_45, %get3A_46] : memref<512x64xf32, #tpu.memory_space<vmem>>, vector<512x64xf32>
    %add3A_48 = arith.addf %mul3A_36, %get3A_47 : vector<512x64xf32>
    %max3A_49 = arith.constant 0.000000e+00 : f32
    %max3A_50 = vector.broadcast %max3A_49 : f32 to vector<512x64xf32>
    %max3A_51 = arith.maximumf %add3A_48, %max3A_50 : vector<512x64xf32>
    %get3A_52 = arith.constant 0 : index
    %get3A_53 = arith.constant 0 : index
    %get3A_54 = vector.load %arg5[%get3A_52, %get3A_53] : memref<64x64xf32, #tpu.memory_space<vmem>>, vector<64x64xf32>
    %dot_general3A = arith.constant dense<0.000000e+00> : vector<512x64xf32>
    %dot_general3A_55 = tpu.matmul %max3A_51, %get3A_54, %dot_general3A {dimension_numbers = #tpu.dot_dimension_numbers<[1], [0], [0], [1], [0, 0, 1, 1], [], []>, transpose_lhs_hint = false} : vector<512x64xf32>, vector<64x64xf32>, vector<512x64xf32> -> vector<512x64xf32>
    %swap3A = arith.constant 0 : index
    %swap3A_56 = arith.constant 0 : index
    %swap3A_57 = vector.load %arg14[%swap3A, %swap3A_56] : memref<512x64xf32, #tpu.memory_space<vmem>>, vector<512x64xf32>
    tpu.vector_store %arg14[%swap3A, %swap3A_56], %dot_general3A_55 {strides = array<i32>} : memref<512x64xf32, #tpu.memory_space<vmem>>, vector<512x64xf32>,
    %get3A_58 = arith.constant 0 : index
    %get3A_59 = arith.constant 0 : index
    %get3A_60 = vector.load %arg6[%get3A_58, %get3A_59] : memref<64x64xf32, #tpu.memory_space<vmem>>, vector<64x64xf32>
    %dot_general3A_61 = arith.constant dense<0.000000e+00> : vector<512x64xf32>
    %dot_general3A_62 = tpu.matmul %max3A_44, %get3A_60, %dot_general3A_61 {dimension_numbers = #tpu.dot_dimension_numbers<[1], [0], [0], [1], [0, 0, 1, 1], [], []>, transpose_lhs_hint = false} : vector<512x64xf32>, vector<64x64xf32>, vector<512x64xf32> -> vector<512x64xf32>
    %swap3A_63 = arith.constant 0 : index
    %swap3A_64 = arith.constant 0 : index
    %swap3A_65 = vector.load %arg15[%swap3A_63, %swap3A_64] : memref<512x64xf32, #tpu.memory_space<vmem>>, vector<512x64xf32>
    tpu.vector_store %arg15[%swap3A_63, %swap3A_64], %dot_general3A_62 {strides = array<i32>} : memref<512x64xf32, #tpu.memory_space<vmem>>, vector<512x64xf32>,
    %get3A_66 = arith.constant 0 : index
    %get3A_67 = arith.constant 0 : index
    %get3A_68 = vector.load %arg7[%get3A_66, %get3A_67] : memref<64x64xf32, #tpu.memory_space<vmem>>, vector<64x64xf32>
    %dot_general3A_69 = arith.constant dense<0.000000e+00> : vector<512x64xf32>
    %dot_general3A_70 = tpu.matmul %max3A_44, %get3A_68, %dot_general3A_69 {dimension_numbers = #tpu.dot_dimension_numbers<[1], [0], [0], [1], [0, 0, 1, 1], [], []>, transpose_lhs_hint = false} : vector<512x64xf32>, vector<64x64xf32>, vector<512x64xf32> -> vector<512x64xf32>
    %swap3A_71 = arith.constant 0 : index
    %swap3A_72 = arith.constant 0 : index
    %swap3A_73 = vector.load %arg16[%swap3A_71, %swap3A_72] : memref<512x64xf32, #tpu.memory_space<vmem>>, vector<512x64xf32>
    tpu.vector_store %arg16[%swap3A_71, %swap3A_72], %dot_general3A_70 {strides = array<i32>} : memref<512x64xf32, #tpu.memory_space<vmem>>, vector<512x64xf32>,
    %get3A_74 = arith.constant 0 : index
    %get3A_75 = arith.constant 0 : index
    %get3A_76 = vector.load %arg8[%get3A_74, %get3A_75] : memref<64x64xf32, #tpu.memory_space<vmem>>, vector<64x64xf32>
    %get3A_77 = arith.constant 0 : index
    %get3A_78 = arith.constant 0 : index
    %get3A_79 = vector.load %arg9[%get3A_77, %get3A_78] : memref<64x64xf32, #tpu.memory_space<vmem>>, vector<64x64xf32>
    %add3A_80 = arith.addf %get3A_76, %get3A_79 : vector<64x64xf32>
    %dot_general3A_81 = arith.constant dense<0.000000e+00> : vector<512x64xf32>
    %dot_general3A_82 = tpu.matmul %max3A_44, %add3A_80, %dot_general3A_81 {dimension_numbers = #tpu.dot_dimension_numbers<[1], [0], [0], [1], [0, 0, 1, 1], [], []>, transpose_lhs_hint = false} : vector<512x64xf32>, vector<64x64xf32>, vector<512x64xf32> -> vector<512x64xf32>
    %get3A_83 = arith.constant 0 : index
    %get3A_84 = arith.constant 0 : index
    %get3A_85 = vector.load %arg11[%get3A_83, %get3A_84] : memref<1x64xf32, #tpu.memory_space<vmem>>, vector<1x64xf32>
    %add3A_86 = vector.broadcast %get3A_85 : vector<1x64xf32> to vector<512x64xf32>
    %add3A_87 = arith.addf %dot_general3A_82, %add3A_86 : vector<512x64xf32>
    %get3A_88 = arith.constant 0 : index
    %get3A_89 = arith.constant 0 : index
    %get3A_90 = vector.load %arg12[%get3A_88, %get3A_89] : memref<1x64xf32, #tpu.memory_space<vmem>>, vector<1x64xf32>
    %add3A_91 = vector.broadcast %get3A_90 : vector<1x64xf32> to vector<512x64xf32>
    %add3A_92 = arith.addf %add3A_87, %add3A_91 : vector<512x64xf32>
    %swap3A_93 = arith.constant 0 : index
    %swap3A_94 = arith.constant 0 : index
    %swap3A_95 = vector.load %arg17[%swap3A_93, %swap3A_94] : memref<512x64xf32, #tpu.memory_space<vmem>>, vector<512x64xf32>
    tpu.vector_store %arg17[%swap3A_93, %swap3A_94], %add3A_92 {strides = array<i32>} : memref<512x64xf32, #tpu.memory_space<vmem>>, vector<512x64xf32>,
    %get3A_96 = arith.constant 0 : index
    %get3A_97 = arith.constant 0 : index
    %get3A_98 = vector.load %arg10[%get3A_96, %get3A_97] : memref<64x64xf32, #tpu.memory_space<vmem>>, vector<64x64xf32>
    %dot_general3A_99 = arith.constant dense<0.000000e+00> : vector<512x64xf32>
    %dot_general3A_100 = tpu.matmul %max3A_51, %get3A_98, %dot_general3A_99 {dimension_numbers = #tpu.dot_dimension_numbers<[1], [0], [0], [1], [0, 0, 1, 1], [], []>, transpose_lhs_hint = false} : vector<512x64xf32>, vector<64x64xf32>, vector<512x64xf32> -> vector<512x64xf32>
    %get3A_101 = arith.constant 0 : index
    %get3A_102 = arith.constant 0 : index
    %get3A_103 = vector.load %arg13[%get3A_101, %get3A_102] : memref<1x64xf32, #tpu.memory_space<vmem>>, vector<1x64xf32>
    %add3A_104 = vector.broadcast %get3A_103 : vector<1x64xf32> to vector<512x64xf32>
    %add3A_105 = arith.addf %dot_general3A_100, %add3A_104 : vector<512x64xf32>
    %swap3A_106 = arith.constant 0 : index
    %swap3A_107 = arith.constant 0 : index
    %swap3A_108 = vector.load %arg18[%swap3A_106, %swap3A_107] : memref<512x64xf32, #tpu.memory_space<vmem>>, vector<512x64xf32>
    tpu.vector_store %arg18[%swap3A_106, %swap3A_107], %add3A_105 {strides = array<i32>} : memref<512x64xf32, #tpu.memory_space<vmem>>, vector<512x64xf32>,
    return
  }
  func.func @transform_0(%arg0: i32) -> (i32, i32, i32, i32) {
    %c0_i32 = arith.constant 0 : i32
    %c0_i32_0 = arith.constant 0 : i32
    %c0_i32_1 = arith.constant 0 : i32
    %c0_i32_2 = arith.constant 0 : i32
    return %c0_i32, %c0_i32_0, %arg0, %c0_i32_1 : i32, i32, i32, i32
  }
  func.func @transform_1(%arg0: i32) -> (i32, i32, i32, i32) {
    %c0_i32 = arith.constant 0 : i32
    %c0_i32_0 = arith.constant 0 : i32
    %c0_i32_1 = arith.constant 0 : i32
    %c0_i32_2 = arith.constant 0 : i32
    return %c0_i32, %c0_i32_0, %c0_i32_1, %arg0 : i32, i32, i32, i32
  }
  func.func @transform_2(%arg0: i32) -> (i32, i32) {
    %c0_i32 = arith.constant 0 : i32
    %c0_i32_0 = arith.constant 0 : i32
    return %arg0, %c0_i32 : i32, i32
  }
  func.func @transform_3(%arg0: i32) -> (i32, i32) {
    %c0_i32 = arith.constant 0 : i32
    %c0_i32_0 = arith.constant 0 : i32
    return %arg0, %c0_i32 : i32, i32
  }
  func.func @transform_4(%arg0: i32) -> (i32, i32) {
    %c0_i32 = arith.constant 0 : i32
    %c0_i32_0 = arith.constant 0 : i32
    %c0_i32_1 = arith.constant 0 : i32
    return %c0_i32, %c0_i32_0 : i32, i32
  }
  func.func @transform_5(%arg0: i32) -> (i32, i32) {
    %c0_i32 = arith.constant 0 : i32
    %c0_i32_0 = arith.constant 0 : i32
    %c0_i32_1 = arith.constant 0 : i32
    return %c0_i32, %c0_i32_0 : i32, i32
  }
  func.func @transform_6(%arg0: i32) -> (i32, i32) {
    %c0_i32 = arith.constant 0 : i32
    %c0_i32_0 = arith.constant 0 : i32
    %c0_i32_1 = arith.constant 0 : i32
    return %c0_i32, %c0_i32_0 : i32, i32
  }
  func.func @transform_7(%arg0: i32) -> (i32, i32) {
    %c0_i32 = arith.constant 0 : i32
    %c0_i32_0 = arith.constant 0 : i32
    %c0_i32_1 = arith.constant 0 : i32
    return %c0_i32, %c0_i32_0 : i32, i32
  }
  func.func @transform_8(%arg0: i32) -> (i32, i32) {
    %c0_i32 = arith.constant 0 : i32
    %c0_i32_0 = arith.constant 0 : i32
    %c0_i32_1 = arith.constant 0 : i32
    return %c0_i32, %c0_i32_0 : i32, i32
  }
  func.func @transform_9(%arg0: i32) -> (i32, i32) {
    %c0_i32 = arith.constant 0 : i32
    %c0_i32_0 = arith.constant 0 : i32
    %c0_i32_1 = arith.constant 0 : i32
    return %c0_i32, %c0_i32_0 : i32, i32
  }
  func.func @transform_10(%arg0: i32) -> (i32, i32) {
    %c0_i32 = arith.constant 0 : i32
    %c0_i32_0 = arith.constant 0 : i32
    %c0_i32_1 = arith.constant 0 : i32
    return %c0_i32, %c0_i32_0 : i32, i32
  }
  func.func @transform_11(%arg0: i32) -> (i32, i32) {
    %c0_i32 = arith.constant 0 : i32
    %c0_i32_0 = arith.constant 0 : i32
    %c0_i32_1 = arith.constant 0 : i32
    return %c0_i32, %c0_i32_0 : i32, i32
  }
  func.func @transform_12(%arg0: i32) -> (i32, i32) {
    %c0_i32 = arith.constant 0 : i32
    %c0_i32_0 = arith.constant 0 : i32
    %c0_i32_1 = arith.constant 0 : i32
    return %c0_i32, %c0_i32_0 : i32, i32
  }
  func.func @transform_13(%arg0: i32) -> (i32, i32) {
    %c0_i32 = arith.constant 0 : i32
    %c0_i32_0 = arith.constant 0 : i32
    return %arg0, %c0_i32 : i32, i32
  }
  func.func @transform_14(%arg0: i32) -> (i32, i32) {
    %c0_i32 = arith.constant 0 : i32
    %c0_i32_0 = arith.constant 0 : i32
    return %arg0, %c0_i32 : i32, i32
  }
  func.func @transform_15(%arg0: i32) -> (i32, i32) {
    %c0_i32 = arith.constant 0 : i32
    %c0_i32_0 = arith.constant 0 : i32
    return %arg0, %c0_i32 : i32, i32
  }
  func.func @transform_16(%arg0: i32) -> (i32, i32) {
    %c0_i32 = arith.constant 0 : i32
    %c0_i32_0 = arith.constant 0 : i32
    return %arg0, %c0_i32 : i32, i32
  }
  func.func @transform_17(%arg0: i32) -> (i32, i32) {
    %c0_i32 = arith.constant 0 : i32
    %c0_i32_0 = arith.constant 0 : i32
    return %arg0, %c0_i32 : i32, i32
  }
}

module attributes {stable_mosaic.version = 14 : i64} {
  func.func @_tc3_body(%arg0: i32, %arg1: memref<3x2x512x64xf32, #tpu.memory_space<vmem>>, %arg2: memref<3x2x16x512xf32, #tpu.memory_space<vmem>>, %arg3: memref<512x64xf32, #tpu.memory_space<vmem>>, %arg4: memref<512x64xf32, #tpu.memory_space<vmem>>, %arg5: memref<512x64xf32, #tpu.memory_space<vmem>>, %arg6: memref<512x64xf32, #tpu.memory_space<vmem>>) attributes {dimension_semantics = [#tpu.dimension_semantics<arbitrary>], iteration_bounds = array<i64: 20>, scalar_prefetch = 0 : i64, scratch_operands = 0 : i64, tpu.core_type = #tpu.core_type<tc>, window_params = [{transform_indices = @transform_0, window_bounds = array<i64: 3, 2, 512, 64>}, {transform_indices = @transform_1, window_bounds = array<i64: 3, 2, 16, 512>}, {transform_indices = @transform_2, window_bounds = array<i64: 512, 64>}, {transform_indices = @transform_3, window_bounds = array<i64: 512, 64>}, {transform_indices = @transform_4, window_bounds = array<i64: 512, 64>}, {transform_indices = @transform_5, window_bounds = array<i64: 512, 64>}]} {
    %get3A = arith.constant 0 : index
    %get3A_0 = arith.constant 0 : index
    %get3A_1 = arith.constant 0 : index
    %get3A_2 = arith.constant 0 : index
    %get3A_3 = vector.load %arg1[%get3A, %get3A_0, %get3A_1, %get3A_2] : memref<3x2x512x64xf32, #tpu.memory_space<vmem>>, vector<3x2x512x64xf32>
    %get3A_4 = arith.constant 0 : index
    %get3A_5 = arith.constant 0 : index
    %get3A_6 = arith.constant 0 : index
    %get3A_7 = arith.constant 0 : index
    %get3A_8 = vector.load %arg2[%get3A_4, %get3A_5, %get3A_6, %get3A_7] : memref<3x2x16x512xf32, #tpu.memory_space<vmem>>, vector<3x2x16x512xf32>
    %reduce_sum3A = arith.constant dense<0.000000e+00> : vector<3x512xf32>
    %reduce_sum3A_9 = vector.multi_reduction <add>, %get3A_8, %reduce_sum3A [1, 2] : vector<3x2x16x512xf32> to vector<3x512xf32>
    %max3A = arith.constant 1.000000e+00 : f32
    %max3A_10 = vector.broadcast %max3A : f32 to vector<3x512xf32>
    %max3A_11 = arith.maximumf %reduce_sum3A_9, %max3A_10 : vector<3x512xf32>
    %div3A = arith.constant 1.000000e+00 : f32
    %div3A_12 = vector.broadcast %div3A : f32 to vector<3x512xf32>
    %div3A_13 = arith.divf %div3A_12, %max3A_11 : vector<3x512xf32>
    %broadcast_in_dim3A = vector.shape_cast %div3A_13 : vector<3x512xf32> to vector<3x512x1xf32>
    %slice3A = vector.extract_strided_slice %get3A_3 {offsets = [0, 0, 0, 0], sizes = [1, 1, 512, 64], strides = [1, 1, 1, 1]} : vector<3x2x512x64xf32> to vector<1x1x512x64xf32>
    %squeeze3A = vector.shape_cast %slice3A : vector<1x1x512x64xf32> to vector<512x64xf32>
    %slice3A_14 = vector.extract_strided_slice %get3A_3 {offsets = [0, 1, 0, 0], sizes = [1, 1, 512, 64], strides = [1, 1, 1, 1]} : vector<3x2x512x64xf32> to vector<1x1x512x64xf32>
    %squeeze3A_15 = vector.shape_cast %slice3A_14 : vector<1x1x512x64xf32> to vector<512x64xf32>
    %add3A = arith.addf %squeeze3A, %squeeze3A_15 : vector<512x64xf32>
    %slice3A_16 = vector.extract_strided_slice %broadcast_in_dim3A {offsets = [0, 0, 0], sizes = [1, 512, 1], strides = [1, 1, 1]} : vector<3x512x1xf32> to vector<1x512x1xf32>
    %squeeze3A_17 = vector.shape_cast %slice3A_16 : vector<1x512x1xf32> to vector<512x1xf32>
    %mul3A = vector.broadcast %squeeze3A_17 : vector<512x1xf32> to vector<512x64xf32>
    %mul3A_18 = arith.mulf %add3A, %mul3A : vector<512x64xf32>
    %slice3A_19 = vector.extract_strided_slice %get3A_3 {offsets = [1, 0, 0, 0], sizes = [1, 1, 512, 64], strides = [1, 1, 1, 1]} : vector<3x2x512x64xf32> to vector<1x1x512x64xf32>
    %squeeze3A_20 = vector.shape_cast %slice3A_19 : vector<1x1x512x64xf32> to vector<512x64xf32>
    %slice3A_21 = vector.extract_strided_slice %get3A_3 {offsets = [1, 1, 0, 0], sizes = [1, 1, 512, 64], strides = [1, 1, 1, 1]} : vector<3x2x512x64xf32> to vector<1x1x512x64xf32>
    %squeeze3A_22 = vector.shape_cast %slice3A_21 : vector<1x1x512x64xf32> to vector<512x64xf32>
    %add3A_23 = arith.addf %squeeze3A_20, %squeeze3A_22 : vector<512x64xf32>
    %slice3A_24 = vector.extract_strided_slice %broadcast_in_dim3A {offsets = [1, 0, 0], sizes = [1, 512, 1], strides = [1, 1, 1]} : vector<3x512x1xf32> to vector<1x512x1xf32>
    %squeeze3A_25 = vector.shape_cast %slice3A_24 : vector<1x512x1xf32> to vector<512x1xf32>
    %mul3A_26 = vector.broadcast %squeeze3A_25 : vector<512x1xf32> to vector<512x64xf32>
    %mul3A_27 = arith.mulf %add3A_23, %mul3A_26 : vector<512x64xf32>
    %slice3A_28 = vector.extract_strided_slice %get3A_3 {offsets = [2, 0, 0, 0], sizes = [1, 1, 512, 64], strides = [1, 1, 1, 1]} : vector<3x2x512x64xf32> to vector<1x1x512x64xf32>
    %squeeze3A_29 = vector.shape_cast %slice3A_28 : vector<1x1x512x64xf32> to vector<512x64xf32>
    %slice3A_30 = vector.extract_strided_slice %get3A_3 {offsets = [2, 1, 0, 0], sizes = [1, 1, 512, 64], strides = [1, 1, 1, 1]} : vector<3x2x512x64xf32> to vector<1x1x512x64xf32>
    %squeeze3A_31 = vector.shape_cast %slice3A_30 : vector<1x1x512x64xf32> to vector<512x64xf32>
    %add3A_32 = arith.addf %squeeze3A_29, %squeeze3A_31 : vector<512x64xf32>
    %slice3A_33 = vector.extract_strided_slice %broadcast_in_dim3A {offsets = [2, 0, 0], sizes = [1, 512, 1], strides = [1, 1, 1]} : vector<3x512x1xf32> to vector<1x512x1xf32>
    %squeeze3A_34 = vector.shape_cast %slice3A_33 : vector<1x512x1xf32> to vector<512x1xf32>
    %mul3A_35 = vector.broadcast %squeeze3A_34 : vector<512x1xf32> to vector<512x64xf32>
    %mul3A_36 = arith.mulf %add3A_32, %mul3A_35 : vector<512x64xf32>
    %add3A_37 = arith.addf %mul3A_18, %mul3A_27 : vector<512x64xf32>
    %get3A_38 = arith.constant 0 : index
    %get3A_39 = arith.constant 0 : index
    %get3A_40 = vector.load %arg3[%get3A_38, %get3A_39] : memref<512x64xf32, #tpu.memory_space<vmem>>, vector<512x64xf32>
    %add3A_41 = arith.addf %add3A_37, %get3A_40 : vector<512x64xf32>
    %swap3A = arith.constant 0 : index
    %swap3A_42 = arith.constant 0 : index
    %swap3A_43 = vector.load %arg6[%swap3A, %swap3A_42] : memref<512x64xf32, #tpu.memory_space<vmem>>, vector<512x64xf32>
    tpu.vector_store %arg6[%swap3A, %swap3A_42], %add3A_41 {strides = array<i32>} : memref<512x64xf32, #tpu.memory_space<vmem>>, vector<512x64xf32>,
    %get3A_44 = arith.constant 0 : index
    %get3A_45 = arith.constant 0 : index
    %get3A_46 = vector.load %arg4[%get3A_44, %get3A_45] : memref<512x64xf32, #tpu.memory_space<vmem>>, vector<512x64xf32>
    %add3A_47 = arith.addf %mul3A_36, %get3A_46 : vector<512x64xf32>
    %swap3A_48 = arith.constant 0 : index
    %swap3A_49 = arith.constant 0 : index
    %swap3A_50 = vector.load %arg5[%swap3A_48, %swap3A_49] : memref<512x64xf32, #tpu.memory_space<vmem>>, vector<512x64xf32>
    tpu.vector_store %arg5[%swap3A_48, %swap3A_49], %add3A_47 {strides = array<i32>} : memref<512x64xf32, #tpu.memory_space<vmem>>, vector<512x64xf32>,
    return
  }
  func.func @transform_0(%arg0: i32) -> (i32, i32, i32, i32) {
    %c0_i32 = arith.constant 0 : i32
    %c0_i32_0 = arith.constant 0 : i32
    %c0_i32_1 = arith.constant 0 : i32
    %c0_i32_2 = arith.constant 0 : i32
    return %c0_i32, %c0_i32_0, %arg0, %c0_i32_1 : i32, i32, i32, i32
  }
  func.func @transform_1(%arg0: i32) -> (i32, i32, i32, i32) {
    %c0_i32 = arith.constant 0 : i32
    %c0_i32_0 = arith.constant 0 : i32
    %c0_i32_1 = arith.constant 0 : i32
    %c0_i32_2 = arith.constant 0 : i32
    return %c0_i32, %c0_i32_0, %c0_i32_1, %arg0 : i32, i32, i32, i32
  }
  func.func @transform_2(%arg0: i32) -> (i32, i32) {
    %c0_i32 = arith.constant 0 : i32
    %c0_i32_0 = arith.constant 0 : i32
    return %arg0, %c0_i32 : i32, i32
  }
  func.func @transform_3(%arg0: i32) -> (i32, i32) {
    %c0_i32 = arith.constant 0 : i32
    %c0_i32_0 = arith.constant 0 : i32
    return %arg0, %c0_i32 : i32, i32
  }
  func.func @transform_4(%arg0: i32) -> (i32, i32) {
    %c0_i32 = arith.constant 0 : i32
    %c0_i32_0 = arith.constant 0 : i32
    return %arg0, %c0_i32 : i32, i32
  }
  func.func @transform_5(%arg0: i32) -> (i32, i32) {
    %c0_i32 = arith.constant 0 : i32
    %c0_i32_0 = arith.constant 0 : i32
    return %arg0, %c0_i32 : i32, i32
  }
}

</mosaic_0001>

<sc_bundles>
// kernel: kernel.10.cloned.1.call-start
scs
__scs_entry_jumppad:
0x0: {  	(pc) =	sbr.rel $0x88, $3  }
0x1: {  	(tag) =	ssettag $0x0;
	lr =	simm.s32 $0x1  }
0x2: {  	[smem:$0x3F8A] =	sst lr;
	_ =	strace $0xD0000000  }
0x3: {  	_ = 	snop  }
0x4: {  	_ = 	snop  }
0x5: {  	_ = 	snop  }
0x6: {  	_ = 	snop  }
0x7: {  	_ = 	snop  }
__scs_overlays_trampoline_lowered:
0x8: {  	[smem:$0x3F99] =	sst s0  }
0x9: {  	[smem:$0x3F9A] =	sst s1  }
0xa: {  	[smem:$0x3F9B] =	sst s2  }
0xb: {  	[smem:$0x3F9C] =	sst s3  }
0xc: {  	[smem:$0x3F9D] =	sst s4  }
0xd: {  	[smem:$0x3F9E] =	sst s5  }
0xe: {  	[smem:$0x3F9F] =	sst s6  }
0xf: {  	[smem:$0x3FA0] =	sst s7  }
0x10: {  	[smem:$0x3FA1] =	sst s8  }
0x11: {  	[smem:$0x3FA2] =	sst s9;
	s0 =	simm.s32 @!p0 $0x0  }
0x12: {  	s1 =	sld [smem:$0x3F88];
	s0 =	simm.s32 @p0 $0x1  }
0x13: {  	[smem:$0x3FA3] =	sst s0;
	s0 =	simm.s32 @!p1 $0x0  }
0x14: {  	s2 =	sld [smem:$0x3F87];
	s0 =	simm.s32 @p1 $0x1  }
0x15: {  	[smem:$0x3FA4] =	sst s0;
	s0 =	simm.s32 @!p2 $0x0  }
0x16: {  	s3 =	sld [smem:$0x3FDB];
	s0 =	simm.s32 @p2 $0x1  }
0x17: {  	s4 =	simm.s32 $0x1BF5;
	[smem:$0x3FA6] =	sst s0  }
0x18: {  	s0 =	sld [smem:$0x3F89];
	_ =	swait.ge [sflag:s4], $0x0  }
0x19: {  	s7 =	sld [smem:$0x3F8A]  }
0x1a: {  	s8 =	sadd.s32 $0xFFFFE003, lr  }
0x1b: {  	s9 =	sadd.s32 $0xFFFFFEF7, lr;
	s5 =	simm.s32 $0xFFFFFFFF;
	p2 =	slt.u32 s8, $0xFFFFF086  }
0x1c: {  	p1 =	slt.u32 s9, $0xF7A;
	s5 =	simm.s32 @!p2 $0x0  }
0x1d: {  	s5 =	simm.s32 @p1 $0x1;
	p0 =	seq.s32 s7, s2  }
0x1e: {  	s7 =	smul.u32 @!p0 $0xF7A, s2;
	p2 =	seq.s32 @!p0 s5, $0x0  }
0x1f: {  	s9 =	smul.u32 $0xF7A, s1;
	s8 =	simm.s32 @!p0 $0x1BF5;
	p2 =	por !p2, p0  }
0x20: {  	[sflag:s8] =	ssyncset.s32 @!p0 $0xFFFFF086;
	s6 =	sadd.s32 @!p0 s3, s7;
	s7 =	simm.s32 @!p0 $0x108  }
0x21: {  	s3 =	sadd.s32 s3, s9;
	s6 =	sadd.s32 @!p0 $0x88, s6;
	s7 =	simm.s32 @p2 $0x1082  }
0x22: {  	[simem:s7], [sflag:s8] =	dma.local @!p0 [hbm:s6], $0xF7A  }
0x23: {  	s9 =	sor.u32 $0xD0000000, s2;
	s6 =	simm.s32 $0x108;
	_ =	swait.ge @!p0 [sflag:s8], $0x0  }
0x24: {  	s3 =	sadd.s32 $0x88, s3;
	s6 =	simm.s32 @!p1 $0x1082;
	[sflag:s4] =	ssyncset.s32 $0xFFFFF086  }
0x25: {  	[simem:s6], [sflag:s4] =	dma.local [hbm:s3], $0xF7A  }
0x26: {  	[smem:$0x3F8A] =	sst s1;
	(tag) =	ssettag s2;
	_ =	strace s9  }
0x27: {  	s1 =	sld [smem:$0x3F9A]  }
0x28: {  	s2 =	sld [smem:$0x3F9B]  }
0x29: {  	s4 =	sld [smem:$0x3F9D]  }
0x2a: {  	p0 =	seq.s32 s5, $0x0;
	s5 =	sld [smem:$0x3F9E]  }
0x2b: {  	s6 =	sld [smem:$0x3F9F]  }
0x2c: {  	s7 =	sld [smem:$0x3FA0]  }
0x2d: {  	s3 =	simm.s32 $0x108;
	s8 =	sld [smem:$0x3FA1]  }
0x2e: {  	s3 =	simm.s32 @!p0 $0x1082;
	s9 =	sld [smem:$0x3FA2]  }
0x2f: {  	lr =	sadd.s32 s0, s3;
	s0 =	sld [smem:$0x3F99]  }
0x30: {  	s3 =	sld [smem:$0x3F9C]  }
0x31: {  	[smem:$0x3FA5] =	sst s10  }
0x32: {  	s10 =	sld [smem:$0x3FA3];
	_ =	sdelay $0x3  }
0x33: {  	p0 =	seq.s32 s10, $0x1;
	s10 =	sld [smem:$0x3FA5];
	_ =	sdelay $0x3  }
0x34: {  	[smem:$0x3FA5] =	sst s10  }
0x35: {  	s10 =	sld [smem:$0x3FA4];
	_ =	sdelay $0x3  }
0x36: {  	p1 =	seq.s32 s10, $0x1;
	s10 =	sld [smem:$0x3FA5];
	_ =	sdelay $0x3  }
0x37: {  	[smem:$0x3FA5] =	sst s10  }
0x38: {  	s10 =	sld [smem:$0x3FA6]  }
0x39: {  	_ = 	snop;
	(pc) =	sbr.ind lr, $3  }
0x3a: {  	_ = 	snop  }
0x3b: {  	_ = 	snop  }
0x3c: {  	p2 =	seq.s32 s10, $0x1;
	s10 =	sld [smem:$0x3FA5]  }
0x3d: {  	_ =	shalt  }
0x3e: {  	_ =	shalt  }
0x3f: {  	_ =	shalt  }
0x40: {  	_ =	shalt  }
0x41: {  	_ =	shalt  }
0x42: {  	_ =	shalt  }
0x43: {  	_ =	shalt  }
0x44: {  	_ =	shalt  }
0x45: {  	_ =	shalt  }
0x46: {  	_ =	shalt  }
0x47: {  	_ =	shalt  }
0x48: {  	_ =	shalt  }
0x49: {  	_ =	shalt  }
0x4a: {  	_ =	shalt  }
0x4b: {  	_ =	shalt  }
0x4c: {  	_ =	shalt  }
0x4d: {  	_ =	shalt  }
0x4e: {  	_ =	shalt  }
0x4f: {  	_ =	shalt  }
0x50: {  	_ =	shalt  }
0x51: {  	_ =	shalt  }
0x52: {  	_ =	shalt  }
0x53: {  	_ =	shalt  }
0x54: {  	_ =	shalt  }
0x55: {  	_ =	shalt  }
0x56: {  	_ =	shalt  }
0x57: {  	_ =	shalt  }
0x58: {  	_ =	shalt  }
0x59: {  	_ =	shalt  }
0x5a: {  	_ =	shalt  }
0x5b: {  	_ =	shalt  }
0x5c: {  	_ =	shalt  }
0x5d: {  	_ =	shalt  }
0x5e: {  	_ =	shalt  }
0x5f: {  	_ =	shalt  }
0x60: {  	_ =	shalt  }
0x61: {  	_ =	shalt  }
0x62: {  	_ =	shalt  }
0x63: {  	_ =	shalt  }
0x64: {  	_ =	shalt  }
0x65: {  	_ =	shalt  }
0x66: {  	_ =	shalt  }
0x67: {  	_ =	shalt  }
0x68: {  	_ =	shalt  }
0x69: {  	_ =	shalt  }
0x6a: {  	_ =	shalt  }
0x6b: {  	_ =	shalt  }
0x6c: {  	_ =	shalt  }
0x6d: {  	_ =	shalt  }
0x6e: {  	_ =	shalt  }
0x6f: {  	_ =	shalt  }
0x70: {  	_ =	shalt  }
0x71: {  	_ =	shalt  }
0x72: {  	_ =	shalt  }
0x73: {  	_ =	shalt  }
0x74: {  	_ =	shalt  }
0x75: {  	_ =	shalt  }
0x76: {  	_ =	shalt  }
0x77: {  	_ =	shalt  }
0x78: {  	_ =	shalt  }
0x79: {  	_ =	shalt  }
0x7a: {  	_ =	shalt  }
0x7b: {  	_ =	shalt  }
0x7c: {  	_ =	shalt  }
0x7d: {  	_ =	shalt  }
0x7e: {  	_ =	shalt  }
0x7f: {  	_ =	shalt  }
0x80: {  	_ =	shalt  }
0x81: {  	_ =	shalt  }
0x82: {  	_ =	shalt  }
0x83: {  	_ =	shalt  }
0x84: {  	_ =	shalt  }
0x85: {  	_ =	shalt  }
0x86: {  	_ =	shalt  }
0x87: {  	_ =	shalt  }
.Lfunc_end0:
.L_simem_size_0:
called_computation.1_lowered:
.L_overlay_start_0:
0x88: {  	s2 =	sld [smem:$0x3FD9]  }
0x89: {  	s3 =	sld [smem:$0x3FFE];
	_ =	sdelay $0x1  }
0x8a: {  	s1 =	srdreg.scid  }
0x8b: {  	s0 =	sand.u32 $0x1, s1  }
0x8c: {  	s14 =	sshll.u32 s0, $0xA;
	s2 =	sadd.s32 s3, s2  }
0x8d: {  	s2 =	sadd.s32 s2, s14  }
0x8e: {  	[smem:$0x3FB1] =	sst s2  }
0x8f: {  	_ = 	snop  }
0x90: {  	s2 =	sld [smem:$0x3FD0];
	_ =	sdelay $0x2  }
0x91: {  	s15 =	simm.s32 $0xA;
	s4 =	simm.s32 $0x10  }
0x92: {  	[smem:s4], [sflag:s15] =	dma.local [hbm:s2], $0x1  }
0x93: {  	_ =	swait.eq [sflag:s15], $0x1  }
0x94: {  	[sflag:s15] =	ssyncset.done $0x0  }
0x95: {  	s16 =	sld [smem:$0x10];
	[sflag:s15] =	ssyncadd.s32 $0xFFFFFFFF  }
0x96: {  	s17 =	sld [smem:$0x11];
	(tm) =	ssettm $0x1  }
0x97: {  	s18 =	sld [smem:$0x3FFB];
	_ =	sdelay $0x3  }
0x98: {  	_ =	strace s18  }
0x99: {  	s4 =	sld [smem:$0x3FFC];
	_ =	sdelay $0x3  }
0x9a: {  	_ =	strace s4  }
0x9b: {  	s4 =	sld [smem:$0x3FFD];
	_ =	sdelay $0x3  }
0x9c: {  	_ =	strace s4  }
0x9d: {  	_ =	strace $0x8FFFFFFF  }
0x9e: {  	s19 =	sld [smem:$0x3FDB];
	_ =	sdelay $0x1  }
0x9f: {  	s5 =	simm.s32 $_scs_section_size  }
0xa0: {  	s6 =	simm.s32 $_size__tile_overlayer_lowered;
	s7 =	simm.s32 $_tile_overlayer_lowered  }
0xa1: {  	s22 =	simm.s32 $0x1BFF;
	s21 =	sshll.u32 s7, $0x1;
	s4 =	sadd.s32 s5, s19  }
0xa2: {  	s8 =	simm.s32 $0x0;
	s20 =	sshll.u32 s6, $0x1;
	s6 =	sadd.s32 s21, s4  }
0xa3: {  	[timem:s8], [sflag:s22] =	dma.local [hbm:s6], s20  }
0xa4: {  	_ =	swait.ge [sflag:s22], s20  }
0xa5: {  	s5 =	ssub.s32 $0x0, s20;
	[sflag:s22] =	ssyncset.done $0x0  }
0xa6: {  	[sflag:s22] =	ssyncadd.s32 s5;
	_ =	sdelay $0x1  }
0xa7: {  	s23 =	simm.s32 $0x1B8B  }
0xa8: {  	_ =	swait.ge [sflag:s23], $0x1  }
0xa9: {  	[sflag:s23] =	ssyncset.done $0x0  }
0xaa: {  	s25 =	simm.s32 $0x1B8E;
	s24 =	sld [smem:$0x3FFE];
	[sflag:s23] =	ssyncadd.s32 $0xFFFFFFFF  }
0xab: {  	s26 =	simm.s32 $execute0_lowered;
	[smem:$0x3FD2] =	sst s25  }
0xac: {  	s6 =	sshll.u32 s26, $0x1;
	_ =	strace $0x80000049;
	[dreg:$0x1] =	wrdreg $0xFFFFFFFF  }
0xad: {  	s28 =	simm.s32 $_size_execute0_lowered;
	s4 =	sadd.s32 s4, s6;
	[dreg:$0x0] =	wrdreg $0x0  }
0xae: {  	s6 =	sshll.u32 s28, $0x1;
	[dreg:$0x2] =	wrdreg s4  }
0xaf: {  	[dreg:$0x3] =	wrdreg s6  }
0xb0: {  	[dreg:$0x4] =	wrdreg $0xC0  }
0xb1: {  	_ =	task [dreg:s8], $0x5FFFF  }
0xb2: {  	[dreg:$0x1] =	wrdreg $0xFFFFFFFF  }
0xb3: {  	[dreg:$0x0] =	wrdreg $0x60  }
0xb4: {  	[dreg:$0x2] =	wrdreg s17  }
0xb5: {  	[dreg:$0x3] =	wrdreg s16  }
0xb6: {  	[dreg:$0x4] =	wrdreg s24  }
0xb7: {  	[dreg:$0x5] =	wrdreg $0x0  }
0xb8: {  	[dreg:$0x6] =	wrdreg $0x9  }
0xb9: {  	_ =	task.clear_ibuf [dreg:s8], $0x7FFFF;
	_ =	strace $0x90000049  }
0xba: {  	s29 =	simm.s32 $0x9;
	_ =	strace $0x8000004B  }
0xbb: {  	_ =	swait.ge [sflag:s29], $0x1  }
0xbc: {  	[sflag:s29] =	ssyncadd.s32 $0xFFFFFFFF  }
0xbd: {  	_ =	strace $0x9000004B  }
0xbe: {  	_ =	sfence  }
0xbf: {  	s30 =	sld [smem:$0x0];
	_ =	sdelay $0x2  }
0xc0: {  	s31 =	sshll.u32 s1, $0xD;
	s1 =	sshrl.u32 s1, $0x2  }
0xc1: {  	s3 =	sand.u32 $0x4000, s31;
	s1 =	sadd.s32 s1, s30  }
0xc2: {  	s0 =	sor.u32 s3, s0;
	s1 =	sshll.u32 s1, $0x11  }
0xc3: {  	s0 =	sor.u32 s1, s0  }
0xc4: {  	s0 =	sadd.s32 $0x8F2B, s0  }
0xc5: {  	[sflag:s0] =	ssyncadd.remote.s32 $0x1  }
0xc6: {  	_ =	sfence.sel $0xFFFF  }
0xc7: {  	[dreg:$0x0] =	wrdreg $0xFFFFFFFF;
	(pc) =	sbr.abs _section_cstart, $3  }
0xc8: {  	[dreg:$0x1] =	wrdreg $0xFFFFFFFF  }
0xc9: {  	_ =	task.clear_ibuf [dreg:s8], $0x2FFFF;
	_ =	strace $0x9FFFFFFF  }
0xca: {  	(tm) =	ssettm $0x7FFFFFFF  }
0xcb: {  	_ =	shalt  }
tec
execute0_lowered:
.L_overlay_start_1:
0x0: {  	(tag) =	ssettag $0x1  }
0x1: {  	s0 =	rddreg [dreg:$0x0]  }
0x2: {  	s2 =	rddreg [dreg:$0x1]  }
0x3: {  	s1 =	srdreg.scid;
	s3 =	rddreg [dreg:$0x2]  }
0x4: {  	s10 =	stileid.u32;
	s4 =	rddreg [dreg:$0x3]  }
0x5: {  	s5 =	simm.s32 $0x0;
	s28 =	simm.s32 $0x7D;
	s7 =	smul.u32 $0x2800, s10  }
0x6: {  	s29 =	simm.s32 $0xF000;
	s1 =	sand.u32 $0x1, s1;
	s8 =	smul.u32 $0xA000, s10  }
0x7: {  	s30 =	simm.s32 $0x10F40;
	s31 =	simm.s32 $0x1;
	s6 =	smul.u32 $0x28000, s1  }
0x8: {  	s14 =	simm.s32 $0x0;
	[smem:$0x7FF] =	sst s5;
	s10 =	smul.u32 $0x28000, s10  }
0x9: {  	s11 =	sadd.s32 $0xBDA00, s3;
	s9 =	smul.u32 $0xA0000, s1;
	s7 =	sadd.s32 s7, s6  }
0xa: {  	_ =	strace $0x8000004A;
	[dreg:$0x5] =	wrdreg s11;
	s7 =	sshrl.u32 s7, $0x3  }
0xb: {  	s1 =	ssub.s32 $0x2, s1;
	s9 =	sadd.s32 s8, s9;
	s7 =	sadd.s32 s7, s3  }
0xc: {  	s6 =	sadd.s32 $0x5BC00, s3;
	s9 =	sshrl.u32 s9, $0x3;
	s13 =	sadd.s32 $0xC000, s7  }
0xd: {  	s3 =	sadd.s32 s9, s3;
	s21 =	sadd.s32 $0x16000, s7;
	[dreg:$0x6] =	wrdreg s13  }
0xe: {  	s20 =	sshrl.u32 s1, $0x1;
	s22 =	sadd.s32 $0x10C800, s3;
	[dreg:$0x7] =	wrdreg s21  }
0xf: {  	s10 =	sshrl.u32 s10, $0x2;
	s23 =	sadd.s32 $0x47C00, s7;
	[dreg:$0x8] =	wrdreg s22  }
0x10: {  	s1 =	ssub.s32 s1, s20;
	s24 =	sadd.s32 $0x51C00, s7;
	[dreg:$0x9] =	wrdreg s23  }
0x11: {  	s8 =	sadd.s32 s8, s4;
	s25 =	sadd.s32 $0x134800, s3;
	[dreg:$0xa] =	wrdreg s24  }
0x12: {  	s12 =	sadd.s32 s10, s4;
	s26 =	sadd.s32 $0x29E00, s7;
	[dreg:$0xb] =	wrdreg s25  }
0x13: {  	s10 =	sadd.s32 $0x4000, s12;
	s7 =	sadd.s32 $0x33E00, s7;
	[dreg:$0xc] =	wrdreg s26  }
0x14: {  	s11 =	sadd.s32 $0x6000, s12;
	s3 =	sadd.s32 $0x15C800, s3;
	[dreg:$0xd] =	wrdreg s7  }
0x15: {  	s9 =	sadd.s32 $0x2000, s12;
	s12 =	sadd.s32 $0x8000, s12;
	[dreg:$0xe] =	wrdreg s3  }
0x16: {  	s22 =	smax.u32 s1, $0x1;
	s23 =	simm.s32 $0x12E80;
	s24 =	simm.s32 $0x3  }
0x17: {  	s25 =	simm.s32 $0xA000;
	s26 =	simm.s32 $0xC800;
	s3 =	simm.s32 $0x2  }
0x18: {  	s1 =	simm.s32 $0xC780;
	s7 =	simm.s32 $0xEF00;
	s13 =	simm.s32 $0xEF80  }
.LBB2_1:
0x19: {  	s15 =	rddreg [dreg:$0x5]  }
0x1a: {  	[tilespmem:s23], [sflag:$0x3] =	stream.linear.gather [hbm4b:s15+s5], $0x2000, $0x38;
	[tilespmem:$0x14E80] =	vst v63  }
0x1b: {  	_ =	swait.ge [sflag:s24], $0x2000  }
0x1c: {  	[sflag:s24] =	ssyncset.done $0x0  }
0x1d: {  	[sflag:s24] =	ssyncadd.s32 $0xFFFFE000  }
0x1e: {  	[spmem:s8] =	stream.linear.scatter [tilespmem:s23], [sflag:$0x3], $0x2000, $0x38;
	[tilespmem:$0x14E80] =	vst v63  }
0x1f: {  	_ =	swait.ge [sflag:s24], $0x2000  }
0x20: {  	[sflag:s24] =	ssyncset.done $0x0  }
0x21: {  	[sflag:s24] =	ssyncadd.s32 $0xFFFFE000  }
0x22: {  	[spmem:s9] =	stream.linear.scatter [tilespmem:s23], [sflag:$0x3], $0x2000, $0x38;
	[tilespmem:$0x14E80] =	vst v63  }
0x23: {  	_ =	swait.ge [sflag:s24], $0x2000  }
0x24: {  	[sflag:s24] =	ssyncset.done $0x0  }
0x25: {  	[sflag:s24] =	ssyncadd.s32 $0xFFFFE000  }
0x26: {  	[spmem:s10] =	stream.linear.scatter [tilespmem:s23], [sflag:$0x3], $0x2000, $0x38;
	[tilespmem:$0x14E80] =	vst v63  }
0x27: {  	_ =	swait.ge [sflag:s24], $0x2000  }
0x28: {  	[sflag:s24] =	ssyncset.done $0x0  }
0x29: {  	[sflag:s24] =	ssyncadd.s32 $0xFFFFE000  }
0x2a: {  	[spmem:s11] =	stream.linear.scatter [tilespmem:s23], [sflag:$0x3], $0x2000, $0x38;
	[tilespmem:$0x14E80] =	vst v63  }
0x2b: {  	_ =	swait.ge [sflag:s24], $0x2000  }
0x2c: {  	[sflag:s24] =	ssyncset.done $0x0  }
0x2d: {  	[sflag:s24] =	ssyncadd.s32 $0xFFFFE000  }
0x2e: {  	[spmem:s12] =	stream.linear.scatter [tilespmem:s23], [sflag:$0x3], $0x2000, $0x38;
	[tilespmem:$0x14E80] =	vst v63  }
0x2f: {  	_ =	swait.ge [sflag:s24], $0x2000  }
0x30: {  	[sflag:s24] =	ssyncset.done $0x0  }
0x31: {  	[sflag:s24] =	ssyncadd.s32 $0xFFFFE000  }
0x32: {  	[bflag:$0x0] =	sbarrier.arrive $0xFFFF  }
0x33: {  	s16 =	rddreg [dreg:$0x6]  }
0x34: {  	[tilespmem:s25], [sflag:$0x3] =	stream.linear.gather [hbm4b:s16+s5], $0x2800, $0x38;
	[tilespmem:$0x14E80] =	vst v63  }
0x35: {  	_ =	swait.ge [sflag:s24], $0x2800  }
0x36: {  	[sflag:s24] =	ssyncset.done $0x0  }
0x37: {  	s17 =	rddreg [dreg:$0x7];
	[sflag:s24] =	ssyncadd.s32 $0xFFFFD800  }
0x38: {  	[tilespmem:s26], [sflag:$0x3] =	stream.linear.gather [hbm4b:s17+s5], $0x2800, $0x38;
	[tilespmem:$0x14E80] =	vst v63  }
0x39: {  	_ =	swait.ge [sflag:s24], $0x2800  }
0x3a: {  	[sflag:s24] =	ssyncset.done $0x0  }
0x3b: {  	[sflag:s24] =	ssyncadd.s32 $0xFFFFD800  }
0x3c: {  	[tilespmem:s29], [sflag:$0x1] =	stream.indirect.gather [hbm4b:s0+s28], $0x40, s25, s28, $0xb8;
	[tilespmem:$0x14E80] =	vst v63  }
0x3d: {  	s18 =	simm.s32 $0xA080  }
0x3e: {  	[tilespmem:s30], [sflag:$0x2] =	stream.indirect.gather [hbm4b:s0+s28], $0x40, s18, s28, $0xb8;
	[tilespmem:$0x14E80] =	vst v63  }
0x3f: {  	_ =	swait.ge [sflag:s31], $0x1F40  }
0x40: {  	[sflag:s31] =	ssyncset.done $0x0  }
0x41: {  	s19 =	simm.s32 $0xC800;
	[sflag:s31] =	ssyncadd.s32 $0xFFFFE0C0  }
0x42: {  	[spmem:s4] =	stream.indirect.scatter.add.f32 [tilespmem:s29], [sflag:$0x3], $0x40, s19, s28, $0xb8;
	[tilespmem:$0x14E80] =	vst v63  }
0x43: {  	_ =	swait.ge [sflag:s24], $0x1F40  }
0x44: {  	[sflag:s24] =	ssyncset.done $0x0  }
0x45: {  	s20 =	simm.s32 $0xA100;
	[sflag:s24] =	ssyncadd.s32 $0xFFFFE0C0  }
0x46: {  	[tilespmem:s29], [sflag:$0x1] =	stream.indirect.gather [hbm4b:s0+s28], $0x40, s20, s28, $0xb8;
	[tilespmem:$0x14E80] =	vst v63  }
0x47: {  	_ =	swait.ge [sflag:s3], $0x1F40  }
0x48: {  	[sflag:s3] =	ssyncset.done $0x0  }
0x49: {  	s21 =	simm.s32 $0xC880;
	[sflag:s3] =	ssyncadd.s32 $0xFFFFE0C0  }
0x4a: {  	[spmem:s4] =	stream.indirect.scatter.add.f32 [tilespmem:s30], [sflag:$0x3], $0x40, s21, s28, $0xb8;
	[tilespmem:$0x14E80] =	vst v63  }
0x4b: {  	_ =	swait.ge [sflag:s24], $0x1F40  }
0x4c: {  	s15 =	simm.s32 $0x100;
	s16 =	simm.s32 $0x800;
	[sflag:s24] =	ssyncset.done $0x0  }
.LBB2_2:
0x4d: {  	s17 =	sadd.s32 $0xA080, s15  }
0x4e: {  	[sflag:s24] =	ssyncadd.s32 $0xFFFFE0C0;
	s18 =	smov.u32 s16;
	s19 =	sadd.s32 $0x400, s16  }
0x4f: {  	[tilespmem:s30], [sflag:$0x2] =	stream.indirect.gather [hbm4b:s0+s28], $0x40, s17, s28, $0xb8;
	[tilespmem:$0x14E80] =	vst v63  }
0x50: {  	p0 =	sne.s32 s16, $0x9800;
	_ =	swait.ge [sflag:s31], $0x1F40  }
0x51: {  	[sflag:s31] =	ssyncset.done $0x0  }
0x52: {  	s16 =	sadd.s32 $0xC800, s15;
	[sflag:s31] =	ssyncadd.s32 $0xFFFFE0C0  }
0x53: {  	[spmem:s4] =	stream.indirect.scatter.add.f32 [tilespmem:s29], [sflag:$0x3], $0x40, s16, s28, $0xb8;
	[tilespmem:$0x14E80] =	vst v63  }
0x54: {  	_ =	swait.ge [sflag:s24], $0x1F40  }
0x55: {  	[sflag:s24] =	ssyncset.done $0x0  }
0x56: {  	s16 =	sadd.s32 $0xA100, s15;
	[sflag:s24] =	ssyncadd.s32 $0xFFFFE0C0  }
0x57: {  	[tilespmem:s29], [sflag:$0x1] =	stream.indirect.gather [hbm4b:s0+s28], $0x40, s16, s28, $0xb8;
	[tilespmem:$0x14E80] =	vst v63  }
0x58: {  	_ =	swait.ge [sflag:s3], $0x1F40  }
.Ltmp0:
0x59: {  	[sflag:s3] =	ssyncset.done $0x0;
	(pc) =	sbr.rel @p0 .LBB2_2-.Ltmp0, $4  }
0x5a: {  	s15 =	sadd.s32 $0xC880, s15;
	[sflag:s3] =	ssyncadd.s32 $0xFFFFE0C0  }
0x5b: {  	[spmem:s4] =	stream.indirect.scatter.add.f32 [tilespmem:s30], [sflag:$0x3], $0x40, s15, s28, $0xb8;
	[tilespmem:$0x14E80] =	vst v63  }
0x5c: {  	_ =	swait.ge [sflag:s24], $0x1F40  }
0x5d: {  	s16 =	smov.u32 s19;
	s15 =	sshra.s32 s18, $0x2;
	[sflag:s24] =	ssyncset.done $0x0  }
0x5e: {  	s16 =	sadd.s32 $0xA080, s15;
	[sflag:s24] =	ssyncadd.s32 $0xFFFFE0C0  }
0x5f: {  	[tilespmem:s30], [sflag:$0x2] =	stream.indirect.gather [hbm4b:s0+s28], $0x40, s16, s28, $0xb8;
	[tilespmem:$0x14E80] =	vst v63  }
0x60: {  	_ =	swait.ge [sflag:s31], $0x1F40  }
0x61: {  	[sflag:s31] =	ssyncset.done $0x0  }
0x62: {  	s21 =	sadd.s32 $0xC800, s15;
	[sflag:s31] =	ssyncadd.s32 $0xFFFFE0C0  }
0x63: {  	[spmem:s4] =	stream.indirect.scatter.add.f32 [tilespmem:s29], [sflag:$0x3], $0x40, s21, s28, $0xb8;
	[tilespmem:$0x14E80] =	vst v63  }
0x64: {  	_ =	swait.ge [sflag:s24], $0x1F40  }
0x65: {  	[sflag:s24] =	ssyncset.done $0x0  }
0x66: {  	s17 =	sadd.s32 $0xA100, s15;
	[sflag:s24] =	ssyncadd.s32 $0xFFFFE0C0  }
0x67: {  	[tilespmem:s29], [sflag:$0x1] =	stream.indirect.gather [hbm4b:s0+s28], $0x40, s17, s28, $0xb8;
	[tilespmem:$0x14E80] =	vst v63  }
0x68: {  	_ =	swait.ge [sflag:s3], $0x1F40  }
0x69: {  	[sflag:s3] =	ssyncset.done $0x0  }
0x6a: {  	s18 =	sadd.s32 $0xC880, s15;
	[sflag:s3] =	ssyncadd.s32 $0xFFFFE0C0  }
0x6b: {  	[spmem:s4] =	stream.indirect.scatter.add.f32 [tilespmem:s30], [sflag:$0x3], $0x40, s18, s28, $0xb8;
	[tilespmem:$0x14E80] =	vst v63  }
0x6c: {  	_ =	swait.ge [sflag:s24], $0x1F40  }
0x6d: {  	[sflag:s24] =	ssyncset.done $0x0  }
0x6e: {  	[sflag:s24] =	ssyncadd.s32 $0xFFFFE0C0  }
0x6f: {  	[tilespmem:s30], [sflag:$0x2] =	stream.indirect.gather [hbm4b:s0+s28], $0x40, s1, s28, $0xb8;
	[tilespmem:$0x14E80] =	vst v63  }
0x70: {  	_ =	swait.ge [sflag:s31], $0x1F40  }
0x71: {  	[sflag:s31] =	ssyncset.done $0x0  }
0x72: {  	[sflag:s31] =	ssyncadd.s32 $0xFFFFE0C0  }
0x73: {  	[spmem:s4] =	stream.indirect.scatter.add.f32 [tilespmem:s29], [sflag:$0x3], $0x40, s7, s28, $0xb8;
	[tilespmem:$0x14E80] =	vst v63  }
0x74: {  	_ =	swait.ge [sflag:s24], $0x1F40  }
0x75: {  	[sflag:s24] =	ssyncset.done $0x0  }
0x76: {  	[sflag:s24] =	ssyncadd.s32 $0xFFFFE0C0  }
0x77: {  	_ =	swait.ge [sflag:s3], $0x1F40  }
0x78: {  	[sflag:s3] =	ssyncset.done $0x0  }
0x79: {  	[sflag:s3] =	ssyncadd.s32 $0xFFFFE0C0  }
0x7a: {  	[spmem:s4] =	stream.indirect.scatter.add.f32 [tilespmem:s30], [sflag:$0x3], $0x40, s13, s28, $0xb8;
	[tilespmem:$0x14E80] =	vst v63  }
0x7b: {  	_ =	swait.ge [sflag:s24], $0x1F40  }
0x7c: {  	[sflag:s24] =	ssyncset.done $0x0  }
0x7d: {  	s19 =	stileid.u32;
	[sflag:s24] =	ssyncadd.s32 $0xFFFFE0C0  }
0x7e: {  	s15 =	sshll.u32 s19, $0x6;
	[bflag:$0x0] =	sbarrier.arrive $0xFFFF  }
0x7f: {  	s16 =	sshrl.u32 s8, $0x3;
	s15 =	sor.u32 $0x1C03, s15;
	s17 =	rddreg [dreg:$0x8]  }
0x80: {  	[hbm:s17], [sflag:s15] =	dma.local [spmem:s16], $0x1400  }
0x81: {  	_ =	swait.ge [sflag:s24], $0x1400  }
0x82: {  	[sflag:s24] =	ssyncset.done $0x0  }
0x83: {  	[sflag:s24] =	ssyncadd.s32 $0xFFFFEC00  }
0x84: {  	[bflag:$0x0] =	sbarrier.arrive $0xFFFF  }
0x85: {  	[spmem:s8] =	stream.linear.scatter [tilespmem:s23], [sflag:$0x3], $0x2000, $0x38;
	[tilespmem:$0x14E80] =	vst v63  }
0x86: {  	_ =	swait.ge [sflag:s24], $0x2000  }
0x87: {  	[sflag:s24] =	ssyncset.done $0x0  }
0x88: {  	[sflag:s24] =	ssyncadd.s32 $0xFFFFE000  }
0x89: {  	[spmem:s9] =	stream.linear.scatter [tilespmem:s23], [sflag:$0x3], $0x2000, $0x38;
	[tilespmem:$0x14E80] =	vst v63  }
0x8a: {  	_ =	swait.ge [sflag:s24], $0x2000  }
0x8b: {  	[sflag:s24] =	ssyncset.done $0x0  }
0x8c: {  	[sflag:s24] =	ssyncadd.s32 $0xFFFFE000  }
0x8d: {  	[spmem:s10] =	stream.linear.scatter [tilespmem:s23], [sflag:$0x3], $0x2000, $0x38;
	[tilespmem:$0x14E80] =	vst v63  }
0x8e: {  	_ =	swait.ge [sflag:s24], $0x2000  }
0x8f: {  	[sflag:s24] =	ssyncset.done $0x0  }
0x90: {  	[sflag:s24] =	ssyncadd.s32 $0xFFFFE000  }
0x91: {  	[spmem:s11] =	stream.linear.scatter [tilespmem:s23], [sflag:$0x3], $0x2000, $0x38;
	[tilespmem:$0x14E80] =	vst v63  }
0x92: {  	_ =	swait.ge [sflag:s24], $0x2000  }
0x93: {  	[sflag:s24] =	ssyncset.done $0x0  }
0x94: {  	[sflag:s24] =	ssyncadd.s32 $0xFFFFE000  }
0x95: {  	[spmem:s12] =	stream.linear.scatter [tilespmem:s23], [sflag:$0x3], $0x2000, $0x38;
	[tilespmem:$0x14E80] =	vst v63  }
0x96: {  	_ =	swait.ge [sflag:s24], $0x2000  }
0x97: {  	[sflag:s24] =	ssyncset.done $0x0  }
0x98: {  	[sflag:s24] =	ssyncadd.s32 $0xFFFFE000  }
0x99: {  	[bflag:$0x0] =	sbarrier.arrive $0xFFFF  }
0x9a: {  	s20 =	simm.s32 $0x0;
	s18 =	rddreg [dreg:$0x9]  }
0x9b: {  	[tilespmem:s25], [sflag:$0x3] =	stream.linear.gather [hbm4b:s18+s20], $0x2800, $0x38;
	[tilespmem:$0x14E80] =	vst v63  }
0x9c: {  	_ =	swait.ge [sflag:s24], $0x2800  }
0x9d: {  	[sflag:s24] =	ssyncset.done $0x0  }
0x9e: {  	s21 =	rddreg [dreg:$0xa];
	[sflag:s24] =	ssyncadd.s32 $0xFFFFD800  }
0x9f: {  	[tilespmem:s26], [sflag:$0x3] =	stream.linear.gather [hbm4b:s21+s20], $0x2800, $0x38;
	[tilespmem:$0x14E80] =	vst v63  }
0xa0: {  	_ =	swait.ge [sflag:s24], $0x2800  }
0xa1: {  	[sflag:s24] =	ssyncset.done $0x0  }
0xa2: {  	[sflag:s24] =	ssyncadd.s32 $0xFFFFD800  }
0xa3: {  	[tilespmem:s29], [sflag:$0x1] =	stream.indirect.gather [hbm4b:s2+s28], $0x40, s25, s28, $0xb8;
	[tilespmem:$0x14E80] =	vst v63  }
0xa4: {  	s18 =	simm.s32 $0xA080  }
0xa5: {  	[tilespmem:s30], [sflag:$0x2] =	stream.indirect.gather [hbm4b:s2+s28], $0x40, s18, s28, $0xb8;
	[tilespmem:$0x14E80] =	vst v63  }
0xa6: {  	_ =	swait.ge [sflag:s31], $0x1F40  }
0xa7: {  	[sflag:s31] =	ssyncset.done $0x0  }
0xa8: {  	s19 =	simm.s32 $0xC800;
	[sflag:s31] =	ssyncadd.s32 $0xFFFFE0C0  }
0xa9: {  	[spmem:s4] =	stream.indirect.scatter.add.f32 [tilespmem:s29], [sflag:$0x3], $0x40, s19, s28, $0xb8;
	[tilespmem:$0x14E80] =	vst v63  }
0xaa: {  	_ =	swait.ge [sflag:s24], $0x1F40  }
0xab: {  	[sflag:s24] =	ssyncset.done $0x0  }
0xac: {  	s20 =	simm.s32 $0xA100;
	[sflag:s24] =	ssyncadd.s32 $0xFFFFE0C0  }
0xad: {  	[tilespmem:s29], [sflag:$0x1] =	stream.indirect.gather [hbm4b:s2+s28], $0x40, s20, s28, $0xb8;
	[tilespmem:$0x14E80] =	vst v63  }
0xae: {  	_ =	swait.ge [sflag:s3], $0x1F40  }
0xaf: {  	[sflag:s3] =	ssyncset.done $0x0  }
0xb0: {  	s21 =	simm.s32 $0xC880;
	[sflag:s3] =	ssyncadd.s32 $0xFFFFE0C0  }
0xb1: {  	[spmem:s4] =	stream.indirect.scatter.add.f32 [tilespmem:s30], [sflag:$0x3], $0x40, s21, s28, $0xb8;
	[tilespmem:$0x14E80] =	vst v63  }
0xb2: {  	_ =	swait.ge [sflag:s24], $0x1F40  }
0xb3: {  	s17 =	simm.s32 $0x100;
	s18 =	simm.s32 $0x800;
	[sflag:s24] =	ssyncset.done $0x0  }
.LBB2_4:
0xb4: {  	s19 =	sadd.s32 $0xA080, s17  }
0xb5: {  	[sflag:s24] =	ssyncadd.s32 $0xFFFFE0C0;
	s20 =	smov.u32 s18;
	s21 =	sadd.s32 $0x400, s18  }
0xb6: {  	[tilespmem:s30], [sflag:$0x2] =	stream.indirect.gather [hbm4b:s2+s28], $0x40, s19, s28, $0xb8;
	[tilespmem:$0x14E80] =	vst v63  }
0xb7: {  	p0 =	sne.s32 s18, $0x9800;
	_ =	swait.ge [sflag:s31], $0x1F40  }
0xb8: {  	[sflag:s31] =	ssyncset.done $0x0  }
0xb9: {  	s18 =	sadd.s32 $0xC800, s17;
	[sflag:s31] =	ssyncadd.s32 $0xFFFFE0C0  }
0xba: {  	[spmem:s4] =	stream.indirect.scatter.add.f32 [tilespmem:s29], [sflag:$0x3], $0x40, s18, s28, $0xb8;
	[tilespmem:$0x14E80] =	vst v63  }
0xbb: {  	_ =	swait.ge [sflag:s24], $0x1F40  }
0xbc: {  	[sflag:s24] =	ssyncset.done $0x0  }
0xbd: {  	s18 =	sadd.s32 $0xA100, s17;
	[sflag:s24] =	ssyncadd.s32 $0xFFFFE0C0  }
0xbe: {  	[tilespmem:s29], [sflag:$0x1] =	stream.indirect.gather [hbm4b:s2+s28], $0x40, s18, s28, $0xb8;
	[tilespmem:$0x14E80] =	vst v63  }
0xbf: {  	_ =	swait.ge [sflag:s3], $0x1F40  }
.Ltmp1:
0xc0: {  	[sflag:s3] =	ssyncset.done $0x0;
	(pc) =	sbr.rel @p0 .LBB2_4-.Ltmp1, $4  }
0xc1: {  	s17 =	sadd.s32 $0xC880, s17;
	[sflag:s3] =	ssyncadd.s32 $0xFFFFE0C0  }
0xc2: {  	[spmem:s4] =	stream.indirect.scatter.add.f32 [tilespmem:s30], [sflag:$0x3], $0x40, s17, s28, $0xb8;
	[tilespmem:$0x14E80] =	vst v63  }
0xc3: {  	_ =	swait.ge [sflag:s24], $0x1F40  }
0xc4: {  	s18 =	smov.u32 s21;
	s17 =	sshra.s32 s20, $0x2;
	[sflag:s24] =	ssyncset.done $0x0  }
0xc5: {  	s18 =	sadd.s32 $0xA080, s17;
	[sflag:s24] =	ssyncadd.s32 $0xFFFFE0C0  }
0xc6: {  	[tilespmem:s30], [sflag:$0x2] =	stream.indirect.gather [hbm4b:s2+s28], $0x40, s18, s28, $0xb8;
	[tilespmem:$0x14E80] =	vst v63  }
0xc7: {  	_ =	swait.ge [sflag:s31], $0x1F40  }
0xc8: {  	[sflag:s31] =	ssyncset.done $0x0  }
0xc9: {  	s19 =	sadd.s32 $0xC800, s17;
	[sflag:s31] =	ssyncadd.s32 $0xFFFFE0C0  }
0xca: {  	[spmem:s4] =	stream.indirect.scatter.add.f32 [tilespmem:s29], [sflag:$0x3], $0x40, s19, s28, $0xb8;
	[tilespmem:$0x14E80] =	vst v63  }
0xcb: {  	_ =	swait.ge [sflag:s24], $0x1F40  }
0xcc: {  	[sflag:s24] =	ssyncset.done $0x0  }
0xcd: {  	s20 =	sadd.s32 $0xA100, s17;
	[sflag:s24] =	ssyncadd.s32 $0xFFFFE0C0  }
0xce: {  	[tilespmem:s29], [sflag:$0x1] =	stream.indirect.gather [hbm4b:s2+s28], $0x40, s20, s28, $0xb8;
	[tilespmem:$0x14E80] =	vst v63  }
0xcf: {  	_ =	swait.ge [sflag:s3], $0x1F40  }
0xd0: {  	[sflag:s3] =	ssyncset.done $0x0  }
0xd1: {  	s21 =	sadd.s32 $0xC880, s17;
	[sflag:s3] =	ssyncadd.s32 $0xFFFFE0C0  }
0xd2: {  	[spmem:s4] =	stream.indirect.scatter.add.f32 [tilespmem:s30], [sflag:$0x3], $0x40, s21, s28, $0xb8;
	[tilespmem:$0x14E80] =	vst v63  }
0xd3: {  	_ =	swait.ge [sflag:s24], $0x1F40  }
0xd4: {  	[sflag:s24] =	ssyncset.done $0x0  }
0xd5: {  	[sflag:s24] =	ssyncadd.s32 $0xFFFFE0C0  }
0xd6: {  	[tilespmem:s30], [sflag:$0x2] =	stream.indirect.gather [hbm4b:s2+s28], $0x40, s1, s28, $0xb8;
	[tilespmem:$0x14E80] =	vst v63  }
0xd7: {  	_ =	swait.ge [sflag:s31], $0x1F40  }
0xd8: {  	[sflag:s31] =	ssyncset.done $0x0  }
0xd9: {  	[sflag:s31] =	ssyncadd.s32 $0xFFFFE0C0  }
0xda: {  	[spmem:s4] =	stream.indirect.scatter.add.f32 [tilespmem:s29], [sflag:$0x3], $0x40, s7, s28, $0xb8;
	[tilespmem:$0x14E80] =	vst v63  }
0xdb: {  	_ =	swait.ge [sflag:s24], $0x1F40  }
0xdc: {  	[sflag:s24] =	ssyncset.done $0x0  }
0xdd: {  	[sflag:s24] =	ssyncadd.s32 $0xFFFFE0C0  }
0xde: {  	_ =	swait.ge [sflag:s3], $0x1F40  }
0xdf: {  	[sflag:s3] =	ssyncset.done $0x0  }
0xe0: {  	[sflag:s3] =	ssyncadd.s32 $0xFFFFE0C0  }
0xe1: {  	[spmem:s4] =	stream.indirect.scatter.add.f32 [tilespmem:s30], [sflag:$0x3], $0x40, s13, s28, $0xb8;
	[tilespmem:$0x14E80] =	vst v63  }
0xe2: {  	_ =	swait.ge [sflag:s24], $0x1F40  }
0xe3: {  	[sflag:s24] =	ssyncset.done $0x0  }
0xe4: {  	[sflag:s24] =	ssyncadd.s32 $0xFFFFE0C0  }
0xe5: {  	[bflag:$0x0] =	sbarrier.arrive $0xFFFF  }
0xe6: {  	s18 =	rddreg [dreg:$0xb]  }
0xe7: {  	[hbm:s18], [sflag:s15] =	dma.local [spmem:s16], $0x1400  }
0xe8: {  	_ =	swait.ge [sflag:s24], $0x1400  }
0xe9: {  	[sflag:s24] =	ssyncset.done $0x0  }
0xea: {  	[sflag:s24] =	ssyncadd.s32 $0xFFFFEC00  }
0xeb: {  	[bflag:$0x0] =	sbarrier.arrive $0xFFFF  }
0xec: {  	[spmem:s8] =	stream.linear.scatter [tilespmem:s23], [sflag:$0x3], $0x2000, $0x38;
	[tilespmem:$0x14E80] =	vst v63  }
0xed: {  	_ =	swait.ge [sflag:s24], $0x2000  }
0xee: {  	[sflag:s24] =	ssyncset.done $0x0  }
0xef: {  	[sflag:s24] =	ssyncadd.s32 $0xFFFFE000  }
0xf0: {  	[spmem:s9] =	stream.linear.scatter [tilespmem:s23], [sflag:$0x3], $0x2000, $0x38;
	[tilespmem:$0x14E80] =	vst v63  }
0xf1: {  	_ =	swait.ge [sflag:s24], $0x2000  }
0xf2: {  	[sflag:s24] =	ssyncset.done $0x0  }
0xf3: {  	[sflag:s24] =	ssyncadd.s32 $0xFFFFE000  }
0xf4: {  	[spmem:s10] =	stream.linear.scatter [tilespmem:s23], [sflag:$0x3], $0x2000, $0x38;
	[tilespmem:$0x14E80] =	vst v63  }
0xf5: {  	_ =	swait.ge [sflag:s24], $0x2000  }
0xf6: {  	[sflag:s24] =	ssyncset.done $0x0  }
0xf7: {  	[sflag:s24] =	ssyncadd.s32 $0xFFFFE000  }
0xf8: {  	[spmem:s11] =	stream.linear.scatter [tilespmem:s23], [sflag:$0x3], $0x2000, $0x38;
	[tilespmem:$0x14E80] =	vst v63  }
0xf9: {  	_ =	swait.ge [sflag:s24], $0x2000  }
0xfa: {  	[sflag:s24] =	ssyncset.done $0x0  }
0xfb: {  	[sflag:s24] =	ssyncadd.s32 $0xFFFFE000  }
0xfc: {  	[spmem:s12] =	stream.linear.scatter [tilespmem:s23], [sflag:$0x3], $0x2000, $0x38;
	[tilespmem:$0x14E80] =	vst v63  }
0xfd: {  	_ =	swait.ge [sflag:s24], $0x2000  }
0xfe: {  	[sflag:s24] =	ssyncset.done $0x0  }
0xff: {  	[sflag:s24] =	ssyncadd.s32 $0xFFFFE000  }
0x100: {  	[bflag:$0x0] =	sbarrier.arrive $0xFFFF  }
0x101: {  	s19 =	simm.s32 $0x0;
	s20 =	rddreg [dreg:$0xc]  }
0x102: {  	[tilespmem:s25], [sflag:$0x3] =	stream.linear.gather [hbm4b:s20+s19], $0x2800, $0x38;
	[tilespmem:$0x14E80] =	vst v63  }
0x103: {  	_ =	swait.ge [sflag:s24], $0x2800  }
0x104: {  	[sflag:s24] =	ssyncset.done $0x0  }
0x105: {  	s21 =	rddreg [dreg:$0xd];
	[sflag:s24] =	ssyncadd.s32 $0xFFFFD800  }
0x106: {  	[tilespmem:s26], [sflag:$0x3] =	stream.linear.gather [hbm4b:s21+s19], $0x2800, $0x38;
	[tilespmem:$0x14E80] =	vst v63  }
0x107: {  	_ =	swait.ge [sflag:s24], $0x2800  }
0x108: {  	[sflag:s24] =	ssyncset.done $0x0  }
0x109: {  	[sflag:s24] =	ssyncadd.s32 $0xFFFFD800  }
0x10a: {  	[tilespmem:s29], [sflag:$0x1] =	stream.indirect.gather [hbm4b:s6+s28], $0x40, s25, s28, $0xb8;
	[tilespmem:$0x14E80] =	vst v63  }
0x10b: {  	s18 =	simm.s32 $0xA080  }
0x10c: {  	[tilespmem:s30], [sflag:$0x2] =	stream.indirect.gather [hbm4b:s6+s28], $0x40, s18, s28, $0xb8;
	[tilespmem:$0x14E80] =	vst v63  }
0x10d: {  	_ =	swait.ge [sflag:s31], $0x1F40  }
0x10e: {  	[sflag:s31] =	ssyncset.done $0x0  }
0x10f: {  	s19 =	simm.s32 $0xC800;
	[sflag:s31] =	ssyncadd.s32 $0xFFFFE0C0  }
0x110: {  	[spmem:s4] =	stream.indirect.scatter.add.f32 [tilespmem:s29], [sflag:$0x3], $0x40, s19, s28, $0xb8;
	[tilespmem:$0x14E80] =	vst v63  }
0x111: {  	_ =	swait.ge [sflag:s24], $0x1F40  }
0x112: {  	[sflag:s24] =	ssyncset.done $0x0  }
0x113: {  	s20 =	simm.s32 $0xA100;
	[sflag:s24] =	ssyncadd.s32 $0xFFFFE0C0  }
0x114: {  	[tilespmem:s29], [sflag:$0x1] =	stream.indirect.gather [hbm4b:s6+s28], $0x40, s20, s28, $0xb8;
	[tilespmem:$0x14E80] =	vst v63  }
0x115: {  	_ =	swait.ge [sflag:s3], $0x1F40  }
0x116: {  	[sflag:s3] =	ssyncset.done $0x0  }
0x117: {  	s21 =	simm.s32 $0xC880;
	[sflag:s3] =	ssyncadd.s32 $0xFFFFE0C0  }
0x118: {  	[spmem:s4] =	stream.indirect.scatter.add.f32 [tilespmem:s30], [sflag:$0x3], $0x40, s21, s28, $0xb8;
	[tilespmem:$0x14E80] =	vst v63  }
0x119: {  	_ =	swait.ge [sflag:s24], $0x1F40  }
0x11a: {  	s17 =	simm.s32 $0x100;
	s18 =	simm.s32 $0x800;
	[sflag:s24] =	ssyncset.done $0x0  }
.LBB2_6:
0x11b: {  	s19 =	sadd.s32 $0xA080, s17  }
0x11c: {  	[sflag:s24] =	ssyncadd.s32 $0xFFFFE0C0;
	s20 =	smov.u32 s18;
	s21 =	sadd.s32 $0x400, s18  }
0x11d: {  	[tilespmem:s30], [sflag:$0x2] =	stream.indirect.gather [hbm4b:s6+s28], $0x40, s19, s28, $0xb8;
	[tilespmem:$0x14E80] =	vst v63  }
0x11e: {  	p0 =	sne.s32 s18, $0x9800;
	_ =	swait.ge [sflag:s31], $0x1F40  }
0x11f: {  	[sflag:s31] =	ssyncset.done $0x0  }
0x120: {  	s18 =	sadd.s32 $0xC800, s17;
	[sflag:s31] =	ssyncadd.s32 $0xFFFFE0C0  }
0x121: {  	[spmem:s4] =	stream.indirect.scatter.add.f32 [tilespmem:s29], [sflag:$0x3], $0x40, s18, s28, $0xb8;
	[tilespmem:$0x14E80] =	vst v63  }
0x122: {  	_ =	swait.ge [sflag:s24], $0x1F40  }
0x123: {  	[sflag:s24] =	ssyncset.done $0x0  }
0x124: {  	s18 =	sadd.s32 $0xA100, s17;
	[sflag:s24] =	ssyncadd.s32 $0xFFFFE0C0  }
0x125: {  	[tilespmem:s29], [sflag:$0x1] =	stream.indirect.gather [hbm4b:s6+s28], $0x40, s18, s28, $0xb8;
	[tilespmem:$0x14E80] =	vst v63  }
0x126: {  	_ =	swait.ge [sflag:s3], $0x1F40  }
.Ltmp2:
0x127: {  	[sflag:s3] =	ssyncset.done $0x0;
	(pc) =	sbr.rel @p0 .LBB2_6-.Ltmp2, $4  }
0x128: {  	s17 =	sadd.s32 $0xC880, s17;
	[sflag:s3] =	ssyncadd.s32 $0xFFFFE0C0  }
0x129: {  	[spmem:s4] =	stream.indirect.scatter.add.f32 [tilespmem:s30], [sflag:$0x3], $0x40, s17, s28, $0xb8;
	[tilespmem:$0x14E80] =	vst v63  }
0x12a: {  	_ =	swait.ge [sflag:s24], $0x1F40  }
0x12b: {  	s18 =	smov.u32 s21;
	s17 =	sshra.s32 s20, $0x2;
	[sflag:s24] =	ssyncset.done $0x0  }
0x12c: {  	s18 =	sadd.s32 $0xA080, s17;
	[sflag:s24] =	ssyncadd.s32 $0xFFFFE0C0  }
0x12d: {  	[tilespmem:s30], [sflag:$0x2] =	stream.indirect.gather [hbm4b:s6+s28], $0x40, s18, s28, $0xb8;
	[tilespmem:$0x14E80] =	vst v63  }
0x12e: {  	_ =	swait.ge [sflag:s31], $0x1F40  }
0x12f: {  	[sflag:s31] =	ssyncset.done $0x0  }
0x130: {  	s21 =	sadd.s32 $0xC800, s17;
	[sflag:s31] =	ssyncadd.s32 $0xFFFFE0C0  }
0x131: {  	[spmem:s4] =	stream.indirect.scatter.add.f32 [tilespmem:s29], [sflag:$0x3], $0x40, s21, s28, $0xb8;
	[tilespmem:$0x14E80] =	vst v63  }
0x132: {  	_ =	swait.ge [sflag:s24], $0x1F40  }
0x133: {  	[sflag:s24] =	ssyncset.done $0x0  }
0x134: {  	s19 =	sadd.s32 $0xA100, s17;
	[sflag:s24] =	ssyncadd.s32 $0xFFFFE0C0  }
0x135: {  	[tilespmem:s29], [sflag:$0x1] =	stream.indirect.gather [hbm4b:s6+s28], $0x40, s19, s28, $0xb8;
	[tilespmem:$0x14E80] =	vst v63  }
0x136: {  	_ =	swait.ge [sflag:s3], $0x1F40  }
0x137: {  	[sflag:s3] =	ssyncset.done $0x0  }
0x138: {  	s20 =	sadd.s32 $0xC880, s17;
	[sflag:s3] =	ssyncadd.s32 $0xFFFFE0C0  }
0x139: {  	[spmem:s4] =	stream.indirect.scatter.add.f32 [tilespmem:s30], [sflag:$0x3], $0x40, s20, s28, $0xb8;
	[tilespmem:$0x14E80] =	vst v63  }
0x13a: {  	_ =	swait.ge [sflag:s24], $0x1F40  }
0x13b: {  	[sflag:s24] =	ssyncset.done $0x0  }
0x13c: {  	[sflag:s24] =	ssyncadd.s32 $0xFFFFE0C0  }
0x13d: {  	[tilespmem:s30], [sflag:$0x2] =	stream.indirect.gather [hbm4b:s6+s28], $0x40, s1, s28, $0xb8;
	[tilespmem:$0x14E80] =	vst v63  }
0x13e: {  	_ =	swait.ge [sflag:s31], $0x1F40  }
0x13f: {  	[sflag:s31] =	ssyncset.done $0x0  }
0x140: {  	[sflag:s31] =	ssyncadd.s32 $0xFFFFE0C0  }
0x141: {  	[spmem:s4] =	stream.indirect.scatter.add.f32 [tilespmem:s29], [sflag:$0x3], $0x40, s7, s28, $0xb8;
	[tilespmem:$0x14E80] =	vst v63  }
0x142: {  	_ =	swait.ge [sflag:s24], $0x1F40  }
0x143: {  	[sflag:s24] =	ssyncset.done $0x0  }
0x144: {  	[sflag:s24] =	ssyncadd.s32 $0xFFFFE0C0  }
0x145: {  	_ =	swait.ge [sflag:s3], $0x1F40  }
0x146: {  	[sflag:s3] =	ssyncset.done $0x0  }
0x147: {  	[sflag:s3] =	ssyncadd.s32 $0xFFFFE0C0  }
0x148: {  	[spmem:s4] =	stream.indirect.scatter.add.f32 [tilespmem:s30], [sflag:$0x3], $0x40, s13, s28, $0xb8;
	[tilespmem:$0x14E80] =	vst v63  }
0x149: {  	_ =	swait.ge [sflag:s24], $0x1F40  }
0x14a: {  	[sflag:s24] =	ssyncset.done $0x0  }
0x14b: {  	[sflag:s24] =	ssyncadd.s32 $0xFFFFE0C0  }
0x14c: {  	s14 =	sadd.s32 $0x1, s14;
	[bflag:$0x0] =	sbarrier.arrive $0xFFFF  }
0x14d: {  	p0 =	sne.s32 s14, s22;
	s21 =	rddreg [dreg:$0xe]  }
0x14e: {  	[hbm:s21], [sflag:s15] =	dma.local [spmem:s16], $0x1400  }
.Ltmp3:
0x14f: {  	_ =	swait.ge [sflag:s24], $0x1400;
	(pc) =	sbr.rel @p0 .LBB2_1-.Ltmp3, $3  }
0x150: {  	[sflag:s24] =	ssyncset.done $0x0  }
0x151: {  	[sflag:s24] =	ssyncadd.s32 $0xFFFFEC00  }
0x152: {  	[bflag:$0x0] =	sbarrier.arrive $0xFFFF;
	_ =	sdelay $0x1  }
0x153: {  	_ =	sfence.sel $0x180000  }
0x154: {  	[bflag:$0x0] =	sbarrier.arrive $0xFFFF  }
0x155: {  	_ =	strace $0x9000004A  }
0x156: {  	s0 =	stileid.u32;
	[bflag:$0x2] =	sbarrier.arrive $0xFFFF  }
0x157: {  	p0 =	sne.s32 s0, $0x0;
	s0 =	rddreg [dreg:$0x4]  }
0x158: {  	s0 =	sadd.s32 @!p0 $0x100000, s0  }
0x159: {  	[sflag:s0] =	ssyncadd.tile.s32 @!p0 $0x1;
	_ =	shalt  }
.Lfunc_end2:
_tile_overlayer_lowered:
.L_overlay_start_2:
0x15a: {  	(tag) =	ssettag $0x2  }
0x15b: {  	s0 =	rddreg [dreg:$0x0];
	s2 =	stileid.u32  }
0x15c: {  	s1 =	rddreg [dreg:$0x1];
	p0 =	sne.s32 s2, $0x0  }
0x15d: {  	s3 =	rddreg [dreg:$0x2];
	[bflag:$0x3] =	sbarrier.arrive $0xFFFF;
	s2 =	simm.s32 @!p0 $0x1C03  }
0x15e: {  	[timem:s3], [sflag:s2] =	dma.local @!p0 [hbm:s0], s1  }
0x15f: {  	s0 =	simm.s32 @!p0 $0x3  }
0x160: {  	_ =	swait.ge @!p0 [sflag:s0], s1  }
0x161: {  	s1 =	ssub.s32 @!p0 $0x0, s1;
	[sflag:s0] =	ssyncset.done @!p0 $0x0  }
0x162: {  	[sflag:s0] =	ssyncadd.s32 @!p0 s1  }
0x163: {  	[bflag:$0x3] =	sbarrier.arrive $0xFFFF  }
0x164: {  	_ =	shalt  }

// kernel: kernel.7.cloned.1.call-start
scs
__scs_entry_jumppad:
0x0: {  	(pc) =	sbr.rel $0x88, $3  }
0x1: {  	(tag) =	ssettag $0x0;
	lr =	simm.s32 $0x1  }
0x2: {  	[smem:$0x3F8A] =	sst lr;
	_ =	strace $0xD0000000  }
0x3: {  	_ = 	snop  }
0x4: {  	_ = 	snop  }
0x5: {  	_ = 	snop  }
0x6: {  	_ = 	snop  }
0x7: {  	_ = 	snop  }
__scs_overlays_trampoline_lowered:
0x8: {  	[smem:$0x3F99] =	sst s0  }
0x9: {  	[smem:$0x3F9A] =	sst s1  }
0xa: {  	[smem:$0x3F9B] =	sst s2  }
0xb: {  	[smem:$0x3F9C] =	sst s3  }
0xc: {  	[smem:$0x3F9D] =	sst s4  }
0xd: {  	[smem:$0x3F9E] =	sst s5  }
0xe: {  	[smem:$0x3F9F] =	sst s6  }
0xf: {  	[smem:$0x3FA0] =	sst s7  }
0x10: {  	[smem:$0x3FA1] =	sst s8  }
0x11: {  	[smem:$0x3FA2] =	sst s9;
	s0 =	simm.s32 @!p0 $0x0  }
0x12: {  	s1 =	sld [smem:$0x3F88];
	s0 =	simm.s32 @p0 $0x1  }
0x13: {  	[smem:$0x3FA3] =	sst s0;
	s0 =	simm.s32 @!p1 $0x0  }
0x14: {  	s2 =	sld [smem:$0x3F87];
	s0 =	simm.s32 @p1 $0x1  }
0x15: {  	[smem:$0x3FA4] =	sst s0;
	s0 =	simm.s32 @!p2 $0x0  }
0x16: {  	s3 =	sld [smem:$0x3FDB];
	s0 =	simm.s32 @p2 $0x1  }
0x17: {  	s4 =	simm.s32 $0x1BF5;
	[smem:$0x3FA6] =	sst s0  }
0x18: {  	s0 =	sld [smem:$0x3F89];
	_ =	swait.ge [sflag:s4], $0x0  }
0x19: {  	s7 =	sld [smem:$0x3F8A]  }
0x1a: {  	s8 =	sadd.s32 $0xFFFFE003, lr  }
0x1b: {  	s9 =	sadd.s32 $0xFFFFFEF7, lr;
	s5 =	simm.s32 $0xFFFFFFFF;
	p2 =	slt.u32 s8, $0xFFFFF086  }
0x1c: {  	p1 =	slt.u32 s9, $0xF7A;
	s5 =	simm.s32 @!p2 $0x0  }
0x1d: {  	s5 =	simm.s32 @p1 $0x1;
	p0 =	seq.s32 s7, s2  }
0x1e: {  	s7 =	smul.u32 @!p0 $0xF7A, s2;
	p2 =	seq.s32 @!p0 s5, $0x0  }
0x1f: {  	s9 =	smul.u32 $0xF7A, s1;
	s8 =	simm.s32 @!p0 $0x1BF5;
	p2 =	por !p2, p0  }
0x20: {  	[sflag:s8] =	ssyncset.s32 @!p0 $0xFFFFF086;
	s6 =	sadd.s32 @!p0 s3, s7;
	s7 =	simm.s32 @!p0 $0x108  }
0x21: {  	s3 =	sadd.s32 s3, s9;
	s6 =	sadd.s32 @!p0 $0x88, s6;
	s7 =	simm.s32 @p2 $0x1082  }
0x22: {  	[simem:s7], [sflag:s8] =	dma.local @!p0 [hbm:s6], $0xF7A  }
0x23: {  	s9 =	sor.u32 $0xD0000000, s2;
	s6 =	simm.s32 $0x108;
	_ =	swait.ge @!p0 [sflag:s8], $0x0  }
0x24: {  	s3 =	sadd.s32 $0x88, s3;
	s6 =	simm.s32 @!p1 $0x1082;
	[sflag:s4] =	ssyncset.s32 $0xFFFFF086  }
0x25: {  	[simem:s6], [sflag:s4] =	dma.local [hbm:s3], $0xF7A  }
0x26: {  	[smem:$0x3F8A] =	sst s1;
	(tag) =	ssettag s2;
	_ =	strace s9  }
0x27: {  	s1 =	sld [smem:$0x3F9A]  }
0x28: {  	s2 =	sld [smem:$0x3F9B]  }
0x29: {  	s4 =	sld [smem:$0x3F9D]  }
0x2a: {  	p0 =	seq.s32 s5, $0x0;
	s5 =	sld [smem:$0x3F9E]  }
0x2b: {  	s6 =	sld [smem:$0x3F9F]  }
0x2c: {  	s7 =	sld [smem:$0x3FA0]  }
0x2d: {  	s3 =	simm.s32 $0x108;
	s8 =	sld [smem:$0x3FA1]  }
0x2e: {  	s3 =	simm.s32 @!p0 $0x1082;
	s9 =	sld [smem:$0x3FA2]  }
0x2f: {  	lr =	sadd.s32 s0, s3;
	s0 =	sld [smem:$0x3F99]  }
0x30: {  	s3 =	sld [smem:$0x3F9C]  }
0x31: {  	[smem:$0x3FA5] =	sst s10  }
0x32: {  	s10 =	sld [smem:$0x3FA3];
	_ =	sdelay $0x3  }
0x33: {  	p0 =	seq.s32 s10, $0x1;
	s10 =	sld [smem:$0x3FA5];
	_ =	sdelay $0x3  }
0x34: {  	[smem:$0x3FA5] =	sst s10  }
0x35: {  	s10 =	sld [smem:$0x3FA4];
	_ =	sdelay $0x3  }
0x36: {  	p1 =	seq.s32 s10, $0x1;
	s10 =	sld [smem:$0x3FA5];
	_ =	sdelay $0x3  }
0x37: {  	[smem:$0x3FA5] =	sst s10  }
0x38: {  	s10 =	sld [smem:$0x3FA6]  }
0x39: {  	_ = 	snop;
	(pc) =	sbr.ind lr, $3  }
0x3a: {  	_ = 	snop  }
0x3b: {  	_ = 	snop  }
0x3c: {  	p2 =	seq.s32 s10, $0x1;
	s10 =	sld [smem:$0x3FA5]  }
0x3d: {  	_ =	shalt  }
0x3e: {  	_ =	shalt  }
0x3f: {  	_ =	shalt  }
0x40: {  	_ =	shalt  }
0x41: {  	_ =	shalt  }
0x42: {  	_ =	shalt  }
0x43: {  	_ =	shalt  }
0x44: {  	_ =	shalt  }
0x45: {  	_ =	shalt  }
0x46: {  	_ =	shalt  }
0x47: {  	_ =	shalt  }
0x48: {  	_ =	shalt  }
0x49: {  	_ =	shalt  }
0x4a: {  	_ =	shalt  }
0x4b: {  	_ =	shalt  }
0x4c: {  	_ =	shalt  }
0x4d: {  	_ =	shalt  }
0x4e: {  	_ =	shalt  }
0x4f: {  	_ =	shalt  }
0x50: {  	_ =	shalt  }
0x51: {  	_ =	shalt  }
0x52: {  	_ =	shalt  }
0x53: {  	_ =	shalt  }
0x54: {  	_ =	shalt  }
0x55: {  	_ =	shalt  }
0x56: {  	_ =	shalt  }
0x57: {  	_ =	shalt  }
0x58: {  	_ =	shalt  }
0x59: {  	_ =	shalt  }
0x5a: {  	_ =	shalt  }
0x5b: {  	_ =	shalt  }
0x5c: {  	_ =	shalt  }
0x5d: {  	_ =	shalt  }
0x5e: {  	_ =	shalt  }
0x5f: {  	_ =	shalt  }
0x60: {  	_ =	shalt  }
0x61: {  	_ =	shalt  }
0x62: {  	_ =	shalt  }
0x63: {  	_ =	shalt  }
0x64: {  	_ =	shalt  }
0x65: {  	_ =	shalt  }
0x66: {  	_ =	shalt  }
0x67: {  	_ =	shalt  }
0x68: {  	_ =	shalt  }
0x69: {  	_ =	shalt  }
0x6a: {  	_ =	shalt  }
0x6b: {  	_ =	shalt  }
0x6c: {  	_ =	shalt  }
0x6d: {  	_ =	shalt  }
0x6e: {  	_ =	shalt  }
0x6f: {  	_ =	shalt  }
0x70: {  	_ =	shalt  }
0x71: {  	_ =	shalt  }
0x72: {  	_ =	shalt  }
0x73: {  	_ =	shalt  }
0x74: {  	_ =	shalt  }
0x75: {  	_ =	shalt  }
0x76: {  	_ =	shalt  }
0x77: {  	_ =	shalt  }
0x78: {  	_ =	shalt  }
0x79: {  	_ =	shalt  }
0x7a: {  	_ =	shalt  }
0x7b: {  	_ =	shalt  }
0x7c: {  	_ =	shalt  }
0x7d: {  	_ =	shalt  }
0x7e: {  	_ =	shalt  }
0x7f: {  	_ =	shalt  }
0x80: {  	_ =	shalt  }
0x81: {  	_ =	shalt  }
0x82: {  	_ =	shalt  }
0x83: {  	_ =	shalt  }
0x84: {  	_ =	shalt  }
0x85: {  	_ =	shalt  }
0x86: {  	_ =	shalt  }
0x87: {  	_ =	shalt  }
.Lfunc_end0:
.L_simem_size_0:
called_computation_lowered:
.L_overlay_start_0:
0x88: {  	s2 =	sld [smem:$0x3FD9]  }
0x89: {  	s3 =	sld [smem:$0x3FFE];
	_ =	sdelay $0x1  }
0x8a: {  	s1 =	srdreg.scid  }
0x8b: {  	s0 =	sand.u32 $0x1, s1  }
0x8c: {  	s14 =	sshll.u32 s0, $0xA;
	s2 =	sadd.s32 s3, s2  }
0x8d: {  	s2 =	sadd.s32 s2, s14  }
0x8e: {  	[smem:$0x3FB1] =	sst s2  }
0x8f: {  	_ = 	snop  }
0x90: {  	s2 =	sld [smem:$0x3FD0];
	_ =	sdelay $0x2  }
0x91: {  	s15 =	simm.s32 $0xA;
	s4 =	simm.s32 $0x10  }
0x92: {  	[smem:s4], [sflag:s15] =	dma.local [hbm:s2], $0x1  }
0x93: {  	_ =	swait.eq [sflag:s15], $0x1  }
0x94: {  	[sflag:s15] =	ssyncset.done $0x0  }
0x95: {  	s16 =	sld [smem:$0x10];
	[sflag:s15] =	ssyncadd.s32 $0xFFFFFFFF  }
0x96: {  	s17 =	sld [smem:$0x11];
	(tm) =	ssettm $0x1  }
0x97: {  	s18 =	sld [smem:$0x3FFB];
	_ =	sdelay $0x3  }
0x98: {  	_ =	strace s18  }
0x99: {  	s4 =	sld [smem:$0x3FFC];
	_ =	sdelay $0x3  }
0x9a: {  	_ =	strace s4  }
0x9b: {  	s4 =	sld [smem:$0x3FFD];
	_ =	sdelay $0x3  }
0x9c: {  	_ =	strace s4  }
0x9d: {  	_ =	strace $0x8FFFFFFF  }
0x9e: {  	s19 =	sld [smem:$0x3FDB];
	_ =	sdelay $0x1  }
0x9f: {  	s5 =	simm.s32 $_scs_section_size  }
0xa0: {  	s6 =	simm.s32 $_size__tile_overlayer_lowered;
	s7 =	simm.s32 $_tile_overlayer_lowered  }
0xa1: {  	s22 =	simm.s32 $0x1BFF;
	s21 =	sshll.u32 s7, $0x1;
	s4 =	sadd.s32 s5, s19  }
0xa2: {  	s8 =	simm.s32 $0x0;
	s20 =	sshll.u32 s6, $0x1;
	s6 =	sadd.s32 s21, s4  }
0xa3: {  	[timem:s8], [sflag:s22] =	dma.local [hbm:s6], s20  }
0xa4: {  	_ =	swait.ge [sflag:s22], s20  }
0xa5: {  	s5 =	ssub.s32 $0x0, s20;
	[sflag:s22] =	ssyncset.done $0x0  }
0xa6: {  	[sflag:s22] =	ssyncadd.s32 s5;
	_ =	sdelay $0x1  }
0xa7: {  	s23 =	simm.s32 $0x1B8B  }
0xa8: {  	_ =	swait.ge [sflag:s23], $0x1  }
0xa9: {  	[sflag:s23] =	ssyncset.done $0x0  }
0xaa: {  	s25 =	simm.s32 $0x1B8E;
	s24 =	sld [smem:$0x3FFE];
	[sflag:s23] =	ssyncadd.s32 $0xFFFFFFFF  }
0xab: {  	s26 =	simm.s32 $execute0_lowered;
	[smem:$0x3FD2] =	sst s25  }
0xac: {  	s6 =	sshll.u32 s26, $0x1;
	_ =	strace $0x80000046;
	[dreg:$0x1] =	wrdreg $0xFFFFFFFF  }
0xad: {  	s28 =	simm.s32 $_size_execute0_lowered;
	s4 =	sadd.s32 s4, s6;
	[dreg:$0x0] =	wrdreg $0x0  }
0xae: {  	s6 =	sshll.u32 s28, $0x1;
	[dreg:$0x2] =	wrdreg s4  }
0xaf: {  	[dreg:$0x3] =	wrdreg s6  }
0xb0: {  	[dreg:$0x4] =	wrdreg $0xC0  }
0xb1: {  	_ =	task [dreg:s8], $0x5FFFF  }
0xb2: {  	[dreg:$0x1] =	wrdreg $0xFFFFFFFF  }
0xb3: {  	[dreg:$0x0] =	wrdreg $0x60  }
0xb4: {  	[dreg:$0x2] =	wrdreg s17  }
0xb5: {  	[dreg:$0x3] =	wrdreg s16  }
0xb6: {  	[dreg:$0x4] =	wrdreg s24  }
0xb7: {  	[dreg:$0x5] =	wrdreg $0x0  }
0xb8: {  	[dreg:$0x6] =	wrdreg $0x9  }
0xb9: {  	_ =	task.clear_ibuf [dreg:s8], $0x7FFFF;
	_ =	strace $0x90000046  }
0xba: {  	s29 =	simm.s32 $0x9;
	_ =	strace $0x80000048  }
0xbb: {  	_ =	swait.ge [sflag:s29], $0x1  }
0xbc: {  	[sflag:s29] =	ssyncadd.s32 $0xFFFFFFFF  }
0xbd: {  	_ =	strace $0x90000048  }
0xbe: {  	_ =	sfence  }
0xbf: {  	s30 =	sld [smem:$0x0];
	_ =	sdelay $0x2  }
0xc0: {  	s31 =	sshll.u32 s1, $0xD;
	s1 =	sshrl.u32 s1, $0x2  }
0xc1: {  	s3 =	sand.u32 $0x4000, s31;
	s1 =	sadd.s32 s1, s30  }
0xc2: {  	s0 =	sor.u32 s3, s0;
	s1 =	sshll.u32 s1, $0x11  }
0xc3: {  	s0 =	sor.u32 s1, s0  }
0xc4: {  	s0 =	sadd.s32 $0x8F2B, s0  }
0xc5: {  	[sflag:s0] =	ssyncadd.remote.s32 $0x1  }
0xc6: {  	_ =	sfence.sel $0xFFFF  }
0xc7: {  	[dreg:$0x0] =	wrdreg $0xFFFFFFFF;
	(pc) =	sbr.abs _section_cstart, $3  }
0xc8: {  	[dreg:$0x1] =	wrdreg $0xFFFFFFFF  }
0xc9: {  	_ =	task.clear_ibuf [dreg:s8], $0x2FFFF;
	_ =	strace $0x9FFFFFFF  }
0xca: {  	(tm) =	ssettm $0x7FFFFFFF  }
0xcb: {  	_ =	shalt  }
tec
execute0_lowered:
.L_overlay_start_1:
0x0: {  	(tag) =	ssettag $0x1  }
0x1: {  	s0 =	rddreg [dreg:$0x0]  }
0x2: {  	s2 =	rddreg [dreg:$0x1]  }
0x3: {  	s1 =	srdreg.scid;
	s11 =	stileid.u32  }
0x4: {  	s3 =	rddreg [dreg:$0x2];
	s8 =	smul.u32 $0x2800, s11  }
0x5: {  	s4 =	rddreg [dreg:$0x3];
	s10 =	smul.u32 $0x2710, s11  }
0x6: {  	s5 =	simm.s32 $0x0;
	s1 =	sand.u32 $0x1, s1;
	s15 =	smul.u32 $0xA000, s11  }
0x7: {  	[smem:$0x7FF] =	sst s5;
	s7 =	smul.u32 $0x28000, s1  }
0x8: {  	s6 =	sadd.s32 $0xAA000, s3;
	s17 =	sadd.s32 $0xBDA00, s3;
	s9 =	smul.u32 $0x27100, s1  }
0x9: {  	_ =	strace $0x80000047;
	s16 =	smul.u32 $0xA0000, s1;
	s1 =	ssub.s32 $0x2, s1  }
0xa: {  	[dreg:$0x5] =	wrdreg s17;
	s12 =	sshrl.u32 s1, $0x1;
	s7 =	sadd.s32 s8, s7  }
0xb: {  	s14 =	sadd.s32 s10, s9;
	s10 =	sadd.s32 s15, s16;
	s1 =	ssub.s32 s1, s12  }
0xc: {  	s9 =	sadd.s32 s15, s4;
	s7 =	sshrl.u32 s7, $0x3;
	s8 =	sshrl.u32 s14, $0x3  }
0xd: {  	s10 =	sshrl.u32 s10, $0x3;
	s1 =	smax.u32 s1, $0x1;
	s7 =	sadd.s32 s7, s3  }
0xe: {  	s14 =	sadd.s32 s8, s3;
	[dreg:$0x15] =	wrdreg s1;
	s15 =	sadd.s32 $0xC000, s7  }
0xf: {  	s8 =	sadd.s32 $0xBDE00, s3;
	s18 =	sadd.s32 $0x16000, s7;
	[dreg:$0x6] =	wrdreg s15  }
0x10: {  	s3 =	sadd.s32 s10, s3;
	s19 =	sadd.s32 $0x2200, s14;
	[dreg:$0x7] =	wrdreg s18  }
0x11: {  	s31 =	simm.s32 $0x12E80;
	s20 =	sadd.s32 $0xDC400, s3;
	[dreg:$0x8] =	wrdreg s19  }
0x12: {  	s11 =	smul.u32 $0x28000, s11;
	s21 =	sadd.s32 $0xBE400, s7;
	[dreg:$0x9] =	wrdreg s20  }
0x13: {  	s17 =	simm.s32 $0xF000;
	s22 =	sadd.s32 $0x47C00, s7;
	[dreg:$0xa] =	wrdreg s21  }
0x14: {  	s11 =	sshrl.u32 s11, $0x2;
	s23 =	sadd.s32 $0x104400, s3;
	[dreg:$0xb] =	wrdreg s22  }
0x15: {  	s13 =	sadd.s32 s11, s4;
	s24 =	sadd.s32 $0x3DE00, s14;
	[dreg:$0xc] =	wrdreg s23  }
0x16: {  	s16 =	simm.s32 $0x7D;
	s14 =	sadd.s32 $0x20000, s14;
	[dreg:$0xd] =	wrdreg s24  }
0x17: {  	s11 =	sadd.s32 $0x4000, s13;
	s3 =	sadd.s32 $0x12C400, s3;
	[dreg:$0xe] =	wrdreg s14  }
0x18: {  	s12 =	sadd.s32 $0x6000, s13;
	s25 =	sadd.s32 $0x51C00, s7;
	[dreg:$0xf] =	wrdreg s3  }
0x19: {  	s10 =	sadd.s32 $0x2000, s13;
	s26 =	sadd.s32 $0xC8400, s7;
	[dreg:$0x10] =	wrdreg s25  }
0x1a: {  	s13 =	sadd.s32 $0x8000, s13;
	s28 =	sadd.s32 $0x29E00, s7;
	[dreg:$0x11] =	wrdreg s26  }
0x1b: {  	s1 =	simm.s32 $0x17590;
	s29 =	sadd.s32 $0x33E00, s7;
	[dreg:$0x12] =	wrdreg s28  }
0x1c: {  	s30 =	sadd.s32 $0xD2400, s7;
	s7 =	simm.s32 $0xA000;
	[dreg:$0x13] =	wrdreg s29  }
0x1d: {  	[dreg:$0x14] =	wrdreg s30;
	s3 =	simm.s32 $0x3;
	s18 =	simm.s32 $0x10F40  }
0x1e: {  	s19 =	simm.s32 $0x1;
	s20 =	simm.s32 $0x2;
	s21 =	simm.s32 $0xC780  }
0x1f: {  	v0 =	vimm.f32 $1.000000000e+00;
	s22 =	simm.s32 $0xEF00;
	s23 =	simm.s32 $0xEF80;
	s24 =	simm.s32 $0x0  }
.LBB2_1:
0x20: {  	s14 =	rddreg [dreg:$0x5]  }
0x21: {  	[tilespmem:s31], [sflag:$0x3] =	stream.linear.gather [hbm4b:s14+s5], $0x2000, $0x38;
	[tilespmem:$0x19D90] =	vst v63  }
0x22: {  	_ =	swait.ge [sflag:s3], $0x2000  }
0x23: {  	[sflag:s3] =	ssyncset.done $0x0  }
0x24: {  	[sflag:s3] =	ssyncadd.s32 $0xFFFFE000  }
0x25: {  	[spmem:s9] =	stream.linear.scatter [tilespmem:s31], [sflag:$0x3], $0x2000, $0x38;
	[tilespmem:$0x19D90] =	vst v63  }
0x26: {  	_ =	swait.ge [sflag:s3], $0x2000  }
0x27: {  	[sflag:s3] =	ssyncset.done $0x0  }
0x28: {  	[sflag:s3] =	ssyncadd.s32 $0xFFFFE000  }
0x29: {  	[spmem:s10] =	stream.linear.scatter [tilespmem:s31], [sflag:$0x3], $0x2000, $0x38;
	[tilespmem:$0x19D90] =	vst v63  }
0x2a: {  	_ =	swait.ge [sflag:s3], $0x2000  }
0x2b: {  	[sflag:s3] =	ssyncset.done $0x0  }
0x2c: {  	[sflag:s3] =	ssyncadd.s32 $0xFFFFE000  }
0x2d: {  	[spmem:s11] =	stream.linear.scatter [tilespmem:s31], [sflag:$0x3], $0x2000, $0x38;
	[tilespmem:$0x19D90] =	vst v63  }
0x2e: {  	_ =	swait.ge [sflag:s3], $0x2000  }
0x2f: {  	[sflag:s3] =	ssyncset.done $0x0  }
0x30: {  	[sflag:s3] =	ssyncadd.s32 $0xFFFFE000  }
0x31: {  	[spmem:s12] =	stream.linear.scatter [tilespmem:s31], [sflag:$0x3], $0x2000, $0x38;
	[tilespmem:$0x19D90] =	vst v63  }
0x32: {  	_ =	swait.ge [sflag:s3], $0x2000  }
0x33: {  	[sflag:s3] =	ssyncset.done $0x0  }
0x34: {  	[sflag:s3] =	ssyncadd.s32 $0xFFFFE000  }
0x35: {  	[spmem:s13] =	stream.linear.scatter [tilespmem:s31], [sflag:$0x3], $0x2000, $0x38;
	[tilespmem:$0x19D90] =	vst v63  }
0x36: {  	_ =	swait.ge [sflag:s3], $0x2000  }
0x37: {  	[sflag:s3] =	ssyncset.done $0x0  }
0x38: {  	[sflag:s3] =	ssyncadd.s32 $0xFFFFE000  }
0x39: {  	[tilespmem:s1], [sflag:$0x3] =	stream.linear.gather [hbm4b:s8+s5], $0x2800, $0x38;
	[tilespmem:$0x19D90] =	vst v63  }
0x3a: {  	_ =	swait.ge [sflag:s3], $0x2800  }
0x3b: {  	[sflag:s3] =	ssyncset.done $0x0  }
0x3c: {  	[sflag:s3] =	ssyncadd.s32 $0xFFFFD800  }
0x3d: {  	[bflag:$0x0] =	sbarrier.arrive $0xFFFF  }
0x3e: {  	s29 =	rddreg [dreg:$0x6]  }
0x3f: {  	[tilespmem:s7], [sflag:$0x3] =	stream.linear.gather [hbm4b:s29+s5], $0x2800, $0x38;
	[tilespmem:$0x19D90] =	vst v63  }
0x40: {  	_ =	swait.ge [sflag:s3], $0x2800  }
0x41: {  	[sflag:s3] =	ssyncset.done $0x0  }
0x42: {  	s15 =	simm.s32 $0xC800;
	s30 =	rddreg [dreg:$0x7];
	[sflag:s3] =	ssyncadd.s32 $0xFFFFD800  }
0x43: {  	[tilespmem:s15], [sflag:$0x3] =	stream.linear.gather [hbm4b:s30+s5], $0x2800, $0x38;
	[tilespmem:$0x19D90] =	vst v63  }
0x44: {  	_ =	swait.ge [sflag:s3], $0x2800  }
0x45: {  	[sflag:s3] =	ssyncset.done $0x0  }
0x46: {  	s26 =	simm.s32 $0x14E80;
	s25 =	rddreg [dreg:$0x8];
	[sflag:s3] =	ssyncadd.s32 $0xFFFFD800  }
0x47: {  	[tilespmem:s26], [sflag:$0x3] =	stream.linear.gather [hbm4b:s25+s5], $0x2710, $0x38;
	[tilespmem:$0x19D90] =	vst v63  }
0x48: {  	_ =	swait.ge [sflag:s3], $0x2710  }
0x49: {  	[sflag:s3] =	ssyncset.done $0x0  }
0x4a: {  	[sflag:s3] =	ssyncadd.s32 $0xFFFFD8F0  }
0x4b: {  	[tilespmem:s17], [sflag:$0x1] =	stream.indirect.gather [hbm4b:s0+s16], $0x40, s7, s16, $0xb8;
	[tilespmem:$0x19D90] =	vst v63  }
0x4c: {  	s25 =	simm.s32 $0xA080  }
0x4d: {  	[tilespmem:s18], [sflag:$0x2] =	stream.indirect.gather [hbm4b:s0+s16], $0x40, s25, s16, $0xb8;
	[tilespmem:$0x19D90] =	vst v63  }
0x4e: {  	_ =	swait.ge [sflag:s19], $0x1F40  }
0x4f: {  	[sflag:s19] =	ssyncset.done $0x0  }
0x50: {  	s28 =	simm.s32 $0xC800;
	[sflag:s19] =	ssyncadd.s32 $0xFFFFE0C0  }
0x51: {  	[spmem:s4] =	stream.indirect.scatter.add.f32 [tilespmem:s17], [sflag:$0x3], $0x40, s28, s16, $0xb8;
	[tilespmem:$0x19D90] =	vst v63  }
0x52: {  	_ =	swait.ge [sflag:s3], $0x1F40  }
0x53: {  	[sflag:s3] =	ssyncset.done $0x0  }
0x54: {  	s29 =	simm.s32 $0xA100;
	[sflag:s3] =	ssyncadd.s32 $0xFFFFE0C0  }
0x55: {  	[tilespmem:s17], [sflag:$0x1] =	stream.indirect.gather [hbm4b:s0+s16], $0x40, s29, s16, $0xb8;
	[tilespmem:$0x19D90] =	vst v63  }
0x56: {  	_ =	swait.ge [sflag:s20], $0x1F40  }
0x57: {  	[sflag:s20] =	ssyncset.done $0x0  }
0x58: {  	s30 =	simm.s32 $0xC880;
	[sflag:s20] =	ssyncadd.s32 $0xFFFFE0C0  }
0x59: {  	[spmem:s4] =	stream.indirect.scatter.add.f32 [tilespmem:s18], [sflag:$0x3], $0x40, s30, s16, $0xb8;
	[tilespmem:$0x19D90] =	vst v63  }
0x5a: {  	_ =	swait.ge [sflag:s3], $0x1F40  }
0x5b: {  	s26 =	simm.s32 $0x800;
	s25 =	simm.s32 $0x100;
	[sflag:s3] =	ssyncset.done $0x0  }
.LBB2_2:
0x5c: {  	s28 =	sadd.s32 $0xA080, s25  }
0x5d: {  	[sflag:s3] =	ssyncadd.s32 $0xFFFFE0C0;
	s29 =	smov.u32 s26;
	s30 =	sadd.s32 $0x400, s26  }
0x5e: {  	[tilespmem:s18], [sflag:$0x2] =	stream.indirect.gather [hbm4b:s0+s16], $0x40, s28, s16, $0xb8;
	[tilespmem:$0x19D90] =	vst v63  }
0x5f: {  	p0 =	sne.s32 s26, $0x9800;
	_ =	swait.ge [sflag:s19], $0x1F40  }
0x60: {  	[sflag:s19] =	ssyncset.done $0x0  }
0x61: {  	s26 =	sadd.s32 $0xC800, s25;
	[sflag:s19] =	ssyncadd.s32 $0xFFFFE0C0  }
0x62: {  	[spmem:s4] =	stream.indirect.scatter.add.f32 [tilespmem:s17], [sflag:$0x3], $0x40, s26, s16, $0xb8;
	[tilespmem:$0x19D90] =	vst v63  }
0x63: {  	_ =	swait.ge [sflag:s3], $0x1F40  }
0x64: {  	[sflag:s3] =	ssyncset.done $0x0  }
0x65: {  	s26 =	sadd.s32 $0xA100, s25;
	[sflag:s3] =	ssyncadd.s32 $0xFFFFE0C0  }
0x66: {  	[tilespmem:s17], [sflag:$0x1] =	stream.indirect.gather [hbm4b:s0+s16], $0x40, s26, s16, $0xb8;
	[tilespmem:$0x19D90] =	vst v63  }
0x67: {  	_ =	swait.ge [sflag:s20], $0x1F40  }
.Ltmp0:
0x68: {  	[sflag:s20] =	ssyncset.done $0x0;
	(pc) =	sbr.rel @p0 .LBB2_2-.Ltmp0, $4  }
0x69: {  	s25 =	sadd.s32 $0xC880, s25;
	[sflag:s20] =	ssyncadd.s32 $0xFFFFE0C0  }
0x6a: {  	[spmem:s4] =	stream.indirect.scatter.add.f32 [tilespmem:s18], [sflag:$0x3], $0x40, s25, s16, $0xb8;
	[tilespmem:$0x19D90] =	vst v63  }
0x6b: {  	_ =	swait.ge [sflag:s3], $0x1F40  }
0x6c: {  	s26 =	smov.u32 s30;
	s25 =	sshra.s32 s29, $0x2;
	[sflag:s3] =	ssyncset.done $0x0  }
0x6d: {  	s26 =	sadd.s32 $0xA080, s25;
	[sflag:s3] =	ssyncadd.s32 $0xFFFFE0C0  }
0x6e: {  	[tilespmem:s18], [sflag:$0x2] =	stream.indirect.gather [hbm4b:s0+s16], $0x40, s26, s16, $0xb8;
	[tilespmem:$0x19D90] =	vst v63  }
0x6f: {  	_ =	swait.ge [sflag:s19], $0x1F40  }
0x70: {  	[sflag:s19] =	ssyncset.done $0x0  }
0x71: {  	s28 =	sadd.s32 $0xC800, s25;
	[sflag:s19] =	ssyncadd.s32 $0xFFFFE0C0  }
0x72: {  	[spmem:s4] =	stream.indirect.scatter.add.f32 [tilespmem:s17], [sflag:$0x3], $0x40, s28, s16, $0xb8;
	[tilespmem:$0x19D90] =	vst v63  }
0x73: {  	_ =	swait.ge [sflag:s3], $0x1F40  }
0x74: {  	[sflag:s3] =	ssyncset.done $0x0  }
0x75: {  	s29 =	sadd.s32 $0xA100, s25;
	[sflag:s3] =	ssyncadd.s32 $0xFFFFE0C0  }
0x76: {  	[tilespmem:s17], [sflag:$0x1] =	stream.indirect.gather [hbm4b:s0+s16], $0x40, s29, s16, $0xb8;
	[tilespmem:$0x19D90] =	vst v63  }
0x77: {  	_ =	swait.ge [sflag:s20], $0x1F40  }
0x78: {  	[sflag:s20] =	ssyncset.done $0x0  }
0x79: {  	s30 =	sadd.s32 $0xC880, s25;
	[sflag:s20] =	ssyncadd.s32 $0xFFFFE0C0  }
0x7a: {  	[spmem:s4] =	stream.indirect.scatter.add.f32 [tilespmem:s18], [sflag:$0x3], $0x40, s30, s16, $0xb8;
	[tilespmem:$0x19D90] =	vst v63  }
0x7b: {  	_ =	swait.ge [sflag:s3], $0x1F40  }
0x7c: {  	[sflag:s3] =	ssyncset.done $0x0  }
0x7d: {  	[sflag:s3] =	ssyncadd.s32 $0xFFFFE0C0  }
0x7e: {  	[tilespmem:s18], [sflag:$0x2] =	stream.indirect.gather [hbm4b:s0+s16], $0x40, s21, s16, $0xb8;
	[tilespmem:$0x19D90] =	vst v63  }
0x7f: {  	_ =	swait.ge [sflag:s19], $0x1F40  }
0x80: {  	[sflag:s19] =	ssyncset.done $0x0  }
0x81: {  	[sflag:s19] =	ssyncadd.s32 $0xFFFFE0C0  }
0x82: {  	[spmem:s4] =	stream.indirect.scatter.add.f32 [tilespmem:s17], [sflag:$0x3], $0x40, s22, s16, $0xb8;
	[tilespmem:$0x19D90] =	vst v63  }
0x83: {  	_ =	swait.ge [sflag:s3], $0x1F40  }
0x84: {  	[sflag:s3] =	ssyncset.done $0x0  }
0x85: {  	[sflag:s3] =	ssyncadd.s32 $0xFFFFE0C0  }
0x86: {  	_ =	swait.ge [sflag:s20], $0x1F40  }
0x87: {  	[sflag:s20] =	ssyncset.done $0x0  }
0x88: {  	[sflag:s20] =	ssyncadd.s32 $0xFFFFE0C0  }
0x89: {  	[spmem:s4] =	stream.indirect.scatter.add.f32 [tilespmem:s18], [sflag:$0x3], $0x40, s23, s16, $0xb8;
	[tilespmem:$0x19D90] =	vst v63  }
0x8a: {  	_ =	swait.ge [sflag:s3], $0x1F40  }
0x8b: {  	[sflag:s3] =	ssyncset.done $0x0  }
0x8c: {  	s25 =	simm.s32 $0x40;
	s26 =	simm.s32 $0x0;
	[sflag:s3] =	ssyncadd.s32 $0xFFFFE0C0  }
.LBB2_4:
0x8d: {  	p0 =	sne.s32 s25, $0x9C00;
	v1 =	vld [tilespmem:s26+$0x14E80];
	_ =	sdelay $0x3  }
.Ltmp1:
0x8e: {  	(pc) =	sbr.rel @p0 .LBB2_4-.Ltmp1, $2  }
0x8f: {  	_ =	sdelay $0x2  }
0x90: {  	s26 =	sshra.s32 s25, $0x2;
	s25 =	sadd.s32 $0x40, s25;
	[tilespmem:v1+s1+$0x0] =	vst.idx.add.f32.msk $0xffff, v0  }
0x91: {  	v1 =	vld [tilespmem:s26+$0x14E80];
	_ =	sdelay $0x7  }
0x92: {  	s14 =	stileid.u32;
	[tilespmem:v1+s1+$0x0] =	vst.idx.add.f32.msk $0xffff, v0  }
0x93: {  	s25 =	sshll.u32 s14, $0x6;
	[bflag:$0x0] =	sbarrier.arrive $0xFFFF  }
0x94: {  	s26 =	sshrl.u32 s9, $0x3;
	s25 =	sor.u32 $0x1C03, s25;
	s15 =	rddreg [dreg:$0x9]  }
0x95: {  	[hbm:s15], [sflag:s25] =	dma.local [spmem:s26], $0x1400  }
0x96: {  	_ =	swait.ge [sflag:s3], $0x1400  }
0x97: {  	[sflag:s3] =	ssyncset.done $0x0  }
0x98: {  	s28 =	simm.s32 $0x0;
	s30 =	rddreg [dreg:$0xa];
	[sflag:s3] =	ssyncadd.s32 $0xFFFFEC00  }
0x99: {  	[hbm4b:s30+s28] =	stream.linear.scatter [tilespmem:s1], [sflag:$0x3], $0x2800, $0x38;
	[tilespmem:$0x19D90] =	vst v63  }
0x9a: {  	_ =	swait.ge [sflag:s3], $0x2800  }
0x9b: {  	[sflag:s3] =	ssyncset.done $0x0  }
0x9c: {  	[sflag:s3] =	ssyncadd.s32 $0xFFFFD800  }
0x9d: {  	[bflag:$0x0] =	sbarrier.arrive $0xFFFF  }
0x9e: {  	[spmem:s9] =	stream.linear.scatter [tilespmem:s31], [sflag:$0x3], $0x2000, $0x38;
	[tilespmem:$0x19D90] =	vst v63  }
0x9f: {  	_ =	swait.ge [sflag:s3], $0x2000  }
0xa0: {  	[sflag:s3] =	ssyncset.done $0x0  }
0xa1: {  	[sflag:s3] =	ssyncadd.s32 $0xFFFFE000  }
0xa2: {  	[spmem:s10] =	stream.linear.scatter [tilespmem:s31], [sflag:$0x3], $0x2000, $0x38;
	[tilespmem:$0x19D90] =	vst v63  }
0xa3: {  	_ =	swait.ge [sflag:s3], $0x2000  }
0xa4: {  	[sflag:s3] =	ssyncset.done $0x0  }
0xa5: {  	[sflag:s3] =	ssyncadd.s32 $0xFFFFE000  }
0xa6: {  	[spmem:s11] =	stream.linear.scatter [tilespmem:s31], [sflag:$0x3], $0x2000, $0x38;
	[tilespmem:$0x19D90] =	vst v63  }
0xa7: {  	_ =	swait.ge [sflag:s3], $0x2000  }
0xa8: {  	[sflag:s3] =	ssyncset.done $0x0  }
0xa9: {  	[sflag:s3] =	ssyncadd.s32 $0xFFFFE000  }
0xaa: {  	[spmem:s12] =	stream.linear.scatter [tilespmem:s31], [sflag:$0x3], $0x2000, $0x38;
	[tilespmem:$0x19D90] =	vst v63  }
0xab: {  	_ =	swait.ge [sflag:s3], $0x2000  }
0xac: {  	[sflag:s3] =	ssyncset.done $0x0  }
0xad: {  	[sflag:s3] =	ssyncadd.s32 $0xFFFFE000  }
0xae: {  	[spmem:s13] =	stream.linear.scatter [tilespmem:s31], [sflag:$0x3], $0x2000, $0x38;
	[tilespmem:$0x19D90] =	vst v63  }
0xaf: {  	_ =	swait.ge [sflag:s3], $0x2000  }
0xb0: {  	[sflag:s3] =	ssyncset.done $0x0  }
0xb1: {  	[sflag:s3] =	ssyncadd.s32 $0xFFFFE000  }
0xb2: {  	[tilespmem:s1], [sflag:$0x3] =	stream.linear.gather [hbm4b:s8+s28], $0x2800, $0x38;
	[tilespmem:$0x19D90] =	vst v63  }
0xb3: {  	_ =	swait.ge [sflag:s3], $0x2800  }
0xb4: {  	[sflag:s3] =	ssyncset.done $0x0  }
0xb5: {  	[sflag:s3] =	ssyncadd.s32 $0xFFFFD800  }
0xb6: {  	[bflag:$0x0] =	sbarrier.arrive $0xFFFF  }
0xb7: {  	s15 =	rddreg [dreg:$0xb]  }
0xb8: {  	[tilespmem:s7], [sflag:$0x3] =	stream.linear.gather [hbm4b:s15+s28], $0x2800, $0x38;
	[tilespmem:$0x19D90] =	vst v63  }
0xb9: {  	_ =	swait.ge [sflag:s3], $0x2800  }
0xba: {  	[sflag:s3] =	ssyncset.done $0x0  }
0xbb: {  	s15 =	simm.s32 $0xC800;
	s30 =	rddreg [dreg:$0x10];
	[sflag:s3] =	ssyncadd.s32 $0xFFFFD800  }
0xbc: {  	[tilespmem:s15], [sflag:$0x3] =	stream.linear.gather [hbm4b:s30+s28], $0x2800, $0x38;
	[tilespmem:$0x19D90] =	vst v63  }
0xbd: {  	_ =	swait.ge [sflag:s3], $0x2800  }
0xbe: {  	[sflag:s3] =	ssyncset.done $0x0  }
0xbf: {  	s30 =	simm.s32 $0x14E80;
	s15 =	rddreg [dreg:$0xd];
	[sflag:s3] =	ssyncadd.s32 $0xFFFFD800  }
0xc0: {  	[tilespmem:s30], [sflag:$0x3] =	stream.linear.gather [hbm4b:s15+s28], $0x2710, $0x38;
	[tilespmem:$0x19D90] =	vst v63  }
0xc1: {  	_ =	swait.ge [sflag:s3], $0x2710  }
0xc2: {  	[sflag:s3] =	ssyncset.done $0x0  }
0xc3: {  	[sflag:s3] =	ssyncadd.s32 $0xFFFFD8F0  }
0xc4: {  	[tilespmem:s17], [sflag:$0x1] =	stream.indirect.gather [hbm4b:s2+s16], $0x40, s7, s16, $0xb8;
	[tilespmem:$0x19D90] =	vst v63  }
0xc5: {  	s28 =	simm.s32 $0xA080  }
0xc6: {  	[tilespmem:s18], [sflag:$0x2] =	stream.indirect.gather [hbm4b:s2+s16], $0x40, s28, s16, $0xb8;
	[tilespmem:$0x19D90] =	vst v63  }
0xc7: {  	_ =	swait.ge [sflag:s19], $0x1F40  }
0xc8: {  	[sflag:s19] =	ssyncset.done $0x0  }
0xc9: {  	s28 =	simm.s32 $0xC800;
	[sflag:s19] =	ssyncadd.s32 $0xFFFFE0C0  }
0xca: {  	[spmem:s4] =	stream.indirect.scatter.add.f32 [tilespmem:s17], [sflag:$0x3], $0x40, s28, s16, $0xb8;
	[tilespmem:$0x19D90] =	vst v63  }
0xcb: {  	_ =	swait.ge [sflag:s3], $0x1F40  }
0xcc: {  	[sflag:s3] =	ssyncset.done $0x0  }
0xcd: {  	s28 =	simm.s32 $0xA100;
	[sflag:s3] =	ssyncadd.s32 $0xFFFFE0C0  }
0xce: {  	[tilespmem:s17], [sflag:$0x1] =	stream.indirect.gather [hbm4b:s2+s16], $0x40, s28, s16, $0xb8;
	[tilespmem:$0x19D90] =	vst v63  }
0xcf: {  	_ =	swait.ge [sflag:s20], $0x1F40  }
0xd0: {  	[sflag:s20] =	ssyncset.done $0x0  }
0xd1: {  	s28 =	simm.s32 $0xC880;
	[sflag:s20] =	ssyncadd.s32 $0xFFFFE0C0  }
0xd2: {  	[spmem:s4] =	stream.indirect.scatter.add.f32 [tilespmem:s18], [sflag:$0x3], $0x40, s28, s16, $0xb8;
	[tilespmem:$0x19D90] =	vst v63  }
0xd3: {  	_ =	swait.ge [sflag:s3], $0x1F40  }
0xd4: {  	s29 =	simm.s32 $0x800;
	s28 =	simm.s32 $0x100;
	[sflag:s3] =	ssyncset.done $0x0  }
.LBB2_6:
0xd5: {  	s30 =	sadd.s32 $0xA080, s28  }
0xd6: {  	[sflag:s3] =	ssyncadd.s32 $0xFFFFE0C0;
	s14 =	smov.u32 s29;
	s15 =	sadd.s32 $0x400, s29  }
0xd7: {  	[tilespmem:s18], [sflag:$0x2] =	stream.indirect.gather [hbm4b:s2+s16], $0x40, s30, s16, $0xb8;
	[tilespmem:$0x19D90] =	vst v63  }
0xd8: {  	p0 =	sne.s32 s29, $0x9800;
	_ =	swait.ge [sflag:s19], $0x1F40  }
0xd9: {  	[sflag:s19] =	ssyncset.done $0x0  }
0xda: {  	s29 =	sadd.s32 $0xC800, s28;
	[sflag:s19] =	ssyncadd.s32 $0xFFFFE0C0  }
0xdb: {  	[spmem:s4] =	stream.indirect.scatter.add.f32 [tilespmem:s17], [sflag:$0x3], $0x40, s29, s16, $0xb8;
	[tilespmem:$0x19D90] =	vst v63  }
0xdc: {  	_ =	swait.ge [sflag:s3], $0x1F40  }
0xdd: {  	[sflag:s3] =	ssyncset.done $0x0  }
0xde: {  	s29 =	sadd.s32 $0xA100, s28;
	[sflag:s3] =	ssyncadd.s32 $0xFFFFE0C0  }
0xdf: {  	[tilespmem:s17], [sflag:$0x1] =	stream.indirect.gather [hbm4b:s2+s16], $0x40, s29, s16, $0xb8;
	[tilespmem:$0x19D90] =	vst v63  }
0xe0: {  	_ =	swait.ge [sflag:s20], $0x1F40  }
.Ltmp2:
0xe1: {  	[sflag:s20] =	ssyncset.done $0x0;
	(pc) =	sbr.rel @p0 .LBB2_6-.Ltmp2, $4  }
0xe2: {  	s28 =	sadd.s32 $0xC880, s28;
	[sflag:s20] =	ssyncadd.s32 $0xFFFFE0C0  }
0xe3: {  	[spmem:s4] =	stream.indirect.scatter.add.f32 [tilespmem:s18], [sflag:$0x3], $0x40, s28, s16, $0xb8;
	[tilespmem:$0x19D90] =	vst v63  }
0xe4: {  	_ =	swait.ge [sflag:s3], $0x1F40  }
0xe5: {  	s29 =	smov.u32 s15;
	s28 =	sshra.s32 s14, $0x2;
	[sflag:s3] =	ssyncset.done $0x0  }
0xe6: {  	s14 =	sadd.s32 $0xA080, s28;
	[sflag:s3] =	ssyncadd.s32 $0xFFFFE0C0  }
0xe7: {  	[tilespmem:s18], [sflag:$0x2] =	stream.indirect.gather [hbm4b:s2+s16], $0x40, s14, s16, $0xb8;
	[tilespmem:$0x19D90] =	vst v63  }
0xe8: {  	_ =	swait.ge [sflag:s19], $0x1F40  }
0xe9: {  	[sflag:s19] =	ssyncset.done $0x0  }
0xea: {  	s30 =	sadd.s32 $0xC800, s28;
	[sflag:s19] =	ssyncadd.s32 $0xFFFFE0C0  }
0xeb: {  	[spmem:s4] =	stream.indirect.scatter.add.f32 [tilespmem:s17], [sflag:$0x3], $0x40, s30, s16, $0xb8;
	[tilespmem:$0x19D90] =	vst v63  }
0xec: {  	_ =	swait.ge [sflag:s3], $0x1F40  }
0xed: {  	[sflag:s3] =	ssyncset.done $0x0  }
0xee: {  	s15 =	sadd.s32 $0xA100, s28;
	[sflag:s3] =	ssyncadd.s32 $0xFFFFE0C0  }
0xef: {  	[tilespmem:s17], [sflag:$0x1] =	stream.indirect.gather [hbm4b:s2+s16], $0x40, s15, s16, $0xb8;
	[tilespmem:$0x19D90] =	vst v63  }
0xf0: {  	_ =	swait.ge [sflag:s20], $0x1F40  }
0xf1: {  	[sflag:s20] =	ssyncset.done $0x0  }
0xf2: {  	s30 =	sadd.s32 $0xC880, s28;
	[sflag:s20] =	ssyncadd.s32 $0xFFFFE0C0  }
0xf3: {  	[spmem:s4] =	stream.indirect.scatter.add.f32 [tilespmem:s18], [sflag:$0x3], $0x40, s30, s16, $0xb8;
	[tilespmem:$0x19D90] =	vst v63  }
0xf4: {  	_ =	swait.ge [sflag:s3], $0x1F40  }
0xf5: {  	[sflag:s3] =	ssyncset.done $0x0  }
0xf6: {  	[sflag:s3] =	ssyncadd.s32 $0xFFFFE0C0  }
0xf7: {  	[tilespmem:s18], [sflag:$0x2] =	stream.indirect.gather [hbm4b:s2+s16], $0x40, s21, s16, $0xb8;
	[tilespmem:$0x19D90] =	vst v63  }
0xf8: {  	_ =	swait.ge [sflag:s19], $0x1F40  }
0xf9: {  	[sflag:s19] =	ssyncset.done $0x0  }
0xfa: {  	[sflag:s19] =	ssyncadd.s32 $0xFFFFE0C0  }
0xfb: {  	[spmem:s4] =	stream.indirect.scatter.add.f32 [tilespmem:s17], [sflag:$0x3], $0x40, s22, s16, $0xb8;
	[tilespmem:$0x19D90] =	vst v63  }
0xfc: {  	_ =	swait.ge [sflag:s3], $0x1F40  }
0xfd: {  	[sflag:s3] =	ssyncset.done $0x0  }
0xfe: {  	[sflag:s3] =	ssyncadd.s32 $0xFFFFE0C0  }
0xff: {  	_ =	swait.ge [sflag:s20], $0x1F40  }
0x100: {  	[sflag:s20] =	ssyncset.done $0x0  }
0x101: {  	[sflag:s20] =	ssyncadd.s32 $0xFFFFE0C0  }
0x102: {  	[spmem:s4] =	stream.indirect.scatter.add.f32 [tilespmem:s18], [sflag:$0x3], $0x40, s23, s16, $0xb8;
	[tilespmem:$0x19D90] =	vst v63  }
0x103: {  	_ =	swait.ge [sflag:s3], $0x1F40  }
0x104: {  	[sflag:s3] =	ssyncset.done $0x0  }
0x105: {  	s29 =	simm.s32 $0x0;
	s28 =	simm.s32 $0x40;
	[sflag:s3] =	ssyncadd.s32 $0xFFFFE0C0  }
.LBB2_8:
0x106: {  	p0 =	sne.s32 s28, $0x9C00;
	v1 =	vld [tilespmem:s29+$0x14E80];
	_ =	sdelay $0x3  }
.Ltmp3:
0x107: {  	(pc) =	sbr.rel @p0 .LBB2_8-.Ltmp3, $2  }
0x108: {  	_ =	sdelay $0x2  }
0x109: {  	s29 =	sshra.s32 s28, $0x2;
	s28 =	sadd.s32 $0x40, s28;
	[tilespmem:v1+s1+$0x0] =	vst.idx.add.f32.msk $0xffff, v0  }
0x10a: {  	v1 =	vld [tilespmem:s29+$0x14E80];
	_ =	sdelay $0x7  }
0x10b: {  	[tilespmem:v1+s1+$0x0] =	vst.idx.add.f32.msk $0xffff, v0  }
0x10c: {  	[bflag:$0x0] =	sbarrier.arrive $0xFFFF  }
0x10d: {  	s14 =	rddreg [dreg:$0xc]  }
0x10e: {  	[hbm:s14], [sflag:s25] =	dma.local [spmem:s26], $0x1400  }
0x10f: {  	_ =	swait.ge [sflag:s3], $0x1400  }
0x110: {  	[sflag:s3] =	ssyncset.done $0x0  }
0x111: {  	s14 =	simm.s32 $0x0;
	s15 =	rddreg [dreg:$0x11];
	[sflag:s3] =	ssyncadd.s32 $0xFFFFEC00  }
0x112: {  	[hbm4b:s15+s14] =	stream.linear.scatter [tilespmem:s1], [sflag:$0x3], $0x2800, $0x38;
	[tilespmem:$0x19D90] =	vst v63  }
0x113: {  	_ =	swait.ge [sflag:s3], $0x2800  }
0x114: {  	[sflag:s3] =	ssyncset.done $0x0  }
0x115: {  	[sflag:s3] =	ssyncadd.s32 $0xFFFFD800  }
0x116: {  	[bflag:$0x0] =	sbarrier.arrive $0xFFFF  }
0x117: {  	[spmem:s9] =	stream.linear.scatter [tilespmem:s31], [sflag:$0x3], $0x2000, $0x38;
	[tilespmem:$0x19D90] =	vst v63  }
0x118: {  	_ =	swait.ge [sflag:s3], $0x2000  }
0x119: {  	[sflag:s3] =	ssyncset.done $0x0  }
0x11a: {  	[sflag:s3] =	ssyncadd.s32 $0xFFFFE000  }
0x11b: {  	[spmem:s10] =	stream.linear.scatter [tilespmem:s31], [sflag:$0x3], $0x2000, $0x38;
	[tilespmem:$0x19D90] =	vst v63  }
0x11c: {  	_ =	swait.ge [sflag:s3], $0x2000  }
0x11d: {  	[sflag:s3] =	ssyncset.done $0x0  }
0x11e: {  	[sflag:s3] =	ssyncadd.s32 $0xFFFFE000  }
0x11f: {  	[spmem:s11] =	stream.linear.scatter [tilespmem:s31], [sflag:$0x3], $0x2000, $0x38;
	[tilespmem:$0x19D90] =	vst v63  }
0x120: {  	_ =	swait.ge [sflag:s3], $0x2000  }
0x121: {  	[sflag:s3] =	ssyncset.done $0x0  }
0x122: {  	[sflag:s3] =	ssyncadd.s32 $0xFFFFE000  }
0x123: {  	[spmem:s12] =	stream.linear.scatter [tilespmem:s31], [sflag:$0x3], $0x2000, $0x38;
	[tilespmem:$0x19D90] =	vst v63  }
0x124: {  	_ =	swait.ge [sflag:s3], $0x2000  }
0x125: {  	[sflag:s3] =	ssyncset.done $0x0  }
0x126: {  	[sflag:s3] =	ssyncadd.s32 $0xFFFFE000  }
0x127: {  	[spmem:s13] =	stream.linear.scatter [tilespmem:s31], [sflag:$0x3], $0x2000, $0x38;
	[tilespmem:$0x19D90] =	vst v63  }
0x128: {  	_ =	swait.ge [sflag:s3], $0x2000  }
0x129: {  	[sflag:s3] =	ssyncset.done $0x0  }
0x12a: {  	[sflag:s3] =	ssyncadd.s32 $0xFFFFE000  }
0x12b: {  	[tilespmem:s1], [sflag:$0x3] =	stream.linear.gather [hbm4b:s8+s14], $0x2800, $0x38;
	[tilespmem:$0x19D90] =	vst v63  }
0x12c: {  	_ =	swait.ge [sflag:s3], $0x2800  }
0x12d: {  	[sflag:s3] =	ssyncset.done $0x0  }
0x12e: {  	[sflag:s3] =	ssyncadd.s32 $0xFFFFD800  }
0x12f: {  	[bflag:$0x0] =	sbarrier.arrive $0xFFFF  }
0x130: {  	s30 =	rddreg [dreg:$0x12]  }
0x131: {  	[tilespmem:s7], [sflag:$0x3] =	stream.linear.gather [hbm4b:s30+s14], $0x2800, $0x38;
	[tilespmem:$0x19D90] =	vst v63  }
0x132: {  	_ =	swait.ge [sflag:s3], $0x2800  }
0x133: {  	[sflag:s3] =	ssyncset.done $0x0  }
0x134: {  	s28 =	simm.s32 $0xC800;
	s30 =	rddreg [dreg:$0x13];
	[sflag:s3] =	ssyncadd.s32 $0xFFFFD800  }
0x135: {  	[tilespmem:s28], [sflag:$0x3] =	stream.linear.gather [hbm4b:s30+s14], $0x2800, $0x38;
	[tilespmem:$0x19D90] =	vst v63  }
0x136: {  	_ =	swait.ge [sflag:s3], $0x2800  }
0x137: {  	[sflag:s3] =	ssyncset.done $0x0  }
0x138: {  	s28 =	simm.s32 $0x14E80;
	s30 =	rddreg [dreg:$0xe];
	[sflag:s3] =	ssyncadd.s32 $0xFFFFD800  }
0x139: {  	[tilespmem:s28], [sflag:$0x3] =	stream.linear.gather [hbm4b:s30+s14], $0x2710, $0x38;
	[tilespmem:$0x19D90] =	vst v63  }
0x13a: {  	_ =	swait.ge [sflag:s3], $0x2710  }
0x13b: {  	[sflag:s3] =	ssyncset.done $0x0  }
0x13c: {  	[sflag:s3] =	ssyncadd.s32 $0xFFFFD8F0  }
0x13d: {  	[tilespmem:s17], [sflag:$0x1] =	stream.indirect.gather [hbm4b:s6+s16], $0x40, s7, s16, $0xb8;
	[tilespmem:$0x19D90] =	vst v63  }
0x13e: {  	s15 =	simm.s32 $0xA080  }
0x13f: {  	[tilespmem:s18], [sflag:$0x2] =	stream.indirect.gather [hbm4b:s6+s16], $0x40, s15, s16, $0xb8;
	[tilespmem:$0x19D90] =	vst v63  }
0x140: {  	_ =	swait.ge [sflag:s19], $0x1F40  }
0x141: {  	[sflag:s19] =	ssyncset.done $0x0  }
0x142: {  	s30 =	simm.s32 $0xC800;
	[sflag:s19] =	ssyncadd.s32 $0xFFFFE0C0  }
0x143: {  	[spmem:s4] =	stream.indirect.scatter.add.f32 [tilespmem:s17], [sflag:$0x3], $0x40, s30, s16, $0xb8;
	[tilespmem:$0x19D90] =	vst v63  }
0x144: {  	_ =	swait.ge [sflag:s3], $0x1F40  }
0x145: {  	[sflag:s3] =	ssyncset.done $0x0  }
0x146: {  	s15 =	simm.s32 $0xA100;
	[sflag:s3] =	ssyncadd.s32 $0xFFFFE0C0  }
0x147: {  	[tilespmem:s17], [sflag:$0x1] =	stream.indirect.gather [hbm4b:s6+s16], $0x40, s15, s16, $0xb8;
	[tilespmem:$0x19D90] =	vst v63  }
0x148: {  	_ =	swait.ge [sflag:s20], $0x1F40  }
0x149: {  	[sflag:s20] =	ssyncset.done $0x0  }
0x14a: {  	s30 =	simm.s32 $0xC880;
	[sflag:s20] =	ssyncadd.s32 $0xFFFFE0C0  }
0x14b: {  	[spmem:s4] =	stream.indirect.scatter.add.f32 [tilespmem:s18], [sflag:$0x3], $0x40, s30, s16, $0xb8;
	[tilespmem:$0x19D90] =	vst v63  }
0x14c: {  	_ =	swait.ge [sflag:s3], $0x1F40  }
0x14d: {  	s29 =	simm.s32 $0x800;
	s28 =	simm.s32 $0x100;
	[sflag:s3] =	ssyncset.done $0x0  }
.LBB2_10:
0x14e: {  	s14 =	sadd.s32 $0xA080, s28  }
0x14f: {  	[sflag:s3] =	ssyncadd.s32 $0xFFFFE0C0;
	s15 =	smov.u32 s29;
	s30 =	sadd.s32 $0x400, s29  }
0x150: {  	[tilespmem:s18], [sflag:$0x2] =	stream.indirect.gather [hbm4b:s6+s16], $0x40, s14, s16, $0xb8;
	[tilespmem:$0x19D90] =	vst v63  }
0x151: {  	p0 =	sne.s32 s29, $0x9800;
	_ =	swait.ge [sflag:s19], $0x1F40  }
0x152: {  	[sflag:s19] =	ssyncset.done $0x0  }
0x153: {  	s14 =	sadd.s32 $0xC800, s28;
	[sflag:s19] =	ssyncadd.s32 $0xFFFFE0C0  }
0x154: {  	[spmem:s4] =	stream.indirect.scatter.add.f32 [tilespmem:s17], [sflag:$0x3], $0x40, s14, s16, $0xb8;
	[tilespmem:$0x19D90] =	vst v63  }
0x155: {  	_ =	swait.ge [sflag:s3], $0x1F40  }
0x156: {  	[sflag:s3] =	ssyncset.done $0x0  }
0x157: {  	s14 =	sadd.s32 $0xA100, s28;
	[sflag:s3] =	ssyncadd.s32 $0xFFFFE0C0  }
0x158: {  	[tilespmem:s17], [sflag:$0x1] =	stream.indirect.gather [hbm4b:s6+s16], $0x40, s14, s16, $0xb8;
	[tilespmem:$0x19D90] =	vst v63  }
0x159: {  	_ =	swait.ge [sflag:s20], $0x1F40  }
.Ltmp4:
0x15a: {  	[sflag:s20] =	ssyncset.done $0x0;
	(pc) =	sbr.rel @p0 .LBB2_10-.Ltmp4, $4  }
0x15b: {  	s14 =	sadd.s32 $0xC880, s28;
	[sflag:s20] =	ssyncadd.s32 $0xFFFFE0C0  }
0x15c: {  	[spmem:s4] =	stream.indirect.scatter.add.f32 [tilespmem:s18], [sflag:$0x3], $0x40, s14, s16, $0xb8;
	[tilespmem:$0x19D90] =	vst v63  }
0x15d: {  	_ =	swait.ge [sflag:s3], $0x1F40  }
0x15e: {  	s29 =	smov.u32 s30;
	s28 =	sshra.s32 s15, $0x2;
	[sflag:s3] =	ssyncset.done $0x0  }
0x15f: {  	s14 =	sadd.s32 $0xA080, s28;
	[sflag:s3] =	ssyncadd.s32 $0xFFFFE0C0  }
0x160: {  	[tilespmem:s18], [sflag:$0x2] =	stream.indirect.gather [hbm4b:s6+s16], $0x40, s14, s16, $0xb8;
	[tilespmem:$0x19D90] =	vst v63  }
0x161: {  	_ =	swait.ge [sflag:s19], $0x1F40  }
0x162: {  	[sflag:s19] =	ssyncset.done $0x0  }
0x163: {  	s30 =	sadd.s32 $0xC800, s28;
	[sflag:s19] =	ssyncadd.s32 $0xFFFFE0C0  }
0x164: {  	[spmem:s4] =	stream.indirect.scatter.add.f32 [tilespmem:s17], [sflag:$0x3], $0x40, s30, s16, $0xb8;
	[tilespmem:$0x19D90] =	vst v63  }
0x165: {  	_ =	swait.ge [sflag:s3], $0x1F40  }
0x166: {  	[sflag:s3] =	ssyncset.done $0x0  }
0x167: {  	s15 =	sadd.s32 $0xA100, s28;
	[sflag:s3] =	ssyncadd.s32 $0xFFFFE0C0  }
0x168: {  	[tilespmem:s17], [sflag:$0x1] =	stream.indirect.gather [hbm4b:s6+s16], $0x40, s15, s16, $0xb8;
	[tilespmem:$0x19D90] =	vst v63  }
0x169: {  	_ =	swait.ge [sflag:s20], $0x1F40  }
0x16a: {  	[sflag:s20] =	ssyncset.done $0x0  }
0x16b: {  	s30 =	sadd.s32 $0xC880, s28;
	[sflag:s20] =	ssyncadd.s32 $0xFFFFE0C0  }
0x16c: {  	[spmem:s4] =	stream.indirect.scatter.add.f32 [tilespmem:s18], [sflag:$0x3], $0x40, s30, s16, $0xb8;
	[tilespmem:$0x19D90] =	vst v63  }
0x16d: {  	_ =	swait.ge [sflag:s3], $0x1F40  }
0x16e: {  	[sflag:s3] =	ssyncset.done $0x0  }
0x16f: {  	[sflag:s3] =	ssyncadd.s32 $0xFFFFE0C0  }
0x170: {  	[tilespmem:s18], [sflag:$0x2] =	stream.indirect.gather [hbm4b:s6+s16], $0x40, s21, s16, $0xb8;
	[tilespmem:$0x19D90] =	vst v63  }
0x171: {  	_ =	swait.ge [sflag:s19], $0x1F40  }
0x172: {  	[sflag:s19] =	ssyncset.done $0x0  }
0x173: {  	[sflag:s19] =	ssyncadd.s32 $0xFFFFE0C0  }
0x174: {  	[spmem:s4] =	stream.indirect.scatter.add.f32 [tilespmem:s17], [sflag:$0x3], $0x40, s22, s16, $0xb8;
	[tilespmem:$0x19D90] =	vst v63  }
0x175: {  	_ =	swait.ge [sflag:s3], $0x1F40  }
0x176: {  	[sflag:s3] =	ssyncset.done $0x0  }
0x177: {  	[sflag:s3] =	ssyncadd.s32 $0xFFFFE0C0  }
0x178: {  	_ =	swait.ge [sflag:s20], $0x1F40  }
0x179: {  	[sflag:s20] =	ssyncset.done $0x0  }
0x17a: {  	[sflag:s20] =	ssyncadd.s32 $0xFFFFE0C0  }
0x17b: {  	[spmem:s4] =	stream.indirect.scatter.add.f32 [tilespmem:s18], [sflag:$0x3], $0x40, s23, s16, $0xb8;
	[tilespmem:$0x19D90] =	vst v63  }
0x17c: {  	_ =	swait.ge [sflag:s3], $0x1F40  }
0x17d: {  	[sflag:s3] =	ssyncset.done $0x0  }
0x17e: {  	s29 =	simm.s32 $0x0;
	s28 =	simm.s32 $0x40;
	[sflag:s3] =	ssyncadd.s32 $0xFFFFE0C0  }
.LBB2_12:
0x17f: {  	p0 =	sne.s32 s28, $0x9C00;
	v1 =	vld [tilespmem:s29+$0x14E80];
	_ =	sdelay $0x3  }
.Ltmp5:
0x180: {  	(pc) =	sbr.rel @p0 .LBB2_12-.Ltmp5, $2  }
0x181: {  	_ =	sdelay $0x2  }
0x182: {  	s29 =	sshra.s32 s28, $0x2;
	s28 =	sadd.s32 $0x40, s28;
	[tilespmem:v1+s1+$0x0] =	vst.idx.add.f32.msk $0xffff, v0  }
0x183: {  	v1 =	vld [tilespmem:s29+$0x14E80];
	_ =	sdelay $0x7  }
0x184: {  	[tilespmem:v1+s1+$0x0] =	vst.idx.add.f32.msk $0xffff, v0  }
0x185: {  	[bflag:$0x0] =	sbarrier.arrive $0xFFFF  }
0x186: {  	s14 =	rddreg [dreg:$0xf]  }
0x187: {  	[hbm:s14], [sflag:s25] =	dma.local [spmem:s26], $0x1400  }
0x188: {  	_ =	swait.ge [sflag:s3], $0x1400  }
0x189: {  	[sflag:s3] =	ssyncset.done $0x0  }
0x18a: {  	s29 =	rddreg [dreg:$0x14];
	[sflag:s3] =	ssyncadd.s32 $0xFFFFEC00  }
0x18b: {  	[hbm4b:s29+s5] =	stream.linear.scatter [tilespmem:s1], [sflag:$0x3], $0x2800, $0x38;
	[tilespmem:$0x19D90] =	vst v63  }
0x18c: {  	_ =	swait.ge [sflag:s3], $0x2800  }
0x18d: {  	s24 =	sadd.s32 $0x1, s24;
	s30 =	rddreg [dreg:$0x15]  }
0x18e: {  	p0 =	sne.s32 s24, s30  }
.Ltmp6:
0x18f: {  	_ = 	snop;
	(pc) =	sbr.rel @p0 .LBB2_1-.Ltmp6, $3  }
0x190: {  	[sflag:s3] =	ssyncset.done $0x0  }
0x191: {  	[sflag:s3] =	ssyncadd.s32 $0xFFFFD800  }
0x192: {  	[bflag:$0x0] =	sbarrier.arrive $0xFFFF;
	_ =	sdelay $0x1  }
0x193: {  	_ =	sfence.sel $0x180000  }
0x194: {  	[bflag:$0x0] =	sbarrier.arrive $0xFFFF  }
0x195: {  	_ =	strace $0x90000047  }
0x196: {  	s0 =	stileid.u32;
	[bflag:$0x2] =	sbarrier.arrive $0xFFFF  }
0x197: {  	p0 =	sne.s32 s0, $0x0;
	s0 =	rddreg [dreg:$0x4]  }
0x198: {  	s0 =	sadd.s32 @!p0 $0x100000, s0  }
0x199: {  	[sflag:s0] =	ssyncadd.tile.s32 @!p0 $0x1;
	_ =	shalt  }
.Lfunc_end2:
_tile_overlayer_lowered:
.L_overlay_start_2:
0x19a: {  	(tag) =	ssettag $0x2  }
0x19b: {  	s0 =	rddreg [dreg:$0x0];
	s2 =	stileid.u32  }
0x19c: {  	s1 =	rddreg [dreg:$0x1];
	p0 =	sne.s32 s2, $0x0  }
0x19d: {  	s3 =	rddreg [dreg:$0x2];
	[bflag:$0x3] =	sbarrier.arrive $0xFFFF;
	s2 =	simm.s32 @!p0 $0x1C03  }
0x19e: {  	[timem:s3], [sflag:s2] =	dma.local @!p0 [hbm:s0], s1  }
0x19f: {  	s0 =	simm.s32 @!p0 $0x3  }
0x1a0: {  	_ =	swait.ge @!p0 [sflag:s0], s1  }
0x1a1: {  	s1 =	ssub.s32 @!p0 $0x0, s1;
	[sflag:s0] =	ssyncset.done @!p0 $0x0  }
0x1a2: {  	[sflag:s0] =	ssyncadd.s32 @!p0 s1  }
0x1a3: {  	[bflag:$0x3] =	sbarrier.arrive $0xFFFF  }
0x1a4: {  	_ =	shalt  }

</sc_bundles>
